<compile_context>
chip_gen: v7x
topology: tpu7x:2x2x1
jax: 0.10.2.dev20260603
libtpu: 0.0.44.dev20260713+nightly
codegen_flags: <defaults>
</compile_context>

<pallas_src>
import jax
import jax.numpy as jnp
from jax import lax
from jax.experimental import pallas as pl
from jax.experimental.pallas import tpu as pltpu
from jax.experimental.pallas import tpu_sc as plsc

TOK = 32768
D = 1024
B = 16
NC = 2
NS = 16
NW = NC * NS
NL = 16
SC_ROWS = 16384
ROWS_PER_W = SC_ROWS // NW
CH = 32
NCHUNK = max(ROWS_PER_W // CH, 1)
DJ = D // NL
HG = DJ // 2
TCT = 256


def _sc_body(hs_hbm, first_hbm, out_hbm, first_v, acc, buf, sem0, sem1):
    wid = lax.axis_index("s") * NC + lax.axis_index("c")
    base = wid * ROWS_PER_W

    pltpu.sync_copy(first_hbm, first_v.at[pl.ds(0, B)])

    def first_at(i):
        return first_v[pl.ds(i, NL)][0]

    def seg0_body(b, s):
        return s + jnp.where(first_at(b) <= base, 1, 0)

    seg_init = lax.fori_loop(0, B, seg0_body, 0) - 1

    zeros = jnp.zeros((NL,), jnp.float32)

    def zero_body(rb, carry):
        for j in range(DJ):
            acc[rb, pl.ds(j * NL, NL)] = zeros
        return carry

    lax.fori_loop(0, B, zero_body, 0)

    pltpu.async_copy(hs_hbm.at[pl.ds(base, CH)], buf.at[0], sem0)
    pltpu.async_copy(hs_hbm.at[pl.ds(base + CH, CH)], buf.at[1], sem1)
    sems = (sem0, sem1)

    def pair_body(cp, seg):
        ci0 = cp * 2
        for p in range(2):
            ci = ci0 + p
            c0 = base + ci * CH
            pltpu.make_async_copy(
                hs_hbm.at[pl.ds(c0, CH)], buf.at[p], sems[p]).wait()

            nxt = jnp.where(seg < B - 1,
                            first_at(jnp.minimum(seg + 1, B - 1)), TOK)

            def fast_path(seg):
                for h in range(2):
                    def rb(r, accs):
                        return tuple(
                            accs[j] + buf[p, r, pl.ds((h * HG + j) * NL, NL)]
                            for j in range(HG))
                    accs = lax.fori_loop(
                        0, CH, rb,
                        tuple(zeros for _ in range(HG)))
                    for j in range(HG):
                        plsc.addupdate(
                            acc.at[seg, pl.ds((h * HG + j) * NL, NL)],
                            accs[j])
                return seg

            def slow_path(seg):
                def row_body(r, seg):
                    tok = c0 + r
                    nx = first_at(jnp.minimum(seg + 1, B - 1))
                    seg = jnp.where((tok == nx) & (seg < B - 1),
                                    seg + 1, seg)
                    for j in range(DJ):
                        sl = pl.ds(j * NL, NL)
                        plsc.addupdate(acc.at[seg, sl], buf[p, r, sl])
                    return seg

                return lax.fori_loop(0, CH, row_body, seg)

            seg = lax.cond(c0 + CH <= nxt, fast_path, slow_path, seg)

            @pl.when(ci + 2 < NCHUNK)
            def _():
                pltpu.async_copy(
                    hs_hbm.at[pl.ds(c0 + 2 * CH, CH)], buf.at[p], sems[p])
        return seg

    lax.fori_loop(0, NCHUNK // 2, pair_body, seg_init)

    pltpu.sync_copy(acc, out_hbm.at[wid])


@jax.jit
def _segment_partials(hidden_states, first_token_indices):
    mesh = plsc.VectorSubcoreMesh(
        core_axis_name="c", subcore_axis_name="s",
        num_cores=NC, num_subcores=NS)
    return pl.kernel(
        _sc_body,
        out_type=jax.ShapeDtypeStruct((NW, B, D), jnp.float32),
        mesh=mesh,
        scratch_types=[
            pltpu.VMEM((2 * B,), jnp.int32),
            pltpu.VMEM((B, D), jnp.float32),
            pltpu.VMEM((2, CH, D), jnp.float32),
            pltpu.SemaphoreType.DMA,
            pltpu.SemaphoreType.DMA,
        ],
    )(hidden_states, first_token_indices)


def _tc_body(first_ref, last_ref, x_ref, o_ref):
    i = pl.program_id(0)
    base_tok = SC_ROWS + i * TCT
    tok = base_tok + lax.broadcasted_iota(jnp.int32, (B, TCT), 1)
    mask = ((tok >= first_ref[...]) & (tok <= last_ref[...]))

    @pl.when(i == 0)
    def _():
        o_ref[...] = jnp.zeros_like(o_ref)

    o_ref[...] += jnp.dot(mask.astype(jnp.float32), x_ref[...],
                          preferred_element_type=jnp.float32)


@jax.jit
def _tc_partial(hidden_states, first_token_indices, last_token_indices):
    nt = (TOK - SC_ROWS) // TCT
    return pl.pallas_call(
        _tc_body,
        grid=(nt,),
        in_specs=[
            pl.BlockSpec((B, 1), lambda i: (0, 0)),
            pl.BlockSpec((B, 1), lambda i: (0, 0)),
            pl.BlockSpec((TCT, D), lambda i: (i + SC_ROWS // TCT, 0)),
        ],
        out_specs=pl.BlockSpec((B, D), lambda i: (0, 0)),
        out_shape=jax.ShapeDtypeStruct((B, D), jnp.float32),
    )(first_token_indices[:, None], last_token_indices[:, None],
      hidden_states)


def kernel(hidden_states, first_token_indices, last_token_indices,
           prompt_lens):
    partials = _segment_partials(hidden_states, first_token_indices)
    summed = _tc_partial(hidden_states, first_token_indices,
                         last_token_indices)
    summed = summed + jnp.sum(partials, axis=0)
    return summed / prompt_lens[:, None].astype(jnp.float32)

# --- scband reference (transcript-rebuilt; emitter-appended) ---
"""Pipeline reference for scband-pooling-method-46557445489374 (READ-ONLY COPY).

The authoritative reference and input builder live on the scoring server;
editing this copy changes nothing except your own understanding.
"""

import jax, jax.numpy as jnp
import numpy as np


def setup_inputs(seed: int = 0) -> dict:
    key = jax.random.key(seed)
    B = 16
    total_tokens = 32768
    d = 1024
    k1, _ = jax.random.split(key)
    hidden_states = jax.random.normal(k1, (total_tokens, d), dtype=jnp.float32)
    # Build mutually-consistent ragged-batch metadata: B contiguous segments
    # covering [0, total_tokens).
    rng = np.random.default_rng(0)
    cuts = np.sort(rng.choice(np.arange(1, total_tokens), size=B - 1, replace=False))
    bounds = np.concatenate([np.array([0]), cuts, np.array([total_tokens])])
    prompt_lens = np.diff(bounds).astype(np.int32)
    first_token_indices = bounds[:-1].astype(np.int32)
    last_token_indices = (bounds[1:] - 1).astype(np.int32)
    return {
        "hidden_states": hidden_states,
        "first_token_indices": jnp.asarray(first_token_indices),
        "last_token_indices": jnp.asarray(last_token_indices),
        "prompt_lens": jnp.asarray(prompt_lens),
    }


def reference(hidden_states, first_token_indices, last_token_indices, prompt_lens):
    # MeanPoolingMethod: inclusive segment sums via cumsum along the token axis,
    # gathered at segment boundaries, divided by per-prompt lengths.
    cumsum = jnp.cumsum(hidden_states, axis=0, dtype=jnp.float32)
    summed = (cumsum[last_token_indices] - cumsum[first_token_indices]
              + hidden_states[first_token_indices])
    return summed / prompt_lens[:, None].astype(jnp.float32)

if __name__ == "__main__":
    import jax
    _d = setup_inputs()
    print(jax.jit(kernel)(*tuple(_d.values())))

</pallas_src>

<mosaic_0001>
#map = affine_map<(d0, d1) -> (0, 0)>
#map1 = affine_map<(d0, d1) -> (0)>
#map2 = affine_map<(d0, d1) -> (0, 0, 0)>
module attributes {stable_mosaic.version = 14 : i64} {
  func.func @_sc_body(%arg0: i32, %arg1: i32, %arg2: memref<32768x1024xf32, #tpu.memory_space<hbm>>, %arg3: memref<16xi32, #tpu.memory_space<hbm>>, %arg4: memref<32x16x1024xf32, #tpu.memory_space<hbm>>, %arg5: memref<32xi32, #tpu.memory_space<vmem>>, %arg6: memref<16x1024xf32, #tpu.memory_space<vmem>>, %arg7: memref<2x32x1024xf32, #tpu.memory_space<vmem>>, %arg8: memref<!tpu.dma_semaphore, #tpu.memory_space<semaphore_mem>>, %arg9: memref<!tpu.dma_semaphore, #tpu.memory_space<semaphore_mem>>) attributes {dimension_semantics = [#tpu.dimension_semantics<core_parallel>, #tpu.dimension_semantics<subcore_parallel>], iteration_bounds = array<i64: 2, 16>, scalar_prefetch = 0 : i64, scratch_operands = 5 : i64, tpu.core_type = #tpu.core_type<sc_vector_subcore>, window_params = [{transform_indices = #map}, {transform_indices = #map1}, {transform_indices = #map2}]} {
    %mul3A = arith.constant 2 : i32
    %mul3A_0 = arith.muli %arg1, %mul3A : i32
    %add3A = arith.addi %mul3A_0, %arg0 : i32
    %mul3A_1 = arith.constant 512 : i32
    %mul3A_2 = arith.muli %add3A, %mul3A_1 : i32
    "tpu.region"() ({
      %run_scoped3A = tpu.sem_alloc : memref<!tpu.dma_semaphore, #tpu.memory_space<semaphore_mem>>
      %dma_start3A_50 = arith.constant 0 : i32
      %dma_start3A_51 = tpu.memref_slice %arg5[%dma_start3A_50] : memref<32xi32, #tpu.memory_space<vmem>> -> memref<16xi32, #tpu.memory_space<vmem>>
      %dma_start3A_52 = arith.constant 0 : i32
      %dma_start3A_53 = tpu.memref_slice %arg5[%dma_start3A_52] : memref<32xi32, #tpu.memory_space<vmem>> -> memref<16xi32, #tpu.memory_space<vmem>>
      tpu.enqueue_dma source(%arg3 : memref<16xi32, #tpu.memory_space<hbm>>) target(%dma_start3A_53 : memref<16xi32, #tpu.memory_space<vmem>>) target_semaphore(%run_scoped3A : memref<!tpu.dma_semaphore, #tpu.memory_space<semaphore_mem>>)
      %dma_wait3A = arith.constant 0 : i32
      %dma_wait3A_54 = tpu.memref_slice %arg5[%dma_wait3A] : memref<32xi32, #tpu.memory_space<vmem>> -> memref<16xi32, #tpu.memory_space<vmem>>
      %dma_wait3A_55 = arith.constant 0 : i32
      %dma_wait3A_56 = tpu.memref_slice %arg5[%dma_wait3A_55] : memref<32xi32, #tpu.memory_space<vmem>> -> memref<16xi32, #tpu.memory_space<vmem>>
      tpu.wait_dma2 semaphore(%run_scoped3A : memref<!tpu.dma_semaphore, #tpu.memory_space<semaphore_mem>>) src(%arg3 : memref<16xi32, #tpu.memory_space<hbm>>) dst(%dma_wait3A_56 : memref<16xi32, #tpu.memory_space<vmem>>)
      tpu.yield
    }) : () -> ()
    %scan3A = arith.constant 0 : i32
    %scan3A_3 = arith.constant 0 : i32
    %scan3A_4 = arith.constant 16 : i32
    %scan3A_5 = arith.addi %scan3A_3, %scan3A_4 : i32
    %scan3A_6 = arith.constant 1 : i32
    %scan3A_7 = scf.for %scan3A_50 = %scan3A_3 to %scan3A_5 step %scan3A_6 iter_args(%scan3A_51 = %scan3A) -> (i32)  : i32 {
      %get3A = arith.index_cast %scan3A_50 : i32 to index
      %get3A_52 = tpu.vector_load %arg5[%get3A] {strides = array<i32>} : memref<32xi32, #tpu.memory_space<vmem>>, vector<16xi32>,
      %get3A_53 = vector.shape_cast %get3A_52 : vector<16xi32> to vector<16xi32>
      %slice3A = vector.extract_strided_slice %get3A_53 {offsets = [0], sizes = [1], strides = [1]} : vector<16xi32> to vector<1xi32>
      %squeeze3A = vector.extract %slice3A[0] : i32 from vector<1xi32>
      %le3A = arith.cmpi sle, %squeeze3A, %mul3A_2 : i32
      %jit3A = arith.constant 1 : i32
      %jit3A_54 = arith.constant 0 : i32
      %select_n3A = arith.select %le3A, %jit3A, %jit3A_54 : i32
      %add3A_55 = arith.addi %scan3A_51, %select_n3A : i32
      scf.yield %add3A_55 : i32
    }
    %scan3A_8 = arith.constant 16 : i32
    %sub3A = arith.constant 1 : i32
    %sub3A_9 = arith.subi %scan3A_7, %sub3A : i32
    %broadcast_in_dim3A = arith.constant 0.000000e+00 : f32
    %broadcast_in_dim3A_10 = vector.broadcast %broadcast_in_dim3A : f32 to vector<16xf32>
    %scan3A_11 = arith.constant 0 : i32
    %scan3A_12 = arith.constant 0 : i32
    %scan3A_13 = arith.constant 16 : i32
    %scan3A_14 = arith.addi %scan3A_12, %scan3A_13 : i32
    %scan3A_15 = arith.constant 1 : i32
    scf.for %scan3A_50 = %scan3A_12 to %scan3A_14 step %scan3A_15  : i32 {
      %swap3A = arith.index_cast %scan3A_50 : i32 to index
      %swap3A_51 = arith.constant 0 : index
      %swap3A_52 = tpu.vector_load %arg6[%swap3A, %swap3A_51] {strides = array<i32>} : memref<16x1024xf32, #tpu.memory_space<vmem>>, vector<1x16xf32>,
      %swap3A_53 = vector.shape_cast %swap3A_52 : vector<1x16xf32> to vector<16xf32>
      %swap3A_54 = vector.shape_cast %broadcast_in_dim3A_10 : vector<16xf32> to vector<1x16xf32>
      tpu.vector_store %arg6[%swap3A, %swap3A_51], %swap3A_54 {strides = array<i32>} : memref<16x1024xf32, #tpu.memory_space<vmem>>, vector<1x16xf32>,
      %swap3A_55 = arith.index_cast %scan3A_50 : i32 to index
      %swap3A_56 = arith.constant 16 : index
      %swap3A_57 = tpu.vector_load %arg6[%swap3A_55, %swap3A_56] {strides = array<i32>} : memref<16x1024xf32, #tpu.memory_space<vmem>>, vector<1x16xf32>,
      %swap3A_58 = vector.shape_cast %swap3A_57 : vector<1x16xf32> to vector<16xf32>
      %swap3A_59 = vector.shape_cast %broadcast_in_dim3A_10 : vector<16xf32> to vector<1x16xf32>
      tpu.vector_store %arg6[%swap3A_55, %swap3A_56], %swap3A_59 {strides = array<i32>} : memref<16x1024xf32, #tpu.memory_space<vmem>>, vector<1x16xf32>,
      %swap3A_60 = arith.index_cast %scan3A_50 : i32 to index
      %swap3A_61 = arith.constant 32 : index
      %swap3A_62 = tpu.vector_load %arg6[%swap3A_60, %swap3A_61] {strides = array<i32>} : memref<16x1024xf32, #tpu.memory_space<vmem>>, vector<1x16xf32>,
      %swap3A_63 = vector.shape_cast %swap3A_62 : vector<1x16xf32> to vector<16xf32>
      %swap3A_64 = vector.shape_cast %broadcast_in_dim3A_10 : vector<16xf32> to vector<1x16xf32>
      tpu.vector_store %arg6[%swap3A_60, %swap3A_61], %swap3A_64 {strides = array<i32>} : memref<16x1024xf32, #tpu.memory_space<vmem>>, vector<1x16xf32>,
      %swap3A_65 = arith.index_cast %scan3A_50 : i32 to index
      %swap3A_66 = arith.constant 48 : index
      %swap3A_67 = tpu.vector_load %arg6[%swap3A_65, %swap3A_66] {strides = array<i32>} : memref<16x1024xf32, #tpu.memory_space<vmem>>, vector<1x16xf32>,
      %swap3A_68 = vector.shape_cast %swap3A_67 : vector<1x16xf32> to vector<16xf32>
      %swap3A_69 = vector.shape_cast %broadcast_in_dim3A_10 : vector<16xf32> to vector<1x16xf32>
      tpu.vector_store %arg6[%swap3A_65, %swap3A_66], %swap3A_69 {strides = array<i32>} : memref<16x1024xf32, #tpu.memory_space<vmem>>, vector<1x16xf32>,
      %swap3A_70 = arith.index_cast %scan3A_50 : i32 to index
      %swap3A_71 = arith.constant 64 : index
      %swap3A_72 = tpu.vector_load %arg6[%swap3A_70, %swap3A_71] {strides = array<i32>} : memref<16x1024xf32, #tpu.memory_space<vmem>>, vector<1x16xf32>,
      %swap3A_73 = vector.shape_cast %swap3A_72 : vector<1x16xf32> to vector<16xf32>
      %swap3A_74 = vector.shape_cast %broadcast_in_dim3A_10 : vector<16xf32> to vector<1x16xf32>
      tpu.vector_store %arg6[%swap3A_70, %swap3A_71], %swap3A_74 {strides = array<i32>} : memref<16x1024xf32, #tpu.memory_space<vmem>>, vector<1x16xf32>,
      %swap3A_75 = arith.index_cast %scan3A_50 : i32 to index
      %swap3A_76 = arith.constant 80 : index
      %swap3A_77 = tpu.vector_load %arg6[%swap3A_75, %swap3A_76] {strides = array<i32>} : memref<16x1024xf32, #tpu.memory_space<vmem>>, vector<1x16xf32>,
      %swap3A_78 = vector.shape_cast %swap3A_77 : vector<1x16xf32> to vector<16xf32>
      %swap3A_79 = vector.shape_cast %broadcast_in_dim3A_10 : vector<16xf32> to vector<1x16xf32>
      tpu.vector_store %arg6[%swap3A_75, %swap3A_76], %swap3A_79 {strides = array<i32>} : memref<16x1024xf32, #tpu.memory_space<vmem>>, vector<1x16xf32>,
      %swap3A_80 = arith.index_cast %scan3A_50 : i32 to index
      %swap3A_81 = arith.constant 96 : index
      %swap3A_82 = tpu.vector_load %arg6[%swap3A_80, %swap3A_81] {strides = array<i32>} : memref<16x1024xf32, #tpu.memory_space<vmem>>, vector<1x16xf32>,
      %swap3A_83 = vector.shape_cast %swap3A_82 : vector<1x16xf32> to vector<16xf32>
      %swap3A_84 = vector.shape_cast %broadcast_in_dim3A_10 : vector<16xf32> to vector<1x16xf32>
      tpu.vector_store %arg6[%swap3A_80, %swap3A_81], %swap3A_84 {strides = array<i32>} : memref<16x1024xf32, #tpu.memory_space<vmem>>, vector<1x16xf32>,
      %swap3A_85 = arith.index_cast %scan3A_50 : i32 to index
      %swap3A_86 = arith.constant 112 : index
      %swap3A_87 = tpu.vector_load %arg6[%swap3A_85, %swap3A_86] {strides = array<i32>} : memref<16x1024xf32, #tpu.memory_space<vmem>>, vector<1x16xf32>,
      %swap3A_88 = vector.shape_cast %swap3A_87 : vector<1x16xf32> to vector<16xf32>
      %swap3A_89 = vector.shape_cast %broadcast_in_dim3A_10 : vector<16xf32> to vector<1x16xf32>
      tpu.vector_store %arg6[%swap3A_85, %swap3A_86], %swap3A_89 {strides = array<i32>} : memref<16x1024xf32, #tpu.memory_space<vmem>>, vector<1x16xf32>,
      %swap3A_90 = arith.index_cast %scan3A_50 : i32 to index
      %swap3A_91 = arith.constant 128 : index
      %swap3A_92 = tpu.vector_load %arg6[%swap3A_90, %swap3A_91] {strides = array<i32>} : memref<16x1024xf32, #tpu.memory_space<vmem>>, vector<1x16xf32>,
      %swap3A_93 = vector.shape_cast %swap3A_92 : vector<1x16xf32> to vector<16xf32>
      %swap3A_94 = vector.shape_cast %broadcast_in_dim3A_10 : vector<16xf32> to vector<1x16xf32>
      tpu.vector_store %arg6[%swap3A_90, %swap3A_91], %swap3A_94 {strides = array<i32>} : memref<16x1024xf32, #tpu.memory_space<vmem>>, vector<1x16xf32>,
      %swap3A_95 = arith.index_cast %scan3A_50 : i32 to index
      %swap3A_96 = arith.constant 144 : index
      %swap3A_97 = tpu.vector_load %arg6[%swap3A_95, %swap3A_96] {strides = array<i32>} : memref<16x1024xf32, #tpu.memory_space<vmem>>, vector<1x16xf32>,
      %swap3A_98 = vector.shape_cast %swap3A_97 : vector<1x16xf32> to vector<16xf32>
      %swap3A_99 = vector.shape_cast %broadcast_in_dim3A_10 : vector<16xf32> to vector<1x16xf32>
      tpu.vector_store %arg6[%swap3A_95, %swap3A_96], %swap3A_99 {strides = array<i32>} : memref<16x1024xf32, #tpu.memory_space<vmem>>, vector<1x16xf32>,
      %swap3A_100 = arith.index_cast %scan3A_50 : i32 to index
      %swap3A_101 = arith.constant 160 : index
      %swap3A_102 = tpu.vector_load %arg6[%swap3A_100, %swap3A_101] {strides = array<i32>} : memref<16x1024xf32, #tpu.memory_space<vmem>>, vector<1x16xf32>,
      %swap3A_103 = vector.shape_cast %swap3A_102 : vector<1x16xf32> to vector<16xf32>
      %swap3A_104 = vector.shape_cast %broadcast_in_dim3A_10 : vector<16xf32> to vector<1x16xf32>
      tpu.vector_store %arg6[%swap3A_100, %swap3A_101], %swap3A_104 {strides = array<i32>} : memref<16x1024xf32, #tpu.memory_space<vmem>>, vector<1x16xf32>,
      %swap3A_105 = arith.index_cast %scan3A_50 : i32 to index
      %swap3A_106 = arith.constant 176 : index
      %swap3A_107 = tpu.vector_load %arg6[%swap3A_105, %swap3A_106] {strides = array<i32>} : memref<16x1024xf32, #tpu.memory_space<vmem>>, vector<1x16xf32>,
      %swap3A_108 = vector.shape_cast %swap3A_107 : vector<1x16xf32> to vector<16xf32>
      %swap3A_109 = vector.shape_cast %broadcast_in_dim3A_10 : vector<16xf32> to vector<1x16xf32>
      tpu.vector_store %arg6[%swap3A_105, %swap3A_106], %swap3A_109 {strides = array<i32>} : memref<16x1024xf32, #tpu.memory_space<vmem>>, vector<1x16xf32>,
      %swap3A_110 = arith.index_cast %scan3A_50 : i32 to index
      %swap3A_111 = arith.constant 192 : index
      %swap3A_112 = tpu.vector_load %arg6[%swap3A_110, %swap3A_111] {strides = array<i32>} : memref<16x1024xf32, #tpu.memory_space<vmem>>, vector<1x16xf32>,
      %swap3A_113 = vector.shape_cast %swap3A_112 : vector<1x16xf32> to vector<16xf32>
      %swap3A_114 = vector.shape_cast %broadcast_in_dim3A_10 : vector<16xf32> to vector<1x16xf32>
      tpu.vector_store %arg6[%swap3A_110, %swap3A_111], %swap3A_114 {strides = array<i32>} : memref<16x1024xf32, #tpu.memory_space<vmem>>, vector<1x16xf32>,
      %swap3A_115 = arith.index_cast %scan3A_50 : i32 to index
      %swap3A_116 = arith.constant 208 : index
      %swap3A_117 = tpu.vector_load %arg6[%swap3A_115, %swap3A_116] {strides = array<i32>} : memref<16x1024xf32, #tpu.memory_space<vmem>>, vector<1x16xf32>,
      %swap3A_118 = vector.shape_cast %swap3A_117 : vector<1x16xf32> to vector<16xf32>
      %swap3A_119 = vector.shape_cast %broadcast_in_dim3A_10 : vector<16xf32> to vector<1x16xf32>
      tpu.vector_store %arg6[%swap3A_115, %swap3A_116], %swap3A_119 {strides = array<i32>} : memref<16x1024xf32, #tpu.memory_space<vmem>>, vector<1x16xf32>,
      %swap3A_120 = arith.index_cast %scan3A_50 : i32 to index
      %swap3A_121 = arith.constant 224 : index
      %swap3A_122 = tpu.vector_load %arg6[%swap3A_120, %swap3A_121] {strides = array<i32>} : memref<16x1024xf32, #tpu.memory_space<vmem>>, vector<1x16xf32>,
      %swap3A_123 = vector.shape_cast %swap3A_122 : vector<1x16xf32> to vector<16xf32>
      %swap3A_124 = vector.shape_cast %broadcast_in_dim3A_10 : vector<16xf32> to vector<1x16xf32>
      tpu.vector_store %arg6[%swap3A_120, %swap3A_121], %swap3A_124 {strides = array<i32>} : memref<16x1024xf32, #tpu.memory_space<vmem>>, vector<1x16xf32>,
      %swap3A_125 = arith.index_cast %scan3A_50 : i32 to index
      %swap3A_126 = arith.constant 240 : index
      %swap3A_127 = tpu.vector_load %arg6[%swap3A_125, %swap3A_126] {strides = array<i32>} : memref<16x1024xf32, #tpu.memory_space<vmem>>, vector<1x16xf32>,
      %swap3A_128 = vector.shape_cast %swap3A_127 : vector<1x16xf32> to vector<16xf32>
      %swap3A_129 = vector.shape_cast %broadcast_in_dim3A_10 : vector<16xf32> to vector<1x16xf32>
      tpu.vector_store %arg6[%swap3A_125, %swap3A_126], %swap3A_129 {strides = array<i32>} : memref<16x1024xf32, #tpu.memory_space<vmem>>, vector<1x16xf32>,
      %swap3A_130 = arith.index_cast %scan3A_50 : i32 to index
      %swap3A_131 = arith.constant 256 : index
      %swap3A_132 = tpu.vector_load %arg6[%swap3A_130, %swap3A_131] {strides = array<i32>} : memref<16x1024xf32, #tpu.memory_space<vmem>>, vector<1x16xf32>,
      %swap3A_133 = vector.shape_cast %swap3A_132 : vector<1x16xf32> to vector<16xf32>
      %swap3A_134 = vector.shape_cast %broadcast_in_dim3A_10 : vector<16xf32> to vector<1x16xf32>
      tpu.vector_store %arg6[%swap3A_130, %swap3A_131], %swap3A_134 {strides = array<i32>} : memref<16x1024xf32, #tpu.memory_space<vmem>>, vector<1x16xf32>,
      %swap3A_135 = arith.index_cast %scan3A_50 : i32 to index
      %swap3A_136 = arith.constant 272 : index
      %swap3A_137 = tpu.vector_load %arg6[%swap3A_135, %swap3A_136] {strides = array<i32>} : memref<16x1024xf32, #tpu.memory_space<vmem>>, vector<1x16xf32>,
      %swap3A_138 = vector.shape_cast %swap3A_137 : vector<1x16xf32> to vector<16xf32>
      %swap3A_139 = vector.shape_cast %broadcast_in_dim3A_10 : vector<16xf32> to vector<1x16xf32>
      tpu.vector_store %arg6[%swap3A_135, %swap3A_136], %swap3A_139 {strides = array<i32>} : memref<16x1024xf32, #tpu.memory_space<vmem>>, vector<1x16xf32>,
      %swap3A_140 = arith.index_cast %scan3A_50 : i32 to index
      %swap3A_141 = arith.constant 288 : index
      %swap3A_142 = tpu.vector_load %arg6[%swap3A_140, %swap3A_141] {strides = array<i32>} : memref<16x1024xf32, #tpu.memory_space<vmem>>, vector<1x16xf32>,
      %swap3A_143 = vector.shape_cast %swap3A_142 : vector<1x16xf32> to vector<16xf32>
      %swap3A_144 = vector.shape_cast %broadcast_in_dim3A_10 : vector<16xf32> to vector<1x16xf32>
      tpu.vector_store %arg6[%swap3A_140, %swap3A_141], %swap3A_144 {strides = array<i32>} : memref<16x1024xf32, #tpu.memory_space<vmem>>, vector<1x16xf32>,
      %swap3A_145 = arith.index_cast %scan3A_50 : i32 to index
      %swap3A_146 = arith.constant 304 : index
      %swap3A_147 = tpu.vector_load %arg6[%swap3A_145, %swap3A_146] {strides = array<i32>} : memref<16x1024xf32, #tpu.memory_space<vmem>>, vector<1x16xf32>,
      %swap3A_148 = vector.shape_cast %swap3A_147 : vector<1x16xf32> to vector<16xf32>
      %swap3A_149 = vector.shape_cast %broadcast_in_dim3A_10 : vector<16xf32> to vector<1x16xf32>
      tpu.vector_store %arg6[%swap3A_145, %swap3A_146], %swap3A_149 {strides = array<i32>} : memref<16x1024xf32, #tpu.memory_space<vmem>>, vector<1x16xf32>,
      %swap3A_150 = arith.index_cast %scan3A_50 : i32 to index
      %swap3A_151 = arith.constant 320 : index
      %swap3A_152 = tpu.vector_load %arg6[%swap3A_150, %swap3A_151] {strides = array<i32>} : memref<16x1024xf32, #tpu.memory_space<vmem>>, vector<1x16xf32>,
      %swap3A_153 = vector.shape_cast %swap3A_152 : vector<1x16xf32> to vector<16xf32>
      %swap3A_154 = vector.shape_cast %broadcast_in_dim3A_10 : vector<16xf32> to vector<1x16xf32>
      tpu.vector_store %arg6[%swap3A_150, %swap3A_151], %swap3A_154 {strides = array<i32>} : memref<16x1024xf32, #tpu.memory_space<vmem>>, vector<1x16xf32>,
      %swap3A_155 = arith.index_cast %scan3A_50 : i32 to index
      %swap3A_156 = arith.constant 336 : index
      %swap3A_157 = tpu.vector_load %arg6[%swap3A_155, %swap3A_156] {strides = array<i32>} : memref<16x1024xf32, #tpu.memory_space<vmem>>, vector<1x16xf32>,
      %swap3A_158 = vector.shape_cast %swap3A_157 : vector<1x16xf32> to vector<16xf32>
      %swap3A_159 = vector.shape_cast %broadcast_in_dim3A_10 : vector<16xf32> to vector<1x16xf32>
      tpu.vector_store %arg6[%swap3A_155, %swap3A_156], %swap3A_159 {strides = array<i32>} : memref<16x1024xf32, #tpu.memory_space<vmem>>, vector<1x16xf32>,
      %swap3A_160 = arith.index_cast %scan3A_50 : i32 to index
      %swap3A_161 = arith.constant 352 : index
      %swap3A_162 = tpu.vector_load %arg6[%swap3A_160, %swap3A_161] {strides = array<i32>} : memref<16x1024xf32, #tpu.memory_space<vmem>>, vector<1x16xf32>,
      %swap3A_163 = vector.shape_cast %swap3A_162 : vector<1x16xf32> to vector<16xf32>
      %swap3A_164 = vector.shape_cast %broadcast_in_dim3A_10 : vector<16xf32> to vector<1x16xf32>
      tpu.vector_store %arg6[%swap3A_160, %swap3A_161], %swap3A_164 {strides = array<i32>} : memref<16x1024xf32, #tpu.memory_space<vmem>>, vector<1x16xf32>,
      %swap3A_165 = arith.index_cast %scan3A_50 : i32 to index
      %swap3A_166 = arith.constant 368 : index
      %swap3A_167 = tpu.vector_load %arg6[%swap3A_165, %swap3A_166] {strides = array<i32>} : memref<16x1024xf32, #tpu.memory_space<vmem>>, vector<1x16xf32>,
      %swap3A_168 = vector.shape_cast %swap3A_167 : vector<1x16xf32> to vector<16xf32>
      %swap3A_169 = vector.shape_cast %broadcast_in_dim3A_10 : vector<16xf32> to vector<1x16xf32>
      tpu.vector_store %arg6[%swap3A_165, %swap3A_166], %swap3A_169 {strides = array<i32>} : memref<16x1024xf32, #tpu.memory_space<vmem>>, vector<1x16xf32>,
      %swap3A_170 = arith.index_cast %scan3A_50 : i32 to index
      %swap3A_171 = arith.constant 384 : index
      %swap3A_172 = tpu.vector_load %arg6[%swap3A_170, %swap3A_171] {strides = array<i32>} : memref<16x1024xf32, #tpu.memory_space<vmem>>, vector<1x16xf32>,
      %swap3A_173 = vector.shape_cast %swap3A_172 : vector<1x16xf32> to vector<16xf32>
      %swap3A_174 = vector.shape_cast %broadcast_in_dim3A_10 : vector<16xf32> to vector<1x16xf32>
      tpu.vector_store %arg6[%swap3A_170, %swap3A_171], %swap3A_174 {strides = array<i32>} : memref<16x1024xf32, #tpu.memory_space<vmem>>, vector<1x16xf32>,
      %swap3A_175 = arith.index_cast %scan3A_50 : i32 to index
      %swap3A_176 = arith.constant 400 : index
      %swap3A_177 = tpu.vector_load %arg6[%swap3A_175, %swap3A_176] {strides = array<i32>} : memref<16x1024xf32, #tpu.memory_space<vmem>>, vector<1x16xf32>,
      %swap3A_178 = vector.shape_cast %swap3A_177 : vector<1x16xf32> to vector<16xf32>
      %swap3A_179 = vector.shape_cast %broadcast_in_dim3A_10 : vector<16xf32> to vector<1x16xf32>
      tpu.vector_store %arg6[%swap3A_175, %swap3A_176], %swap3A_179 {strides = array<i32>} : memref<16x1024xf32, #tpu.memory_space<vmem>>, vector<1x16xf32>,
      %swap3A_180 = arith.index_cast %scan3A_50 : i32 to index
      %swap3A_181 = arith.constant 416 : index
      %swap3A_182 = tpu.vector_load %arg6[%swap3A_180, %swap3A_181] {strides = array<i32>} : memref<16x1024xf32, #tpu.memory_space<vmem>>, vector<1x16xf32>,
      %swap3A_183 = vector.shape_cast %swap3A_182 : vector<1x16xf32> to vector<16xf32>
      %swap3A_184 = vector.shape_cast %broadcast_in_dim3A_10 : vector<16xf32> to vector<1x16xf32>
      tpu.vector_store %arg6[%swap3A_180, %swap3A_181], %swap3A_184 {strides = array<i32>} : memref<16x1024xf32, #tpu.memory_space<vmem>>, vector<1x16xf32>,
      %swap3A_185 = arith.index_cast %scan3A_50 : i32 to index
      %swap3A_186 = arith.constant 432 : index
      %swap3A_187 = tpu.vector_load %arg6[%swap3A_185, %swap3A_186] {strides = array<i32>} : memref<16x1024xf32, #tpu.memory_space<vmem>>, vector<1x16xf32>,
      %swap3A_188 = vector.shape_cast %swap3A_187 : vector<1x16xf32> to vector<16xf32>
      %swap3A_189 = vector.shape_cast %broadcast_in_dim3A_10 : vector<16xf32> to vector<1x16xf32>
      tpu.vector_store %arg6[%swap3A_185, %swap3A_186], %swap3A_189 {strides = array<i32>} : memref<16x1024xf32, #tpu.memory_space<vmem>>, vector<1x16xf32>,
      %swap3A_190 = arith.index_cast %scan3A_50 : i32 to index
      %swap3A_191 = arith.constant 448 : index
      %swap3A_192 = tpu.vector_load %arg6[%swap3A_190, %swap3A_191] {strides = array<i32>} : memref<16x1024xf32, #tpu.memory_space<vmem>>, vector<1x16xf32>,
      %swap3A_193 = vector.shape_cast %swap3A_192 : vector<1x16xf32> to vector<16xf32>
      %swap3A_194 = vector.shape_cast %broadcast_in_dim3A_10 : vector<16xf32> to vector<1x16xf32>
      tpu.vector_store %arg6[%swap3A_190, %swap3A_191], %swap3A_194 {strides = array<i32>} : memref<16x1024xf32, #tpu.memory_space<vmem>>, vector<1x16xf32>,
      %swap3A_195 = arith.index_cast %scan3A_50 : i32 to index
      %swap3A_196 = arith.constant 464 : index
      %swap3A_197 = tpu.vector_load %arg6[%swap3A_195, %swap3A_196] {strides = array<i32>} : memref<16x1024xf32, #tpu.memory_space<vmem>>, vector<1x16xf32>,
      %swap3A_198 = vector.shape_cast %swap3A_197 : vector<1x16xf32> to vector<16xf32>
      %swap3A_199 = vector.shape_cast %broadcast_in_dim3A_10 : vector<16xf32> to vector<1x16xf32>
      tpu.vector_store %arg6[%swap3A_195, %swap3A_196], %swap3A_199 {strides = array<i32>} : memref<16x1024xf32, #tpu.memory_space<vmem>>, vector<1x16xf32>,
      %swap3A_200 = arith.index_cast %scan3A_50 : i32 to index
      %swap3A_201 = arith.constant 480 : index
      %swap3A_202 = tpu.vector_load %arg6[%swap3A_200, %swap3A_201] {strides = array<i32>} : memref<16x1024xf32, #tpu.memory_space<vmem>>, vector<1x16xf32>,
      %swap3A_203 = vector.shape_cast %swap3A_202 : vector<1x16xf32> to vector<16xf32>
      %swap3A_204 = vector.shape_cast %broadcast_in_dim3A_10 : vector<16xf32> to vector<1x16xf32>
      tpu.vector_store %arg6[%swap3A_200, %swap3A_201], %swap3A_204 {strides = array<i32>} : memref<16x1024xf32, #tpu.memory_space<vmem>>, vector<1x16xf32>,
      %swap3A_205 = arith.index_cast %scan3A_50 : i32 to index
      %swap3A_206 = arith.constant 496 : index
      %swap3A_207 = tpu.vector_load %arg6[%swap3A_205, %swap3A_206] {strides = array<i32>} : memref<16x1024xf32, #tpu.memory_space<vmem>>, vector<1x16xf32>,
      %swap3A_208 = vector.shape_cast %swap3A_207 : vector<1x16xf32> to vector<16xf32>
      %swap3A_209 = vector.shape_cast %broadcast_in_dim3A_10 : vector<16xf32> to vector<1x16xf32>
      tpu.vector_store %arg6[%swap3A_205, %swap3A_206], %swap3A_209 {strides = array<i32>} : memref<16x1024xf32, #tpu.memory_space<vmem>>, vector<1x16xf32>,
      %swap3A_210 = arith.index_cast %scan3A_50 : i32 to index
      %swap3A_211 = arith.constant 512 : index
      %swap3A_212 = tpu.vector_load %arg6[%swap3A_210, %swap3A_211] {strides = array<i32>} : memref<16x1024xf32, #tpu.memory_space<vmem>>, vector<1x16xf32>,
      %swap3A_213 = vector.shape_cast %swap3A_212 : vector<1x16xf32> to vector<16xf32>
      %swap3A_214 = vector.shape_cast %broadcast_in_dim3A_10 : vector<16xf32> to vector<1x16xf32>
      tpu.vector_store %arg6[%swap3A_210, %swap3A_211], %swap3A_214 {strides = array<i32>} : memref<16x1024xf32, #tpu.memory_space<vmem>>, vector<1x16xf32>,
      %swap3A_215 = arith.index_cast %scan3A_50 : i32 to index
      %swap3A_216 = arith.constant 528 : index
      %swap3A_217 = tpu.vector_load %arg6[%swap3A_215, %swap3A_216] {strides = array<i32>} : memref<16x1024xf32, #tpu.memory_space<vmem>>, vector<1x16xf32>,
      %swap3A_218 = vector.shape_cast %swap3A_217 : vector<1x16xf32> to vector<16xf32>
      %swap3A_219 = vector.shape_cast %broadcast_in_dim3A_10 : vector<16xf32> to vector<1x16xf32>
      tpu.vector_store %arg6[%swap3A_215, %swap3A_216], %swap3A_219 {strides = array<i32>} : memref<16x1024xf32, #tpu.memory_space<vmem>>, vector<1x16xf32>,
      %swap3A_220 = arith.index_cast %scan3A_50 : i32 to index
      %swap3A_221 = arith.constant 544 : index
      %swap3A_222 = tpu.vector_load %arg6[%swap3A_220, %swap3A_221] {strides = array<i32>} : memref<16x1024xf32, #tpu.memory_space<vmem>>, vector<1x16xf32>,
      %swap3A_223 = vector.shape_cast %swap3A_222 : vector<1x16xf32> to vector<16xf32>
      %swap3A_224 = vector.shape_cast %broadcast_in_dim3A_10 : vector<16xf32> to vector<1x16xf32>
      tpu.vector_store %arg6[%swap3A_220, %swap3A_221], %swap3A_224 {strides = array<i32>} : memref<16x1024xf32, #tpu.memory_space<vmem>>, vector<1x16xf32>,
      %swap3A_225 = arith.index_cast %scan3A_50 : i32 to index
      %swap3A_226 = arith.constant 560 : index
      %swap3A_227 = tpu.vector_load %arg6[%swap3A_225, %swap3A_226] {strides = array<i32>} : memref<16x1024xf32, #tpu.memory_space<vmem>>, vector<1x16xf32>,
      %swap3A_228 = vector.shape_cast %swap3A_227 : vector<1x16xf32> to vector<16xf32>
      %swap3A_229 = vector.shape_cast %broadcast_in_dim3A_10 : vector<16xf32> to vector<1x16xf32>
      tpu.vector_store %arg6[%swap3A_225, %swap3A_226], %swap3A_229 {strides = array<i32>} : memref<16x1024xf32, #tpu.memory_space<vmem>>, vector<1x16xf32>,
      %swap3A_230 = arith.index_cast %scan3A_50 : i32 to index
      %swap3A_231 = arith.constant 576 : index
      %swap3A_232 = tpu.vector_load %arg6[%swap3A_230, %swap3A_231] {strides = array<i32>} : memref<16x1024xf32, #tpu.memory_space<vmem>>, vector<1x16xf32>,
      %swap3A_233 = vector.shape_cast %swap3A_232 : vector<1x16xf32> to vector<16xf32>
      %swap3A_234 = vector.shape_cast %broadcast_in_dim3A_10 : vector<16xf32> to vector<1x16xf32>
      tpu.vector_store %arg6[%swap3A_230, %swap3A_231], %swap3A_234 {strides = array<i32>} : memref<16x1024xf32, #tpu.memory_space<vmem>>, vector<1x16xf32>,
      %swap3A_235 = arith.index_cast %scan3A_50 : i32 to index
      %swap3A_236 = arith.constant 592 : index
      %swap3A_237 = tpu.vector_load %arg6[%swap3A_235, %swap3A_236] {strides = array<i32>} : memref<16x1024xf32, #tpu.memory_space<vmem>>, vector<1x16xf32>,
      %swap3A_238 = vector.shape_cast %swap3A_237 : vector<1x16xf32> to vector<16xf32>
      %swap3A_239 = vector.shape_cast %broadcast_in_dim3A_10 : vector<16xf32> to vector<1x16xf32>
      tpu.vector_store %arg6[%swap3A_235, %swap3A_236], %swap3A_239 {strides = array<i32>} : memref<16x1024xf32, #tpu.memory_space<vmem>>, vector<1x16xf32>,
      %swap3A_240 = arith.index_cast %scan3A_50 : i32 to index
      %swap3A_241 = arith.constant 608 : index
      %swap3A_242 = tpu.vector_load %arg6[%swap3A_240, %swap3A_241] {strides = array<i32>} : memref<16x1024xf32, #tpu.memory_space<vmem>>, vector<1x16xf32>,
      %swap3A_243 = vector.shape_cast %swap3A_242 : vector<1x16xf32> to vector<16xf32>
      %swap3A_244 = vector.shape_cast %broadcast_in_dim3A_10 : vector<16xf32> to vector<1x16xf32>
      tpu.vector_store %arg6[%swap3A_240, %swap3A_241], %swap3A_244 {strides = array<i32>} : memref<16x1024xf32, #tpu.memory_space<vmem>>, vector<1x16xf32>,
      %swap3A_245 = arith.index_cast %scan3A_50 : i32 to index
      %swap3A_246 = arith.constant 624 : index
      %swap3A_247 = tpu.vector_load %arg6[%swap3A_245, %swap3A_246] {strides = array<i32>} : memref<16x1024xf32, #tpu.memory_space<vmem>>, vector<1x16xf32>,
      %swap3A_248 = vector.shape_cast %swap3A_247 : vector<1x16xf32> to vector<16xf32>
      %swap3A_249 = vector.shape_cast %broadcast_in_dim3A_10 : vector<16xf32> to vector<1x16xf32>
      tpu.vector_store %arg6[%swap3A_245, %swap3A_246], %swap3A_249 {strides = array<i32>} : memref<16x1024xf32, #tpu.memory_space<vmem>>, vector<1x16xf32>,
      %swap3A_250 = arith.index_cast %scan3A_50 : i32 to index
      %swap3A_251 = arith.constant 640 : index
      %swap3A_252 = tpu.vector_load %arg6[%swap3A_250, %swap3A_251] {strides = array<i32>} : memref<16x1024xf32, #tpu.memory_space<vmem>>, vector<1x16xf32>,
      %swap3A_253 = vector.shape_cast %swap3A_252 : vector<1x16xf32> to vector<16xf32>
      %swap3A_254 = vector.shape_cast %broadcast_in_dim3A_10 : vector<16xf32> to vector<1x16xf32>
      tpu.vector_store %arg6[%swap3A_250, %swap3A_251], %swap3A_254 {strides = array<i32>} : memref<16x1024xf32, #tpu.memory_space<vmem>>, vector<1x16xf32>,
      %swap3A_255 = arith.index_cast %scan3A_50 : i32 to index
      %swap3A_256 = arith.constant 656 : index
      %swap3A_257 = tpu.vector_load %arg6[%swap3A_255, %swap3A_256] {strides = array<i32>} : memref<16x1024xf32, #tpu.memory_space<vmem>>, vector<1x16xf32>,
      %swap3A_258 = vector.shape_cast %swap3A_257 : vector<1x16xf32> to vector<16xf32>
      %swap3A_259 = vector.shape_cast %broadcast_in_dim3A_10 : vector<16xf32> to vector<1x16xf32>
      tpu.vector_store %arg6[%swap3A_255, %swap3A_256], %swap3A_259 {strides = array<i32>} : memref<16x1024xf32, #tpu.memory_space<vmem>>, vector<1x16xf32>,
      %swap3A_260 = arith.index_cast %scan3A_50 : i32 to index
      %swap3A_261 = arith.constant 672 : index
      %swap3A_262 = tpu.vector_load %arg6[%swap3A_260, %swap3A_261] {strides = array<i32>} : memref<16x1024xf32, #tpu.memory_space<vmem>>, vector<1x16xf32>,
      %swap3A_263 = vector.shape_cast %swap3A_262 : vector<1x16xf32> to vector<16xf32>
      %swap3A_264 = vector.shape_cast %broadcast_in_dim3A_10 : vector<16xf32> to vector<1x16xf32>
      tpu.vector_store %arg6[%swap3A_260, %swap3A_261], %swap3A_264 {strides = array<i32>} : memref<16x1024xf32, #tpu.memory_space<vmem>>, vector<1x16xf32>,
      %swap3A_265 = arith.index_cast %scan3A_50 : i32 to index
      %swap3A_266 = arith.constant 688 : index
      %swap3A_267 = tpu.vector_load %arg6[%swap3A_265, %swap3A_266] {strides = array<i32>} : memref<16x1024xf32, #tpu.memory_space<vmem>>, vector<1x16xf32>,
      %swap3A_268 = vector.shape_cast %swap3A_267 : vector<1x16xf32> to vector<16xf32>
      %swap3A_269 = vector.shape_cast %broadcast_in_dim3A_10 : vector<16xf32> to vector<1x16xf32>
      tpu.vector_store %arg6[%swap3A_265, %swap3A_266], %swap3A_269 {strides = array<i32>} : memref<16x1024xf32, #tpu.memory_space<vmem>>, vector<1x16xf32>,
      %swap3A_270 = arith.index_cast %scan3A_50 : i32 to index
      %swap3A_271 = arith.constant 704 : index
      %swap3A_272 = tpu.vector_load %arg6[%swap3A_270, %swap3A_271] {strides = array<i32>} : memref<16x1024xf32, #tpu.memory_space<vmem>>, vector<1x16xf32>,
      %swap3A_273 = vector.shape_cast %swap3A_272 : vector<1x16xf32> to vector<16xf32>
      %swap3A_274 = vector.shape_cast %broadcast_in_dim3A_10 : vector<16xf32> to vector<1x16xf32>
      tpu.vector_store %arg6[%swap3A_270, %swap3A_271], %swap3A_274 {strides = array<i32>} : memref<16x1024xf32, #tpu.memory_space<vmem>>, vector<1x16xf32>,
      %swap3A_275 = arith.index_cast %scan3A_50 : i32 to index
      %swap3A_276 = arith.constant 720 : index
      %swap3A_277 = tpu.vector_load %arg6[%swap3A_275, %swap3A_276] {strides = array<i32>} : memref<16x1024xf32, #tpu.memory_space<vmem>>, vector<1x16xf32>,
      %swap3A_278 = vector.shape_cast %swap3A_277 : vector<1x16xf32> to vector<16xf32>
      %swap3A_279 = vector.shape_cast %broadcast_in_dim3A_10 : vector<16xf32> to vector<1x16xf32>
      tpu.vector_store %arg6[%swap3A_275, %swap3A_276], %swap3A_279 {strides = array<i32>} : memref<16x1024xf32, #tpu.memory_space<vmem>>, vector<1x16xf32>,
      %swap3A_280 = arith.index_cast %scan3A_50 : i32 to index
      %swap3A_281 = arith.constant 736 : index
      %swap3A_282 = tpu.vector_load %arg6[%swap3A_280, %swap3A_281] {strides = array<i32>} : memref<16x1024xf32, #tpu.memory_space<vmem>>, vector<1x16xf32>,
      %swap3A_283 = vector.shape_cast %swap3A_282 : vector<1x16xf32> to vector<16xf32>
      %swap3A_284 = vector.shape_cast %broadcast_in_dim3A_10 : vector<16xf32> to vector<1x16xf32>
      tpu.vector_store %arg6[%swap3A_280, %swap3A_281], %swap3A_284 {strides = array<i32>} : memref<16x1024xf32, #tpu.memory_space<vmem>>, vector<1x16xf32>,
      %swap3A_285 = arith.index_cast %scan3A_50 : i32 to index
      %swap3A_286 = arith.constant 752 : index
      %swap3A_287 = tpu.vector_load %arg6[%swap3A_285, %swap3A_286] {strides = array<i32>} : memref<16x1024xf32, #tpu.memory_space<vmem>>, vector<1x16xf32>,
      %swap3A_288 = vector.shape_cast %swap3A_287 : vector<1x16xf32> to vector<16xf32>
      %swap3A_289 = vector.shape_cast %broadcast_in_dim3A_10 : vector<16xf32> to vector<1x16xf32>
      tpu.vector_store %arg6[%swap3A_285, %swap3A_286], %swap3A_289 {strides = array<i32>} : memref<16x1024xf32, #tpu.memory_space<vmem>>, vector<1x16xf32>,
      %swap3A_290 = arith.index_cast %scan3A_50 : i32 to index
      %swap3A_291 = arith.constant 768 : index
      %swap3A_292 = tpu.vector_load %arg6[%swap3A_290, %swap3A_291] {strides = array<i32>} : memref<16x1024xf32, #tpu.memory_space<vmem>>, vector<1x16xf32>,
      %swap3A_293 = vector.shape_cast %swap3A_292 : vector<1x16xf32> to vector<16xf32>
      %swap3A_294 = vector.shape_cast %broadcast_in_dim3A_10 : vector<16xf32> to vector<1x16xf32>
      tpu.vector_store %arg6[%swap3A_290, %swap3A_291], %swap3A_294 {strides = array<i32>} : memref<16x1024xf32, #tpu.memory_space<vmem>>, vector<1x16xf32>,
      %swap3A_295 = arith.index_cast %scan3A_50 : i32 to index
      %swap3A_296 = arith.constant 784 : index
      %swap3A_297 = tpu.vector_load %arg6[%swap3A_295, %swap3A_296] {strides = array<i32>} : memref<16x1024xf32, #tpu.memory_space<vmem>>, vector<1x16xf32>,
      %swap3A_298 = vector.shape_cast %swap3A_297 : vector<1x16xf32> to vector<16xf32>
      %swap3A_299 = vector.shape_cast %broadcast_in_dim3A_10 : vector<16xf32> to vector<1x16xf32>
      tpu.vector_store %arg6[%swap3A_295, %swap3A_296], %swap3A_299 {strides = array<i32>} : memref<16x1024xf32, #tpu.memory_space<vmem>>, vector<1x16xf32>,
      %swap3A_300 = arith.index_cast %scan3A_50 : i32 to index
      %swap3A_301 = arith.constant 800 : index
      %swap3A_302 = tpu.vector_load %arg6[%swap3A_300, %swap3A_301] {strides = array<i32>} : memref<16x1024xf32, #tpu.memory_space<vmem>>, vector<1x16xf32>,
      %swap3A_303 = vector.shape_cast %swap3A_302 : vector<1x16xf32> to vector<16xf32>
      %swap3A_304 = vector.shape_cast %broadcast_in_dim3A_10 : vector<16xf32> to vector<1x16xf32>
      tpu.vector_store %arg6[%swap3A_300, %swap3A_301], %swap3A_304 {strides = array<i32>} : memref<16x1024xf32, #tpu.memory_space<vmem>>, vector<1x16xf32>,
      %swap3A_305 = arith.index_cast %scan3A_50 : i32 to index
      %swap3A_306 = arith.constant 816 : index
      %swap3A_307 = tpu.vector_load %arg6[%swap3A_305, %swap3A_306] {strides = array<i32>} : memref<16x1024xf32, #tpu.memory_space<vmem>>, vector<1x16xf32>,
      %swap3A_308 = vector.shape_cast %swap3A_307 : vector<1x16xf32> to vector<16xf32>
      %swap3A_309 = vector.shape_cast %broadcast_in_dim3A_10 : vector<16xf32> to vector<1x16xf32>
      tpu.vector_store %arg6[%swap3A_305, %swap3A_306], %swap3A_309 {strides = array<i32>} : memref<16x1024xf32, #tpu.memory_space<vmem>>, vector<1x16xf32>,
      %swap3A_310 = arith.index_cast %scan3A_50 : i32 to index
      %swap3A_311 = arith.constant 832 : index
      %swap3A_312 = tpu.vector_load %arg6[%swap3A_310, %swap3A_311] {strides = array<i32>} : memref<16x1024xf32, #tpu.memory_space<vmem>>, vector<1x16xf32>,
      %swap3A_313 = vector.shape_cast %swap3A_312 : vector<1x16xf32> to vector<16xf32>
      %swap3A_314 = vector.shape_cast %broadcast_in_dim3A_10 : vector<16xf32> to vector<1x16xf32>
      tpu.vector_store %arg6[%swap3A_310, %swap3A_311], %swap3A_314 {strides = array<i32>} : memref<16x1024xf32, #tpu.memory_space<vmem>>, vector<1x16xf32>,
      %swap3A_315 = arith.index_cast %scan3A_50 : i32 to index
      %swap3A_316 = arith.constant 848 : index
      %swap3A_317 = tpu.vector_load %arg6[%swap3A_315, %swap3A_316] {strides = array<i32>} : memref<16x1024xf32, #tpu.memory_space<vmem>>, vector<1x16xf32>,
      %swap3A_318 = vector.shape_cast %swap3A_317 : vector<1x16xf32> to vector<16xf32>
      %swap3A_319 = vector.shape_cast %broadcast_in_dim3A_10 : vector<16xf32> to vector<1x16xf32>
      tpu.vector_store %arg6[%swap3A_315, %swap3A_316], %swap3A_319 {strides = array<i32>} : memref<16x1024xf32, #tpu.memory_space<vmem>>, vector<1x16xf32>,
      %swap3A_320 = arith.index_cast %scan3A_50 : i32 to index
      %swap3A_321 = arith.constant 864 : index
      %swap3A_322 = tpu.vector_load %arg6[%swap3A_320, %swap3A_321] {strides = array<i32>} : memref<16x1024xf32, #tpu.memory_space<vmem>>, vector<1x16xf32>,
      %swap3A_323 = vector.shape_cast %swap3A_322 : vector<1x16xf32> to vector<16xf32>
      %swap3A_324 = vector.shape_cast %broadcast_in_dim3A_10 : vector<16xf32> to vector<1x16xf32>
      tpu.vector_store %arg6[%swap3A_320, %swap3A_321], %swap3A_324 {strides = array<i32>} : memref<16x1024xf32, #tpu.memory_space<vmem>>, vector<1x16xf32>,
      %swap3A_325 = arith.index_cast %scan3A_50 : i32 to index
      %swap3A_326 = arith.constant 880 : index
      %swap3A_327 = tpu.vector_load %arg6[%swap3A_325, %swap3A_326] {strides = array<i32>} : memref<16x1024xf32, #tpu.memory_space<vmem>>, vector<1x16xf32>,
      %swap3A_328 = vector.shape_cast %swap3A_327 : vector<1x16xf32> to vector<16xf32>
      %swap3A_329 = vector.shape_cast %broadcast_in_dim3A_10 : vector<16xf32> to vector<1x16xf32>
      tpu.vector_store %arg6[%swap3A_325, %swap3A_326], %swap3A_329 {strides = array<i32>} : memref<16x1024xf32, #tpu.memory_space<vmem>>, vector<1x16xf32>,
      %swap3A_330 = arith.index_cast %scan3A_50 : i32 to index
      %swap3A_331 = arith.constant 896 : index
      %swap3A_332 = tpu.vector_load %arg6[%swap3A_330, %swap3A_331] {strides = array<i32>} : memref<16x1024xf32, #tpu.memory_space<vmem>>, vector<1x16xf32>,
      %swap3A_333 = vector.shape_cast %swap3A_332 : vector<1x16xf32> to vector<16xf32>
      %swap3A_334 = vector.shape_cast %broadcast_in_dim3A_10 : vector<16xf32> to vector<1x16xf32>
      tpu.vector_store %arg6[%swap3A_330, %swap3A_331], %swap3A_334 {strides = array<i32>} : memref<16x1024xf32, #tpu.memory_space<vmem>>, vector<1x16xf32>,
      %swap3A_335 = arith.index_cast %scan3A_50 : i32 to index
      %swap3A_336 = arith.constant 912 : index
      %swap3A_337 = tpu.vector_load %arg6[%swap3A_335, %swap3A_336] {strides = array<i32>} : memref<16x1024xf32, #tpu.memory_space<vmem>>, vector<1x16xf32>,
      %swap3A_338 = vector.shape_cast %swap3A_337 : vector<1x16xf32> to vector<16xf32>
      %swap3A_339 = vector.shape_cast %broadcast_in_dim3A_10 : vector<16xf32> to vector<1x16xf32>
      tpu.vector_store %arg6[%swap3A_335, %swap3A_336], %swap3A_339 {strides = array<i32>} : memref<16x1024xf32, #tpu.memory_space<vmem>>, vector<1x16xf32>,
      %swap3A_340 = arith.index_cast %scan3A_50 : i32 to index
      %swap3A_341 = arith.constant 928 : index
      %swap3A_342 = tpu.vector_load %arg6[%swap3A_340, %swap3A_341] {strides = array<i32>} : memref<16x1024xf32, #tpu.memory_space<vmem>>, vector<1x16xf32>,
      %swap3A_343 = vector.shape_cast %swap3A_342 : vector<1x16xf32> to vector<16xf32>
      %swap3A_344 = vector.shape_cast %broadcast_in_dim3A_10 : vector<16xf32> to vector<1x16xf32>
      tpu.vector_store %arg6[%swap3A_340, %swap3A_341], %swap3A_344 {strides = array<i32>} : memref<16x1024xf32, #tpu.memory_space<vmem>>, vector<1x16xf32>,
      %swap3A_345 = arith.index_cast %scan3A_50 : i32 to index
      %swap3A_346 = arith.constant 944 : index
      %swap3A_347 = tpu.vector_load %arg6[%swap3A_345, %swap3A_346] {strides = array<i32>} : memref<16x1024xf32, #tpu.memory_space<vmem>>, vector<1x16xf32>,
      %swap3A_348 = vector.shape_cast %swap3A_347 : vector<1x16xf32> to vector<16xf32>
      %swap3A_349 = vector.shape_cast %broadcast_in_dim3A_10 : vector<16xf32> to vector<1x16xf32>
      tpu.vector_store %arg6[%swap3A_345, %swap3A_346], %swap3A_349 {strides = array<i32>} : memref<16x1024xf32, #tpu.memory_space<vmem>>, vector<1x16xf32>,
      %swap3A_350 = arith.index_cast %scan3A_50 : i32 to index
      %swap3A_351 = arith.constant 960 : index
      %swap3A_352 = tpu.vector_load %arg6[%swap3A_350, %swap3A_351] {strides = array<i32>} : memref<16x1024xf32, #tpu.memory_space<vmem>>, vector<1x16xf32>,
      %swap3A_353 = vector.shape_cast %swap3A_352 : vector<1x16xf32> to vector<16xf32>
      %swap3A_354 = vector.shape_cast %broadcast_in_dim3A_10 : vector<16xf32> to vector<1x16xf32>
      tpu.vector_store %arg6[%swap3A_350, %swap3A_351], %swap3A_354 {strides = array<i32>} : memref<16x1024xf32, #tpu.memory_space<vmem>>, vector<1x16xf32>,
      %swap3A_355 = arith.index_cast %scan3A_50 : i32 to index
      %swap3A_356 = arith.constant 976 : index
      %swap3A_357 = tpu.vector_load %arg6[%swap3A_355, %swap3A_356] {strides = array<i32>} : memref<16x1024xf32, #tpu.memory_space<vmem>>, vector<1x16xf32>,
      %swap3A_358 = vector.shape_cast %swap3A_357 : vector<1x16xf32> to vector<16xf32>
      %swap3A_359 = vector.shape_cast %broadcast_in_dim3A_10 : vector<16xf32> to vector<1x16xf32>
      tpu.vector_store %arg6[%swap3A_355, %swap3A_356], %swap3A_359 {strides = array<i32>} : memref<16x1024xf32, #tpu.memory_space<vmem>>, vector<1x16xf32>,
      %swap3A_360 = arith.index_cast %scan3A_50 : i32 to index
      %swap3A_361 = arith.constant 992 : index
      %swap3A_362 = tpu.vector_load %arg6[%swap3A_360, %swap3A_361] {strides = array<i32>} : memref<16x1024xf32, #tpu.memory_space<vmem>>, vector<1x16xf32>,
      %swap3A_363 = vector.shape_cast %swap3A_362 : vector<1x16xf32> to vector<16xf32>
      %swap3A_364 = vector.shape_cast %broadcast_in_dim3A_10 : vector<16xf32> to vector<1x16xf32>
      tpu.vector_store %arg6[%swap3A_360, %swap3A_361], %swap3A_364 {strides = array<i32>} : memref<16x1024xf32, #tpu.memory_space<vmem>>, vector<1x16xf32>,
      %swap3A_365 = arith.index_cast %scan3A_50 : i32 to index
      %swap3A_366 = arith.constant 1008 : index
      %swap3A_367 = tpu.vector_load %arg6[%swap3A_365, %swap3A_366] {strides = array<i32>} : memref<16x1024xf32, #tpu.memory_space<vmem>>, vector<1x16xf32>,
      %swap3A_368 = vector.shape_cast %swap3A_367 : vector<1x16xf32> to vector<16xf32>
      %swap3A_369 = vector.shape_cast %broadcast_in_dim3A_10 : vector<16xf32> to vector<1x16xf32>
      tpu.vector_store %arg6[%swap3A_365, %swap3A_366], %swap3A_369 {strides = array<i32>} : memref<16x1024xf32, #tpu.memory_space<vmem>>, vector<1x16xf32>,
    }
    %scan3A_16 = arith.constant 16 : i32
    %dma_start3A = arith.constant 0 : i32
    %dma_start3A_17 = arith.constant 0 : i32
    %dma_start3A_18 = arith.constant 0 : i32
    %dma_start3A_19 = tpu.memref_slice %arg7[%dma_start3A, %dma_start3A_17, %dma_start3A_18] : memref<2x32x1024xf32, #tpu.memory_space<vmem>> -> memref<1x32x1024xf32, #tpu.memory_space<vmem>>
    %dma_start3A_20 = tpu.memref_squeeze %dma_start3A_19 : memref<1x32x1024xf32, #tpu.memory_space<vmem>> -> memref<32x1024xf32, #tpu.memory_space<vmem>>
    %dma_start3A_21 = arith.constant 0 : i32
    %dma_start3A_22 = tpu.memref_slice %arg2[%mul3A_2, %dma_start3A_21] : memref<32768x1024xf32, #tpu.memory_space<hbm>> -> memref<32x1024xf32, #tpu.memory_space<hbm>>
    %dma_start3A_23 = arith.constant 0 : i32
    %dma_start3A_24 = arith.constant 0 : i32
    %dma_start3A_25 = tpu.memref_slice %arg7[%dma_start3A, %dma_start3A_23, %dma_start3A_24] : memref<2x32x1024xf32, #tpu.memory_space<vmem>> -> memref<1x32x1024xf32, #tpu.memory_space<vmem>>
    %dma_start3A_26 = tpu.memref_squeeze %dma_start3A_25 : memref<1x32x1024xf32, #tpu.memory_space<vmem>> -> memref<32x1024xf32, #tpu.memory_space<vmem>>
    %dma_start3A_27 = arith.constant 0 : i32
    %dma_start3A_28 = tpu.memref_slice %arg2[%mul3A_2, %dma_start3A_27] : memref<32768x1024xf32, #tpu.memory_space<hbm>> -> memref<32x1024xf32, #tpu.memory_space<hbm>>
    tpu.enqueue_dma source(%dma_start3A_28 : memref<32x1024xf32, #tpu.memory_space<hbm>>) target(%dma_start3A_26 : memref<32x1024xf32, #tpu.memory_space<vmem>>) target_semaphore(%arg8 : memref<!tpu.dma_semaphore, #tpu.memory_space<semaphore_mem>>)
    %add3A_29 = arith.constant 32 : i32
    %add3A_30 = arith.addi %mul3A_2, %add3A_29 : i32
    %dma_start3A_31 = arith.constant 1 : i32
    %dma_start3A_32 = arith.constant 0 : i32
    %dma_start3A_33 = arith.constant 0 : i32
    %dma_start3A_34 = tpu.memref_slice %arg7[%dma_start3A_31, %dma_start3A_32, %dma_start3A_33] : memref<2x32x1024xf32, #tpu.memory_space<vmem>> -> memref<1x32x1024xf32, #tpu.memory_space<vmem>>
    %dma_start3A_35 = tpu.memref_squeeze %dma_start3A_34 : memref<1x32x1024xf32, #tpu.memory_space<vmem>> -> memref<32x1024xf32, #tpu.memory_space<vmem>>
    %dma_start3A_36 = arith.constant 0 : i32
    %dma_start3A_37 = tpu.memref_slice %arg2[%add3A_30, %dma_start3A_36] : memref<32768x1024xf32, #tpu.memory_space<hbm>> -> memref<32x1024xf32, #tpu.memory_space<hbm>>
    %dma_start3A_38 = arith.constant 0 : i32
    %dma_start3A_39 = arith.constant 0 : i32
    %dma_start3A_40 = tpu.memref_slice %arg7[%dma_start3A_31, %dma_start3A_38, %dma_start3A_39] : memref<2x32x1024xf32, #tpu.memory_space<vmem>> -> memref<1x32x1024xf32, #tpu.memory_space<vmem>>
    %dma_start3A_41 = tpu.memref_squeeze %dma_start3A_40 : memref<1x32x1024xf32, #tpu.memory_space<vmem>> -> memref<32x1024xf32, #tpu.memory_space<vmem>>
    %dma_start3A_42 = arith.constant 0 : i32
    %dma_start3A_43 = tpu.memref_slice %arg2[%add3A_30, %dma_start3A_42] : memref<32768x1024xf32, #tpu.memory_space<hbm>> -> memref<32x1024xf32, #tpu.memory_space<hbm>>
    tpu.enqueue_dma source(%dma_start3A_43 : memref<32x1024xf32, #tpu.memory_space<hbm>>) target(%dma_start3A_41 : memref<32x1024xf32, #tpu.memory_space<vmem>>) target_semaphore(%arg9 : memref<!tpu.dma_semaphore, #tpu.memory_space<semaphore_mem>>)
    %scan3A_44 = arith.constant 0 : i32
    %scan3A_45 = arith.constant 8 : i32
    %scan3A_46 = arith.addi %scan3A_44, %scan3A_45 : i32
    %scan3A_47 = arith.constant 1 : i32
    %scan3A_48 = scf.for %scan3A_50 = %scan3A_44 to %scan3A_46 step %scan3A_47 iter_args(%scan3A_51 = %sub3A_9) -> (i32)  : i32 {
      %mul3A_52 = arith.constant 2 : i32
      %mul3A_53 = arith.muli %scan3A_50, %mul3A_52 : i32
      %add3A_54 = arith.constant 0 : i32
      %add3A_55 = arith.addi %mul3A_53, %add3A_54 : i32
      %mul3A_56 = arith.constant 32 : i32
      %mul3A_57 = arith.muli %add3A_55, %mul3A_56 : i32
      %add3A_58 = arith.addi %mul3A_2, %mul3A_57 : i32
      %dma_wait3A = arith.constant 0 : i32
      %dma_wait3A_59 = arith.constant 0 : i32
      %dma_wait3A_60 = arith.constant 0 : i32
      %dma_wait3A_61 = tpu.memref_slice %arg7[%dma_wait3A, %dma_wait3A_59, %dma_wait3A_60] : memref<2x32x1024xf32, #tpu.memory_space<vmem>> -> memref<1x32x1024xf32, #tpu.memory_space<vmem>>
      %dma_wait3A_62 = tpu.memref_squeeze %dma_wait3A_61 : memref<1x32x1024xf32, #tpu.memory_space<vmem>> -> memref<32x1024xf32, #tpu.memory_space<vmem>>
      %dma_wait3A_63 = arith.constant 0 : i32
      %dma_wait3A_64 = tpu.memref_slice %arg2[%add3A_58, %dma_wait3A_63] : memref<32768x1024xf32, #tpu.memory_space<hbm>> -> memref<32x1024xf32, #tpu.memory_space<hbm>>
      %dma_wait3A_65 = arith.constant 0 : i32
      %dma_wait3A_66 = arith.constant 0 : i32
      %dma_wait3A_67 = tpu.memref_slice %arg7[%dma_wait3A, %dma_wait3A_65, %dma_wait3A_66] : memref<2x32x1024xf32, #tpu.memory_space<vmem>> -> memref<1x32x1024xf32, #tpu.memory_space<vmem>>
      %dma_wait3A_68 = tpu.memref_squeeze %dma_wait3A_67 : memref<1x32x1024xf32, #tpu.memory_space<vmem>> -> memref<32x1024xf32, #tpu.memory_space<vmem>>
      %dma_wait3A_69 = arith.constant 0 : i32
      %dma_wait3A_70 = tpu.memref_slice %arg2[%add3A_58, %dma_wait3A_69] : memref<32768x1024xf32, #tpu.memory_space<hbm>> -> memref<32x1024xf32, #tpu.memory_space<hbm>>
      tpu.wait_dma2 semaphore(%arg8 : memref<!tpu.dma_semaphore, #tpu.memory_space<semaphore_mem>>) src(%dma_wait3A_70 : memref<32x1024xf32, #tpu.memory_space<hbm>>) dst(%dma_wait3A_68 : memref<32x1024xf32, #tpu.memory_space<vmem>>)
      %lt3A = arith.constant 15 : i32
      %lt3A_71 = arith.cmpi slt, %scan3A_51, %lt3A : i32
      %add3A_72 = arith.constant 1 : i32
      %add3A_73 = arith.addi %scan3A_51, %add3A_72 : i32
      %min3A = arith.constant 15 : i32
      %min3A_74 = arith.minsi %add3A_73, %min3A : i32
      %get3A = arith.index_cast %min3A_74 : i32 to index
      %get3A_75 = tpu.vector_load %arg5[%get3A] {strides = array<i32>} : memref<32xi32, #tpu.memory_space<vmem>>, vector<16xi32>,
      %get3A_76 = vector.shape_cast %get3A_75 : vector<16xi32> to vector<16xi32>
      %slice3A = vector.extract_strided_slice %get3A_76 {offsets = [0], sizes = [1], strides = [1]} : vector<16xi32> to vector<1xi32>
      %squeeze3A = vector.extract %slice3A[0] : i32 from vector<1xi32>
      %jit3A = arith.constant 32768 : i32
      %select_n3A = arith.select %lt3A_71, %squeeze3A, %jit3A : i32
      %add3A_77 = arith.constant 32 : i32
      %add3A_78 = arith.addi %add3A_58, %add3A_77 : i32
      %le3A = arith.cmpi sle, %add3A_78, %select_n3A : i32
      %convert_element_type3A = arith.extui %le3A : i1 to i32
      %cond3A = arith.constant 0 : i32
      %cond3A_79 = arith.cmpi ne, %convert_element_type3A, %cond3A : i32
      %cond3A_80 = scf.if %cond3A_79 -> (i32) {
        %scan3A_133 = arith.constant 0 : i32
        %scan3A_134 = arith.constant 32 : i32
        %scan3A_135 = arith.addi %scan3A_133, %scan3A_134 : i32
        %scan3A_136 = arith.constant 1 : i32
        %scan3A_137:32 = scf.for %scan3A_464 = %scan3A_133 to %scan3A_135 step %scan3A_136 iter_args(%scan3A_465 = %broadcast_in_dim3A_10, %scan3A_466 = %broadcast_in_dim3A_10, %scan3A_467 = %broadcast_in_dim3A_10, %scan3A_468 = %broadcast_in_dim3A_10, %scan3A_469 = %broadcast_in_dim3A_10, %scan3A_470 = %broadcast_in_dim3A_10, %scan3A_471 = %broadcast_in_dim3A_10, %scan3A_472 = %broadcast_in_dim3A_10, %scan3A_473 = %broadcast_in_dim3A_10, %scan3A_474 = %broadcast_in_dim3A_10, %scan3A_475 = %broadcast_in_dim3A_10, %scan3A_476 = %broadcast_in_dim3A_10, %scan3A_477 = %broadcast_in_dim3A_10, %scan3A_478 = %broadcast_in_dim3A_10, %scan3A_479 = %broadcast_in_dim3A_10, %scan3A_480 = %broadcast_in_dim3A_10, %scan3A_481 = %broadcast_in_dim3A_10, %scan3A_482 = %broadcast_in_dim3A_10, %scan3A_483 = %broadcast_in_dim3A_10, %scan3A_484 = %broadcast_in_dim3A_10, %scan3A_485 = %broadcast_in_dim3A_10, %scan3A_486 = %broadcast_in_dim3A_10, %scan3A_487 = %broadcast_in_dim3A_10, %scan3A_488 = %broadcast_in_dim3A_10, %scan3A_489 = %broadcast_in_dim3A_10, %scan3A_490 = %broadcast_in_dim3A_10, %scan3A_491 = %broadcast_in_dim3A_10, %scan3A_492 = %broadcast_in_dim3A_10, %scan3A_493 = %broadcast_in_dim3A_10, %scan3A_494 = %broadcast_in_dim3A_10, %scan3A_495 = %broadcast_in_dim3A_10, %scan3A_496 = %broadcast_in_dim3A_10) -> (vector<16xf32>, vector<16xf32>, vector<16xf32>, vector<16xf32>, vector<16xf32>, vector<16xf32>, vector<16xf32>, vector<16xf32>, vector<16xf32>, vector<16xf32>, vector<16xf32>, vector<16xf32>, vector<16xf32>, vector<16xf32>, vector<16xf32>, vector<16xf32>, vector<16xf32>, vector<16xf32>, vector<16xf32>, vector<16xf32>, vector<16xf32>, vector<16xf32>, vector<16xf32>, vector<16xf32>, vector<16xf32>, vector<16xf32>, vector<16xf32>, vector<16xf32>, vector<16xf32>, vector<16xf32>, vector<16xf32>, vector<16xf32>)  : i32 {
          %get3A_497 = arith.constant 0 : i32
          %get3A_498 = arith.index_cast %get3A_497 : i32 to index
          %get3A_499 = arith.index_cast %scan3A_464 : i32 to index
          %get3A_500 = arith.constant 0 : index
          %get3A_501 = tpu.vector_load %arg7[%get3A_498, %get3A_499, %get3A_500] {strides = array<i32>} : memref<2x32x1024xf32, #tpu.memory_space<vmem>>, vector<1x1x16xf32>,
          %get3A_502 = vector.shape_cast %get3A_501 : vector<1x1x16xf32> to vector<16xf32>
          %add3A_503 = arith.addf %scan3A_465, %get3A_502 : vector<16xf32>
          %get3A_504 = arith.constant 0 : i32
          %get3A_505 = arith.index_cast %get3A_504 : i32 to index
          %get3A_506 = arith.index_cast %scan3A_464 : i32 to index
          %get3A_507 = arith.constant 16 : index
          %get3A_508 = tpu.vector_load %arg7[%get3A_505, %get3A_506, %get3A_507] {strides = array<i32>} : memref<2x32x1024xf32, #tpu.memory_space<vmem>>, vector<1x1x16xf32>,
          %get3A_509 = vector.shape_cast %get3A_508 : vector<1x1x16xf32> to vector<16xf32>
          %add3A_510 = arith.addf %scan3A_466, %get3A_509 : vector<16xf32>
          %get3A_511 = arith.constant 0 : i32
          %get3A_512 = arith.index_cast %get3A_511 : i32 to index
          %get3A_513 = arith.index_cast %scan3A_464 : i32 to index
          %get3A_514 = arith.constant 32 : index
          %get3A_515 = tpu.vector_load %arg7[%get3A_512, %get3A_513, %get3A_514] {strides = array<i32>} : memref<2x32x1024xf32, #tpu.memory_space<vmem>>, vector<1x1x16xf32>,
          %get3A_516 = vector.shape_cast %get3A_515 : vector<1x1x16xf32> to vector<16xf32>
          %add3A_517 = arith.addf %scan3A_467, %get3A_516 : vector<16xf32>
          %get3A_518 = arith.constant 0 : i32
          %get3A_519 = arith.index_cast %get3A_518 : i32 to index
          %get3A_520 = arith.index_cast %scan3A_464 : i32 to index
          %get3A_521 = arith.constant 48 : index
          %get3A_522 = tpu.vector_load %arg7[%get3A_519, %get3A_520, %get3A_521] {strides = array<i32>} : memref<2x32x1024xf32, #tpu.memory_space<vmem>>, vector<1x1x16xf32>,
          %get3A_523 = vector.shape_cast %get3A_522 : vector<1x1x16xf32> to vector<16xf32>
          %add3A_524 = arith.addf %scan3A_468, %get3A_523 : vector<16xf32>
          %get3A_525 = arith.constant 0 : i32
          %get3A_526 = arith.index_cast %get3A_525 : i32 to index
          %get3A_527 = arith.index_cast %scan3A_464 : i32 to index
          %get3A_528 = arith.constant 64 : index
          %get3A_529 = tpu.vector_load %arg7[%get3A_526, %get3A_527, %get3A_528] {strides = array<i32>} : memref<2x32x1024xf32, #tpu.memory_space<vmem>>, vector<1x1x16xf32>,
          %get3A_530 = vector.shape_cast %get3A_529 : vector<1x1x16xf32> to vector<16xf32>
          %add3A_531 = arith.addf %scan3A_469, %get3A_530 : vector<16xf32>
          %get3A_532 = arith.constant 0 : i32
          %get3A_533 = arith.index_cast %get3A_532 : i32 to index
          %get3A_534 = arith.index_cast %scan3A_464 : i32 to index
          %get3A_535 = arith.constant 80 : index
          %get3A_536 = tpu.vector_load %arg7[%get3A_533, %get3A_534, %get3A_535] {strides = array<i32>} : memref<2x32x1024xf32, #tpu.memory_space<vmem>>, vector<1x1x16xf32>,
          %get3A_537 = vector.shape_cast %get3A_536 : vector<1x1x16xf32> to vector<16xf32>
          %add3A_538 = arith.addf %scan3A_470, %get3A_537 : vector<16xf32>
          %get3A_539 = arith.constant 0 : i32
          %get3A_540 = arith.index_cast %get3A_539 : i32 to index
          %get3A_541 = arith.index_cast %scan3A_464 : i32 to index
          %get3A_542 = arith.constant 96 : index
          %get3A_543 = tpu.vector_load %arg7[%get3A_540, %get3A_541, %get3A_542] {strides = array<i32>} : memref<2x32x1024xf32, #tpu.memory_space<vmem>>, vector<1x1x16xf32>,
          %get3A_544 = vector.shape_cast %get3A_543 : vector<1x1x16xf32> to vector<16xf32>
          %add3A_545 = arith.addf %scan3A_471, %get3A_544 : vector<16xf32>
          %get3A_546 = arith.constant 0 : i32
          %get3A_547 = arith.index_cast %get3A_546 : i32 to index
          %get3A_548 = arith.index_cast %scan3A_464 : i32 to index
          %get3A_549 = arith.constant 112 : index
          %get3A_550 = tpu.vector_load %arg7[%get3A_547, %get3A_548, %get3A_549] {strides = array<i32>} : memref<2x32x1024xf32, #tpu.memory_space<vmem>>, vector<1x1x16xf32>,
          %get3A_551 = vector.shape_cast %get3A_550 : vector<1x1x16xf32> to vector<16xf32>
          %add3A_552 = arith.addf %scan3A_472, %get3A_551 : vector<16xf32>
          %get3A_553 = arith.constant 0 : i32
          %get3A_554 = arith.index_cast %get3A_553 : i32 to index
          %get3A_555 = arith.index_cast %scan3A_464 : i32 to index
          %get3A_556 = arith.constant 128 : index
          %get3A_557 = tpu.vector_load %arg7[%get3A_554, %get3A_555, %get3A_556] {strides = array<i32>} : memref<2x32x1024xf32, #tpu.memory_space<vmem>>, vector<1x1x16xf32>,
          %get3A_558 = vector.shape_cast %get3A_557 : vector<1x1x16xf32> to vector<16xf32>
          %add3A_559 = arith.addf %scan3A_473, %get3A_558 : vector<16xf32>
          %get3A_560 = arith.constant 0 : i32
          %get3A_561 = arith.index_cast %get3A_560 : i32 to index
          %get3A_562 = arith.index_cast %scan3A_464 : i32 to index
          %get3A_563 = arith.constant 144 : index
          %get3A_564 = tpu.vector_load %arg7[%get3A_561, %get3A_562, %get3A_563] {strides = array<i32>} : memref<2x32x1024xf32, #tpu.memory_space<vmem>>, vector<1x1x16xf32>,
          %get3A_565 = vector.shape_cast %get3A_564 : vector<1x1x16xf32> to vector<16xf32>
          %add3A_566 = arith.addf %scan3A_474, %get3A_565 : vector<16xf32>
          %get3A_567 = arith.constant 0 : i32
          %get3A_568 = arith.index_cast %get3A_567 : i32 to index
          %get3A_569 = arith.index_cast %scan3A_464 : i32 to index
          %get3A_570 = arith.constant 160 : index
          %get3A_571 = tpu.vector_load %arg7[%get3A_568, %get3A_569, %get3A_570] {strides = array<i32>} : memref<2x32x1024xf32, #tpu.memory_space<vmem>>, vector<1x1x16xf32>,
          %get3A_572 = vector.shape_cast %get3A_571 : vector<1x1x16xf32> to vector<16xf32>
          %add3A_573 = arith.addf %scan3A_475, %get3A_572 : vector<16xf32>
          %get3A_574 = arith.constant 0 : i32
          %get3A_575 = arith.index_cast %get3A_574 : i32 to index
          %get3A_576 = arith.index_cast %scan3A_464 : i32 to index
          %get3A_577 = arith.constant 176 : index
          %get3A_578 = tpu.vector_load %arg7[%get3A_575, %get3A_576, %get3A_577] {strides = array<i32>} : memref<2x32x1024xf32, #tpu.memory_space<vmem>>, vector<1x1x16xf32>,
          %get3A_579 = vector.shape_cast %get3A_578 : vector<1x1x16xf32> to vector<16xf32>
          %add3A_580 = arith.addf %scan3A_476, %get3A_579 : vector<16xf32>
          %get3A_581 = arith.constant 0 : i32
          %get3A_582 = arith.index_cast %get3A_581 : i32 to index
          %get3A_583 = arith.index_cast %scan3A_464 : i32 to index
          %get3A_584 = arith.constant 192 : index
          %get3A_585 = tpu.vector_load %arg7[%get3A_582, %get3A_583, %get3A_584] {strides = array<i32>} : memref<2x32x1024xf32, #tpu.memory_space<vmem>>, vector<1x1x16xf32>,
          %get3A_586 = vector.shape_cast %get3A_585 : vector<1x1x16xf32> to vector<16xf32>
          %add3A_587 = arith.addf %scan3A_477, %get3A_586 : vector<16xf32>
          %get3A_588 = arith.constant 0 : i32
          %get3A_589 = arith.index_cast %get3A_588 : i32 to index
          %get3A_590 = arith.index_cast %scan3A_464 : i32 to index
          %get3A_591 = arith.constant 208 : index
          %get3A_592 = tpu.vector_load %arg7[%get3A_589, %get3A_590, %get3A_591] {strides = array<i32>} : memref<2x32x1024xf32, #tpu.memory_space<vmem>>, vector<1x1x16xf32>,
          %get3A_593 = vector.shape_cast %get3A_592 : vector<1x1x16xf32> to vector<16xf32>
          %add3A_594 = arith.addf %scan3A_478, %get3A_593 : vector<16xf32>
          %get3A_595 = arith.constant 0 : i32
          %get3A_596 = arith.index_cast %get3A_595 : i32 to index
          %get3A_597 = arith.index_cast %scan3A_464 : i32 to index
          %get3A_598 = arith.constant 224 : index
          %get3A_599 = tpu.vector_load %arg7[%get3A_596, %get3A_597, %get3A_598] {strides = array<i32>} : memref<2x32x1024xf32, #tpu.memory_space<vmem>>, vector<1x1x16xf32>,
          %get3A_600 = vector.shape_cast %get3A_599 : vector<1x1x16xf32> to vector<16xf32>
          %add3A_601 = arith.addf %scan3A_479, %get3A_600 : vector<16xf32>
          %get3A_602 = arith.constant 0 : i32
          %get3A_603 = arith.index_cast %get3A_602 : i32 to index
          %get3A_604 = arith.index_cast %scan3A_464 : i32 to index
          %get3A_605 = arith.constant 240 : index
          %get3A_606 = tpu.vector_load %arg7[%get3A_603, %get3A_604, %get3A_605] {strides = array<i32>} : memref<2x32x1024xf32, #tpu.memory_space<vmem>>, vector<1x1x16xf32>,
          %get3A_607 = vector.shape_cast %get3A_606 : vector<1x1x16xf32> to vector<16xf32>
          %add3A_608 = arith.addf %scan3A_480, %get3A_607 : vector<16xf32>
          %get3A_609 = arith.constant 0 : i32
          %get3A_610 = arith.index_cast %get3A_609 : i32 to index
          %get3A_611 = arith.index_cast %scan3A_464 : i32 to index
          %get3A_612 = arith.constant 256 : index
          %get3A_613 = tpu.vector_load %arg7[%get3A_610, %get3A_611, %get3A_612] {strides = array<i32>} : memref<2x32x1024xf32, #tpu.memory_space<vmem>>, vector<1x1x16xf32>,
          %get3A_614 = vector.shape_cast %get3A_613 : vector<1x1x16xf32> to vector<16xf32>
          %add3A_615 = arith.addf %scan3A_481, %get3A_614 : vector<16xf32>
          %get3A_616 = arith.constant 0 : i32
          %get3A_617 = arith.index_cast %get3A_616 : i32 to index
          %get3A_618 = arith.index_cast %scan3A_464 : i32 to index
          %get3A_619 = arith.constant 272 : index
          %get3A_620 = tpu.vector_load %arg7[%get3A_617, %get3A_618, %get3A_619] {strides = array<i32>} : memref<2x32x1024xf32, #tpu.memory_space<vmem>>, vector<1x1x16xf32>,
          %get3A_621 = vector.shape_cast %get3A_620 : vector<1x1x16xf32> to vector<16xf32>
          %add3A_622 = arith.addf %scan3A_482, %get3A_621 : vector<16xf32>
          %get3A_623 = arith.constant 0 : i32
          %get3A_624 = arith.index_cast %get3A_623 : i32 to index
          %get3A_625 = arith.index_cast %scan3A_464 : i32 to index
          %get3A_626 = arith.constant 288 : index
          %get3A_627 = tpu.vector_load %arg7[%get3A_624, %get3A_625, %get3A_626] {strides = array<i32>} : memref<2x32x1024xf32, #tpu.memory_space<vmem>>, vector<1x1x16xf32>,
          %get3A_628 = vector.shape_cast %get3A_627 : vector<1x1x16xf32> to vector<16xf32>
          %add3A_629 = arith.addf %scan3A_483, %get3A_628 : vector<16xf32>
          %get3A_630 = arith.constant 0 : i32
          %get3A_631 = arith.index_cast %get3A_630 : i32 to index
          %get3A_632 = arith.index_cast %scan3A_464 : i32 to index
          %get3A_633 = arith.constant 304 : index
          %get3A_634 = tpu.vector_load %arg7[%get3A_631, %get3A_632, %get3A_633] {strides = array<i32>} : memref<2x32x1024xf32, #tpu.memory_space<vmem>>, vector<1x1x16xf32>,
          %get3A_635 = vector.shape_cast %get3A_634 : vector<1x1x16xf32> to vector<16xf32>
          %add3A_636 = arith.addf %scan3A_484, %get3A_635 : vector<16xf32>
          %get3A_637 = arith.constant 0 : i32
          %get3A_638 = arith.index_cast %get3A_637 : i32 to index
          %get3A_639 = arith.index_cast %scan3A_464 : i32 to index
          %get3A_640 = arith.constant 320 : index
          %get3A_641 = tpu.vector_load %arg7[%get3A_638, %get3A_639, %get3A_640] {strides = array<i32>} : memref<2x32x1024xf32, #tpu.memory_space<vmem>>, vector<1x1x16xf32>,
          %get3A_642 = vector.shape_cast %get3A_641 : vector<1x1x16xf32> to vector<16xf32>
          %add3A_643 = arith.addf %scan3A_485, %get3A_642 : vector<16xf32>
          %get3A_644 = arith.constant 0 : i32
          %get3A_645 = arith.index_cast %get3A_644 : i32 to index
          %get3A_646 = arith.index_cast %scan3A_464 : i32 to index
          %get3A_647 = arith.constant 336 : index
          %get3A_648 = tpu.vector_load %arg7[%get3A_645, %get3A_646, %get3A_647] {strides = array<i32>} : memref<2x32x1024xf32, #tpu.memory_space<vmem>>, vector<1x1x16xf32>,
          %get3A_649 = vector.shape_cast %get3A_648 : vector<1x1x16xf32> to vector<16xf32>
          %add3A_650 = arith.addf %scan3A_486, %get3A_649 : vector<16xf32>
          %get3A_651 = arith.constant 0 : i32
          %get3A_652 = arith.index_cast %get3A_651 : i32 to index
          %get3A_653 = arith.index_cast %scan3A_464 : i32 to index
          %get3A_654 = arith.constant 352 : index
          %get3A_655 = tpu.vector_load %arg7[%get3A_652, %get3A_653, %get3A_654] {strides = array<i32>} : memref<2x32x1024xf32, #tpu.memory_space<vmem>>, vector<1x1x16xf32>,
          %get3A_656 = vector.shape_cast %get3A_655 : vector<1x1x16xf32> to vector<16xf32>
          %add3A_657 = arith.addf %scan3A_487, %get3A_656 : vector<16xf32>
          %get3A_658 = arith.constant 0 : i32
          %get3A_659 = arith.index_cast %get3A_658 : i32 to index
          %get3A_660 = arith.index_cast %scan3A_464 : i32 to index
          %get3A_661 = arith.constant 368 : index
          %get3A_662 = tpu.vector_load %arg7[%get3A_659, %get3A_660, %get3A_661] {strides = array<i32>} : memref<2x32x1024xf32, #tpu.memory_space<vmem>>, vector<1x1x16xf32>,
          %get3A_663 = vector.shape_cast %get3A_662 : vector<1x1x16xf32> to vector<16xf32>
          %add3A_664 = arith.addf %scan3A_488, %get3A_663 : vector<16xf32>
          %get3A_665 = arith.constant 0 : i32
          %get3A_666 = arith.index_cast %get3A_665 : i32 to index
          %get3A_667 = arith.index_cast %scan3A_464 : i32 to index
          %get3A_668 = arith.constant 384 : index
          %get3A_669 = tpu.vector_load %arg7[%get3A_666, %get3A_667, %get3A_668] {strides = array<i32>} : memref<2x32x1024xf32, #tpu.memory_space<vmem>>, vector<1x1x16xf32>,
          %get3A_670 = vector.shape_cast %get3A_669 : vector<1x1x16xf32> to vector<16xf32>
          %add3A_671 = arith.addf %scan3A_489, %get3A_670 : vector<16xf32>
          %get3A_672 = arith.constant 0 : i32
          %get3A_673 = arith.index_cast %get3A_672 : i32 to index
          %get3A_674 = arith.index_cast %scan3A_464 : i32 to index
          %get3A_675 = arith.constant 400 : index
          %get3A_676 = tpu.vector_load %arg7[%get3A_673, %get3A_674, %get3A_675] {strides = array<i32>} : memref<2x32x1024xf32, #tpu.memory_space<vmem>>, vector<1x1x16xf32>,
          %get3A_677 = vector.shape_cast %get3A_676 : vector<1x1x16xf32> to vector<16xf32>
          %add3A_678 = arith.addf %scan3A_490, %get3A_677 : vector<16xf32>
          %get3A_679 = arith.constant 0 : i32
          %get3A_680 = arith.index_cast %get3A_679 : i32 to index
          %get3A_681 = arith.index_cast %scan3A_464 : i32 to index
          %get3A_682 = arith.constant 416 : index
          %get3A_683 = tpu.vector_load %arg7[%get3A_680, %get3A_681, %get3A_682] {strides = array<i32>} : memref<2x32x1024xf32, #tpu.memory_space<vmem>>, vector<1x1x16xf32>,
          %get3A_684 = vector.shape_cast %get3A_683 : vector<1x1x16xf32> to vector<16xf32>
          %add3A_685 = arith.addf %scan3A_491, %get3A_684 : vector<16xf32>
          %get3A_686 = arith.constant 0 : i32
          %get3A_687 = arith.index_cast %get3A_686 : i32 to index
          %get3A_688 = arith.index_cast %scan3A_464 : i32 to index
          %get3A_689 = arith.constant 432 : index
          %get3A_690 = tpu.vector_load %arg7[%get3A_687, %get3A_688, %get3A_689] {strides = array<i32>} : memref<2x32x1024xf32, #tpu.memory_space<vmem>>, vector<1x1x16xf32>,
          %get3A_691 = vector.shape_cast %get3A_690 : vector<1x1x16xf32> to vector<16xf32>
          %add3A_692 = arith.addf %scan3A_492, %get3A_691 : vector<16xf32>
          %get3A_693 = arith.constant 0 : i32
          %get3A_694 = arith.index_cast %get3A_693 : i32 to index
          %get3A_695 = arith.index_cast %scan3A_464 : i32 to index
          %get3A_696 = arith.constant 448 : index
          %get3A_697 = tpu.vector_load %arg7[%get3A_694, %get3A_695, %get3A_696] {strides = array<i32>} : memref<2x32x1024xf32, #tpu.memory_space<vmem>>, vector<1x1x16xf32>,
          %get3A_698 = vector.shape_cast %get3A_697 : vector<1x1x16xf32> to vector<16xf32>
          %add3A_699 = arith.addf %scan3A_493, %get3A_698 : vector<16xf32>
          %get3A_700 = arith.constant 0 : i32
          %get3A_701 = arith.index_cast %get3A_700 : i32 to index
          %get3A_702 = arith.index_cast %scan3A_464 : i32 to index
          %get3A_703 = arith.constant 464 : index
          %get3A_704 = tpu.vector_load %arg7[%get3A_701, %get3A_702, %get3A_703] {strides = array<i32>} : memref<2x32x1024xf32, #tpu.memory_space<vmem>>, vector<1x1x16xf32>,
          %get3A_705 = vector.shape_cast %get3A_704 : vector<1x1x16xf32> to vector<16xf32>
          %add3A_706 = arith.addf %scan3A_494, %get3A_705 : vector<16xf32>
          %get3A_707 = arith.constant 0 : i32
          %get3A_708 = arith.index_cast %get3A_707 : i32 to index
          %get3A_709 = arith.index_cast %scan3A_464 : i32 to index
          %get3A_710 = arith.constant 480 : index
          %get3A_711 = tpu.vector_load %arg7[%get3A_708, %get3A_709, %get3A_710] {strides = array<i32>} : memref<2x32x1024xf32, #tpu.memory_space<vmem>>, vector<1x1x16xf32>,
          %get3A_712 = vector.shape_cast %get3A_711 : vector<1x1x16xf32> to vector<16xf32>
          %add3A_713 = arith.addf %scan3A_495, %get3A_712 : vector<16xf32>
          %get3A_714 = arith.constant 0 : i32
          %get3A_715 = arith.index_cast %get3A_714 : i32 to index
          %get3A_716 = arith.index_cast %scan3A_464 : i32 to index
          %get3A_717 = arith.constant 496 : index
          %get3A_718 = tpu.vector_load %arg7[%get3A_715, %get3A_716, %get3A_717] {strides = array<i32>} : memref<2x32x1024xf32, #tpu.memory_space<vmem>>, vector<1x1x16xf32>,
          %get3A_719 = vector.shape_cast %get3A_718 : vector<1x1x16xf32> to vector<16xf32>
          %add3A_720 = arith.addf %scan3A_496, %get3A_719 : vector<16xf32>
          scf.yield %add3A_503, %add3A_510, %add3A_517, %add3A_524, %add3A_531, %add3A_538, %add3A_545, %add3A_552, %add3A_559, %add3A_566, %add3A_573, %add3A_580, %add3A_587, %add3A_594, %add3A_601, %add3A_608, %add3A_615, %add3A_622, %add3A_629, %add3A_636, %add3A_643, %add3A_650, %add3A_657, %add3A_664, %add3A_671, %add3A_678, %add3A_685, %add3A_692, %add3A_699, %add3A_706, %add3A_713, %add3A_720 : vector<16xf32>, vector<16xf32>, vector<16xf32>, vector<16xf32>, vector<16xf32>, vector<16xf32>, vector<16xf32>, vector<16xf32>, vector<16xf32>, vector<16xf32>, vector<16xf32>, vector<16xf32>, vector<16xf32>, vector<16xf32>, vector<16xf32>, vector<16xf32>, vector<16xf32>, vector<16xf32>, vector<16xf32>, vector<16xf32>, vector<16xf32>, vector<16xf32>, vector<16xf32>, vector<16xf32>, vector<16xf32>, vector<16xf32>, vector<16xf32>, vector<16xf32>, vector<16xf32>, vector<16xf32>, vector<16xf32>, vector<16xf32>
        }
        %scan3A_138 = arith.constant 32 : i32
        %swap3A = arith.index_cast %scan3A_51 : i32 to index
        %swap3A_139 = arith.constant 0 : index
        %swap3A_140 = tpu.vector_load %arg6[%swap3A, %swap3A_139] {strides = array<i32>} : memref<16x1024xf32, #tpu.memory_space<vmem>>, vector<1x16xf32>,
        %swap3A_141 = vector.shape_cast %swap3A_140 : vector<1x16xf32> to vector<16xf32>
        %swap3A_142 = vector.shape_cast %scan3A_137#0 : vector<16xf32> to vector<1x16xf32>
        tpu.vector_store %arg6[%swap3A, %swap3A_139], %swap3A_142 {add = true, strides = array<i32>} : memref<16x1024xf32, #tpu.memory_space<vmem>>, vector<1x16xf32>,
        %swap3A_143 = arith.index_cast %scan3A_51 : i32 to index
        %swap3A_144 = arith.constant 16 : index
        %swap3A_145 = tpu.vector_load %arg6[%swap3A_143, %swap3A_144] {strides = array<i32>} : memref<16x1024xf32, #tpu.memory_space<vmem>>, vector<1x16xf32>,
        %swap3A_146 = vector.shape_cast %swap3A_145 : vector<1x16xf32> to vector<16xf32>
        %swap3A_147 = vector.shape_cast %scan3A_137#1 : vector<16xf32> to vector<1x16xf32>
        tpu.vector_store %arg6[%swap3A_143, %swap3A_144], %swap3A_147 {add = true, strides = array<i32>} : memref<16x1024xf32, #tpu.memory_space<vmem>>, vector<1x16xf32>,
        %swap3A_148 = arith.index_cast %scan3A_51 : i32 to index
        %swap3A_149 = arith.constant 32 : index
        %swap3A_150 = tpu.vector_load %arg6[%swap3A_148, %swap3A_149] {strides = array<i32>} : memref<16x1024xf32, #tpu.memory_space<vmem>>, vector<1x16xf32>,
        %swap3A_151 = vector.shape_cast %swap3A_150 : vector<1x16xf32> to vector<16xf32>
        %swap3A_152 = vector.shape_cast %scan3A_137#2 : vector<16xf32> to vector<1x16xf32>
        tpu.vector_store %arg6[%swap3A_148, %swap3A_149], %swap3A_152 {add = true, strides = array<i32>} : memref<16x1024xf32, #tpu.memory_space<vmem>>, vector<1x16xf32>,
        %swap3A_153 = arith.index_cast %scan3A_51 : i32 to index
        %swap3A_154 = arith.constant 48 : index
        %swap3A_155 = tpu.vector_load %arg6[%swap3A_153, %swap3A_154] {strides = array<i32>} : memref<16x1024xf32, #tpu.memory_space<vmem>>, vector<1x16xf32>,
        %swap3A_156 = vector.shape_cast %swap3A_155 : vector<1x16xf32> to vector<16xf32>
        %swap3A_157 = vector.shape_cast %scan3A_137#3 : vector<16xf32> to vector<1x16xf32>
        tpu.vector_store %arg6[%swap3A_153, %swap3A_154], %swap3A_157 {add = true, strides = array<i32>} : memref<16x1024xf32, #tpu.memory_space<vmem>>, vector<1x16xf32>,
        %swap3A_158 = arith.index_cast %scan3A_51 : i32 to index
        %swap3A_159 = arith.constant 64 : index
        %swap3A_160 = tpu.vector_load %arg6[%swap3A_158, %swap3A_159] {strides = array<i32>} : memref<16x1024xf32, #tpu.memory_space<vmem>>, vector<1x16xf32>,
        %swap3A_161 = vector.shape_cast %swap3A_160 : vector<1x16xf32> to vector<16xf32>
        %swap3A_162 = vector.shape_cast %scan3A_137#4 : vector<16xf32> to vector<1x16xf32>
        tpu.vector_store %arg6[%swap3A_158, %swap3A_159], %swap3A_162 {add = true, strides = array<i32>} : memref<16x1024xf32, #tpu.memory_space<vmem>>, vector<1x16xf32>,
        %swap3A_163 = arith.index_cast %scan3A_51 : i32 to index
        %swap3A_164 = arith.constant 80 : index
        %swap3A_165 = tpu.vector_load %arg6[%swap3A_163, %swap3A_164] {strides = array<i32>} : memref<16x1024xf32, #tpu.memory_space<vmem>>, vector<1x16xf32>,
        %swap3A_166 = vector.shape_cast %swap3A_165 : vector<1x16xf32> to vector<16xf32>
        %swap3A_167 = vector.shape_cast %scan3A_137#5 : vector<16xf32> to vector<1x16xf32>
        tpu.vector_store %arg6[%swap3A_163, %swap3A_164], %swap3A_167 {add = true, strides = array<i32>} : memref<16x1024xf32, #tpu.memory_space<vmem>>, vector<1x16xf32>,
        %swap3A_168 = arith.index_cast %scan3A_51 : i32 to index
        %swap3A_169 = arith.constant 96 : index
        %swap3A_170 = tpu.vector_load %arg6[%swap3A_168, %swap3A_169] {strides = array<i32>} : memref<16x1024xf32, #tpu.memory_space<vmem>>, vector<1x16xf32>,
        %swap3A_171 = vector.shape_cast %swap3A_170 : vector<1x16xf32> to vector<16xf32>
        %swap3A_172 = vector.shape_cast %scan3A_137#6 : vector<16xf32> to vector<1x16xf32>
        tpu.vector_store %arg6[%swap3A_168, %swap3A_169], %swap3A_172 {add = true, strides = array<i32>} : memref<16x1024xf32, #tpu.memory_space<vmem>>, vector<1x16xf32>,
        %swap3A_173 = arith.index_cast %scan3A_51 : i32 to index
        %swap3A_174 = arith.constant 112 : index
        %swap3A_175 = tpu.vector_load %arg6[%swap3A_173, %swap3A_174] {strides = array<i32>} : memref<16x1024xf32, #tpu.memory_space<vmem>>, vector<1x16xf32>,
        %swap3A_176 = vector.shape_cast %swap3A_175 : vector<1x16xf32> to vector<16xf32>
        %swap3A_177 = vector.shape_cast %scan3A_137#7 : vector<16xf32> to vector<1x16xf32>
        tpu.vector_store %arg6[%swap3A_173, %swap3A_174], %swap3A_177 {add = true, strides = array<i32>} : memref<16x1024xf32, #tpu.memory_space<vmem>>, vector<1x16xf32>,
        %swap3A_178 = arith.index_cast %scan3A_51 : i32 to index
        %swap3A_179 = arith.constant 128 : index
        %swap3A_180 = tpu.vector_load %arg6[%swap3A_178, %swap3A_179] {strides = array<i32>} : memref<16x1024xf32, #tpu.memory_space<vmem>>, vector<1x16xf32>,
        %swap3A_181 = vector.shape_cast %swap3A_180 : vector<1x16xf32> to vector<16xf32>
        %swap3A_182 = vector.shape_cast %scan3A_137#8 : vector<16xf32> to vector<1x16xf32>
        tpu.vector_store %arg6[%swap3A_178, %swap3A_179], %swap3A_182 {add = true, strides = array<i32>} : memref<16x1024xf32, #tpu.memory_space<vmem>>, vector<1x16xf32>,
        %swap3A_183 = arith.index_cast %scan3A_51 : i32 to index
        %swap3A_184 = arith.constant 144 : index
        %swap3A_185 = tpu.vector_load %arg6[%swap3A_183, %swap3A_184] {strides = array<i32>} : memref<16x1024xf32, #tpu.memory_space<vmem>>, vector<1x16xf32>,
        %swap3A_186 = vector.shape_cast %swap3A_185 : vector<1x16xf32> to vector<16xf32>
        %swap3A_187 = vector.shape_cast %scan3A_137#9 : vector<16xf32> to vector<1x16xf32>
        tpu.vector_store %arg6[%swap3A_183, %swap3A_184], %swap3A_187 {add = true, strides = array<i32>} : memref<16x1024xf32, #tpu.memory_space<vmem>>, vector<1x16xf32>,
        %swap3A_188 = arith.index_cast %scan3A_51 : i32 to index
        %swap3A_189 = arith.constant 160 : index
        %swap3A_190 = tpu.vector_load %arg6[%swap3A_188, %swap3A_189] {strides = array<i32>} : memref<16x1024xf32, #tpu.memory_space<vmem>>, vector<1x16xf32>,
        %swap3A_191 = vector.shape_cast %swap3A_190 : vector<1x16xf32> to vector<16xf32>
        %swap3A_192 = vector.shape_cast %scan3A_137#10 : vector<16xf32> to vector<1x16xf32>
        tpu.vector_store %arg6[%swap3A_188, %swap3A_189], %swap3A_192 {add = true, strides = array<i32>} : memref<16x1024xf32, #tpu.memory_space<vmem>>, vector<1x16xf32>,
        %swap3A_193 = arith.index_cast %scan3A_51 : i32 to index
        %swap3A_194 = arith.constant 176 : index
        %swap3A_195 = tpu.vector_load %arg6[%swap3A_193, %swap3A_194] {strides = array<i32>} : memref<16x1024xf32, #tpu.memory_space<vmem>>, vector<1x16xf32>,
        %swap3A_196 = vector.shape_cast %swap3A_195 : vector<1x16xf32> to vector<16xf32>
        %swap3A_197 = vector.shape_cast %scan3A_137#11 : vector<16xf32> to vector<1x16xf32>
        tpu.vector_store %arg6[%swap3A_193, %swap3A_194], %swap3A_197 {add = true, strides = array<i32>} : memref<16x1024xf32, #tpu.memory_space<vmem>>, vector<1x16xf32>,
        %swap3A_198 = arith.index_cast %scan3A_51 : i32 to index
        %swap3A_199 = arith.constant 192 : index
        %swap3A_200 = tpu.vector_load %arg6[%swap3A_198, %swap3A_199] {strides = array<i32>} : memref<16x1024xf32, #tpu.memory_space<vmem>>, vector<1x16xf32>,
        %swap3A_201 = vector.shape_cast %swap3A_200 : vector<1x16xf32> to vector<16xf32>
        %swap3A_202 = vector.shape_cast %scan3A_137#12 : vector<16xf32> to vector<1x16xf32>
        tpu.vector_store %arg6[%swap3A_198, %swap3A_199], %swap3A_202 {add = true, strides = array<i32>} : memref<16x1024xf32, #tpu.memory_space<vmem>>, vector<1x16xf32>,
        %swap3A_203 = arith.index_cast %scan3A_51 : i32 to index
        %swap3A_204 = arith.constant 208 : index
        %swap3A_205 = tpu.vector_load %arg6[%swap3A_203, %swap3A_204] {strides = array<i32>} : memref<16x1024xf32, #tpu.memory_space<vmem>>, vector<1x16xf32>,
        %swap3A_206 = vector.shape_cast %swap3A_205 : vector<1x16xf32> to vector<16xf32>
        %swap3A_207 = vector.shape_cast %scan3A_137#13 : vector<16xf32> to vector<1x16xf32>
        tpu.vector_store %arg6[%swap3A_203, %swap3A_204], %swap3A_207 {add = true, strides = array<i32>} : memref<16x1024xf32, #tpu.memory_space<vmem>>, vector<1x16xf32>,
        %swap3A_208 = arith.index_cast %scan3A_51 : i32 to index
        %swap3A_209 = arith.constant 224 : index
        %swap3A_210 = tpu.vector_load %arg6[%swap3A_208, %swap3A_209] {strides = array<i32>} : memref<16x1024xf32, #tpu.memory_space<vmem>>, vector<1x16xf32>,
        %swap3A_211 = vector.shape_cast %swap3A_210 : vector<1x16xf32> to vector<16xf32>
        %swap3A_212 = vector.shape_cast %scan3A_137#14 : vector<16xf32> to vector<1x16xf32>
        tpu.vector_store %arg6[%swap3A_208, %swap3A_209], %swap3A_212 {add = true, strides = array<i32>} : memref<16x1024xf32, #tpu.memory_space<vmem>>, vector<1x16xf32>,
        %swap3A_213 = arith.index_cast %scan3A_51 : i32 to index
        %swap3A_214 = arith.constant 240 : index
        %swap3A_215 = tpu.vector_load %arg6[%swap3A_213, %swap3A_214] {strides = array<i32>} : memref<16x1024xf32, #tpu.memory_space<vmem>>, vector<1x16xf32>,
        %swap3A_216 = vector.shape_cast %swap3A_215 : vector<1x16xf32> to vector<16xf32>
        %swap3A_217 = vector.shape_cast %scan3A_137#15 : vector<16xf32> to vector<1x16xf32>
        tpu.vector_store %arg6[%swap3A_213, %swap3A_214], %swap3A_217 {add = true, strides = array<i32>} : memref<16x1024xf32, #tpu.memory_space<vmem>>, vector<1x16xf32>,
        %swap3A_218 = arith.index_cast %scan3A_51 : i32 to index
        %swap3A_219 = arith.constant 256 : index
        %swap3A_220 = tpu.vector_load %arg6[%swap3A_218, %swap3A_219] {strides = array<i32>} : memref<16x1024xf32, #tpu.memory_space<vmem>>, vector<1x16xf32>,
        %swap3A_221 = vector.shape_cast %swap3A_220 : vector<1x16xf32> to vector<16xf32>
        %swap3A_222 = vector.shape_cast %scan3A_137#16 : vector<16xf32> to vector<1x16xf32>
        tpu.vector_store %arg6[%swap3A_218, %swap3A_219], %swap3A_222 {add = true, strides = array<i32>} : memref<16x1024xf32, #tpu.memory_space<vmem>>, vector<1x16xf32>,
        %swap3A_223 = arith.index_cast %scan3A_51 : i32 to index
        %swap3A_224 = arith.constant 272 : index
        %swap3A_225 = tpu.vector_load %arg6[%swap3A_223, %swap3A_224] {strides = array<i32>} : memref<16x1024xf32, #tpu.memory_space<vmem>>, vector<1x16xf32>,
        %swap3A_226 = vector.shape_cast %swap3A_225 : vector<1x16xf32> to vector<16xf32>
        %swap3A_227 = vector.shape_cast %scan3A_137#17 : vector<16xf32> to vector<1x16xf32>
        tpu.vector_store %arg6[%swap3A_223, %swap3A_224], %swap3A_227 {add = true, strides = array<i32>} : memref<16x1024xf32, #tpu.memory_space<vmem>>, vector<1x16xf32>,
        %swap3A_228 = arith.index_cast %scan3A_51 : i32 to index
        %swap3A_229 = arith.constant 288 : index
        %swap3A_230 = tpu.vector_load %arg6[%swap3A_228, %swap3A_229] {strides = array<i32>} : memref<16x1024xf32, #tpu.memory_space<vmem>>, vector<1x16xf32>,
        %swap3A_231 = vector.shape_cast %swap3A_230 : vector<1x16xf32> to vector<16xf32>
        %swap3A_232 = vector.shape_cast %scan3A_137#18 : vector<16xf32> to vector<1x16xf32>
        tpu.vector_store %arg6[%swap3A_228, %swap3A_229], %swap3A_232 {add = true, strides = array<i32>} : memref<16x1024xf32, #tpu.memory_space<vmem>>, vector<1x16xf32>,
        %swap3A_233 = arith.index_cast %scan3A_51 : i32 to index
        %swap3A_234 = arith.constant 304 : index
        %swap3A_235 = tpu.vector_load %arg6[%swap3A_233, %swap3A_234] {strides = array<i32>} : memref<16x1024xf32, #tpu.memory_space<vmem>>, vector<1x16xf32>,
        %swap3A_236 = vector.shape_cast %swap3A_235 : vector<1x16xf32> to vector<16xf32>
        %swap3A_237 = vector.shape_cast %scan3A_137#19 : vector<16xf32> to vector<1x16xf32>
        tpu.vector_store %arg6[%swap3A_233, %swap3A_234], %swap3A_237 {add = true, strides = array<i32>} : memref<16x1024xf32, #tpu.memory_space<vmem>>, vector<1x16xf32>,
        %swap3A_238 = arith.index_cast %scan3A_51 : i32 to index
        %swap3A_239 = arith.constant 320 : index
        %swap3A_240 = tpu.vector_load %arg6[%swap3A_238, %swap3A_239] {strides = array<i32>} : memref<16x1024xf32, #tpu.memory_space<vmem>>, vector<1x16xf32>,
        %swap3A_241 = vector.shape_cast %swap3A_240 : vector<1x16xf32> to vector<16xf32>
        %swap3A_242 = vector.shape_cast %scan3A_137#20 : vector<16xf32> to vector<1x16xf32>
        tpu.vector_store %arg6[%swap3A_238, %swap3A_239], %swap3A_242 {add = true, strides = array<i32>} : memref<16x1024xf32, #tpu.memory_space<vmem>>, vector<1x16xf32>,
        %swap3A_243 = arith.index_cast %scan3A_51 : i32 to index
        %swap3A_244 = arith.constant 336 : index
        %swap3A_245 = tpu.vector_load %arg6[%swap3A_243, %swap3A_244] {strides = array<i32>} : memref<16x1024xf32, #tpu.memory_space<vmem>>, vector<1x16xf32>,
        %swap3A_246 = vector.shape_cast %swap3A_245 : vector<1x16xf32> to vector<16xf32>
        %swap3A_247 = vector.shape_cast %scan3A_137#21 : vector<16xf32> to vector<1x16xf32>
        tpu.vector_store %arg6[%swap3A_243, %swap3A_244], %swap3A_247 {add = true, strides = array<i32>} : memref<16x1024xf32, #tpu.memory_space<vmem>>, vector<1x16xf32>,
        %swap3A_248 = arith.index_cast %scan3A_51 : i32 to index
        %swap3A_249 = arith.constant 352 : index
        %swap3A_250 = tpu.vector_load %arg6[%swap3A_248, %swap3A_249] {strides = array<i32>} : memref<16x1024xf32, #tpu.memory_space<vmem>>, vector<1x16xf32>,
        %swap3A_251 = vector.shape_cast %swap3A_250 : vector<1x16xf32> to vector<16xf32>
        %swap3A_252 = vector.shape_cast %scan3A_137#22 : vector<16xf32> to vector<1x16xf32>
        tpu.vector_store %arg6[%swap3A_248, %swap3A_249], %swap3A_252 {add = true, strides = array<i32>} : memref<16x1024xf32, #tpu.memory_space<vmem>>, vector<1x16xf32>,
        %swap3A_253 = arith.index_cast %scan3A_51 : i32 to index
        %swap3A_254 = arith.constant 368 : index
        %swap3A_255 = tpu.vector_load %arg6[%swap3A_253, %swap3A_254] {strides = array<i32>} : memref<16x1024xf32, #tpu.memory_space<vmem>>, vector<1x16xf32>,
        %swap3A_256 = vector.shape_cast %swap3A_255 : vector<1x16xf32> to vector<16xf32>
        %swap3A_257 = vector.shape_cast %scan3A_137#23 : vector<16xf32> to vector<1x16xf32>
        tpu.vector_store %arg6[%swap3A_253, %swap3A_254], %swap3A_257 {add = true, strides = array<i32>} : memref<16x1024xf32, #tpu.memory_space<vmem>>, vector<1x16xf32>,
        %swap3A_258 = arith.index_cast %scan3A_51 : i32 to index
        %swap3A_259 = arith.constant 384 : index
        %swap3A_260 = tpu.vector_load %arg6[%swap3A_258, %swap3A_259] {strides = array<i32>} : memref<16x1024xf32, #tpu.memory_space<vmem>>, vector<1x16xf32>,
        %swap3A_261 = vector.shape_cast %swap3A_260 : vector<1x16xf32> to vector<16xf32>
        %swap3A_262 = vector.shape_cast %scan3A_137#24 : vector<16xf32> to vector<1x16xf32>
        tpu.vector_store %arg6[%swap3A_258, %swap3A_259], %swap3A_262 {add = true, strides = array<i32>} : memref<16x1024xf32, #tpu.memory_space<vmem>>, vector<1x16xf32>,
        %swap3A_263 = arith.index_cast %scan3A_51 : i32 to index
        %swap3A_264 = arith.constant 400 : index
        %swap3A_265 = tpu.vector_load %arg6[%swap3A_263, %swap3A_264] {strides = array<i32>} : memref<16x1024xf32, #tpu.memory_space<vmem>>, vector<1x16xf32>,
        %swap3A_266 = vector.shape_cast %swap3A_265 : vector<1x16xf32> to vector<16xf32>
        %swap3A_267 = vector.shape_cast %scan3A_137#25 : vector<16xf32> to vector<1x16xf32>
        tpu.vector_store %arg6[%swap3A_263, %swap3A_264], %swap3A_267 {add = true, strides = array<i32>} : memref<16x1024xf32, #tpu.memory_space<vmem>>, vector<1x16xf32>,
        %swap3A_268 = arith.index_cast %scan3A_51 : i32 to index
        %swap3A_269 = arith.constant 416 : index
        %swap3A_270 = tpu.vector_load %arg6[%swap3A_268, %swap3A_269] {strides = array<i32>} : memref<16x1024xf32, #tpu.memory_space<vmem>>, vector<1x16xf32>,
        %swap3A_271 = vector.shape_cast %swap3A_270 : vector<1x16xf32> to vector<16xf32>
        %swap3A_272 = vector.shape_cast %scan3A_137#26 : vector<16xf32> to vector<1x16xf32>
        tpu.vector_store %arg6[%swap3A_268, %swap3A_269], %swap3A_272 {add = true, strides = array<i32>} : memref<16x1024xf32, #tpu.memory_space<vmem>>, vector<1x16xf32>,
        %swap3A_273 = arith.index_cast %scan3A_51 : i32 to index
        %swap3A_274 = arith.constant 432 : index
        %swap3A_275 = tpu.vector_load %arg6[%swap3A_273, %swap3A_274] {strides = array<i32>} : memref<16x1024xf32, #tpu.memory_space<vmem>>, vector<1x16xf32>,
        %swap3A_276 = vector.shape_cast %swap3A_275 : vector<1x16xf32> to vector<16xf32>
        %swap3A_277 = vector.shape_cast %scan3A_137#27 : vector<16xf32> to vector<1x16xf32>
        tpu.vector_store %arg6[%swap3A_273, %swap3A_274], %swap3A_277 {add = true, strides = array<i32>} : memref<16x1024xf32, #tpu.memory_space<vmem>>, vector<1x16xf32>,
        %swap3A_278 = arith.index_cast %scan3A_51 : i32 to index
        %swap3A_279 = arith.constant 448 : index
        %swap3A_280 = tpu.vector_load %arg6[%swap3A_278, %swap3A_279] {strides = array<i32>} : memref<16x1024xf32, #tpu.memory_space<vmem>>, vector<1x16xf32>,
        %swap3A_281 = vector.shape_cast %swap3A_280 : vector<1x16xf32> to vector<16xf32>
        %swap3A_282 = vector.shape_cast %scan3A_137#28 : vector<16xf32> to vector<1x16xf32>
        tpu.vector_store %arg6[%swap3A_278, %swap3A_279], %swap3A_282 {add = true, strides = array<i32>} : memref<16x1024xf32, #tpu.memory_space<vmem>>, vector<1x16xf32>,
        %swap3A_283 = arith.index_cast %scan3A_51 : i32 to index
        %swap3A_284 = arith.constant 464 : index
        %swap3A_285 = tpu.vector_load %arg6[%swap3A_283, %swap3A_284] {strides = array<i32>} : memref<16x1024xf32, #tpu.memory_space<vmem>>, vector<1x16xf32>,
        %swap3A_286 = vector.shape_cast %swap3A_285 : vector<1x16xf32> to vector<16xf32>
        %swap3A_287 = vector.shape_cast %scan3A_137#29 : vector<16xf32> to vector<1x16xf32>
        tpu.vector_store %arg6[%swap3A_283, %swap3A_284], %swap3A_287 {add = true, strides = array<i32>} : memref<16x1024xf32, #tpu.memory_space<vmem>>, vector<1x16xf32>,
        %swap3A_288 = arith.index_cast %scan3A_51 : i32 to index
        %swap3A_289 = arith.constant 480 : index
        %swap3A_290 = tpu.vector_load %arg6[%swap3A_288, %swap3A_289] {strides = array<i32>} : memref<16x1024xf32, #tpu.memory_space<vmem>>, vector<1x16xf32>,
        %swap3A_291 = vector.shape_cast %swap3A_290 : vector<1x16xf32> to vector<16xf32>
        %swap3A_292 = vector.shape_cast %scan3A_137#30 : vector<16xf32> to vector<1x16xf32>
        tpu.vector_store %arg6[%swap3A_288, %swap3A_289], %swap3A_292 {add = true, strides = array<i32>} : memref<16x1024xf32, #tpu.memory_space<vmem>>, vector<1x16xf32>,
        %swap3A_293 = arith.index_cast %scan3A_51 : i32 to index
        %swap3A_294 = arith.constant 496 : index
        %swap3A_295 = tpu.vector_load %arg6[%swap3A_293, %swap3A_294] {strides = array<i32>} : memref<16x1024xf32, #tpu.memory_space<vmem>>, vector<1x16xf32>,
        %swap3A_296 = vector.shape_cast %swap3A_295 : vector<1x16xf32> to vector<16xf32>
        %swap3A_297 = vector.shape_cast %scan3A_137#31 : vector<16xf32> to vector<1x16xf32>
        tpu.vector_store %arg6[%swap3A_293, %swap3A_294], %swap3A_297 {add = true, strides = array<i32>} : memref<16x1024xf32, #tpu.memory_space<vmem>>, vector<1x16xf32>,
        %scan3A_298 = arith.constant 0 : i32
        %scan3A_299 = arith.constant 32 : i32
        %scan3A_300 = arith.addi %scan3A_298, %scan3A_299 : i32
        %scan3A_301 = arith.constant 1 : i32
        %scan3A_302:32 = scf.for %scan3A_464 = %scan3A_298 to %scan3A_300 step %scan3A_301 iter_args(%scan3A_465 = %broadcast_in_dim3A_10, %scan3A_466 = %broadcast_in_dim3A_10, %scan3A_467 = %broadcast_in_dim3A_10, %scan3A_468 = %broadcast_in_dim3A_10, %scan3A_469 = %broadcast_in_dim3A_10, %scan3A_470 = %broadcast_in_dim3A_10, %scan3A_471 = %broadcast_in_dim3A_10, %scan3A_472 = %broadcast_in_dim3A_10, %scan3A_473 = %broadcast_in_dim3A_10, %scan3A_474 = %broadcast_in_dim3A_10, %scan3A_475 = %broadcast_in_dim3A_10, %scan3A_476 = %broadcast_in_dim3A_10, %scan3A_477 = %broadcast_in_dim3A_10, %scan3A_478 = %broadcast_in_dim3A_10, %scan3A_479 = %broadcast_in_dim3A_10, %scan3A_480 = %broadcast_in_dim3A_10, %scan3A_481 = %broadcast_in_dim3A_10, %scan3A_482 = %broadcast_in_dim3A_10, %scan3A_483 = %broadcast_in_dim3A_10, %scan3A_484 = %broadcast_in_dim3A_10, %scan3A_485 = %broadcast_in_dim3A_10, %scan3A_486 = %broadcast_in_dim3A_10, %scan3A_487 = %broadcast_in_dim3A_10, %scan3A_488 = %broadcast_in_dim3A_10, %scan3A_489 = %broadcast_in_dim3A_10, %scan3A_490 = %broadcast_in_dim3A_10, %scan3A_491 = %broadcast_in_dim3A_10, %scan3A_492 = %broadcast_in_dim3A_10, %scan3A_493 = %broadcast_in_dim3A_10, %scan3A_494 = %broadcast_in_dim3A_10, %scan3A_495 = %broadcast_in_dim3A_10, %scan3A_496 = %broadcast_in_dim3A_10) -> (vector<16xf32>, vector<16xf32>, vector<16xf32>, vector<16xf32>, vector<16xf32>, vector<16xf32>, vector<16xf32>, vector<16xf32>, vector<16xf32>, vector<16xf32>, vector<16xf32>, vector<16xf32>, vector<16xf32>, vector<16xf32>, vector<16xf32>, vector<16xf32>, vector<16xf32>, vector<16xf32>, vector<16xf32>, vector<16xf32>, vector<16xf32>, vector<16xf32>, vector<16xf32>, vector<16xf32>, vector<16xf32>, vector<16xf32>, vector<16xf32>, vector<16xf32>, vector<16xf32>, vector<16xf32>, vector<16xf32>, vector<16xf32>)  : i32 {
          %get3A_497 = arith.constant 0 : i32
          %get3A_498 = arith.index_cast %get3A_497 : i32 to index
          %get3A_499 = arith.index_cast %scan3A_464 : i32 to index
          %get3A_500 = arith.constant 512 : index
          %get3A_501 = tpu.vector_load %arg7[%get3A_498, %get3A_499, %get3A_500] {strides = array<i32>} : memref<2x32x1024xf32, #tpu.memory_space<vmem>>, vector<1x1x16xf32>,
          %get3A_502 = vector.shape_cast %get3A_501 : vector<1x1x16xf32> to vector<16xf32>
          %add3A_503 = arith.addf %scan3A_465, %get3A_502 : vector<16xf32>
          %get3A_504 = arith.constant 0 : i32
          %get3A_505 = arith.index_cast %get3A_504 : i32 to index
          %get3A_506 = arith.index_cast %scan3A_464 : i32 to index
          %get3A_507 = arith.constant 528 : index
          %get3A_508 = tpu.vector_load %arg7[%get3A_505, %get3A_506, %get3A_507] {strides = array<i32>} : memref<2x32x1024xf32, #tpu.memory_space<vmem>>, vector<1x1x16xf32>,
          %get3A_509 = vector.shape_cast %get3A_508 : vector<1x1x16xf32> to vector<16xf32>
          %add3A_510 = arith.addf %scan3A_466, %get3A_509 : vector<16xf32>
          %get3A_511 = arith.constant 0 : i32
          %get3A_512 = arith.index_cast %get3A_511 : i32 to index
          %get3A_513 = arith.index_cast %scan3A_464 : i32 to index
          %get3A_514 = arith.constant 544 : index
          %get3A_515 = tpu.vector_load %arg7[%get3A_512, %get3A_513, %get3A_514] {strides = array<i32>} : memref<2x32x1024xf32, #tpu.memory_space<vmem>>, vector<1x1x16xf32>,
          %get3A_516 = vector.shape_cast %get3A_515 : vector<1x1x16xf32> to vector<16xf32>
          %add3A_517 = arith.addf %scan3A_467, %get3A_516 : vector<16xf32>
          %get3A_518 = arith.constant 0 : i32
          %get3A_519 = arith.index_cast %get3A_518 : i32 to index
          %get3A_520 = arith.index_cast %scan3A_464 : i32 to index
          %get3A_521 = arith.constant 560 : index
          %get3A_522 = tpu.vector_load %arg7[%get3A_519, %get3A_520, %get3A_521] {strides = array<i32>} : memref<2x32x1024xf32, #tpu.memory_space<vmem>>, vector<1x1x16xf32>,
          %get3A_523 = vector.shape_cast %get3A_522 : vector<1x1x16xf32> to vector<16xf32>
          %add3A_524 = arith.addf %scan3A_468, %get3A_523 : vector<16xf32>
          %get3A_525 = arith.constant 0 : i32
          %get3A_526 = arith.index_cast %get3A_525 : i32 to index
          %get3A_527 = arith.index_cast %scan3A_464 : i32 to index
          %get3A_528 = arith.constant 576 : index
          %get3A_529 = tpu.vector_load %arg7[%get3A_526, %get3A_527, %get3A_528] {strides = array<i32>} : memref<2x32x1024xf32, #tpu.memory_space<vmem>>, vector<1x1x16xf32>,
          %get3A_530 = vector.shape_cast %get3A_529 : vector<1x1x16xf32> to vector<16xf32>
          %add3A_531 = arith.addf %scan3A_469, %get3A_530 : vector<16xf32>
          %get3A_532 = arith.constant 0 : i32
          %get3A_533 = arith.index_cast %get3A_532 : i32 to index
          %get3A_534 = arith.index_cast %scan3A_464 : i32 to index
          %get3A_535 = arith.constant 592 : index
          %get3A_536 = tpu.vector_load %arg7[%get3A_533, %get3A_534, %get3A_535] {strides = array<i32>} : memref<2x32x1024xf32, #tpu.memory_space<vmem>>, vector<1x1x16xf32>,
          %get3A_537 = vector.shape_cast %get3A_536 : vector<1x1x16xf32> to vector<16xf32>
          %add3A_538 = arith.addf %scan3A_470, %get3A_537 : vector<16xf32>
          %get3A_539 = arith.constant 0 : i32
          %get3A_540 = arith.index_cast %get3A_539 : i32 to index
          %get3A_541 = arith.index_cast %scan3A_464 : i32 to index
          %get3A_542 = arith.constant 608 : index
          %get3A_543 = tpu.vector_load %arg7[%get3A_540, %get3A_541, %get3A_542] {strides = array<i32>} : memref<2x32x1024xf32, #tpu.memory_space<vmem>>, vector<1x1x16xf32>,
          %get3A_544 = vector.shape_cast %get3A_543 : vector<1x1x16xf32> to vector<16xf32>
          %add3A_545 = arith.addf %scan3A_471, %get3A_544 : vector<16xf32>
          %get3A_546 = arith.constant 0 : i32
          %get3A_547 = arith.index_cast %get3A_546 : i32 to index
          %get3A_548 = arith.index_cast %scan3A_464 : i32 to index
          %get3A_549 = arith.constant 624 : index
          %get3A_550 = tpu.vector_load %arg7[%get3A_547, %get3A_548, %get3A_549] {strides = array<i32>} : memref<2x32x1024xf32, #tpu.memory_space<vmem>>, vector<1x1x16xf32>,
          %get3A_551 = vector.shape_cast %get3A_550 : vector<1x1x16xf32> to vector<16xf32>
          %add3A_552 = arith.addf %scan3A_472, %get3A_551 : vector<16xf32>
          %get3A_553 = arith.constant 0 : i32
          %get3A_554 = arith.index_cast %get3A_553 : i32 to index
          %get3A_555 = arith.index_cast %scan3A_464 : i32 to index
          %get3A_556 = arith.constant 640 : index
          %get3A_557 = tpu.vector_load %arg7[%get3A_554, %get3A_555, %get3A_556] {strides = array<i32>} : memref<2x32x1024xf32, #tpu.memory_space<vmem>>, vector<1x1x16xf32>,
          %get3A_558 = vector.shape_cast %get3A_557 : vector<1x1x16xf32> to vector<16xf32>
          %add3A_559 = arith.addf %scan3A_473, %get3A_558 : vector<16xf32>
          %get3A_560 = arith.constant 0 : i32
          %get3A_561 = arith.index_cast %get3A_560 : i32 to index
          %get3A_562 = arith.index_cast %scan3A_464 : i32 to index
          %get3A_563 = arith.constant 656 : index
          %get3A_564 = tpu.vector_load %arg7[%get3A_561, %get3A_562, %get3A_563] {strides = array<i32>} : memref<2x32x1024xf32, #tpu.memory_space<vmem>>, vector<1x1x16xf32>,
          %get3A_565 = vector.shape_cast %get3A_564 : vector<1x1x16xf32> to vector<16xf32>
          %add3A_566 = arith.addf %scan3A_474, %get3A_565 : vector<16xf32>
          %get3A_567 = arith.constant 0 : i32
          %get3A_568 = arith.index_cast %get3A_567 : i32 to index
          %get3A_569 = arith.index_cast %scan3A_464 : i32 to index
          %get3A_570 = arith.constant 672 : index
          %get3A_571 = tpu.vector_load %arg7[%get3A_568, %get3A_569, %get3A_570] {strides = array<i32>} : memref<2x32x1024xf32, #tpu.memory_space<vmem>>, vector<1x1x16xf32>,
          %get3A_572 = vector.shape_cast %get3A_571 : vector<1x1x16xf32> to vector<16xf32>
          %add3A_573 = arith.addf %scan3A_475, %get3A_572 : vector<16xf32>
          %get3A_574 = arith.constant 0 : i32
          %get3A_575 = arith.index_cast %get3A_574 : i32 to index
          %get3A_576 = arith.index_cast %scan3A_464 : i32 to index
          %get3A_577 = arith.constant 688 : index
          %get3A_578 = tpu.vector_load %arg7[%get3A_575, %get3A_576, %get3A_577] {strides = array<i32>} : memref<2x32x1024xf32, #tpu.memory_space<vmem>>, vector<1x1x16xf32>,
          %get3A_579 = vector.shape_cast %get3A_578 : vector<1x1x16xf32> to vector<16xf32>
          %add3A_580 = arith.addf %scan3A_476, %get3A_579 : vector<16xf32>
          %get3A_581 = arith.constant 0 : i32
          %get3A_582 = arith.index_cast %get3A_581 : i32 to index
          %get3A_583 = arith.index_cast %scan3A_464 : i32 to index
          %get3A_584 = arith.constant 704 : index
          %get3A_585 = tpu.vector_load %arg7[%get3A_582, %get3A_583, %get3A_584] {strides = array<i32>} : memref<2x32x1024xf32, #tpu.memory_space<vmem>>, vector<1x1x16xf32>,
          %get3A_586 = vector.shape_cast %get3A_585 : vector<1x1x16xf32> to vector<16xf32>
          %add3A_587 = arith.addf %scan3A_477, %get3A_586 : vector<16xf32>
          %get3A_588 = arith.constant 0 : i32
          %get3A_589 = arith.index_cast %get3A_588 : i32 to index
          %get3A_590 = arith.index_cast %scan3A_464 : i32 to index
          %get3A_591 = arith.constant 720 : index
          %get3A_592 = tpu.vector_load %arg7[%get3A_589, %get3A_590, %get3A_591] {strides = array<i32>} : memref<2x32x1024xf32, #tpu.memory_space<vmem>>, vector<1x1x16xf32>,
          %get3A_593 = vector.shape_cast %get3A_592 : vector<1x1x16xf32> to vector<16xf32>
          %add3A_594 = arith.addf %scan3A_478, %get3A_593 : vector<16xf32>
          %get3A_595 = arith.constant 0 : i32
          %get3A_596 = arith.index_cast %get3A_595 : i32 to index
          %get3A_597 = arith.index_cast %scan3A_464 : i32 to index
          %get3A_598 = arith.constant 736 : index
          %get3A_599 = tpu.vector_load %arg7[%get3A_596, %get3A_597, %get3A_598] {strides = array<i32>} : memref<2x32x1024xf32, #tpu.memory_space<vmem>>, vector<1x1x16xf32>,
          %get3A_600 = vector.shape_cast %get3A_599 : vector<1x1x16xf32> to vector<16xf32>
          %add3A_601 = arith.addf %scan3A_479, %get3A_600 : vector<16xf32>
          %get3A_602 = arith.constant 0 : i32
          %get3A_603 = arith.index_cast %get3A_602 : i32 to index
          %get3A_604 = arith.index_cast %scan3A_464 : i32 to index
          %get3A_605 = arith.constant 752 : index
          %get3A_606 = tpu.vector_load %arg7[%get3A_603, %get3A_604, %get3A_605] {strides = array<i32>} : memref<2x32x1024xf32, #tpu.memory_space<vmem>>, vector<1x1x16xf32>,
          %get3A_607 = vector.shape_cast %get3A_606 : vector<1x1x16xf32> to vector<16xf32>
          %add3A_608 = arith.addf %scan3A_480, %get3A_607 : vector<16xf32>
          %get3A_609 = arith.constant 0 : i32
          %get3A_610 = arith.index_cast %get3A_609 : i32 to index
          %get3A_611 = arith.index_cast %scan3A_464 : i32 to index
          %get3A_612 = arith.constant 768 : index
          %get3A_613 = tpu.vector_load %arg7[%get3A_610, %get3A_611, %get3A_612] {strides = array<i32>} : memref<2x32x1024xf32, #tpu.memory_space<vmem>>, vector<1x1x16xf32>,
          %get3A_614 = vector.shape_cast %get3A_613 : vector<1x1x16xf32> to vector<16xf32>
          %add3A_615 = arith.addf %scan3A_481, %get3A_614 : vector<16xf32>
          %get3A_616 = arith.constant 0 : i32
          %get3A_617 = arith.index_cast %get3A_616 : i32 to index
          %get3A_618 = arith.index_cast %scan3A_464 : i32 to index
          %get3A_619 = arith.constant 784 : index
          %get3A_620 = tpu.vector_load %arg7[%get3A_617, %get3A_618, %get3A_619] {strides = array<i32>} : memref<2x32x1024xf32, #tpu.memory_space<vmem>>, vector<1x1x16xf32>,
          %get3A_621 = vector.shape_cast %get3A_620 : vector<1x1x16xf32> to vector<16xf32>
          %add3A_622 = arith.addf %scan3A_482, %get3A_621 : vector<16xf32>
          %get3A_623 = arith.constant 0 : i32
          %get3A_624 = arith.index_cast %get3A_623 : i32 to index
          %get3A_625 = arith.index_cast %scan3A_464 : i32 to index
          %get3A_626 = arith.constant 800 : index
          %get3A_627 = tpu.vector_load %arg7[%get3A_624, %get3A_625, %get3A_626] {strides = array<i32>} : memref<2x32x1024xf32, #tpu.memory_space<vmem>>, vector<1x1x16xf32>,
          %get3A_628 = vector.shape_cast %get3A_627 : vector<1x1x16xf32> to vector<16xf32>
          %add3A_629 = arith.addf %scan3A_483, %get3A_628 : vector<16xf32>
          %get3A_630 = arith.constant 0 : i32
          %get3A_631 = arith.index_cast %get3A_630 : i32 to index
          %get3A_632 = arith.index_cast %scan3A_464 : i32 to index
          %get3A_633 = arith.constant 816 : index
          %get3A_634 = tpu.vector_load %arg7[%get3A_631, %get3A_632, %get3A_633] {strides = array<i32>} : memref<2x32x1024xf32, #tpu.memory_space<vmem>>, vector<1x1x16xf32>,
          %get3A_635 = vector.shape_cast %get3A_634 : vector<1x1x16xf32> to vector<16xf32>
          %add3A_636 = arith.addf %scan3A_484, %get3A_635 : vector<16xf32>
          %get3A_637 = arith.constant 0 : i32
          %get3A_638 = arith.index_cast %get3A_637 : i32 to index
          %get3A_639 = arith.index_cast %scan3A_464 : i32 to index
          %get3A_640 = arith.constant 832 : index
          %get3A_641 = tpu.vector_load %arg7[%get3A_638, %get3A_639, %get3A_640] {strides = array<i32>} : memref<2x32x1024xf32, #tpu.memory_space<vmem>>, vector<1x1x16xf32>,
          %get3A_642 = vector.shape_cast %get3A_641 : vector<1x1x16xf32> to vector<16xf32>
          %add3A_643 = arith.addf %scan3A_485, %get3A_642 : vector<16xf32>
          %get3A_644 = arith.constant 0 : i32
          %get3A_645 = arith.index_cast %get3A_644 : i32 to index
          %get3A_646 = arith.index_cast %scan3A_464 : i32 to index
          %get3A_647 = arith.constant 848 : index
          %get3A_648 = tpu.vector_load %arg7[%get3A_645, %get3A_646, %get3A_647] {strides = array<i32>} : memref<2x32x1024xf32, #tpu.memory_space<vmem>>, vector<1x1x16xf32>,
          %get3A_649 = vector.shape_cast %get3A_648 : vector<1x1x16xf32> to vector<16xf32>
          %add3A_650 = arith.addf %scan3A_486, %get3A_649 : vector<16xf32>
          %get3A_651 = arith.constant 0 : i32
          %get3A_652 = arith.index_cast %get3A_651 : i32 to index
          %get3A_653 = arith.index_cast %scan3A_464 : i32 to index
          %get3A_654 = arith.constant 864 : index
          %get3A_655 = tpu.vector_load %arg7[%get3A_652, %get3A_653, %get3A_654] {strides = array<i32>} : memref<2x32x1024xf32, #tpu.memory_space<vmem>>, vector<1x1x16xf32>,
          %get3A_656 = vector.shape_cast %get3A_655 : vector<1x1x16xf32> to vector<16xf32>
          %add3A_657 = arith.addf %scan3A_487, %get3A_656 : vector<16xf32>
          %get3A_658 = arith.constant 0 : i32
          %get3A_659 = arith.index_cast %get3A_658 : i32 to index
          %get3A_660 = arith.index_cast %scan3A_464 : i32 to index
          %get3A_661 = arith.constant 880 : index
          %get3A_662 = tpu.vector_load %arg7[%get3A_659, %get3A_660, %get3A_661] {strides = array<i32>} : memref<2x32x1024xf32, #tpu.memory_space<vmem>>, vector<1x1x16xf32>,
          %get3A_663 = vector.shape_cast %get3A_662 : vector<1x1x16xf32> to vector<16xf32>
          %add3A_664 = arith.addf %scan3A_488, %get3A_663 : vector<16xf32>
          %get3A_665 = arith.constant 0 : i32
          %get3A_666 = arith.index_cast %get3A_665 : i32 to index
          %get3A_667 = arith.index_cast %scan3A_464 : i32 to index
          %get3A_668 = arith.constant 896 : index
          %get3A_669 = tpu.vector_load %arg7[%get3A_666, %get3A_667, %get3A_668] {strides = array<i32>} : memref<2x32x1024xf32, #tpu.memory_space<vmem>>, vector<1x1x16xf32>,
          %get3A_670 = vector.shape_cast %get3A_669 : vector<1x1x16xf32> to vector<16xf32>
          %add3A_671 = arith.addf %scan3A_489, %get3A_670 : vector<16xf32>
          %get3A_672 = arith.constant 0 : i32
          %get3A_673 = arith.index_cast %get3A_672 : i32 to index
          %get3A_674 = arith.index_cast %scan3A_464 : i32 to index
          %get3A_675 = arith.constant 912 : index
          %get3A_676 = tpu.vector_load %arg7[%get3A_673, %get3A_674, %get3A_675] {strides = array<i32>} : memref<2x32x1024xf32, #tpu.memory_space<vmem>>, vector<1x1x16xf32>,
          %get3A_677 = vector.shape_cast %get3A_676 : vector<1x1x16xf32> to vector<16xf32>
          %add3A_678 = arith.addf %scan3A_490, %get3A_677 : vector<16xf32>
          %get3A_679 = arith.constant 0 : i32
          %get3A_680 = arith.index_cast %get3A_679 : i32 to index
          %get3A_681 = arith.index_cast %scan3A_464 : i32 to index
          %get3A_682 = arith.constant 928 : index
          %get3A_683 = tpu.vector_load %arg7[%get3A_680, %get3A_681, %get3A_682] {strides = array<i32>} : memref<2x32x1024xf32, #tpu.memory_space<vmem>>, vector<1x1x16xf32>,
          %get3A_684 = vector.shape_cast %get3A_683 : vector<1x1x16xf32> to vector<16xf32>
          %add3A_685 = arith.addf %scan3A_491, %get3A_684 : vector<16xf32>
          %get3A_686 = arith.constant 0 : i32
          %get3A_687 = arith.index_cast %get3A_686 : i32 to index
          %get3A_688 = arith.index_cast %scan3A_464 : i32 to index
          %get3A_689 = arith.constant 944 : index
          %get3A_690 = tpu.vector_load %arg7[%get3A_687, %get3A_688, %get3A_689] {strides = array<i32>} : memref<2x32x1024xf32, #tpu.memory_space<vmem>>, vector<1x1x16xf32>,
          %get3A_691 = vector.shape_cast %get3A_690 : vector<1x1x16xf32> to vector<16xf32>
          %add3A_692 = arith.addf %scan3A_492, %get3A_691 : vector<16xf32>
          %get3A_693 = arith.constant 0 : i32
          %get3A_694 = arith.index_cast %get3A_693 : i32 to index
          %get3A_695 = arith.index_cast %scan3A_464 : i32 to index
          %get3A_696 = arith.constant 960 : index
          %get3A_697 = tpu.vector_load %arg7[%get3A_694, %get3A_695, %get3A_696] {strides = array<i32>} : memref<2x32x1024xf32, #tpu.memory_space<vmem>>, vector<1x1x16xf32>,
          %get3A_698 = vector.shape_cast %get3A_697 : vector<1x1x16xf32> to vector<16xf32>
          %add3A_699 = arith.addf %scan3A_493, %get3A_698 : vector<16xf32>
          %get3A_700 = arith.constant 0 : i32
          %get3A_701 = arith.index_cast %get3A_700 : i32 to index
          %get3A_702 = arith.index_cast %scan3A_464 : i32 to index
          %get3A_703 = arith.constant 976 : index
          %get3A_704 = tpu.vector_load %arg7[%get3A_701, %get3A_702, %get3A_703] {strides = array<i32>} : memref<2x32x1024xf32, #tpu.memory_space<vmem>>, vector<1x1x16xf32>,
          %get3A_705 = vector.shape_cast %get3A_704 : vector<1x1x16xf32> to vector<16xf32>
          %add3A_706 = arith.addf %scan3A_494, %get3A_705 : vector<16xf32>
          %get3A_707 = arith.constant 0 : i32
          %get3A_708 = arith.index_cast %get3A_707 : i32 to index
          %get3A_709 = arith.index_cast %scan3A_464 : i32 to index
          %get3A_710 = arith.constant 992 : index
          %get3A_711 = tpu.vector_load %arg7[%get3A_708, %get3A_709, %get3A_710] {strides = array<i32>} : memref<2x32x1024xf32, #tpu.memory_space<vmem>>, vector<1x1x16xf32>,
          %get3A_712 = vector.shape_cast %get3A_711 : vector<1x1x16xf32> to vector<16xf32>
          %add3A_713 = arith.addf %scan3A_495, %get3A_712 : vector<16xf32>
          %get3A_714 = arith.constant 0 : i32
          %get3A_715 = arith.index_cast %get3A_714 : i32 to index
          %get3A_716 = arith.index_cast %scan3A_464 : i32 to index
          %get3A_717 = arith.constant 1008 : index
          %get3A_718 = tpu.vector_load %arg7[%get3A_715, %get3A_716, %get3A_717] {strides = array<i32>} : memref<2x32x1024xf32, #tpu.memory_space<vmem>>, vector<1x1x16xf32>,
          %get3A_719 = vector.shape_cast %get3A_718 : vector<1x1x16xf32> to vector<16xf32>
          %add3A_720 = arith.addf %scan3A_496, %get3A_719 : vector<16xf32>
          scf.yield %add3A_503, %add3A_510, %add3A_517, %add3A_524, %add3A_531, %add3A_538, %add3A_545, %add3A_552, %add3A_559, %add3A_566, %add3A_573, %add3A_580, %add3A_587, %add3A_594, %add3A_601, %add3A_608, %add3A_615, %add3A_622, %add3A_629, %add3A_636, %add3A_643, %add3A_650, %add3A_657, %add3A_664, %add3A_671, %add3A_678, %add3A_685, %add3A_692, %add3A_699, %add3A_706, %add3A_713, %add3A_720 : vector<16xf32>, vector<16xf32>, vector<16xf32>, vector<16xf32>, vector<16xf32>, vector<16xf32>, vector<16xf32>, vector<16xf32>, vector<16xf32>, vector<16xf32>, vector<16xf32>, vector<16xf32>, vector<16xf32>, vector<16xf32>, vector<16xf32>, vector<16xf32>, vector<16xf32>, vector<16xf32>, vector<16xf32>, vector<16xf32>, vector<16xf32>, vector<16xf32>, vector<16xf32>, vector<16xf32>, vector<16xf32>, vector<16xf32>, vector<16xf32>, vector<16xf32>, vector<16xf32>, vector<16xf32>, vector<16xf32>, vector<16xf32>
        }
        %scan3A_303 = arith.constant 32 : i32
        %swap3A_304 = arith.index_cast %scan3A_51 : i32 to index
        %swap3A_305 = arith.constant 512 : index
        %swap3A_306 = tpu.vector_load %arg6[%swap3A_304, %swap3A_305] {strides = array<i32>} : memref<16x1024xf32, #tpu.memory_space<vmem>>, vector<1x16xf32>,
        %swap3A_307 = vector.shape_cast %swap3A_306 : vector<1x16xf32> to vector<16xf32>
        %swap3A_308 = vector.shape_cast %scan3A_302#0 : vector<16xf32> to vector<1x16xf32>
        tpu.vector_store %arg6[%swap3A_304, %swap3A_305], %swap3A_308 {add = true, strides = array<i32>} : memref<16x1024xf32, #tpu.memory_space<vmem>>, vector<1x16xf32>,
        %swap3A_309 = arith.index_cast %scan3A_51 : i32 to index
        %swap3A_310 = arith.constant 528 : index
        %swap3A_311 = tpu.vector_load %arg6[%swap3A_309, %swap3A_310] {strides = array<i32>} : memref<16x1024xf32, #tpu.memory_space<vmem>>, vector<1x16xf32>,
        %swap3A_312 = vector.shape_cast %swap3A_311 : vector<1x16xf32> to vector<16xf32>
        %swap3A_313 = vector.shape_cast %scan3A_302#1 : vector<16xf32> to vector<1x16xf32>
        tpu.vector_store %arg6[%swap3A_309, %swap3A_310], %swap3A_313 {add = true, strides = array<i32>} : memref<16x1024xf32, #tpu.memory_space<vmem>>, vector<1x16xf32>,
        %swap3A_314 = arith.index_cast %scan3A_51 : i32 to index
        %swap3A_315 = arith.constant 544 : index
        %swap3A_316 = tpu.vector_load %arg6[%swap3A_314, %swap3A_315] {strides = array<i32>} : memref<16x1024xf32, #tpu.memory_space<vmem>>, vector<1x16xf32>,
        %swap3A_317 = vector.shape_cast %swap3A_316 : vector<1x16xf32> to vector<16xf32>
        %swap3A_318 = vector.shape_cast %scan3A_302#2 : vector<16xf32> to vector<1x16xf32>
        tpu.vector_store %arg6[%swap3A_314, %swap3A_315], %swap3A_318 {add = true, strides = array<i32>} : memref<16x1024xf32, #tpu.memory_space<vmem>>, vector<1x16xf32>,
        %swap3A_319 = arith.index_cast %scan3A_51 : i32 to index
        %swap3A_320 = arith.constant 560 : index
        %swap3A_321 = tpu.vector_load %arg6[%swap3A_319, %swap3A_320] {strides = array<i32>} : memref<16x1024xf32, #tpu.memory_space<vmem>>, vector<1x16xf32>,
        %swap3A_322 = vector.shape_cast %swap3A_321 : vector<1x16xf32> to vector<16xf32>
        %swap3A_323 = vector.shape_cast %scan3A_302#3 : vector<16xf32> to vector<1x16xf32>
        tpu.vector_store %arg6[%swap3A_319, %swap3A_320], %swap3A_323 {add = true, strides = array<i32>} : memref<16x1024xf32, #tpu.memory_space<vmem>>, vector<1x16xf32>,
        %swap3A_324 = arith.index_cast %scan3A_51 : i32 to index
        %swap3A_325 = arith.constant 576 : index
        %swap3A_326 = tpu.vector_load %arg6[%swap3A_324, %swap3A_325] {strides = array<i32>} : memref<16x1024xf32, #tpu.memory_space<vmem>>, vector<1x16xf32>,
        %swap3A_327 = vector.shape_cast %swap3A_326 : vector<1x16xf32> to vector<16xf32>
        %swap3A_328 = vector.shape_cast %scan3A_302#4 : vector<16xf32> to vector<1x16xf32>
        tpu.vector_store %arg6[%swap3A_324, %swap3A_325], %swap3A_328 {add = true, strides = array<i32>} : memref<16x1024xf32, #tpu.memory_space<vmem>>, vector<1x16xf32>,
        %swap3A_329 = arith.index_cast %scan3A_51 : i32 to index
        %swap3A_330 = arith.constant 592 : index
        %swap3A_331 = tpu.vector_load %arg6[%swap3A_329, %swap3A_330] {strides = array<i32>} : memref<16x1024xf32, #tpu.memory_space<vmem>>, vector<1x16xf32>,
        %swap3A_332 = vector.shape_cast %swap3A_331 : vector<1x16xf32> to vector<16xf32>
        %swap3A_333 = vector.shape_cast %scan3A_302#5 : vector<16xf32> to vector<1x16xf32>
        tpu.vector_store %arg6[%swap3A_329, %swap3A_330], %swap3A_333 {add = true, strides = array<i32>} : memref<16x1024xf32, #tpu.memory_space<vmem>>, vector<1x16xf32>,
        %swap3A_334 = arith.index_cast %scan3A_51 : i32 to index
        %swap3A_335 = arith.constant 608 : index
        %swap3A_336 = tpu.vector_load %arg6[%swap3A_334, %swap3A_335] {strides = array<i32>} : memref<16x1024xf32, #tpu.memory_space<vmem>>, vector<1x16xf32>,
        %swap3A_337 = vector.shape_cast %swap3A_336 : vector<1x16xf32> to vector<16xf32>
        %swap3A_338 = vector.shape_cast %scan3A_302#6 : vector<16xf32> to vector<1x16xf32>
        tpu.vector_store %arg6[%swap3A_334, %swap3A_335], %swap3A_338 {add = true, strides = array<i32>} : memref<16x1024xf32, #tpu.memory_space<vmem>>, vector<1x16xf32>,
        %swap3A_339 = arith.index_cast %scan3A_51 : i32 to index
        %swap3A_340 = arith.constant 624 : index
        %swap3A_341 = tpu.vector_load %arg6[%swap3A_339, %swap3A_340] {strides = array<i32>} : memref<16x1024xf32, #tpu.memory_space<vmem>>, vector<1x16xf32>,
        %swap3A_342 = vector.shape_cast %swap3A_341 : vector<1x16xf32> to vector<16xf32>
        %swap3A_343 = vector.shape_cast %scan3A_302#7 : vector<16xf32> to vector<1x16xf32>
        tpu.vector_store %arg6[%swap3A_339, %swap3A_340], %swap3A_343 {add = true, strides = array<i32>} : memref<16x1024xf32, #tpu.memory_space<vmem>>, vector<1x16xf32>,
        %swap3A_344 = arith.index_cast %scan3A_51 : i32 to index
        %swap3A_345 = arith.constant 640 : index
        %swap3A_346 = tpu.vector_load %arg6[%swap3A_344, %swap3A_345] {strides = array<i32>} : memref<16x1024xf32, #tpu.memory_space<vmem>>, vector<1x16xf32>,
        %swap3A_347 = vector.shape_cast %swap3A_346 : vector<1x16xf32> to vector<16xf32>
        %swap3A_348 = vector.shape_cast %scan3A_302#8 : vector<16xf32> to vector<1x16xf32>
        tpu.vector_store %arg6[%swap3A_344, %swap3A_345], %swap3A_348 {add = true, strides = array<i32>} : memref<16x1024xf32, #tpu.memory_space<vmem>>, vector<1x16xf32>,
        %swap3A_349 = arith.index_cast %scan3A_51 : i32 to index
        %swap3A_350 = arith.constant 656 : index
        %swap3A_351 = tpu.vector_load %arg6[%swap3A_349, %swap3A_350] {strides = array<i32>} : memref<16x1024xf32, #tpu.memory_space<vmem>>, vector<1x16xf32>,
        %swap3A_352 = vector.shape_cast %swap3A_351 : vector<1x16xf32> to vector<16xf32>
        %swap3A_353 = vector.shape_cast %scan3A_302#9 : vector<16xf32> to vector<1x16xf32>
        tpu.vector_store %arg6[%swap3A_349, %swap3A_350], %swap3A_353 {add = true, strides = array<i32>} : memref<16x1024xf32, #tpu.memory_space<vmem>>, vector<1x16xf32>,
        %swap3A_354 = arith.index_cast %scan3A_51 : i32 to index
        %swap3A_355 = arith.constant 672 : index
        %swap3A_356 = tpu.vector_load %arg6[%swap3A_354, %swap3A_355] {strides = array<i32>} : memref<16x1024xf32, #tpu.memory_space<vmem>>, vector<1x16xf32>,
        %swap3A_357 = vector.shape_cast %swap3A_356 : vector<1x16xf32> to vector<16xf32>
        %swap3A_358 = vector.shape_cast %scan3A_302#10 : vector<16xf32> to vector<1x16xf32>
        tpu.vector_store %arg6[%swap3A_354, %swap3A_355], %swap3A_358 {add = true, strides = array<i32>} : memref<16x1024xf32, #tpu.memory_space<vmem>>, vector<1x16xf32>,
        %swap3A_359 = arith.index_cast %scan3A_51 : i32 to index
        %swap3A_360 = arith.constant 688 : index
        %swap3A_361 = tpu.vector_load %arg6[%swap3A_359, %swap3A_360] {strides = array<i32>} : memref<16x1024xf32, #tpu.memory_space<vmem>>, vector<1x16xf32>,
        %swap3A_362 = vector.shape_cast %swap3A_361 : vector<1x16xf32> to vector<16xf32>
        %swap3A_363 = vector.shape_cast %scan3A_302#11 : vector<16xf32> to vector<1x16xf32>
        tpu.vector_store %arg6[%swap3A_359, %swap3A_360], %swap3A_363 {add = true, strides = array<i32>} : memref<16x1024xf32, #tpu.memory_space<vmem>>, vector<1x16xf32>,
        %swap3A_364 = arith.index_cast %scan3A_51 : i32 to index
        %swap3A_365 = arith.constant 704 : index
        %swap3A_366 = tpu.vector_load %arg6[%swap3A_364, %swap3A_365] {strides = array<i32>} : memref<16x1024xf32, #tpu.memory_space<vmem>>, vector<1x16xf32>,
        %swap3A_367 = vector.shape_cast %swap3A_366 : vector<1x16xf32> to vector<16xf32>
        %swap3A_368 = vector.shape_cast %scan3A_302#12 : vector<16xf32> to vector<1x16xf32>
        tpu.vector_store %arg6[%swap3A_364, %swap3A_365], %swap3A_368 {add = true, strides = array<i32>} : memref<16x1024xf32, #tpu.memory_space<vmem>>, vector<1x16xf32>,
        %swap3A_369 = arith.index_cast %scan3A_51 : i32 to index
        %swap3A_370 = arith.constant 720 : index
        %swap3A_371 = tpu.vector_load %arg6[%swap3A_369, %swap3A_370] {strides = array<i32>} : memref<16x1024xf32, #tpu.memory_space<vmem>>, vector<1x16xf32>,
        %swap3A_372 = vector.shape_cast %swap3A_371 : vector<1x16xf32> to vector<16xf32>
        %swap3A_373 = vector.shape_cast %scan3A_302#13 : vector<16xf32> to vector<1x16xf32>
        tpu.vector_store %arg6[%swap3A_369, %swap3A_370], %swap3A_373 {add = true, strides = array<i32>} : memref<16x1024xf32, #tpu.memory_space<vmem>>, vector<1x16xf32>,
        %swap3A_374 = arith.index_cast %scan3A_51 : i32 to index
        %swap3A_375 = arith.constant 736 : index
        %swap3A_376 = tpu.vector_load %arg6[%swap3A_374, %swap3A_375] {strides = array<i32>} : memref<16x1024xf32, #tpu.memory_space<vmem>>, vector<1x16xf32>,
        %swap3A_377 = vector.shape_cast %swap3A_376 : vector<1x16xf32> to vector<16xf32>
        %swap3A_378 = vector.shape_cast %scan3A_302#14 : vector<16xf32> to vector<1x16xf32>
        tpu.vector_store %arg6[%swap3A_374, %swap3A_375], %swap3A_378 {add = true, strides = array<i32>} : memref<16x1024xf32, #tpu.memory_space<vmem>>, vector<1x16xf32>,
        %swap3A_379 = arith.index_cast %scan3A_51 : i32 to index
        %swap3A_380 = arith.constant 752 : index
        %swap3A_381 = tpu.vector_load %arg6[%swap3A_379, %swap3A_380] {strides = array<i32>} : memref<16x1024xf32, #tpu.memory_space<vmem>>, vector<1x16xf32>,
        %swap3A_382 = vector.shape_cast %swap3A_381 : vector<1x16xf32> to vector<16xf32>
        %swap3A_383 = vector.shape_cast %scan3A_302#15 : vector<16xf32> to vector<1x16xf32>
        tpu.vector_store %arg6[%swap3A_379, %swap3A_380], %swap3A_383 {add = true, strides = array<i32>} : memref<16x1024xf32, #tpu.memory_space<vmem>>, vector<1x16xf32>,
        %swap3A_384 = arith.index_cast %scan3A_51 : i32 to index
        %swap3A_385 = arith.constant 768 : index
        %swap3A_386 = tpu.vector_load %arg6[%swap3A_384, %swap3A_385] {strides = array<i32>} : memref<16x1024xf32, #tpu.memory_space<vmem>>, vector<1x16xf32>,
        %swap3A_387 = vector.shape_cast %swap3A_386 : vector<1x16xf32> to vector<16xf32>
        %swap3A_388 = vector.shape_cast %scan3A_302#16 : vector<16xf32> to vector<1x16xf32>
        tpu.vector_store %arg6[%swap3A_384, %swap3A_385], %swap3A_388 {add = true, strides = array<i32>} : memref<16x1024xf32, #tpu.memory_space<vmem>>, vector<1x16xf32>,
        %swap3A_389 = arith.index_cast %scan3A_51 : i32 to index
        %swap3A_390 = arith.constant 784 : index
        %swap3A_391 = tpu.vector_load %arg6[%swap3A_389, %swap3A_390] {strides = array<i32>} : memref<16x1024xf32, #tpu.memory_space<vmem>>, vector<1x16xf32>,
        %swap3A_392 = vector.shape_cast %swap3A_391 : vector<1x16xf32> to vector<16xf32>
        %swap3A_393 = vector.shape_cast %scan3A_302#17 : vector<16xf32> to vector<1x16xf32>
        tpu.vector_store %arg6[%swap3A_389, %swap3A_390], %swap3A_393 {add = true, strides = array<i32>} : memref<16x1024xf32, #tpu.memory_space<vmem>>, vector<1x16xf32>,
        %swap3A_394 = arith.index_cast %scan3A_51 : i32 to index
        %swap3A_395 = arith.constant 800 : index
        %swap3A_396 = tpu.vector_load %arg6[%swap3A_394, %swap3A_395] {strides = array<i32>} : memref<16x1024xf32, #tpu.memory_space<vmem>>, vector<1x16xf32>,
        %swap3A_397 = vector.shape_cast %swap3A_396 : vector<1x16xf32> to vector<16xf32>
        %swap3A_398 = vector.shape_cast %scan3A_302#18 : vector<16xf32> to vector<1x16xf32>
        tpu.vector_store %arg6[%swap3A_394, %swap3A_395], %swap3A_398 {add = true, strides = array<i32>} : memref<16x1024xf32, #tpu.memory_space<vmem>>, vector<1x16xf32>,
        %swap3A_399 = arith.index_cast %scan3A_51 : i32 to index
        %swap3A_400 = arith.constant 816 : index
        %swap3A_401 = tpu.vector_load %arg6[%swap3A_399, %swap3A_400] {strides = array<i32>} : memref<16x1024xf32, #tpu.memory_space<vmem>>, vector<1x16xf32>,
        %swap3A_402 = vector.shape_cast %swap3A_401 : vector<1x16xf32> to vector<16xf32>
        %swap3A_403 = vector.shape_cast %scan3A_302#19 : vector<16xf32> to vector<1x16xf32>
        tpu.vector_store %arg6[%swap3A_399, %swap3A_400], %swap3A_403 {add = true, strides = array<i32>} : memref<16x1024xf32, #tpu.memory_space<vmem>>, vector<1x16xf32>,
        %swap3A_404 = arith.index_cast %scan3A_51 : i32 to index
        %swap3A_405 = arith.constant 832 : index
        %swap3A_406 = tpu.vector_load %arg6[%swap3A_404, %swap3A_405] {strides = array<i32>} : memref<16x1024xf32, #tpu.memory_space<vmem>>, vector<1x16xf32>,
        %swap3A_407 = vector.shape_cast %swap3A_406 : vector<1x16xf32> to vector<16xf32>
        %swap3A_408 = vector.shape_cast %scan3A_302#20 : vector<16xf32> to vector<1x16xf32>
        tpu.vector_store %arg6[%swap3A_404, %swap3A_405], %swap3A_408 {add = true, strides = array<i32>} : memref<16x1024xf32, #tpu.memory_space<vmem>>, vector<1x16xf32>,
        %swap3A_409 = arith.index_cast %scan3A_51 : i32 to index
        %swap3A_410 = arith.constant 848 : index
        %swap3A_411 = tpu.vector_load %arg6[%swap3A_409, %swap3A_410] {strides = array<i32>} : memref<16x1024xf32, #tpu.memory_space<vmem>>, vector<1x16xf32>,
        %swap3A_412 = vector.shape_cast %swap3A_411 : vector<1x16xf32> to vector<16xf32>
        %swap3A_413 = vector.shape_cast %scan3A_302#21 : vector<16xf32> to vector<1x16xf32>
        tpu.vector_store %arg6[%swap3A_409, %swap3A_410], %swap3A_413 {add = true, strides = array<i32>} : memref<16x1024xf32, #tpu.memory_space<vmem>>, vector<1x16xf32>,
        %swap3A_414 = arith.index_cast %scan3A_51 : i32 to index
        %swap3A_415 = arith.constant 864 : index
        %swap3A_416 = tpu.vector_load %arg6[%swap3A_414, %swap3A_415] {strides = array<i32>} : memref<16x1024xf32, #tpu.memory_space<vmem>>, vector<1x16xf32>,
        %swap3A_417 = vector.shape_cast %swap3A_416 : vector<1x16xf32> to vector<16xf32>
        %swap3A_418 = vector.shape_cast %scan3A_302#22 : vector<16xf32> to vector<1x16xf32>
        tpu.vector_store %arg6[%swap3A_414, %swap3A_415], %swap3A_418 {add = true, strides = array<i32>} : memref<16x1024xf32, #tpu.memory_space<vmem>>, vector<1x16xf32>,
        %swap3A_419 = arith.index_cast %scan3A_51 : i32 to index
        %swap3A_420 = arith.constant 880 : index
        %swap3A_421 = tpu.vector_load %arg6[%swap3A_419, %swap3A_420] {strides = array<i32>} : memref<16x1024xf32, #tpu.memory_space<vmem>>, vector<1x16xf32>,
        %swap3A_422 = vector.shape_cast %swap3A_421 : vector<1x16xf32> to vector<16xf32>
        %swap3A_423 = vector.shape_cast %scan3A_302#23 : vector<16xf32> to vector<1x16xf32>
        tpu.vector_store %arg6[%swap3A_419, %swap3A_420], %swap3A_423 {add = true, strides = array<i32>} : memref<16x1024xf32, #tpu.memory_space<vmem>>, vector<1x16xf32>,
        %swap3A_424 = arith.index_cast %scan3A_51 : i32 to index
        %swap3A_425 = arith.constant 896 : index
        %swap3A_426 = tpu.vector_load %arg6[%swap3A_424, %swap3A_425] {strides = array<i32>} : memref<16x1024xf32, #tpu.memory_space<vmem>>, vector<1x16xf32>,
        %swap3A_427 = vector.shape_cast %swap3A_426 : vector<1x16xf32> to vector<16xf32>
        %swap3A_428 = vector.shape_cast %scan3A_302#24 : vector<16xf32> to vector<1x16xf32>
        tpu.vector_store %arg6[%swap3A_424, %swap3A_425], %swap3A_428 {add = true, strides = array<i32>} : memref<16x1024xf32, #tpu.memory_space<vmem>>, vector<1x16xf32>,
        %swap3A_429 = arith.index_cast %scan3A_51 : i32 to index
        %swap3A_430 = arith.constant 912 : index
        %swap3A_431 = tpu.vector_load %arg6[%swap3A_429, %swap3A_430] {strides = array<i32>} : memref<16x1024xf32, #tpu.memory_space<vmem>>, vector<1x16xf32>,
        %swap3A_432 = vector.shape_cast %swap3A_431 : vector<1x16xf32> to vector<16xf32>
        %swap3A_433 = vector.shape_cast %scan3A_302#25 : vector<16xf32> to vector<1x16xf32>
        tpu.vector_store %arg6[%swap3A_429, %swap3A_430], %swap3A_433 {add = true, strides = array<i32>} : memref<16x1024xf32, #tpu.memory_space<vmem>>, vector<1x16xf32>,
        %swap3A_434 = arith.index_cast %scan3A_51 : i32 to index
        %swap3A_435 = arith.constant 928 : index
        %swap3A_436 = tpu.vector_load %arg6[%swap3A_434, %swap3A_435] {strides = array<i32>} : memref<16x1024xf32, #tpu.memory_space<vmem>>, vector<1x16xf32>,
        %swap3A_437 = vector.shape_cast %swap3A_436 : vector<1x16xf32> to vector<16xf32>
        %swap3A_438 = vector.shape_cast %scan3A_302#26 : vector<16xf32> to vector<1x16xf32>
        tpu.vector_store %arg6[%swap3A_434, %swap3A_435], %swap3A_438 {add = true, strides = array<i32>} : memref<16x1024xf32, #tpu.memory_space<vmem>>, vector<1x16xf32>,
        %swap3A_439 = arith.index_cast %scan3A_51 : i32 to index
        %swap3A_440 = arith.constant 944 : index
        %swap3A_441 = tpu.vector_load %arg6[%swap3A_439, %swap3A_440] {strides = array<i32>} : memref<16x1024xf32, #tpu.memory_space<vmem>>, vector<1x16xf32>,
        %swap3A_442 = vector.shape_cast %swap3A_441 : vector<1x16xf32> to vector<16xf32>
        %swap3A_443 = vector.shape_cast %scan3A_302#27 : vector<16xf32> to vector<1x16xf32>
        tpu.vector_store %arg6[%swap3A_439, %swap3A_440], %swap3A_443 {add = true, strides = array<i32>} : memref<16x1024xf32, #tpu.memory_space<vmem>>, vector<1x16xf32>,
        %swap3A_444 = arith.index_cast %scan3A_51 : i32 to index
        %swap3A_445 = arith.constant 960 : index
        %swap3A_446 = tpu.vector_load %arg6[%swap3A_444, %swap3A_445] {strides = array<i32>} : memref<16x1024xf32, #tpu.memory_space<vmem>>, vector<1x16xf32>,
        %swap3A_447 = vector.shape_cast %swap3A_446 : vector<1x16xf32> to vector<16xf32>
        %swap3A_448 = vector.shape_cast %scan3A_302#28 : vector<16xf32> to vector<1x16xf32>
        tpu.vector_store %arg6[%swap3A_444, %swap3A_445], %swap3A_448 {add = true, strides = array<i32>} : memref<16x1024xf32, #tpu.memory_space<vmem>>, vector<1x16xf32>,
        %swap3A_449 = arith.index_cast %scan3A_51 : i32 to index
        %swap3A_450 = arith.constant 976 : index
        %swap3A_451 = tpu.vector_load %arg6[%swap3A_449, %swap3A_450] {strides = array<i32>} : memref<16x1024xf32, #tpu.memory_space<vmem>>, vector<1x16xf32>,
        %swap3A_452 = vector.shape_cast %swap3A_451 : vector<1x16xf32> to vector<16xf32>
        %swap3A_453 = vector.shape_cast %scan3A_302#29 : vector<16xf32> to vector<1x16xf32>
        tpu.vector_store %arg6[%swap3A_449, %swap3A_450], %swap3A_453 {add = true, strides = array<i32>} : memref<16x1024xf32, #tpu.memory_space<vmem>>, vector<1x16xf32>,
        %swap3A_454 = arith.index_cast %scan3A_51 : i32 to index
        %swap3A_455 = arith.constant 992 : index
        %swap3A_456 = tpu.vector_load %arg6[%swap3A_454, %swap3A_455] {strides = array<i32>} : memref<16x1024xf32, #tpu.memory_space<vmem>>, vector<1x16xf32>,
        %swap3A_457 = vector.shape_cast %swap3A_456 : vector<1x16xf32> to vector<16xf32>
        %swap3A_458 = vector.shape_cast %scan3A_302#30 : vector<16xf32> to vector<1x16xf32>
        tpu.vector_store %arg6[%swap3A_454, %swap3A_455], %swap3A_458 {add = true, strides = array<i32>} : memref<16x1024xf32, #tpu.memory_space<vmem>>, vector<1x16xf32>,
        %swap3A_459 = arith.index_cast %scan3A_51 : i32 to index
        %swap3A_460 = arith.constant 1008 : index
        %swap3A_461 = tpu.vector_load %arg6[%swap3A_459, %swap3A_460] {strides = array<i32>} : memref<16x1024xf32, #tpu.memory_space<vmem>>, vector<1x16xf32>,
        %swap3A_462 = vector.shape_cast %swap3A_461 : vector<1x16xf32> to vector<16xf32>
        %swap3A_463 = vector.shape_cast %scan3A_302#31 : vector<16xf32> to vector<1x16xf32>
        tpu.vector_store %arg6[%swap3A_459, %swap3A_460], %swap3A_463 {add = true, strides = array<i32>} : memref<16x1024xf32, #tpu.memory_space<vmem>>, vector<1x16xf32>,
        scf.yield %scan3A_51 : i32
      } else {
        %scan3A_133 = arith.constant 0 : i32
        %scan3A_134 = arith.constant 32 : i32
        %scan3A_135 = arith.addi %scan3A_133, %scan3A_134 : i32
        %scan3A_136 = arith.constant 1 : i32
        %scan3A_137 = scf.for %scan3A_139 = %scan3A_133 to %scan3A_135 step %scan3A_136 iter_args(%scan3A_140 = %scan3A_51) -> (i32)  : i32 {
          %add3A_141 = arith.addi %add3A_58, %scan3A_139 : i32
          %add3A_142 = arith.constant 1 : i32
          %add3A_143 = arith.addi %scan3A_140, %add3A_142 : i32
          %min3A_144 = arith.constant 15 : i32
          %min3A_145 = arith.minsi %add3A_143, %min3A_144 : i32
          %get3A_146 = arith.index_cast %min3A_145 : i32 to index
          %get3A_147 = tpu.vector_load %arg5[%get3A_146] {strides = array<i32>} : memref<32xi32, #tpu.memory_space<vmem>>, vector<16xi32>,
          %get3A_148 = vector.shape_cast %get3A_147 : vector<16xi32> to vector<16xi32>
          %slice3A_149 = vector.extract_strided_slice %get3A_148 {offsets = [0], sizes = [1], strides = [1]} : vector<16xi32> to vector<1xi32>
          %squeeze3A_150 = vector.extract %slice3A_149[0] : i32 from vector<1xi32>
          %eq3A = arith.cmpi eq, %add3A_141, %squeeze3A_150 : i32
          %lt3A_151 = arith.constant 15 : i32
          %lt3A_152 = arith.cmpi slt, %scan3A_140, %lt3A_151 : i32
          %and3A = arith.andi %eq3A, %lt3A_152 : i1
          %add3A_153 = arith.constant 1 : i32
          %add3A_154 = arith.addi %scan3A_140, %add3A_153 : i32
          %select_n3A_155 = arith.select %and3A, %add3A_154, %scan3A_140 : i32
          %get3A_156 = arith.constant 0 : i32
          %get3A_157 = arith.index_cast %get3A_156 : i32 to index
          %get3A_158 = arith.index_cast %scan3A_139 : i32 to index
          %get3A_159 = arith.constant 0 : index
          %get3A_160 = tpu.vector_load %arg7[%get3A_157, %get3A_158, %get3A_159] {strides = array<i32>} : memref<2x32x1024xf32, #tpu.memory_space<vmem>>, vector<1x1x16xf32>,
          %get3A_161 = vector.shape_cast %get3A_160 : vector<1x1x16xf32> to vector<16xf32>
          %swap3A = arith.index_cast %select_n3A_155 : i32 to index
          %swap3A_162 = arith.constant 0 : index
          %swap3A_163 = tpu.vector_load %arg6[%swap3A, %swap3A_162] {strides = array<i32>} : memref<16x1024xf32, #tpu.memory_space<vmem>>, vector<1x16xf32>,
          %swap3A_164 = vector.shape_cast %swap3A_163 : vector<1x16xf32> to vector<16xf32>
          %swap3A_165 = vector.shape_cast %get3A_161 : vector<16xf32> to vector<1x16xf32>
          tpu.vector_store %arg6[%swap3A, %swap3A_162], %swap3A_165 {add = true, strides = array<i32>} : memref<16x1024xf32, #tpu.memory_space<vmem>>, vector<1x16xf32>,
          %get3A_166 = arith.constant 0 : i32
          %get3A_167 = arith.index_cast %get3A_166 : i32 to index
          %get3A_168 = arith.index_cast %scan3A_139 : i32 to index
          %get3A_169 = arith.constant 16 : index
          %get3A_170 = tpu.vector_load %arg7[%get3A_167, %get3A_168, %get3A_169] {strides = array<i32>} : memref<2x32x1024xf32, #tpu.memory_space<vmem>>, vector<1x1x16xf32>,
          %get3A_171 = vector.shape_cast %get3A_170 : vector<1x1x16xf32> to vector<16xf32>
          %swap3A_172 = arith.index_cast %select_n3A_155 : i32 to index
          %swap3A_173 = arith.constant 16 : index
          %swap3A_174 = tpu.vector_load %arg6[%swap3A_172, %swap3A_173] {strides = array<i32>} : memref<16x1024xf32, #tpu.memory_space<vmem>>, vector<1x16xf32>,
          %swap3A_175 = vector.shape_cast %swap3A_174 : vector<1x16xf32> to vector<16xf32>
          %swap3A_176 = vector.shape_cast %get3A_171 : vector<16xf32> to vector<1x16xf32>
          tpu.vector_store %arg6[%swap3A_172, %swap3A_173], %swap3A_176 {add = true, strides = array<i32>} : memref<16x1024xf32, #tpu.memory_space<vmem>>, vector<1x16xf32>,
          %get3A_177 = arith.constant 0 : i32
          %get3A_178 = arith.index_cast %get3A_177 : i32 to index
          %get3A_179 = arith.index_cast %scan3A_139 : i32 to index
          %get3A_180 = arith.constant 32 : index
          %get3A_181 = tpu.vector_load %arg7[%get3A_178, %get3A_179, %get3A_180] {strides = array<i32>} : memref<2x32x1024xf32, #tpu.memory_space<vmem>>, vector<1x1x16xf32>,
          %get3A_182 = vector.shape_cast %get3A_181 : vector<1x1x16xf32> to vector<16xf32>
          %swap3A_183 = arith.index_cast %select_n3A_155 : i32 to index
          %swap3A_184 = arith.constant 32 : index
          %swap3A_185 = tpu.vector_load %arg6[%swap3A_183, %swap3A_184] {strides = array<i32>} : memref<16x1024xf32, #tpu.memory_space<vmem>>, vector<1x16xf32>,
          %swap3A_186 = vector.shape_cast %swap3A_185 : vector<1x16xf32> to vector<16xf32>
          %swap3A_187 = vector.shape_cast %get3A_182 : vector<16xf32> to vector<1x16xf32>
          tpu.vector_store %arg6[%swap3A_183, %swap3A_184], %swap3A_187 {add = true, strides = array<i32>} : memref<16x1024xf32, #tpu.memory_space<vmem>>, vector<1x16xf32>,
          %get3A_188 = arith.constant 0 : i32
          %get3A_189 = arith.index_cast %get3A_188 : i32 to index
          %get3A_190 = arith.index_cast %scan3A_139 : i32 to index
          %get3A_191 = arith.constant 48 : index
          %get3A_192 = tpu.vector_load %arg7[%get3A_189, %get3A_190, %get3A_191] {strides = array<i32>} : memref<2x32x1024xf32, #tpu.memory_space<vmem>>, vector<1x1x16xf32>,
          %get3A_193 = vector.shape_cast %get3A_192 : vector<1x1x16xf32> to vector<16xf32>
          %swap3A_194 = arith.index_cast %select_n3A_155 : i32 to index
          %swap3A_195 = arith.constant 48 : index
          %swap3A_196 = tpu.vector_load %arg6[%swap3A_194, %swap3A_195] {strides = array<i32>} : memref<16x1024xf32, #tpu.memory_space<vmem>>, vector<1x16xf32>,
          %swap3A_197 = vector.shape_cast %swap3A_196 : vector<1x16xf32> to vector<16xf32>
          %swap3A_198 = vector.shape_cast %get3A_193 : vector<16xf32> to vector<1x16xf32>
          tpu.vector_store %arg6[%swap3A_194, %swap3A_195], %swap3A_198 {add = true, strides = array<i32>} : memref<16x1024xf32, #tpu.memory_space<vmem>>, vector<1x16xf32>,
          %get3A_199 = arith.constant 0 : i32
          %get3A_200 = arith.index_cast %get3A_199 : i32 to index
          %get3A_201 = arith.index_cast %scan3A_139 : i32 to index
          %get3A_202 = arith.constant 64 : index
          %get3A_203 = tpu.vector_load %arg7[%get3A_200, %get3A_201, %get3A_202] {strides = array<i32>} : memref<2x32x1024xf32, #tpu.memory_space<vmem>>, vector<1x1x16xf32>,
          %get3A_204 = vector.shape_cast %get3A_203 : vector<1x1x16xf32> to vector<16xf32>
          %swap3A_205 = arith.index_cast %select_n3A_155 : i32 to index
          %swap3A_206 = arith.constant 64 : index
          %swap3A_207 = tpu.vector_load %arg6[%swap3A_205, %swap3A_206] {strides = array<i32>} : memref<16x1024xf32, #tpu.memory_space<vmem>>, vector<1x16xf32>,
          %swap3A_208 = vector.shape_cast %swap3A_207 : vector<1x16xf32> to vector<16xf32>
          %swap3A_209 = vector.shape_cast %get3A_204 : vector<16xf32> to vector<1x16xf32>
          tpu.vector_store %arg6[%swap3A_205, %swap3A_206], %swap3A_209 {add = true, strides = array<i32>} : memref<16x1024xf32, #tpu.memory_space<vmem>>, vector<1x16xf32>,
          %get3A_210 = arith.constant 0 : i32
          %get3A_211 = arith.index_cast %get3A_210 : i32 to index
          %get3A_212 = arith.index_cast %scan3A_139 : i32 to index
          %get3A_213 = arith.constant 80 : index
          %get3A_214 = tpu.vector_load %arg7[%get3A_211, %get3A_212, %get3A_213] {strides = array<i32>} : memref<2x32x1024xf32, #tpu.memory_space<vmem>>, vector<1x1x16xf32>,
          %get3A_215 = vector.shape_cast %get3A_214 : vector<1x1x16xf32> to vector<16xf32>
          %swap3A_216 = arith.index_cast %select_n3A_155 : i32 to index
          %swap3A_217 = arith.constant 80 : index
          %swap3A_218 = tpu.vector_load %arg6[%swap3A_216, %swap3A_217] {strides = array<i32>} : memref<16x1024xf32, #tpu.memory_space<vmem>>, vector<1x16xf32>,
          %swap3A_219 = vector.shape_cast %swap3A_218 : vector<1x16xf32> to vector<16xf32>
          %swap3A_220 = vector.shape_cast %get3A_215 : vector<16xf32> to vector<1x16xf32>
          tpu.vector_store %arg6[%swap3A_216, %swap3A_217], %swap3A_220 {add = true, strides = array<i32>} : memref<16x1024xf32, #tpu.memory_space<vmem>>, vector<1x16xf32>,
          %get3A_221 = arith.constant 0 : i32
          %get3A_222 = arith.index_cast %get3A_221 : i32 to index
          %get3A_223 = arith.index_cast %scan3A_139 : i32 to index
          %get3A_224 = arith.constant 96 : index
          %get3A_225 = tpu.vector_load %arg7[%get3A_222, %get3A_223, %get3A_224] {strides = array<i32>} : memref<2x32x1024xf32, #tpu.memory_space<vmem>>, vector<1x1x16xf32>,
          %get3A_226 = vector.shape_cast %get3A_225 : vector<1x1x16xf32> to vector<16xf32>
          %swap3A_227 = arith.index_cast %select_n3A_155 : i32 to index
          %swap3A_228 = arith.constant 96 : index
          %swap3A_229 = tpu.vector_load %arg6[%swap3A_227, %swap3A_228] {strides = array<i32>} : memref<16x1024xf32, #tpu.memory_space<vmem>>, vector<1x16xf32>,
          %swap3A_230 = vector.shape_cast %swap3A_229 : vector<1x16xf32> to vector<16xf32>
          %swap3A_231 = vector.shape_cast %get3A_226 : vector<16xf32> to vector<1x16xf32>
          tpu.vector_store %arg6[%swap3A_227, %swap3A_228], %swap3A_231 {add = true, strides = array<i32>} : memref<16x1024xf32, #tpu.memory_space<vmem>>, vector<1x16xf32>,
          %get3A_232 = arith.constant 0 : i32
          %get3A_233 = arith.index_cast %get3A_232 : i32 to index
          %get3A_234 = arith.index_cast %scan3A_139 : i32 to index
          %get3A_235 = arith.constant 112 : index
          %get3A_236 = tpu.vector_load %arg7[%get3A_233, %get3A_234, %get3A_235] {strides = array<i32>} : memref<2x32x1024xf32, #tpu.memory_space<vmem>>, vector<1x1x16xf32>,
          %get3A_237 = vector.shape_cast %get3A_236 : vector<1x1x16xf32> to vector<16xf32>
          %swap3A_238 = arith.index_cast %select_n3A_155 : i32 to index
          %swap3A_239 = arith.constant 112 : index
          %swap3A_240 = tpu.vector_load %arg6[%swap3A_238, %swap3A_239] {strides = array<i32>} : memref<16x1024xf32, #tpu.memory_space<vmem>>, vector<1x16xf32>,
          %swap3A_241 = vector.shape_cast %swap3A_240 : vector<1x16xf32> to vector<16xf32>
          %swap3A_242 = vector.shape_cast %get3A_237 : vector<16xf32> to vector<1x16xf32>
          tpu.vector_store %arg6[%swap3A_238, %swap3A_239], %swap3A_242 {add = true, strides = array<i32>} : memref<16x1024xf32, #tpu.memory_space<vmem>>, vector<1x16xf32>,
          %get3A_243 = arith.constant 0 : i32
          %get3A_244 = arith.index_cast %get3A_243 : i32 to index
          %get3A_245 = arith.index_cast %scan3A_139 : i32 to index
          %get3A_246 = arith.constant 128 : index
          %get3A_247 = tpu.vector_load %arg7[%get3A_244, %get3A_245, %get3A_246] {strides = array<i32>} : memref<2x32x1024xf32, #tpu.memory_space<vmem>>, vector<1x1x16xf32>,
          %get3A_248 = vector.shape_cast %get3A_247 : vector<1x1x16xf32> to vector<16xf32>
          %swap3A_249 = arith.index_cast %select_n3A_155 : i32 to index
          %swap3A_250 = arith.constant 128 : index
          %swap3A_251 = tpu.vector_load %arg6[%swap3A_249, %swap3A_250] {strides = array<i32>} : memref<16x1024xf32, #tpu.memory_space<vmem>>, vector<1x16xf32>,
          %swap3A_252 = vector.shape_cast %swap3A_251 : vector<1x16xf32> to vector<16xf32>
          %swap3A_253 = vector.shape_cast %get3A_248 : vector<16xf32> to vector<1x16xf32>
          tpu.vector_store %arg6[%swap3A_249, %swap3A_250], %swap3A_253 {add = true, strides = array<i32>} : memref<16x1024xf32, #tpu.memory_space<vmem>>, vector<1x16xf32>,
          %get3A_254 = arith.constant 0 : i32
          %get3A_255 = arith.index_cast %get3A_254 : i32 to index
          %get3A_256 = arith.index_cast %scan3A_139 : i32 to index
          %get3A_257 = arith.constant 144 : index
          %get3A_258 = tpu.vector_load %arg7[%get3A_255, %get3A_256, %get3A_257] {strides = array<i32>} : memref<2x32x1024xf32, #tpu.memory_space<vmem>>, vector<1x1x16xf32>,
          %get3A_259 = vector.shape_cast %get3A_258 : vector<1x1x16xf32> to vector<16xf32>
          %swap3A_260 = arith.index_cast %select_n3A_155 : i32 to index
          %swap3A_261 = arith.constant 144 : index
          %swap3A_262 = tpu.vector_load %arg6[%swap3A_260, %swap3A_261] {strides = array<i32>} : memref<16x1024xf32, #tpu.memory_space<vmem>>, vector<1x16xf32>,
          %swap3A_263 = vector.shape_cast %swap3A_262 : vector<1x16xf32> to vector<16xf32>
          %swap3A_264 = vector.shape_cast %get3A_259 : vector<16xf32> to vector<1x16xf32>
          tpu.vector_store %arg6[%swap3A_260, %swap3A_261], %swap3A_264 {add = true, strides = array<i32>} : memref<16x1024xf32, #tpu.memory_space<vmem>>, vector<1x16xf32>,
          %get3A_265 = arith.constant 0 : i32
          %get3A_266 = arith.index_cast %get3A_265 : i32 to index
          %get3A_267 = arith.index_cast %scan3A_139 : i32 to index
          %get3A_268 = arith.constant 160 : index
          %get3A_269 = tpu.vector_load %arg7[%get3A_266, %get3A_267, %get3A_268] {strides = array<i32>} : memref<2x32x1024xf32, #tpu.memory_space<vmem>>, vector<1x1x16xf32>,
          %get3A_270 = vector.shape_cast %get3A_269 : vector<1x1x16xf32> to vector<16xf32>
          %swap3A_271 = arith.index_cast %select_n3A_155 : i32 to index
          %swap3A_272 = arith.constant 160 : index
          %swap3A_273 = tpu.vector_load %arg6[%swap3A_271, %swap3A_272] {strides = array<i32>} : memref<16x1024xf32, #tpu.memory_space<vmem>>, vector<1x16xf32>,
          %swap3A_274 = vector.shape_cast %swap3A_273 : vector<1x16xf32> to vector<16xf32>
          %swap3A_275 = vector.shape_cast %get3A_270 : vector<16xf32> to vector<1x16xf32>
          tpu.vector_store %arg6[%swap3A_271, %swap3A_272], %swap3A_275 {add = true, strides = array<i32>} : memref<16x1024xf32, #tpu.memory_space<vmem>>, vector<1x16xf32>,
          %get3A_276 = arith.constant 0 : i32
          %get3A_277 = arith.index_cast %get3A_276 : i32 to index
          %get3A_278 = arith.index_cast %scan3A_139 : i32 to index
          %get3A_279 = arith.constant 176 : index
          %get3A_280 = tpu.vector_load %arg7[%get3A_277, %get3A_278, %get3A_279] {strides = array<i32>} : memref<2x32x1024xf32, #tpu.memory_space<vmem>>, vector<1x1x16xf32>,
          %get3A_281 = vector.shape_cast %get3A_280 : vector<1x1x16xf32> to vector<16xf32>
          %swap3A_282 = arith.index_cast %select_n3A_155 : i32 to index
          %swap3A_283 = arith.constant 176 : index
          %swap3A_284 = tpu.vector_load %arg6[%swap3A_282, %swap3A_283] {strides = array<i32>} : memref<16x1024xf32, #tpu.memory_space<vmem>>, vector<1x16xf32>,
          %swap3A_285 = vector.shape_cast %swap3A_284 : vector<1x16xf32> to vector<16xf32>
          %swap3A_286 = vector.shape_cast %get3A_281 : vector<16xf32> to vector<1x16xf32>
          tpu.vector_store %arg6[%swap3A_282, %swap3A_283], %swap3A_286 {add = true, strides = array<i32>} : memref<16x1024xf32, #tpu.memory_space<vmem>>, vector<1x16xf32>,
          %get3A_287 = arith.constant 0 : i32
          %get3A_288 = arith.index_cast %get3A_287 : i32 to index
          %get3A_289 = arith.index_cast %scan3A_139 : i32 to index
          %get3A_290 = arith.constant 192 : index
          %get3A_291 = tpu.vector_load %arg7[%get3A_288, %get3A_289, %get3A_290] {strides = array<i32>} : memref<2x32x1024xf32, #tpu.memory_space<vmem>>, vector<1x1x16xf32>,
          %get3A_292 = vector.shape_cast %get3A_291 : vector<1x1x16xf32> to vector<16xf32>
          %swap3A_293 = arith.index_cast %select_n3A_155 : i32 to index
          %swap3A_294 = arith.constant 192 : index
          %swap3A_295 = tpu.vector_load %arg6[%swap3A_293, %swap3A_294] {strides = array<i32>} : memref<16x1024xf32, #tpu.memory_space<vmem>>, vector<1x16xf32>,
          %swap3A_296 = vector.shape_cast %swap3A_295 : vector<1x16xf32> to vector<16xf32>
          %swap3A_297 = vector.shape_cast %get3A_292 : vector<16xf32> to vector<1x16xf32>
          tpu.vector_store %arg6[%swap3A_293, %swap3A_294], %swap3A_297 {add = true, strides = array<i32>} : memref<16x1024xf32, #tpu.memory_space<vmem>>, vector<1x16xf32>,
          %get3A_298 = arith.constant 0 : i32
          %get3A_299 = arith.index_cast %get3A_298 : i32 to index
          %get3A_300 = arith.index_cast %scan3A_139 : i32 to index
          %get3A_301 = arith.constant 208 : index
          %get3A_302 = tpu.vector_load %arg7[%get3A_299, %get3A_300, %get3A_301] {strides = array<i32>} : memref<2x32x1024xf32, #tpu.memory_space<vmem>>, vector<1x1x16xf32>,
          %get3A_303 = vector.shape_cast %get3A_302 : vector<1x1x16xf32> to vector<16xf32>
          %swap3A_304 = arith.index_cast %select_n3A_155 : i32 to index
          %swap3A_305 = arith.constant 208 : index
          %swap3A_306 = tpu.vector_load %arg6[%swap3A_304, %swap3A_305] {strides = array<i32>} : memref<16x1024xf32, #tpu.memory_space<vmem>>, vector<1x16xf32>,
          %swap3A_307 = vector.shape_cast %swap3A_306 : vector<1x16xf32> to vector<16xf32>
          %swap3A_308 = vector.shape_cast %get3A_303 : vector<16xf32> to vector<1x16xf32>
          tpu.vector_store %arg6[%swap3A_304, %swap3A_305], %swap3A_308 {add = true, strides = array<i32>} : memref<16x1024xf32, #tpu.memory_space<vmem>>, vector<1x16xf32>,
          %get3A_309 = arith.constant 0 : i32
          %get3A_310 = arith.index_cast %get3A_309 : i32 to index
          %get3A_311 = arith.index_cast %scan3A_139 : i32 to index
          %get3A_312 = arith.constant 224 : index
          %get3A_313 = tpu.vector_load %arg7[%get3A_310, %get3A_311, %get3A_312] {strides = array<i32>} : memref<2x32x1024xf32, #tpu.memory_space<vmem>>, vector<1x1x16xf32>,
          %get3A_314 = vector.shape_cast %get3A_313 : vector<1x1x16xf32> to vector<16xf32>
          %swap3A_315 = arith.index_cast %select_n3A_155 : i32 to index
          %swap3A_316 = arith.constant 224 : index
          %swap3A_317 = tpu.vector_load %arg6[%swap3A_315, %swap3A_316] {strides = array<i32>} : memref<16x1024xf32, #tpu.memory_space<vmem>>, vector<1x16xf32>,
          %swap3A_318 = vector.shape_cast %swap3A_317 : vector<1x16xf32> to vector<16xf32>
          %swap3A_319 = vector.shape_cast %get3A_314 : vector<16xf32> to vector<1x16xf32>
          tpu.vector_store %arg6[%swap3A_315, %swap3A_316], %swap3A_319 {add = true, strides = array<i32>} : memref<16x1024xf32, #tpu.memory_space<vmem>>, vector<1x16xf32>,
          %get3A_320 = arith.constant 0 : i32
          %get3A_321 = arith.index_cast %get3A_320 : i32 to index
          %get3A_322 = arith.index_cast %scan3A_139 : i32 to index
          %get3A_323 = arith.constant 240 : index
          %get3A_324 = tpu.vector_load %arg7[%get3A_321, %get3A_322, %get3A_323] {strides = array<i32>} : memref<2x32x1024xf32, #tpu.memory_space<vmem>>, vector<1x1x16xf32>,
          %get3A_325 = vector.shape_cast %get3A_324 : vector<1x1x16xf32> to vector<16xf32>
          %swap3A_326 = arith.index_cast %select_n3A_155 : i32 to index
          %swap3A_327 = arith.constant 240 : index
          %swap3A_328 = tpu.vector_load %arg6[%swap3A_326, %swap3A_327] {strides = array<i32>} : memref<16x1024xf32, #tpu.memory_space<vmem>>, vector<1x16xf32>,
          %swap3A_329 = vector.shape_cast %swap3A_328 : vector<1x16xf32> to vector<16xf32>
          %swap3A_330 = vector.shape_cast %get3A_325 : vector<16xf32> to vector<1x16xf32>
          tpu.vector_store %arg6[%swap3A_326, %swap3A_327], %swap3A_330 {add = true, strides = array<i32>} : memref<16x1024xf32, #tpu.memory_space<vmem>>, vector<1x16xf32>,
          %get3A_331 = arith.constant 0 : i32
          %get3A_332 = arith.index_cast %get3A_331 : i32 to index
          %get3A_333 = arith.index_cast %scan3A_139 : i32 to index
          %get3A_334 = arith.constant 256 : index
          %get3A_335 = tpu.vector_load %arg7[%get3A_332, %get3A_333, %get3A_334] {strides = array<i32>} : memref<2x32x1024xf32, #tpu.memory_space<vmem>>, vector<1x1x16xf32>,
          %get3A_336 = vector.shape_cast %get3A_335 : vector<1x1x16xf32> to vector<16xf32>
          %swap3A_337 = arith.index_cast %select_n3A_155 : i32 to index
          %swap3A_338 = arith.constant 256 : index
          %swap3A_339 = tpu.vector_load %arg6[%swap3A_337, %swap3A_338] {strides = array<i32>} : memref<16x1024xf32, #tpu.memory_space<vmem>>, vector<1x16xf32>,
          %swap3A_340 = vector.shape_cast %swap3A_339 : vector<1x16xf32> to vector<16xf32>
          %swap3A_341 = vector.shape_cast %get3A_336 : vector<16xf32> to vector<1x16xf32>
          tpu.vector_store %arg6[%swap3A_337, %swap3A_338], %swap3A_341 {add = true, strides = array<i32>} : memref<16x1024xf32, #tpu.memory_space<vmem>>, vector<1x16xf32>,
          %get3A_342 = arith.constant 0 : i32
          %get3A_343 = arith.index_cast %get3A_342 : i32 to index
          %get3A_344 = arith.index_cast %scan3A_139 : i32 to index
          %get3A_345 = arith.constant 272 : index
          %get3A_346 = tpu.vector_load %arg7[%get3A_343, %get3A_344, %get3A_345] {strides = array<i32>} : memref<2x32x1024xf32, #tpu.memory_space<vmem>>, vector<1x1x16xf32>,
          %get3A_347 = vector.shape_cast %get3A_346 : vector<1x1x16xf32> to vector<16xf32>
          %swap3A_348 = arith.index_cast %select_n3A_155 : i32 to index
          %swap3A_349 = arith.constant 272 : index
          %swap3A_350 = tpu.vector_load %arg6[%swap3A_348, %swap3A_349] {strides = array<i32>} : memref<16x1024xf32, #tpu.memory_space<vmem>>, vector<1x16xf32>,
          %swap3A_351 = vector.shape_cast %swap3A_350 : vector<1x16xf32> to vector<16xf32>
          %swap3A_352 = vector.shape_cast %get3A_347 : vector<16xf32> to vector<1x16xf32>
          tpu.vector_store %arg6[%swap3A_348, %swap3A_349], %swap3A_352 {add = true, strides = array<i32>} : memref<16x1024xf32, #tpu.memory_space<vmem>>, vector<1x16xf32>,
          %get3A_353 = arith.constant 0 : i32
          %get3A_354 = arith.index_cast %get3A_353 : i32 to index
          %get3A_355 = arith.index_cast %scan3A_139 : i32 to index
          %get3A_356 = arith.constant 288 : index
          %get3A_357 = tpu.vector_load %arg7[%get3A_354, %get3A_355, %get3A_356] {strides = array<i32>} : memref<2x32x1024xf32, #tpu.memory_space<vmem>>, vector<1x1x16xf32>,
          %get3A_358 = vector.shape_cast %get3A_357 : vector<1x1x16xf32> to vector<16xf32>
          %swap3A_359 = arith.index_cast %select_n3A_155 : i32 to index
          %swap3A_360 = arith.constant 288 : index
          %swap3A_361 = tpu.vector_load %arg6[%swap3A_359, %swap3A_360] {strides = array<i32>} : memref<16x1024xf32, #tpu.memory_space<vmem>>, vector<1x16xf32>,
          %swap3A_362 = vector.shape_cast %swap3A_361 : vector<1x16xf32> to vector<16xf32>
          %swap3A_363 = vector.shape_cast %get3A_358 : vector<16xf32> to vector<1x16xf32>
          tpu.vector_store %arg6[%swap3A_359, %swap3A_360], %swap3A_363 {add = true, strides = array<i32>} : memref<16x1024xf32, #tpu.memory_space<vmem>>, vector<1x16xf32>,
          %get3A_364 = arith.constant 0 : i32
          %get3A_365 = arith.index_cast %get3A_364 : i32 to index
          %get3A_366 = arith.index_cast %scan3A_139 : i32 to index
          %get3A_367 = arith.constant 304 : index
          %get3A_368 = tpu.vector_load %arg7[%get3A_365, %get3A_366, %get3A_367] {strides = array<i32>} : memref<2x32x1024xf32, #tpu.memory_space<vmem>>, vector<1x1x16xf32>,
          %get3A_369 = vector.shape_cast %get3A_368 : vector<1x1x16xf32> to vector<16xf32>
          %swap3A_370 = arith.index_cast %select_n3A_155 : i32 to index
          %swap3A_371 = arith.constant 304 : index
          %swap3A_372 = tpu.vector_load %arg6[%swap3A_370, %swap3A_371] {strides = array<i32>} : memref<16x1024xf32, #tpu.memory_space<vmem>>, vector<1x16xf32>,
          %swap3A_373 = vector.shape_cast %swap3A_372 : vector<1x16xf32> to vector<16xf32>
          %swap3A_374 = vector.shape_cast %get3A_369 : vector<16xf32> to vector<1x16xf32>
          tpu.vector_store %arg6[%swap3A_370, %swap3A_371], %swap3A_374 {add = true, strides = array<i32>} : memref<16x1024xf32, #tpu.memory_space<vmem>>, vector<1x16xf32>,
          %get3A_375 = arith.constant 0 : i32
          %get3A_376 = arith.index_cast %get3A_375 : i32 to index
          %get3A_377 = arith.index_cast %scan3A_139 : i32 to index
          %get3A_378 = arith.constant 320 : index
          %get3A_379 = tpu.vector_load %arg7[%get3A_376, %get3A_377, %get3A_378] {strides = array<i32>} : memref<2x32x1024xf32, #tpu.memory_space<vmem>>, vector<1x1x16xf32>,
          %get3A_380 = vector.shape_cast %get3A_379 : vector<1x1x16xf32> to vector<16xf32>
          %swap3A_381 = arith.index_cast %select_n3A_155 : i32 to index
          %swap3A_382 = arith.constant 320 : index
          %swap3A_383 = tpu.vector_load %arg6[%swap3A_381, %swap3A_382] {strides = array<i32>} : memref<16x1024xf32, #tpu.memory_space<vmem>>, vector<1x16xf32>,
          %swap3A_384 = vector.shape_cast %swap3A_383 : vector<1x16xf32> to vector<16xf32>
          %swap3A_385 = vector.shape_cast %get3A_380 : vector<16xf32> to vector<1x16xf32>
          tpu.vector_store %arg6[%swap3A_381, %swap3A_382], %swap3A_385 {add = true, strides = array<i32>} : memref<16x1024xf32, #tpu.memory_space<vmem>>, vector<1x16xf32>,
          %get3A_386 = arith.constant 0 : i32
          %get3A_387 = arith.index_cast %get3A_386 : i32 to index
          %get3A_388 = arith.index_cast %scan3A_139 : i32 to index
          %get3A_389 = arith.constant 336 : index
          %get3A_390 = tpu.vector_load %arg7[%get3A_387, %get3A_388, %get3A_389] {strides = array<i32>} : memref<2x32x1024xf32, #tpu.memory_space<vmem>>, vector<1x1x16xf32>,
          %get3A_391 = vector.shape_cast %get3A_390 : vector<1x1x16xf32> to vector<16xf32>
          %swap3A_392 = arith.index_cast %select_n3A_155 : i32 to index
          %swap3A_393 = arith.constant 336 : index
          %swap3A_394 = tpu.vector_load %arg6[%swap3A_392, %swap3A_393] {strides = array<i32>} : memref<16x1024xf32, #tpu.memory_space<vmem>>, vector<1x16xf32>,
          %swap3A_395 = vector.shape_cast %swap3A_394 : vector<1x16xf32> to vector<16xf32>
          %swap3A_396 = vector.shape_cast %get3A_391 : vector<16xf32> to vector<1x16xf32>
          tpu.vector_store %arg6[%swap3A_392, %swap3A_393], %swap3A_396 {add = true, strides = array<i32>} : memref<16x1024xf32, #tpu.memory_space<vmem>>, vector<1x16xf32>,
          %get3A_397 = arith.constant 0 : i32
          %get3A_398 = arith.index_cast %get3A_397 : i32 to index
          %get3A_399 = arith.index_cast %scan3A_139 : i32 to index
          %get3A_400 = arith.constant 352 : index
          %get3A_401 = tpu.vector_load %arg7[%get3A_398, %get3A_399, %get3A_400] {strides = array<i32>} : memref<2x32x1024xf32, #tpu.memory_space<vmem>>, vector<1x1x16xf32>,
          %get3A_402 = vector.shape_cast %get3A_401 : vector<1x1x16xf32> to vector<16xf32>
          %swap3A_403 = arith.index_cast %select_n3A_155 : i32 to index
          %swap3A_404 = arith.constant 352 : index
          %swap3A_405 = tpu.vector_load %arg6[%swap3A_403, %swap3A_404] {strides = array<i32>} : memref<16x1024xf32, #tpu.memory_space<vmem>>, vector<1x16xf32>,
          %swap3A_406 = vector.shape_cast %swap3A_405 : vector<1x16xf32> to vector<16xf32>
          %swap3A_407 = vector.shape_cast %get3A_402 : vector<16xf32> to vector<1x16xf32>
          tpu.vector_store %arg6[%swap3A_403, %swap3A_404], %swap3A_407 {add = true, strides = array<i32>} : memref<16x1024xf32, #tpu.memory_space<vmem>>, vector<1x16xf32>,
          %get3A_408 = arith.constant 0 : i32
          %get3A_409 = arith.index_cast %get3A_408 : i32 to index
          %get3A_410 = arith.index_cast %scan3A_139 : i32 to index
          %get3A_411 = arith.constant 368 : index
          %get3A_412 = tpu.vector_load %arg7[%get3A_409, %get3A_410, %get3A_411] {strides = array<i32>} : memref<2x32x1024xf32, #tpu.memory_space<vmem>>, vector<1x1x16xf32>,
          %get3A_413 = vector.shape_cast %get3A_412 : vector<1x1x16xf32> to vector<16xf32>
          %swap3A_414 = arith.index_cast %select_n3A_155 : i32 to index
          %swap3A_415 = arith.constant 368 : index
          %swap3A_416 = tpu.vector_load %arg6[%swap3A_414, %swap3A_415] {strides = array<i32>} : memref<16x1024xf32, #tpu.memory_space<vmem>>, vector<1x16xf32>,
          %swap3A_417 = vector.shape_cast %swap3A_416 : vector<1x16xf32> to vector<16xf32>
          %swap3A_418 = vector.shape_cast %get3A_413 : vector<16xf32> to vector<1x16xf32>
          tpu.vector_store %arg6[%swap3A_414, %swap3A_415], %swap3A_418 {add = true, strides = array<i32>} : memref<16x1024xf32, #tpu.memory_space<vmem>>, vector<1x16xf32>,
          %get3A_419 = arith.constant 0 : i32
          %get3A_420 = arith.index_cast %get3A_419 : i32 to index
          %get3A_421 = arith.index_cast %scan3A_139 : i32 to index
          %get3A_422 = arith.constant 384 : index
          %get3A_423 = tpu.vector_load %arg7[%get3A_420, %get3A_421, %get3A_422] {strides = array<i32>} : memref<2x32x1024xf32, #tpu.memory_space<vmem>>, vector<1x1x16xf32>,
          %get3A_424 = vector.shape_cast %get3A_423 : vector<1x1x16xf32> to vector<16xf32>
          %swap3A_425 = arith.index_cast %select_n3A_155 : i32 to index
          %swap3A_426 = arith.constant 384 : index
          %swap3A_427 = tpu.vector_load %arg6[%swap3A_425, %swap3A_426] {strides = array<i32>} : memref<16x1024xf32, #tpu.memory_space<vmem>>, vector<1x16xf32>,
          %swap3A_428 = vector.shape_cast %swap3A_427 : vector<1x16xf32> to vector<16xf32>
          %swap3A_429 = vector.shape_cast %get3A_424 : vector<16xf32> to vector<1x16xf32>
          tpu.vector_store %arg6[%swap3A_425, %swap3A_426], %swap3A_429 {add = true, strides = array<i32>} : memref<16x1024xf32, #tpu.memory_space<vmem>>, vector<1x16xf32>,
          %get3A_430 = arith.constant 0 : i32
          %get3A_431 = arith.index_cast %get3A_430 : i32 to index
          %get3A_432 = arith.index_cast %scan3A_139 : i32 to index
          %get3A_433 = arith.constant 400 : index
          %get3A_434 = tpu.vector_load %arg7[%get3A_431, %get3A_432, %get3A_433] {strides = array<i32>} : memref<2x32x1024xf32, #tpu.memory_space<vmem>>, vector<1x1x16xf32>,
          %get3A_435 = vector.shape_cast %get3A_434 : vector<1x1x16xf32> to vector<16xf32>
          %swap3A_436 = arith.index_cast %select_n3A_155 : i32 to index
          %swap3A_437 = arith.constant 400 : index
          %swap3A_438 = tpu.vector_load %arg6[%swap3A_436, %swap3A_437] {strides = array<i32>} : memref<16x1024xf32, #tpu.memory_space<vmem>>, vector<1x16xf32>,
          %swap3A_439 = vector.shape_cast %swap3A_438 : vector<1x16xf32> to vector<16xf32>
          %swap3A_440 = vector.shape_cast %get3A_435 : vector<16xf32> to vector<1x16xf32>
          tpu.vector_store %arg6[%swap3A_436, %swap3A_437], %swap3A_440 {add = true, strides = array<i32>} : memref<16x1024xf32, #tpu.memory_space<vmem>>, vector<1x16xf32>,
          %get3A_441 = arith.constant 0 : i32
          %get3A_442 = arith.index_cast %get3A_441 : i32 to index
          %get3A_443 = arith.index_cast %scan3A_139 : i32 to index
          %get3A_444 = arith.constant 416 : index
          %get3A_445 = tpu.vector_load %arg7[%get3A_442, %get3A_443, %get3A_444] {strides = array<i32>} : memref<2x32x1024xf32, #tpu.memory_space<vmem>>, vector<1x1x16xf32>,
          %get3A_446 = vector.shape_cast %get3A_445 : vector<1x1x16xf32> to vector<16xf32>
          %swap3A_447 = arith.index_cast %select_n3A_155 : i32 to index
          %swap3A_448 = arith.constant 416 : index
          %swap3A_449 = tpu.vector_load %arg6[%swap3A_447, %swap3A_448] {strides = array<i32>} : memref<16x1024xf32, #tpu.memory_space<vmem>>, vector<1x16xf32>,
          %swap3A_450 = vector.shape_cast %swap3A_449 : vector<1x16xf32> to vector<16xf32>
          %swap3A_451 = vector.shape_cast %get3A_446 : vector<16xf32> to vector<1x16xf32>
          tpu.vector_store %arg6[%swap3A_447, %swap3A_448], %swap3A_451 {add = true, strides = array<i32>} : memref<16x1024xf32, #tpu.memory_space<vmem>>, vector<1x16xf32>,
          %get3A_452 = arith.constant 0 : i32
          %get3A_453 = arith.index_cast %get3A_452 : i32 to index
          %get3A_454 = arith.index_cast %scan3A_139 : i32 to index
          %get3A_455 = arith.constant 432 : index
          %get3A_456 = tpu.vector_load %arg7[%get3A_453, %get3A_454, %get3A_455] {strides = array<i32>} : memref<2x32x1024xf32, #tpu.memory_space<vmem>>, vector<1x1x16xf32>,
          %get3A_457 = vector.shape_cast %get3A_456 : vector<1x1x16xf32> to vector<16xf32>
          %swap3A_458 = arith.index_cast %select_n3A_155 : i32 to index
          %swap3A_459 = arith.constant 432 : index
          %swap3A_460 = tpu.vector_load %arg6[%swap3A_458, %swap3A_459] {strides = array<i32>} : memref<16x1024xf32, #tpu.memory_space<vmem>>, vector<1x16xf32>,
          %swap3A_461 = vector.shape_cast %swap3A_460 : vector<1x16xf32> to vector<16xf32>
          %swap3A_462 = vector.shape_cast %get3A_457 : vector<16xf32> to vector<1x16xf32>
          tpu.vector_store %arg6[%swap3A_458, %swap3A_459], %swap3A_462 {add = true, strides = array<i32>} : memref<16x1024xf32, #tpu.memory_space<vmem>>, vector<1x16xf32>,
          %get3A_463 = arith.constant 0 : i32
          %get3A_464 = arith.index_cast %get3A_463 : i32 to index
          %get3A_465 = arith.index_cast %scan3A_139 : i32 to index
          %get3A_466 = arith.constant 448 : index
          %get3A_467 = tpu.vector_load %arg7[%get3A_464, %get3A_465, %get3A_466] {strides = array<i32>} : memref<2x32x1024xf32, #tpu.memory_space<vmem>>, vector<1x1x16xf32>,
          %get3A_468 = vector.shape_cast %get3A_467 : vector<1x1x16xf32> to vector<16xf32>
          %swap3A_469 = arith.index_cast %select_n3A_155 : i32 to index
          %swap3A_470 = arith.constant 448 : index
          %swap3A_471 = tpu.vector_load %arg6[%swap3A_469, %swap3A_470] {strides = array<i32>} : memref<16x1024xf32, #tpu.memory_space<vmem>>, vector<1x16xf32>,
          %swap3A_472 = vector.shape_cast %swap3A_471 : vector<1x16xf32> to vector<16xf32>
          %swap3A_473 = vector.shape_cast %get3A_468 : vector<16xf32> to vector<1x16xf32>
          tpu.vector_store %arg6[%swap3A_469, %swap3A_470], %swap3A_473 {add = true, strides = array<i32>} : memref<16x1024xf32, #tpu.memory_space<vmem>>, vector<1x16xf32>,
          %get3A_474 = arith.constant 0 : i32
          %get3A_475 = arith.index_cast %get3A_474 : i32 to index
          %get3A_476 = arith.index_cast %scan3A_139 : i32 to index
          %get3A_477 = arith.constant 464 : index
          %get3A_478 = tpu.vector_load %arg7[%get3A_475, %get3A_476, %get3A_477] {strides = array<i32>} : memref<2x32x1024xf32, #tpu.memory_space<vmem>>, vector<1x1x16xf32>,
          %get3A_479 = vector.shape_cast %get3A_478 : vector<1x1x16xf32> to vector<16xf32>
          %swap3A_480 = arith.index_cast %select_n3A_155 : i32 to index
          %swap3A_481 = arith.constant 464 : index
          %swap3A_482 = tpu.vector_load %arg6[%swap3A_480, %swap3A_481] {strides = array<i32>} : memref<16x1024xf32, #tpu.memory_space<vmem>>, vector<1x16xf32>,
          %swap3A_483 = vector.shape_cast %swap3A_482 : vector<1x16xf32> to vector<16xf32>
          %swap3A_484 = vector.shape_cast %get3A_479 : vector<16xf32> to vector<1x16xf32>
          tpu.vector_store %arg6[%swap3A_480, %swap3A_481], %swap3A_484 {add = true, strides = array<i32>} : memref<16x1024xf32, #tpu.memory_space<vmem>>, vector<1x16xf32>,
          %get3A_485 = arith.constant 0 : i32
          %get3A_486 = arith.index_cast %get3A_485 : i32 to index
          %get3A_487 = arith.index_cast %scan3A_139 : i32 to index
          %get3A_488 = arith.constant 480 : index
          %get3A_489 = tpu.vector_load %arg7[%get3A_486, %get3A_487, %get3A_488] {strides = array<i32>} : memref<2x32x1024xf32, #tpu.memory_space<vmem>>, vector<1x1x16xf32>,
          %get3A_490 = vector.shape_cast %get3A_489 : vector<1x1x16xf32> to vector<16xf32>
          %swap3A_491 = arith.index_cast %select_n3A_155 : i32 to index
          %swap3A_492 = arith.constant 480 : index
          %swap3A_493 = tpu.vector_load %arg6[%swap3A_491, %swap3A_492] {strides = array<i32>} : memref<16x1024xf32, #tpu.memory_space<vmem>>, vector<1x16xf32>,
          %swap3A_494 = vector.shape_cast %swap3A_493 : vector<1x16xf32> to vector<16xf32>
          %swap3A_495 = vector.shape_cast %get3A_490 : vector<16xf32> to vector<1x16xf32>
          tpu.vector_store %arg6[%swap3A_491, %swap3A_492], %swap3A_495 {add = true, strides = array<i32>} : memref<16x1024xf32, #tpu.memory_space<vmem>>, vector<1x16xf32>,
          %get3A_496 = arith.constant 0 : i32
          %get3A_497 = arith.index_cast %get3A_496 : i32 to index
          %get3A_498 = arith.index_cast %scan3A_139 : i32 to index
          %get3A_499 = arith.constant 496 : index
          %get3A_500 = tpu.vector_load %arg7[%get3A_497, %get3A_498, %get3A_499] {strides = array<i32>} : memref<2x32x1024xf32, #tpu.memory_space<vmem>>, vector<1x1x16xf32>,
          %get3A_501 = vector.shape_cast %get3A_500 : vector<1x1x16xf32> to vector<16xf32>
          %swap3A_502 = arith.index_cast %select_n3A_155 : i32 to index
          %swap3A_503 = arith.constant 496 : index
          %swap3A_504 = tpu.vector_load %arg6[%swap3A_502, %swap3A_503] {strides = array<i32>} : memref<16x1024xf32, #tpu.memory_space<vmem>>, vector<1x16xf32>,
          %swap3A_505 = vector.shape_cast %swap3A_504 : vector<1x16xf32> to vector<16xf32>
          %swap3A_506 = vector.shape_cast %get3A_501 : vector<16xf32> to vector<1x16xf32>
          tpu.vector_store %arg6[%swap3A_502, %swap3A_503], %swap3A_506 {add = true, strides = array<i32>} : memref<16x1024xf32, #tpu.memory_space<vmem>>, vector<1x16xf32>,
          %get3A_507 = arith.constant 0 : i32
          %get3A_508 = arith.index_cast %get3A_507 : i32 to index
          %get3A_509 = arith.index_cast %scan3A_139 : i32 to index
          %get3A_510 = arith.constant 512 : index
          %get3A_511 = tpu.vector_load %arg7[%get3A_508, %get3A_509, %get3A_510] {strides = array<i32>} : memref<2x32x1024xf32, #tpu.memory_space<vmem>>, vector<1x1x16xf32>,
          %get3A_512 = vector.shape_cast %get3A_511 : vector<1x1x16xf32> to vector<16xf32>
          %swap3A_513 = arith.index_cast %select_n3A_155 : i32 to index
          %swap3A_514 = arith.constant 512 : index
          %swap3A_515 = tpu.vector_load %arg6[%swap3A_513, %swap3A_514] {strides = array<i32>} : memref<16x1024xf32, #tpu.memory_space<vmem>>, vector<1x16xf32>,
          %swap3A_516 = vector.shape_cast %swap3A_515 : vector<1x16xf32> to vector<16xf32>
          %swap3A_517 = vector.shape_cast %get3A_512 : vector<16xf32> to vector<1x16xf32>
          tpu.vector_store %arg6[%swap3A_513, %swap3A_514], %swap3A_517 {add = true, strides = array<i32>} : memref<16x1024xf32, #tpu.memory_space<vmem>>, vector<1x16xf32>,
          %get3A_518 = arith.constant 0 : i32
          %get3A_519 = arith.index_cast %get3A_518 : i32 to index
          %get3A_520 = arith.index_cast %scan3A_139 : i32 to index
          %get3A_521 = arith.constant 528 : index
          %get3A_522 = tpu.vector_load %arg7[%get3A_519, %get3A_520, %get3A_521] {strides = array<i32>} : memref<2x32x1024xf32, #tpu.memory_space<vmem>>, vector<1x1x16xf32>,
          %get3A_523 = vector.shape_cast %get3A_522 : vector<1x1x16xf32> to vector<16xf32>
          %swap3A_524 = arith.index_cast %select_n3A_155 : i32 to index
          %swap3A_525 = arith.constant 528 : index
          %swap3A_526 = tpu.vector_load %arg6[%swap3A_524, %swap3A_525] {strides = array<i32>} : memref<16x1024xf32, #tpu.memory_space<vmem>>, vector<1x16xf32>,
          %swap3A_527 = vector.shape_cast %swap3A_526 : vector<1x16xf32> to vector<16xf32>
          %swap3A_528 = vector.shape_cast %get3A_523 : vector<16xf32> to vector<1x16xf32>
          tpu.vector_store %arg6[%swap3A_524, %swap3A_525], %swap3A_528 {add = true, strides = array<i32>} : memref<16x1024xf32, #tpu.memory_space<vmem>>, vector<1x16xf32>,
          %get3A_529 = arith.constant 0 : i32
          %get3A_530 = arith.index_cast %get3A_529 : i32 to index
          %get3A_531 = arith.index_cast %scan3A_139 : i32 to index
          %get3A_532 = arith.constant 544 : index
          %get3A_533 = tpu.vector_load %arg7[%get3A_530, %get3A_531, %get3A_532] {strides = array<i32>} : memref<2x32x1024xf32, #tpu.memory_space<vmem>>, vector<1x1x16xf32>,
          %get3A_534 = vector.shape_cast %get3A_533 : vector<1x1x16xf32> to vector<16xf32>
          %swap3A_535 = arith.index_cast %select_n3A_155 : i32 to index
          %swap3A_536 = arith.constant 544 : index
          %swap3A_537 = tpu.vector_load %arg6[%swap3A_535, %swap3A_536] {strides = array<i32>} : memref<16x1024xf32, #tpu.memory_space<vmem>>, vector<1x16xf32>,
          %swap3A_538 = vector.shape_cast %swap3A_537 : vector<1x16xf32> to vector<16xf32>
          %swap3A_539 = vector.shape_cast %get3A_534 : vector<16xf32> to vector<1x16xf32>
          tpu.vector_store %arg6[%swap3A_535, %swap3A_536], %swap3A_539 {add = true, strides = array<i32>} : memref<16x1024xf32, #tpu.memory_space<vmem>>, vector<1x16xf32>,
          %get3A_540 = arith.constant 0 : i32
          %get3A_541 = arith.index_cast %get3A_540 : i32 to index
          %get3A_542 = arith.index_cast %scan3A_139 : i32 to index
          %get3A_543 = arith.constant 560 : index
          %get3A_544 = tpu.vector_load %arg7[%get3A_541, %get3A_542, %get3A_543] {strides = array<i32>} : memref<2x32x1024xf32, #tpu.memory_space<vmem>>, vector<1x1x16xf32>,
          %get3A_545 = vector.shape_cast %get3A_544 : vector<1x1x16xf32> to vector<16xf32>
          %swap3A_546 = arith.index_cast %select_n3A_155 : i32 to index
          %swap3A_547 = arith.constant 560 : index
          %swap3A_548 = tpu.vector_load %arg6[%swap3A_546, %swap3A_547] {strides = array<i32>} : memref<16x1024xf32, #tpu.memory_space<vmem>>, vector<1x16xf32>,
          %swap3A_549 = vector.shape_cast %swap3A_548 : vector<1x16xf32> to vector<16xf32>
          %swap3A_550 = vector.shape_cast %get3A_545 : vector<16xf32> to vector<1x16xf32>
          tpu.vector_store %arg6[%swap3A_546, %swap3A_547], %swap3A_550 {add = true, strides = array<i32>} : memref<16x1024xf32, #tpu.memory_space<vmem>>, vector<1x16xf32>,
          %get3A_551 = arith.constant 0 : i32
          %get3A_552 = arith.index_cast %get3A_551 : i32 to index
          %get3A_553 = arith.index_cast %scan3A_139 : i32 to index
          %get3A_554 = arith.constant 576 : index
          %get3A_555 = tpu.vector_load %arg7[%get3A_552, %get3A_553, %get3A_554] {strides = array<i32>} : memref<2x32x1024xf32, #tpu.memory_space<vmem>>, vector<1x1x16xf32>,
          %get3A_556 = vector.shape_cast %get3A_555 : vector<1x1x16xf32> to vector<16xf32>
          %swap3A_557 = arith.index_cast %select_n3A_155 : i32 to index
          %swap3A_558 = arith.constant 576 : index
          %swap3A_559 = tpu.vector_load %arg6[%swap3A_557, %swap3A_558] {strides = array<i32>} : memref<16x1024xf32, #tpu.memory_space<vmem>>, vector<1x16xf32>,
          %swap3A_560 = vector.shape_cast %swap3A_559 : vector<1x16xf32> to vector<16xf32>
          %swap3A_561 = vector.shape_cast %get3A_556 : vector<16xf32> to vector<1x16xf32>
          tpu.vector_store %arg6[%swap3A_557, %swap3A_558], %swap3A_561 {add = true, strides = array<i32>} : memref<16x1024xf32, #tpu.memory_space<vmem>>, vector<1x16xf32>,
          %get3A_562 = arith.constant 0 : i32
          %get3A_563 = arith.index_cast %get3A_562 : i32 to index
          %get3A_564 = arith.index_cast %scan3A_139 : i32 to index
          %get3A_565 = arith.constant 592 : index
          %get3A_566 = tpu.vector_load %arg7[%get3A_563, %get3A_564, %get3A_565] {strides = array<i32>} : memref<2x32x1024xf32, #tpu.memory_space<vmem>>, vector<1x1x16xf32>,
          %get3A_567 = vector.shape_cast %get3A_566 : vector<1x1x16xf32> to vector<16xf32>
          %swap3A_568 = arith.index_cast %select_n3A_155 : i32 to index
          %swap3A_569 = arith.constant 592 : index
          %swap3A_570 = tpu.vector_load %arg6[%swap3A_568, %swap3A_569] {strides = array<i32>} : memref<16x1024xf32, #tpu.memory_space<vmem>>, vector<1x16xf32>,
          %swap3A_571 = vector.shape_cast %swap3A_570 : vector<1x16xf32> to vector<16xf32>
          %swap3A_572 = vector.shape_cast %get3A_567 : vector<16xf32> to vector<1x16xf32>
          tpu.vector_store %arg6[%swap3A_568, %swap3A_569], %swap3A_572 {add = true, strides = array<i32>} : memref<16x1024xf32, #tpu.memory_space<vmem>>, vector<1x16xf32>,
          %get3A_573 = arith.constant 0 : i32
          %get3A_574 = arith.index_cast %get3A_573 : i32 to index
          %get3A_575 = arith.index_cast %scan3A_139 : i32 to index
          %get3A_576 = arith.constant 608 : index
          %get3A_577 = tpu.vector_load %arg7[%get3A_574, %get3A_575, %get3A_576] {strides = array<i32>} : memref<2x32x1024xf32, #tpu.memory_space<vmem>>, vector<1x1x16xf32>,
          %get3A_578 = vector.shape_cast %get3A_577 : vector<1x1x16xf32> to vector<16xf32>
          %swap3A_579 = arith.index_cast %select_n3A_155 : i32 to index
          %swap3A_580 = arith.constant 608 : index
          %swap3A_581 = tpu.vector_load %arg6[%swap3A_579, %swap3A_580] {strides = array<i32>} : memref<16x1024xf32, #tpu.memory_space<vmem>>, vector<1x16xf32>,
          %swap3A_582 = vector.shape_cast %swap3A_581 : vector<1x16xf32> to vector<16xf32>
          %swap3A_583 = vector.shape_cast %get3A_578 : vector<16xf32> to vector<1x16xf32>
          tpu.vector_store %arg6[%swap3A_579, %swap3A_580], %swap3A_583 {add = true, strides = array<i32>} : memref<16x1024xf32, #tpu.memory_space<vmem>>, vector<1x16xf32>,
          %get3A_584 = arith.constant 0 : i32
          %get3A_585 = arith.index_cast %get3A_584 : i32 to index
          %get3A_586 = arith.index_cast %scan3A_139 : i32 to index
          %get3A_587 = arith.constant 624 : index
          %get3A_588 = tpu.vector_load %arg7[%get3A_585, %get3A_586, %get3A_587] {strides = array<i32>} : memref<2x32x1024xf32, #tpu.memory_space<vmem>>, vector<1x1x16xf32>,
          %get3A_589 = vector.shape_cast %get3A_588 : vector<1x1x16xf32> to vector<16xf32>
          %swap3A_590 = arith.index_cast %select_n3A_155 : i32 to index
          %swap3A_591 = arith.constant 624 : index
          %swap3A_592 = tpu.vector_load %arg6[%swap3A_590, %swap3A_591] {strides = array<i32>} : memref<16x1024xf32, #tpu.memory_space<vmem>>, vector<1x16xf32>,
          %swap3A_593 = vector.shape_cast %swap3A_592 : vector<1x16xf32> to vector<16xf32>
          %swap3A_594 = vector.shape_cast %get3A_589 : vector<16xf32> to vector<1x16xf32>
          tpu.vector_store %arg6[%swap3A_590, %swap3A_591], %swap3A_594 {add = true, strides = array<i32>} : memref<16x1024xf32, #tpu.memory_space<vmem>>, vector<1x16xf32>,
          %get3A_595 = arith.constant 0 : i32
          %get3A_596 = arith.index_cast %get3A_595 : i32 to index
          %get3A_597 = arith.index_cast %scan3A_139 : i32 to index
          %get3A_598 = arith.constant 640 : index
          %get3A_599 = tpu.vector_load %arg7[%get3A_596, %get3A_597, %get3A_598] {strides = array<i32>} : memref<2x32x1024xf32, #tpu.memory_space<vmem>>, vector<1x1x16xf32>,
          %get3A_600 = vector.shape_cast %get3A_599 : vector<1x1x16xf32> to vector<16xf32>
          %swap3A_601 = arith.index_cast %select_n3A_155 : i32 to index
          %swap3A_602 = arith.constant 640 : index
          %swap3A_603 = tpu.vector_load %arg6[%swap3A_601, %swap3A_602] {strides = array<i32>} : memref<16x1024xf32, #tpu.memory_space<vmem>>, vector<1x16xf32>,
          %swap3A_604 = vector.shape_cast %swap3A_603 : vector<1x16xf32> to vector<16xf32>
          %swap3A_605 = vector.shape_cast %get3A_600 : vector<16xf32> to vector<1x16xf32>
          tpu.vector_store %arg6[%swap3A_601, %swap3A_602], %swap3A_605 {add = true, strides = array<i32>} : memref<16x1024xf32, #tpu.memory_space<vmem>>, vector<1x16xf32>,
          %get3A_606 = arith.constant 0 : i32
          %get3A_607 = arith.index_cast %get3A_606 : i32 to index
          %get3A_608 = arith.index_cast %scan3A_139 : i32 to index
          %get3A_609 = arith.constant 656 : index
          %get3A_610 = tpu.vector_load %arg7[%get3A_607, %get3A_608, %get3A_609] {strides = array<i32>} : memref<2x32x1024xf32, #tpu.memory_space<vmem>>, vector<1x1x16xf32>,
          %get3A_611 = vector.shape_cast %get3A_610 : vector<1x1x16xf32> to vector<16xf32>
          %swap3A_612 = arith.index_cast %select_n3A_155 : i32 to index
          %swap3A_613 = arith.constant 656 : index
          %swap3A_614 = tpu.vector_load %arg6[%swap3A_612, %swap3A_613] {strides = array<i32>} : memref<16x1024xf32, #tpu.memory_space<vmem>>, vector<1x16xf32>,
          %swap3A_615 = vector.shape_cast %swap3A_614 : vector<1x16xf32> to vector<16xf32>
          %swap3A_616 = vector.shape_cast %get3A_611 : vector<16xf32> to vector<1x16xf32>
          tpu.vector_store %arg6[%swap3A_612, %swap3A_613], %swap3A_616 {add = true, strides = array<i32>} : memref<16x1024xf32, #tpu.memory_space<vmem>>, vector<1x16xf32>,
          %get3A_617 = arith.constant 0 : i32
          %get3A_618 = arith.index_cast %get3A_617 : i32 to index
          %get3A_619 = arith.index_cast %scan3A_139 : i32 to index
          %get3A_620 = arith.constant 672 : index
          %get3A_621 = tpu.vector_load %arg7[%get3A_618, %get3A_619, %get3A_620] {strides = array<i32>} : memref<2x32x1024xf32, #tpu.memory_space<vmem>>, vector<1x1x16xf32>,
          %get3A_622 = vector.shape_cast %get3A_621 : vector<1x1x16xf32> to vector<16xf32>
          %swap3A_623 = arith.index_cast %select_n3A_155 : i32 to index
          %swap3A_624 = arith.constant 672 : index
          %swap3A_625 = tpu.vector_load %arg6[%swap3A_623, %swap3A_624] {strides = array<i32>} : memref<16x1024xf32, #tpu.memory_space<vmem>>, vector<1x16xf32>,
          %swap3A_626 = vector.shape_cast %swap3A_625 : vector<1x16xf32> to vector<16xf32>
          %swap3A_627 = vector.shape_cast %get3A_622 : vector<16xf32> to vector<1x16xf32>
          tpu.vector_store %arg6[%swap3A_623, %swap3A_624], %swap3A_627 {add = true, strides = array<i32>} : memref<16x1024xf32, #tpu.memory_space<vmem>>, vector<1x16xf32>,
          %get3A_628 = arith.constant 0 : i32
          %get3A_629 = arith.index_cast %get3A_628 : i32 to index
          %get3A_630 = arith.index_cast %scan3A_139 : i32 to index
          %get3A_631 = arith.constant 688 : index
          %get3A_632 = tpu.vector_load %arg7[%get3A_629, %get3A_630, %get3A_631] {strides = array<i32>} : memref<2x32x1024xf32, #tpu.memory_space<vmem>>, vector<1x1x16xf32>,
          %get3A_633 = vector.shape_cast %get3A_632 : vector<1x1x16xf32> to vector<16xf32>
          %swap3A_634 = arith.index_cast %select_n3A_155 : i32 to index
          %swap3A_635 = arith.constant 688 : index
          %swap3A_636 = tpu.vector_load %arg6[%swap3A_634, %swap3A_635] {strides = array<i32>} : memref<16x1024xf32, #tpu.memory_space<vmem>>, vector<1x16xf32>,
          %swap3A_637 = vector.shape_cast %swap3A_636 : vector<1x16xf32> to vector<16xf32>
          %swap3A_638 = vector.shape_cast %get3A_633 : vector<16xf32> to vector<1x16xf32>
          tpu.vector_store %arg6[%swap3A_634, %swap3A_635], %swap3A_638 {add = true, strides = array<i32>} : memref<16x1024xf32, #tpu.memory_space<vmem>>, vector<1x16xf32>,
          %get3A_639 = arith.constant 0 : i32
          %get3A_640 = arith.index_cast %get3A_639 : i32 to index
          %get3A_641 = arith.index_cast %scan3A_139 : i32 to index
          %get3A_642 = arith.constant 704 : index
          %get3A_643 = tpu.vector_load %arg7[%get3A_640, %get3A_641, %get3A_642] {strides = array<i32>} : memref<2x32x1024xf32, #tpu.memory_space<vmem>>, vector<1x1x16xf32>,
          %get3A_644 = vector.shape_cast %get3A_643 : vector<1x1x16xf32> to vector<16xf32>
          %swap3A_645 = arith.index_cast %select_n3A_155 : i32 to index
          %swap3A_646 = arith.constant 704 : index
          %swap3A_647 = tpu.vector_load %arg6[%swap3A_645, %swap3A_646] {strides = array<i32>} : memref<16x1024xf32, #tpu.memory_space<vmem>>, vector<1x16xf32>,
          %swap3A_648 = vector.shape_cast %swap3A_647 : vector<1x16xf32> to vector<16xf32>
          %swap3A_649 = vector.shape_cast %get3A_644 : vector<16xf32> to vector<1x16xf32>
          tpu.vector_store %arg6[%swap3A_645, %swap3A_646], %swap3A_649 {add = true, strides = array<i32>} : memref<16x1024xf32, #tpu.memory_space<vmem>>, vector<1x16xf32>,
          %get3A_650 = arith.constant 0 : i32
          %get3A_651 = arith.index_cast %get3A_650 : i32 to index
          %get3A_652 = arith.index_cast %scan3A_139 : i32 to index
          %get3A_653 = arith.constant 720 : index
          %get3A_654 = tpu.vector_load %arg7[%get3A_651, %get3A_652, %get3A_653] {strides = array<i32>} : memref<2x32x1024xf32, #tpu.memory_space<vmem>>, vector<1x1x16xf32>,
          %get3A_655 = vector.shape_cast %get3A_654 : vector<1x1x16xf32> to vector<16xf32>
          %swap3A_656 = arith.index_cast %select_n3A_155 : i32 to index
          %swap3A_657 = arith.constant 720 : index
          %swap3A_658 = tpu.vector_load %arg6[%swap3A_656, %swap3A_657] {strides = array<i32>} : memref<16x1024xf32, #tpu.memory_space<vmem>>, vector<1x16xf32>,
          %swap3A_659 = vector.shape_cast %swap3A_658 : vector<1x16xf32> to vector<16xf32>
          %swap3A_660 = vector.shape_cast %get3A_655 : vector<16xf32> to vector<1x16xf32>
          tpu.vector_store %arg6[%swap3A_656, %swap3A_657], %swap3A_660 {add = true, strides = array<i32>} : memref<16x1024xf32, #tpu.memory_space<vmem>>, vector<1x16xf32>,
          %get3A_661 = arith.constant 0 : i32
          %get3A_662 = arith.index_cast %get3A_661 : i32 to index
          %get3A_663 = arith.index_cast %scan3A_139 : i32 to index
          %get3A_664 = arith.constant 736 : index
          %get3A_665 = tpu.vector_load %arg7[%get3A_662, %get3A_663, %get3A_664] {strides = array<i32>} : memref<2x32x1024xf32, #tpu.memory_space<vmem>>, vector<1x1x16xf32>,
          %get3A_666 = vector.shape_cast %get3A_665 : vector<1x1x16xf32> to vector<16xf32>
          %swap3A_667 = arith.index_cast %select_n3A_155 : i32 to index
          %swap3A_668 = arith.constant 736 : index
          %swap3A_669 = tpu.vector_load %arg6[%swap3A_667, %swap3A_668] {strides = array<i32>} : memref<16x1024xf32, #tpu.memory_space<vmem>>, vector<1x16xf32>,
          %swap3A_670 = vector.shape_cast %swap3A_669 : vector<1x16xf32> to vector<16xf32>
          %swap3A_671 = vector.shape_cast %get3A_666 : vector<16xf32> to vector<1x16xf32>
          tpu.vector_store %arg6[%swap3A_667, %swap3A_668], %swap3A_671 {add = true, strides = array<i32>} : memref<16x1024xf32, #tpu.memory_space<vmem>>, vector<1x16xf32>,
          %get3A_672 = arith.constant 0 : i32
          %get3A_673 = arith.index_cast %get3A_672 : i32 to index
          %get3A_674 = arith.index_cast %scan3A_139 : i32 to index
          %get3A_675 = arith.constant 752 : index
          %get3A_676 = tpu.vector_load %arg7[%get3A_673, %get3A_674, %get3A_675] {strides = array<i32>} : memref<2x32x1024xf32, #tpu.memory_space<vmem>>, vector<1x1x16xf32>,
          %get3A_677 = vector.shape_cast %get3A_676 : vector<1x1x16xf32> to vector<16xf32>
          %swap3A_678 = arith.index_cast %select_n3A_155 : i32 to index
          %swap3A_679 = arith.constant 752 : index
          %swap3A_680 = tpu.vector_load %arg6[%swap3A_678, %swap3A_679] {strides = array<i32>} : memref<16x1024xf32, #tpu.memory_space<vmem>>, vector<1x16xf32>,
          %swap3A_681 = vector.shape_cast %swap3A_680 : vector<1x16xf32> to vector<16xf32>
          %swap3A_682 = vector.shape_cast %get3A_677 : vector<16xf32> to vector<1x16xf32>
          tpu.vector_store %arg6[%swap3A_678, %swap3A_679], %swap3A_682 {add = true, strides = array<i32>} : memref<16x1024xf32, #tpu.memory_space<vmem>>, vector<1x16xf32>,
          %get3A_683 = arith.constant 0 : i32
          %get3A_684 = arith.index_cast %get3A_683 : i32 to index
          %get3A_685 = arith.index_cast %scan3A_139 : i32 to index
          %get3A_686 = arith.constant 768 : index
          %get3A_687 = tpu.vector_load %arg7[%get3A_684, %get3A_685, %get3A_686] {strides = array<i32>} : memref<2x32x1024xf32, #tpu.memory_space<vmem>>, vector<1x1x16xf32>,
          %get3A_688 = vector.shape_cast %get3A_687 : vector<1x1x16xf32> to vector<16xf32>
          %swap3A_689 = arith.index_cast %select_n3A_155 : i32 to index
          %swap3A_690 = arith.constant 768 : index
          %swap3A_691 = tpu.vector_load %arg6[%swap3A_689, %swap3A_690] {strides = array<i32>} : memref<16x1024xf32, #tpu.memory_space<vmem>>, vector<1x16xf32>,
          %swap3A_692 = vector.shape_cast %swap3A_691 : vector<1x16xf32> to vector<16xf32>
          %swap3A_693 = vector.shape_cast %get3A_688 : vector<16xf32> to vector<1x16xf32>
          tpu.vector_store %arg6[%swap3A_689, %swap3A_690], %swap3A_693 {add = true, strides = array<i32>} : memref<16x1024xf32, #tpu.memory_space<vmem>>, vector<1x16xf32>,
          %get3A_694 = arith.constant 0 : i32
          %get3A_695 = arith.index_cast %get3A_694 : i32 to index
          %get3A_696 = arith.index_cast %scan3A_139 : i32 to index
          %get3A_697 = arith.constant 784 : index
          %get3A_698 = tpu.vector_load %arg7[%get3A_695, %get3A_696, %get3A_697] {strides = array<i32>} : memref<2x32x1024xf32, #tpu.memory_space<vmem>>, vector<1x1x16xf32>,
          %get3A_699 = vector.shape_cast %get3A_698 : vector<1x1x16xf32> to vector<16xf32>
          %swap3A_700 = arith.index_cast %select_n3A_155 : i32 to index
          %swap3A_701 = arith.constant 784 : index
          %swap3A_702 = tpu.vector_load %arg6[%swap3A_700, %swap3A_701] {strides = array<i32>} : memref<16x1024xf32, #tpu.memory_space<vmem>>, vector<1x16xf32>,
          %swap3A_703 = vector.shape_cast %swap3A_702 : vector<1x16xf32> to vector<16xf32>
          %swap3A_704 = vector.shape_cast %get3A_699 : vector<16xf32> to vector<1x16xf32>
          tpu.vector_store %arg6[%swap3A_700, %swap3A_701], %swap3A_704 {add = true, strides = array<i32>} : memref<16x1024xf32, #tpu.memory_space<vmem>>, vector<1x16xf32>,
          %get3A_705 = arith.constant 0 : i32
          %get3A_706 = arith.index_cast %get3A_705 : i32 to index
          %get3A_707 = arith.index_cast %scan3A_139 : i32 to index
          %get3A_708 = arith.constant 800 : index
          %get3A_709 = tpu.vector_load %arg7[%get3A_706, %get3A_707, %get3A_708] {strides = array<i32>} : memref<2x32x1024xf32, #tpu.memory_space<vmem>>, vector<1x1x16xf32>,
          %get3A_710 = vector.shape_cast %get3A_709 : vector<1x1x16xf32> to vector<16xf32>
          %swap3A_711 = arith.index_cast %select_n3A_155 : i32 to index
          %swap3A_712 = arith.constant 800 : index
          %swap3A_713 = tpu.vector_load %arg6[%swap3A_711, %swap3A_712] {strides = array<i32>} : memref<16x1024xf32, #tpu.memory_space<vmem>>, vector<1x16xf32>,
          %swap3A_714 = vector.shape_cast %swap3A_713 : vector<1x16xf32> to vector<16xf32>
          %swap3A_715 = vector.shape_cast %get3A_710 : vector<16xf32> to vector<1x16xf32>
          tpu.vector_store %arg6[%swap3A_711, %swap3A_712], %swap3A_715 {add = true, strides = array<i32>} : memref<16x1024xf32, #tpu.memory_space<vmem>>, vector<1x16xf32>,
          %get3A_716 = arith.constant 0 : i32
          %get3A_717 = arith.index_cast %get3A_716 : i32 to index
          %get3A_718 = arith.index_cast %scan3A_139 : i32 to index
          %get3A_719 = arith.constant 816 : index
          %get3A_720 = tpu.vector_load %arg7[%get3A_717, %get3A_718, %get3A_719] {strides = array<i32>} : memref<2x32x1024xf32, #tpu.memory_space<vmem>>, vector<1x1x16xf32>,
          %get3A_721 = vector.shape_cast %get3A_720 : vector<1x1x16xf32> to vector<16xf32>
          %swap3A_722 = arith.index_cast %select_n3A_155 : i32 to index
          %swap3A_723 = arith.constant 816 : index
          %swap3A_724 = tpu.vector_load %arg6[%swap3A_722, %swap3A_723] {strides = array<i32>} : memref<16x1024xf32, #tpu.memory_space<vmem>>, vector<1x16xf32>,
          %swap3A_725 = vector.shape_cast %swap3A_724 : vector<1x16xf32> to vector<16xf32>
          %swap3A_726 = vector.shape_cast %get3A_721 : vector<16xf32> to vector<1x16xf32>
          tpu.vector_store %arg6[%swap3A_722, %swap3A_723], %swap3A_726 {add = true, strides = array<i32>} : memref<16x1024xf32, #tpu.memory_space<vmem>>, vector<1x16xf32>,
          %get3A_727 = arith.constant 0 : i32
          %get3A_728 = arith.index_cast %get3A_727 : i32 to index
          %get3A_729 = arith.index_cast %scan3A_139 : i32 to index
          %get3A_730 = arith.constant 832 : index
          %get3A_731 = tpu.vector_load %arg7[%get3A_728, %get3A_729, %get3A_730] {strides = array<i32>} : memref<2x32x1024xf32, #tpu.memory_space<vmem>>, vector<1x1x16xf32>,
          %get3A_732 = vector.shape_cast %get3A_731 : vector<1x1x16xf32> to vector<16xf32>
          %swap3A_733 = arith.index_cast %select_n3A_155 : i32 to index
          %swap3A_734 = arith.constant 832 : index
          %swap3A_735 = tpu.vector_load %arg6[%swap3A_733, %swap3A_734] {strides = array<i32>} : memref<16x1024xf32, #tpu.memory_space<vmem>>, vector<1x16xf32>,
          %swap3A_736 = vector.shape_cast %swap3A_735 : vector<1x16xf32> to vector<16xf32>
          %swap3A_737 = vector.shape_cast %get3A_732 : vector<16xf32> to vector<1x16xf32>
          tpu.vector_store %arg6[%swap3A_733, %swap3A_734], %swap3A_737 {add = true, strides = array<i32>} : memref<16x1024xf32, #tpu.memory_space<vmem>>, vector<1x16xf32>,
          %get3A_738 = arith.constant 0 : i32
          %get3A_739 = arith.index_cast %get3A_738 : i32 to index
          %get3A_740 = arith.index_cast %scan3A_139 : i32 to index
          %get3A_741 = arith.constant 848 : index
          %get3A_742 = tpu.vector_load %arg7[%get3A_739, %get3A_740, %get3A_741] {strides = array<i32>} : memref<2x32x1024xf32, #tpu.memory_space<vmem>>, vector<1x1x16xf32>,
          %get3A_743 = vector.shape_cast %get3A_742 : vector<1x1x16xf32> to vector<16xf32>
          %swap3A_744 = arith.index_cast %select_n3A_155 : i32 to index
          %swap3A_745 = arith.constant 848 : index
          %swap3A_746 = tpu.vector_load %arg6[%swap3A_744, %swap3A_745] {strides = array<i32>} : memref<16x1024xf32, #tpu.memory_space<vmem>>, vector<1x16xf32>,
          %swap3A_747 = vector.shape_cast %swap3A_746 : vector<1x16xf32> to vector<16xf32>
          %swap3A_748 = vector.shape_cast %get3A_743 : vector<16xf32> to vector<1x16xf32>
          tpu.vector_store %arg6[%swap3A_744, %swap3A_745], %swap3A_748 {add = true, strides = array<i32>} : memref<16x1024xf32, #tpu.memory_space<vmem>>, vector<1x16xf32>,
          %get3A_749 = arith.constant 0 : i32
          %get3A_750 = arith.index_cast %get3A_749 : i32 to index
          %get3A_751 = arith.index_cast %scan3A_139 : i32 to index
          %get3A_752 = arith.constant 864 : index
          %get3A_753 = tpu.vector_load %arg7[%get3A_750, %get3A_751, %get3A_752] {strides = array<i32>} : memref<2x32x1024xf32, #tpu.memory_space<vmem>>, vector<1x1x16xf32>,
          %get3A_754 = vector.shape_cast %get3A_753 : vector<1x1x16xf32> to vector<16xf32>
          %swap3A_755 = arith.index_cast %select_n3A_155 : i32 to index
          %swap3A_756 = arith.constant 864 : index
          %swap3A_757 = tpu.vector_load %arg6[%swap3A_755, %swap3A_756] {strides = array<i32>} : memref<16x1024xf32, #tpu.memory_space<vmem>>, vector<1x16xf32>,
          %swap3A_758 = vector.shape_cast %swap3A_757 : vector<1x16xf32> to vector<16xf32>
          %swap3A_759 = vector.shape_cast %get3A_754 : vector<16xf32> to vector<1x16xf32>
          tpu.vector_store %arg6[%swap3A_755, %swap3A_756], %swap3A_759 {add = true, strides = array<i32>} : memref<16x1024xf32, #tpu.memory_space<vmem>>, vector<1x16xf32>,
          %get3A_760 = arith.constant 0 : i32
          %get3A_761 = arith.index_cast %get3A_760 : i32 to index
          %get3A_762 = arith.index_cast %scan3A_139 : i32 to index
          %get3A_763 = arith.constant 880 : index
          %get3A_764 = tpu.vector_load %arg7[%get3A_761, %get3A_762, %get3A_763] {strides = array<i32>} : memref<2x32x1024xf32, #tpu.memory_space<vmem>>, vector<1x1x16xf32>,
          %get3A_765 = vector.shape_cast %get3A_764 : vector<1x1x16xf32> to vector<16xf32>
          %swap3A_766 = arith.index_cast %select_n3A_155 : i32 to index
          %swap3A_767 = arith.constant 880 : index
          %swap3A_768 = tpu.vector_load %arg6[%swap3A_766, %swap3A_767] {strides = array<i32>} : memref<16x1024xf32, #tpu.memory_space<vmem>>, vector<1x16xf32>,
          %swap3A_769 = vector.shape_cast %swap3A_768 : vector<1x16xf32> to vector<16xf32>
          %swap3A_770 = vector.shape_cast %get3A_765 : vector<16xf32> to vector<1x16xf32>
          tpu.vector_store %arg6[%swap3A_766, %swap3A_767], %swap3A_770 {add = true, strides = array<i32>} : memref<16x1024xf32, #tpu.memory_space<vmem>>, vector<1x16xf32>,
          %get3A_771 = arith.constant 0 : i32
          %get3A_772 = arith.index_cast %get3A_771 : i32 to index
          %get3A_773 = arith.index_cast %scan3A_139 : i32 to index
          %get3A_774 = arith.constant 896 : index
          %get3A_775 = tpu.vector_load %arg7[%get3A_772, %get3A_773, %get3A_774] {strides = array<i32>} : memref<2x32x1024xf32, #tpu.memory_space<vmem>>, vector<1x1x16xf32>,
          %get3A_776 = vector.shape_cast %get3A_775 : vector<1x1x16xf32> to vector<16xf32>
          %swap3A_777 = arith.index_cast %select_n3A_155 : i32 to index
          %swap3A_778 = arith.constant 896 : index
          %swap3A_779 = tpu.vector_load %arg6[%swap3A_777, %swap3A_778] {strides = array<i32>} : memref<16x1024xf32, #tpu.memory_space<vmem>>, vector<1x16xf32>,
          %swap3A_780 = vector.shape_cast %swap3A_779 : vector<1x16xf32> to vector<16xf32>
          %swap3A_781 = vector.shape_cast %get3A_776 : vector<16xf32> to vector<1x16xf32>
          tpu.vector_store %arg6[%swap3A_777, %swap3A_778], %swap3A_781 {add = true, strides = array<i32>} : memref<16x1024xf32, #tpu.memory_space<vmem>>, vector<1x16xf32>,
          %get3A_782 = arith.constant 0 : i32
          %get3A_783 = arith.index_cast %get3A_782 : i32 to index
          %get3A_784 = arith.index_cast %scan3A_139 : i32 to index
          %get3A_785 = arith.constant 912 : index
          %get3A_786 = tpu.vector_load %arg7[%get3A_783, %get3A_784, %get3A_785] {strides = array<i32>} : memref<2x32x1024xf32, #tpu.memory_space<vmem>>, vector<1x1x16xf32>,
          %get3A_787 = vector.shape_cast %get3A_786 : vector<1x1x16xf32> to vector<16xf32>
          %swap3A_788 = arith.index_cast %select_n3A_155 : i32 to index
          %swap3A_789 = arith.constant 912 : index
          %swap3A_790 = tpu.vector_load %arg6[%swap3A_788, %swap3A_789] {strides = array<i32>} : memref<16x1024xf32, #tpu.memory_space<vmem>>, vector<1x16xf32>,
          %swap3A_791 = vector.shape_cast %swap3A_790 : vector<1x16xf32> to vector<16xf32>
          %swap3A_792 = vector.shape_cast %get3A_787 : vector<16xf32> to vector<1x16xf32>
          tpu.vector_store %arg6[%swap3A_788, %swap3A_789], %swap3A_792 {add = true, strides = array<i32>} : memref<16x1024xf32, #tpu.memory_space<vmem>>, vector<1x16xf32>,
          %get3A_793 = arith.constant 0 : i32
          %get3A_794 = arith.index_cast %get3A_793 : i32 to index
          %get3A_795 = arith.index_cast %scan3A_139 : i32 to index
          %get3A_796 = arith.constant 928 : index
          %get3A_797 = tpu.vector_load %arg7[%get3A_794, %get3A_795, %get3A_796] {strides = array<i32>} : memref<2x32x1024xf32, #tpu.memory_space<vmem>>, vector<1x1x16xf32>,
          %get3A_798 = vector.shape_cast %get3A_797 : vector<1x1x16xf32> to vector<16xf32>
          %swap3A_799 = arith.index_cast %select_n3A_155 : i32 to index
          %swap3A_800 = arith.constant 928 : index
          %swap3A_801 = tpu.vector_load %arg6[%swap3A_799, %swap3A_800] {strides = array<i32>} : memref<16x1024xf32, #tpu.memory_space<vmem>>, vector<1x16xf32>,
          %swap3A_802 = vector.shape_cast %swap3A_801 : vector<1x16xf32> to vector<16xf32>
          %swap3A_803 = vector.shape_cast %get3A_798 : vector<16xf32> to vector<1x16xf32>
          tpu.vector_store %arg6[%swap3A_799, %swap3A_800], %swap3A_803 {add = true, strides = array<i32>} : memref<16x1024xf32, #tpu.memory_space<vmem>>, vector<1x16xf32>,
          %get3A_804 = arith.constant 0 : i32
          %get3A_805 = arith.index_cast %get3A_804 : i32 to index
          %get3A_806 = arith.index_cast %scan3A_139 : i32 to index
          %get3A_807 = arith.constant 944 : index
          %get3A_808 = tpu.vector_load %arg7[%get3A_805, %get3A_806, %get3A_807] {strides = array<i32>} : memref<2x32x1024xf32, #tpu.memory_space<vmem>>, vector<1x1x16xf32>,
          %get3A_809 = vector.shape_cast %get3A_808 : vector<1x1x16xf32> to vector<16xf32>
          %swap3A_810 = arith.index_cast %select_n3A_155 : i32 to index
          %swap3A_811 = arith.constant 944 : index
          %swap3A_812 = tpu.vector_load %arg6[%swap3A_810, %swap3A_811] {strides = array<i32>} : memref<16x1024xf32, #tpu.memory_space<vmem>>, vector<1x16xf32>,
          %swap3A_813 = vector.shape_cast %swap3A_812 : vector<1x16xf32> to vector<16xf32>
          %swap3A_814 = vector.shape_cast %get3A_809 : vector<16xf32> to vector<1x16xf32>
          tpu.vector_store %arg6[%swap3A_810, %swap3A_811], %swap3A_814 {add = true, strides = array<i32>} : memref<16x1024xf32, #tpu.memory_space<vmem>>, vector<1x16xf32>,
          %get3A_815 = arith.constant 0 : i32
          %get3A_816 = arith.index_cast %get3A_815 : i32 to index
          %get3A_817 = arith.index_cast %scan3A_139 : i32 to index
          %get3A_818 = arith.constant 960 : index
          %get3A_819 = tpu.vector_load %arg7[%get3A_816, %get3A_817, %get3A_818] {strides = array<i32>} : memref<2x32x1024xf32, #tpu.memory_space<vmem>>, vector<1x1x16xf32>,
          %get3A_820 = vector.shape_cast %get3A_819 : vector<1x1x16xf32> to vector<16xf32>
          %swap3A_821 = arith.index_cast %select_n3A_155 : i32 to index
          %swap3A_822 = arith.constant 960 : index
          %swap3A_823 = tpu.vector_load %arg6[%swap3A_821, %swap3A_822] {strides = array<i32>} : memref<16x1024xf32, #tpu.memory_space<vmem>>, vector<1x16xf32>,
          %swap3A_824 = vector.shape_cast %swap3A_823 : vector<1x16xf32> to vector<16xf32>
          %swap3A_825 = vector.shape_cast %get3A_820 : vector<16xf32> to vector<1x16xf32>
          tpu.vector_store %arg6[%swap3A_821, %swap3A_822], %swap3A_825 {add = true, strides = array<i32>} : memref<16x1024xf32, #tpu.memory_space<vmem>>, vector<1x16xf32>,
          %get3A_826 = arith.constant 0 : i32
          %get3A_827 = arith.index_cast %get3A_826 : i32 to index
          %get3A_828 = arith.index_cast %scan3A_139 : i32 to index
          %get3A_829 = arith.constant 976 : index
          %get3A_830 = tpu.vector_load %arg7[%get3A_827, %get3A_828, %get3A_829] {strides = array<i32>} : memref<2x32x1024xf32, #tpu.memory_space<vmem>>, vector<1x1x16xf32>,
          %get3A_831 = vector.shape_cast %get3A_830 : vector<1x1x16xf32> to vector<16xf32>
          %swap3A_832 = arith.index_cast %select_n3A_155 : i32 to index
          %swap3A_833 = arith.constant 976 : index
          %swap3A_834 = tpu.vector_load %arg6[%swap3A_832, %swap3A_833] {strides = array<i32>} : memref<16x1024xf32, #tpu.memory_space<vmem>>, vector<1x16xf32>,
          %swap3A_835 = vector.shape_cast %swap3A_834 : vector<1x16xf32> to vector<16xf32>
          %swap3A_836 = vector.shape_cast %get3A_831 : vector<16xf32> to vector<1x16xf32>
          tpu.vector_store %arg6[%swap3A_832, %swap3A_833], %swap3A_836 {add = true, strides = array<i32>} : memref<16x1024xf32, #tpu.memory_space<vmem>>, vector<1x16xf32>,
          %get3A_837 = arith.constant 0 : i32
          %get3A_838 = arith.index_cast %get3A_837 : i32 to index
          %get3A_839 = arith.index_cast %scan3A_139 : i32 to index
          %get3A_840 = arith.constant 992 : index
          %get3A_841 = tpu.vector_load %arg7[%get3A_838, %get3A_839, %get3A_840] {strides = array<i32>} : memref<2x32x1024xf32, #tpu.memory_space<vmem>>, vector<1x1x16xf32>,
          %get3A_842 = vector.shape_cast %get3A_841 : vector<1x1x16xf32> to vector<16xf32>
          %swap3A_843 = arith.index_cast %select_n3A_155 : i32 to index
          %swap3A_844 = arith.constant 992 : index
          %swap3A_845 = tpu.vector_load %arg6[%swap3A_843, %swap3A_844] {strides = array<i32>} : memref<16x1024xf32, #tpu.memory_space<vmem>>, vector<1x16xf32>,
          %swap3A_846 = vector.shape_cast %swap3A_845 : vector<1x16xf32> to vector<16xf32>
          %swap3A_847 = vector.shape_cast %get3A_842 : vector<16xf32> to vector<1x16xf32>
          tpu.vector_store %arg6[%swap3A_843, %swap3A_844], %swap3A_847 {add = true, strides = array<i32>} : memref<16x1024xf32, #tpu.memory_space<vmem>>, vector<1x16xf32>,
          %get3A_848 = arith.constant 0 : i32
          %get3A_849 = arith.index_cast %get3A_848 : i32 to index
          %get3A_850 = arith.index_cast %scan3A_139 : i32 to index
          %get3A_851 = arith.constant 1008 : index
          %get3A_852 = tpu.vector_load %arg7[%get3A_849, %get3A_850, %get3A_851] {strides = array<i32>} : memref<2x32x1024xf32, #tpu.memory_space<vmem>>, vector<1x1x16xf32>,
          %get3A_853 = vector.shape_cast %get3A_852 : vector<1x1x16xf32> to vector<16xf32>
          %swap3A_854 = arith.index_cast %select_n3A_155 : i32 to index
          %swap3A_855 = arith.constant 1008 : index
          %swap3A_856 = tpu.vector_load %arg6[%swap3A_854, %swap3A_855] {strides = array<i32>} : memref<16x1024xf32, #tpu.memory_space<vmem>>, vector<1x16xf32>,
          %swap3A_857 = vector.shape_cast %swap3A_856 : vector<1x16xf32> to vector<16xf32>
          %swap3A_858 = vector.shape_cast %get3A_853 : vector<16xf32> to vector<1x16xf32>
          tpu.vector_store %arg6[%swap3A_854, %swap3A_855], %swap3A_858 {add = true, strides = array<i32>} : memref<16x1024xf32, #tpu.memory_space<vmem>>, vector<1x16xf32>,
          scf.yield %select_n3A_155 : i32
        }
        %scan3A_138 = arith.constant 32 : i32
        scf.yield %scan3A_137 : i32
      }
      %add3A_81 = arith.constant 2 : i32
      %add3A_82 = arith.addi %add3A_55, %add3A_81 : i32
      %lt3A_83 = arith.constant 16 : i32
      %lt3A_84 = arith.cmpi slt, %add3A_82, %lt3A_83 : i32
      %convert_element_type3A_85 = arith.extui %lt3A_84 : i1 to i32
      %cond3A_86 = arith.constant 0 : i32
      %cond3A_87 = arith.cmpi ne, %convert_element_type3A_85, %cond3A_86 : i32
      scf.if %cond3A_87 {
        %add3A_133 = arith.constant 64 : i32
        %add3A_134 = arith.addi %add3A_58, %add3A_133 : i32
        %dma_start3A_135 = arith.constant 0 : i32
        %dma_start3A_136 = arith.constant 0 : i32
        %dma_start3A_137 = arith.constant 0 : i32
        %dma_start3A_138 = tpu.memref_slice %arg7[%dma_start3A_135, %dma_start3A_136, %dma_start3A_137] : memref<2x32x1024xf32, #tpu.memory_space<vmem>> -> memref<1x32x1024xf32, #tpu.memory_space<vmem>>
        %dma_start3A_139 = tpu.memref_squeeze %dma_start3A_138 : memref<1x32x1024xf32, #tpu.memory_space<vmem>> -> memref<32x1024xf32, #tpu.memory_space<vmem>>
        %dma_start3A_140 = arith.constant 0 : i32
        %dma_start3A_141 = tpu.memref_slice %arg2[%add3A_134, %dma_start3A_140] : memref<32768x1024xf32, #tpu.memory_space<hbm>> -> memref<32x1024xf32, #tpu.memory_space<hbm>>
        %dma_start3A_142 = arith.constant 0 : i32
        %dma_start3A_143 = arith.constant 0 : i32
        %dma_start3A_144 = tpu.memref_slice %arg7[%dma_start3A_135, %dma_start3A_142, %dma_start3A_143] : memref<2x32x1024xf32, #tpu.memory_space<vmem>> -> memref<1x32x1024xf32, #tpu.memory_space<vmem>>
        %dma_start3A_145 = tpu.memref_squeeze %dma_start3A_144 : memref<1x32x1024xf32, #tpu.memory_space<vmem>> -> memref<32x1024xf32, #tpu.memory_space<vmem>>
        %dma_start3A_146 = arith.constant 0 : i32
        %dma_start3A_147 = tpu.memref_slice %arg2[%add3A_134, %dma_start3A_146] : memref<32768x1024xf32, #tpu.memory_space<hbm>> -> memref<32x1024xf32, #tpu.memory_space<hbm>>
        tpu.enqueue_dma source(%dma_start3A_147 : memref<32x1024xf32, #tpu.memory_space<hbm>>) target(%dma_start3A_145 : memref<32x1024xf32, #tpu.memory_space<vmem>>) target_semaphore(%arg8 : memref<!tpu.dma_semaphore, #tpu.memory_space<semaphore_mem>>)
      } else {
      }
      %add3A_88 = arith.constant 1 : i32
      %add3A_89 = arith.addi %mul3A_53, %add3A_88 : i32
      %mul3A_90 = arith.constant 32 : i32
      %mul3A_91 = arith.muli %add3A_89, %mul3A_90 : i32
      %add3A_92 = arith.addi %mul3A_2, %mul3A_91 : i32
      %dma_wait3A_93 = arith.constant 1 : i32
      %dma_wait3A_94 = arith.constant 0 : i32
      %dma_wait3A_95 = arith.constant 0 : i32
      %dma_wait3A_96 = tpu.memref_slice %arg7[%dma_wait3A_93, %dma_wait3A_94, %dma_wait3A_95] : memref<2x32x1024xf32, #tpu.memory_space<vmem>> -> memref<1x32x1024xf32, #tpu.memory_space<vmem>>
      %dma_wait3A_97 = tpu.memref_squeeze %dma_wait3A_96 : memref<1x32x1024xf32, #tpu.memory_space<vmem>> -> memref<32x1024xf32, #tpu.memory_space<vmem>>
      %dma_wait3A_98 = arith.constant 0 : i32
      %dma_wait3A_99 = tpu.memref_slice %arg2[%add3A_92, %dma_wait3A_98] : memref<32768x1024xf32, #tpu.memory_space<hbm>> -> memref<32x1024xf32, #tpu.memory_space<hbm>>
      %dma_wait3A_100 = arith.constant 0 : i32
      %dma_wait3A_101 = arith.constant 0 : i32
      %dma_wait3A_102 = tpu.memref_slice %arg7[%dma_wait3A_93, %dma_wait3A_100, %dma_wait3A_101] : memref<2x32x1024xf32, #tpu.memory_space<vmem>> -> memref<1x32x1024xf32, #tpu.memory_space<vmem>>
      %dma_wait3A_103 = tpu.memref_squeeze %dma_wait3A_102 : memref<1x32x1024xf32, #tpu.memory_space<vmem>> -> memref<32x1024xf32, #tpu.memory_space<vmem>>
      %dma_wait3A_104 = arith.constant 0 : i32
      %dma_wait3A_105 = tpu.memref_slice %arg2[%add3A_92, %dma_wait3A_104] : memref<32768x1024xf32, #tpu.memory_space<hbm>> -> memref<32x1024xf32, #tpu.memory_space<hbm>>
      tpu.wait_dma2 semaphore(%arg9 : memref<!tpu.dma_semaphore, #tpu.memory_space<semaphore_mem>>) src(%dma_wait3A_105 : memref<32x1024xf32, #tpu.memory_space<hbm>>) dst(%dma_wait3A_103 : memref<32x1024xf32, #tpu.memory_space<vmem>>)
      %lt3A_106 = arith.constant 15 : i32
      %lt3A_107 = arith.cmpi slt, %cond3A_80, %lt3A_106 : i32
      %add3A_108 = arith.constant 1 : i32
      %add3A_109 = arith.addi %cond3A_80, %add3A_108 : i32
      %min3A_110 = arith.constant 15 : i32
      %min3A_111 = arith.minsi %add3A_109, %min3A_110 : i32
      %get3A_112 = arith.index_cast %min3A_111 : i32 to index
      %get3A_113 = tpu.vector_load %arg5[%get3A_112] {strides = array<i32>} : memref<32xi32, #tpu.memory_space<vmem>>, vector<16xi32>,
      %get3A_114 = vector.shape_cast %get3A_113 : vector<16xi32> to vector<16xi32>
      %slice3A_115 = vector.extract_strided_slice %get3A_114 {offsets = [0], sizes = [1], strides = [1]} : vector<16xi32> to vector<1xi32>
      %squeeze3A_116 = vector.extract %slice3A_115[0] : i32 from vector<1xi32>
      %jit3A_117 = arith.constant 32768 : i32
      %select_n3A_118 = arith.select %lt3A_107, %squeeze3A_116, %jit3A_117 : i32
      %add3A_119 = arith.constant 32 : i32
      %add3A_120 = arith.addi %add3A_92, %add3A_119 : i32
      %le3A_121 = arith.cmpi sle, %add3A_120, %select_n3A_118 : i32
      %convert_element_type3A_122 = arith.extui %le3A_121 : i1 to i32
      %cond3A_123 = arith.constant 0 : i32
      %cond3A_124 = arith.cmpi ne, %convert_element_type3A_122, %cond3A_123 : i32
      %cond3A_125 = scf.if %cond3A_124 -> (i32) {
        %scan3A_133 = arith.constant 0 : i32
        %scan3A_134 = arith.constant 32 : i32
        %scan3A_135 = arith.addi %scan3A_133, %scan3A_134 : i32
        %scan3A_136 = arith.constant 1 : i32
        %scan3A_137:32 = scf.for %scan3A_464 = %scan3A_133 to %scan3A_135 step %scan3A_136 iter_args(%scan3A_465 = %broadcast_in_dim3A_10, %scan3A_466 = %broadcast_in_dim3A_10, %scan3A_467 = %broadcast_in_dim3A_10, %scan3A_468 = %broadcast_in_dim3A_10, %scan3A_469 = %broadcast_in_dim3A_10, %scan3A_470 = %broadcast_in_dim3A_10, %scan3A_471 = %broadcast_in_dim3A_10, %scan3A_472 = %broadcast_in_dim3A_10, %scan3A_473 = %broadcast_in_dim3A_10, %scan3A_474 = %broadcast_in_dim3A_10, %scan3A_475 = %broadcast_in_dim3A_10, %scan3A_476 = %broadcast_in_dim3A_10, %scan3A_477 = %broadcast_in_dim3A_10, %scan3A_478 = %broadcast_in_dim3A_10, %scan3A_479 = %broadcast_in_dim3A_10, %scan3A_480 = %broadcast_in_dim3A_10, %scan3A_481 = %broadcast_in_dim3A_10, %scan3A_482 = %broadcast_in_dim3A_10, %scan3A_483 = %broadcast_in_dim3A_10, %scan3A_484 = %broadcast_in_dim3A_10, %scan3A_485 = %broadcast_in_dim3A_10, %scan3A_486 = %broadcast_in_dim3A_10, %scan3A_487 = %broadcast_in_dim3A_10, %scan3A_488 = %broadcast_in_dim3A_10, %scan3A_489 = %broadcast_in_dim3A_10, %scan3A_490 = %broadcast_in_dim3A_10, %scan3A_491 = %broadcast_in_dim3A_10, %scan3A_492 = %broadcast_in_dim3A_10, %scan3A_493 = %broadcast_in_dim3A_10, %scan3A_494 = %broadcast_in_dim3A_10, %scan3A_495 = %broadcast_in_dim3A_10, %scan3A_496 = %broadcast_in_dim3A_10) -> (vector<16xf32>, vector<16xf32>, vector<16xf32>, vector<16xf32>, vector<16xf32>, vector<16xf32>, vector<16xf32>, vector<16xf32>, vector<16xf32>, vector<16xf32>, vector<16xf32>, vector<16xf32>, vector<16xf32>, vector<16xf32>, vector<16xf32>, vector<16xf32>, vector<16xf32>, vector<16xf32>, vector<16xf32>, vector<16xf32>, vector<16xf32>, vector<16xf32>, vector<16xf32>, vector<16xf32>, vector<16xf32>, vector<16xf32>, vector<16xf32>, vector<16xf32>, vector<16xf32>, vector<16xf32>, vector<16xf32>, vector<16xf32>)  : i32 {
          %get3A_497 = arith.constant 1 : i32
          %get3A_498 = arith.index_cast %get3A_497 : i32 to index
          %get3A_499 = arith.index_cast %scan3A_464 : i32 to index
          %get3A_500 = arith.constant 0 : index
          %get3A_501 = tpu.vector_load %arg7[%get3A_498, %get3A_499, %get3A_500] {strides = array<i32>} : memref<2x32x1024xf32, #tpu.memory_space<vmem>>, vector<1x1x16xf32>,
          %get3A_502 = vector.shape_cast %get3A_501 : vector<1x1x16xf32> to vector<16xf32>
          %add3A_503 = arith.addf %scan3A_465, %get3A_502 : vector<16xf32>
          %get3A_504 = arith.constant 1 : i32
          %get3A_505 = arith.index_cast %get3A_504 : i32 to index
          %get3A_506 = arith.index_cast %scan3A_464 : i32 to index
          %get3A_507 = arith.constant 16 : index
          %get3A_508 = tpu.vector_load %arg7[%get3A_505, %get3A_506, %get3A_507] {strides = array<i32>} : memref<2x32x1024xf32, #tpu.memory_space<vmem>>, vector<1x1x16xf32>,
          %get3A_509 = vector.shape_cast %get3A_508 : vector<1x1x16xf32> to vector<16xf32>
          %add3A_510 = arith.addf %scan3A_466, %get3A_509 : vector<16xf32>
          %get3A_511 = arith.constant 1 : i32
          %get3A_512 = arith.index_cast %get3A_511 : i32 to index
          %get3A_513 = arith.index_cast %scan3A_464 : i32 to index
          %get3A_514 = arith.constant 32 : index
          %get3A_515 = tpu.vector_load %arg7[%get3A_512, %get3A_513, %get3A_514] {strides = array<i32>} : memref<2x32x1024xf32, #tpu.memory_space<vmem>>, vector<1x1x16xf32>,
          %get3A_516 = vector.shape_cast %get3A_515 : vector<1x1x16xf32> to vector<16xf32>
          %add3A_517 = arith.addf %scan3A_467, %get3A_516 : vector<16xf32>
          %get3A_518 = arith.constant 1 : i32
          %get3A_519 = arith.index_cast %get3A_518 : i32 to index
          %get3A_520 = arith.index_cast %scan3A_464 : i32 to index
          %get3A_521 = arith.constant 48 : index
          %get3A_522 = tpu.vector_load %arg7[%get3A_519, %get3A_520, %get3A_521] {strides = array<i32>} : memref<2x32x1024xf32, #tpu.memory_space<vmem>>, vector<1x1x16xf32>,
          %get3A_523 = vector.shape_cast %get3A_522 : vector<1x1x16xf32> to vector<16xf32>
          %add3A_524 = arith.addf %scan3A_468, %get3A_523 : vector<16xf32>
          %get3A_525 = arith.constant 1 : i32
          %get3A_526 = arith.index_cast %get3A_525 : i32 to index
          %get3A_527 = arith.index_cast %scan3A_464 : i32 to index
          %get3A_528 = arith.constant 64 : index
          %get3A_529 = tpu.vector_load %arg7[%get3A_526, %get3A_527, %get3A_528] {strides = array<i32>} : memref<2x32x1024xf32, #tpu.memory_space<vmem>>, vector<1x1x16xf32>,
          %get3A_530 = vector.shape_cast %get3A_529 : vector<1x1x16xf32> to vector<16xf32>
          %add3A_531 = arith.addf %scan3A_469, %get3A_530 : vector<16xf32>
          %get3A_532 = arith.constant 1 : i32
          %get3A_533 = arith.index_cast %get3A_532 : i32 to index
          %get3A_534 = arith.index_cast %scan3A_464 : i32 to index
          %get3A_535 = arith.constant 80 : index
          %get3A_536 = tpu.vector_load %arg7[%get3A_533, %get3A_534, %get3A_535] {strides = array<i32>} : memref<2x32x1024xf32, #tpu.memory_space<vmem>>, vector<1x1x16xf32>,
          %get3A_537 = vector.shape_cast %get3A_536 : vector<1x1x16xf32> to vector<16xf32>
          %add3A_538 = arith.addf %scan3A_470, %get3A_537 : vector<16xf32>
          %get3A_539 = arith.constant 1 : i32
          %get3A_540 = arith.index_cast %get3A_539 : i32 to index
          %get3A_541 = arith.index_cast %scan3A_464 : i32 to index
          %get3A_542 = arith.constant 96 : index
          %get3A_543 = tpu.vector_load %arg7[%get3A_540, %get3A_541, %get3A_542] {strides = array<i32>} : memref<2x32x1024xf32, #tpu.memory_space<vmem>>, vector<1x1x16xf32>,
          %get3A_544 = vector.shape_cast %get3A_543 : vector<1x1x16xf32> to vector<16xf32>
          %add3A_545 = arith.addf %scan3A_471, %get3A_544 : vector<16xf32>
          %get3A_546 = arith.constant 1 : i32
          %get3A_547 = arith.index_cast %get3A_546 : i32 to index
          %get3A_548 = arith.index_cast %scan3A_464 : i32 to index
          %get3A_549 = arith.constant 112 : index
          %get3A_550 = tpu.vector_load %arg7[%get3A_547, %get3A_548, %get3A_549] {strides = array<i32>} : memref<2x32x1024xf32, #tpu.memory_space<vmem>>, vector<1x1x16xf32>,
          %get3A_551 = vector.shape_cast %get3A_550 : vector<1x1x16xf32> to vector<16xf32>
          %add3A_552 = arith.addf %scan3A_472, %get3A_551 : vector<16xf32>
          %get3A_553 = arith.constant 1 : i32
          %get3A_554 = arith.index_cast %get3A_553 : i32 to index
          %get3A_555 = arith.index_cast %scan3A_464 : i32 to index
          %get3A_556 = arith.constant 128 : index
          %get3A_557 = tpu.vector_load %arg7[%get3A_554, %get3A_555, %get3A_556] {strides = array<i32>} : memref<2x32x1024xf32, #tpu.memory_space<vmem>>, vector<1x1x16xf32>,
          %get3A_558 = vector.shape_cast %get3A_557 : vector<1x1x16xf32> to vector<16xf32>
          %add3A_559 = arith.addf %scan3A_473, %get3A_558 : vector<16xf32>
          %get3A_560 = arith.constant 1 : i32
          %get3A_561 = arith.index_cast %get3A_560 : i32 to index
          %get3A_562 = arith.index_cast %scan3A_464 : i32 to index
          %get3A_563 = arith.constant 144 : index
          %get3A_564 = tpu.vector_load %arg7[%get3A_561, %get3A_562, %get3A_563] {strides = array<i32>} : memref<2x32x1024xf32, #tpu.memory_space<vmem>>, vector<1x1x16xf32>,
          %get3A_565 = vector.shape_cast %get3A_564 : vector<1x1x16xf32> to vector<16xf32>
          %add3A_566 = arith.addf %scan3A_474, %get3A_565 : vector<16xf32>
          %get3A_567 = arith.constant 1 : i32
          %get3A_568 = arith.index_cast %get3A_567 : i32 to index
          %get3A_569 = arith.index_cast %scan3A_464 : i32 to index
          %get3A_570 = arith.constant 160 : index
          %get3A_571 = tpu.vector_load %arg7[%get3A_568, %get3A_569, %get3A_570] {strides = array<i32>} : memref<2x32x1024xf32, #tpu.memory_space<vmem>>, vector<1x1x16xf32>,
          %get3A_572 = vector.shape_cast %get3A_571 : vector<1x1x16xf32> to vector<16xf32>
          %add3A_573 = arith.addf %scan3A_475, %get3A_572 : vector<16xf32>
          %get3A_574 = arith.constant 1 : i32
          %get3A_575 = arith.index_cast %get3A_574 : i32 to index
          %get3A_576 = arith.index_cast %scan3A_464 : i32 to index
          %get3A_577 = arith.constant 176 : index
          %get3A_578 = tpu.vector_load %arg7[%get3A_575, %get3A_576, %get3A_577] {strides = array<i32>} : memref<2x32x1024xf32, #tpu.memory_space<vmem>>, vector<1x1x16xf32>,
          %get3A_579 = vector.shape_cast %get3A_578 : vector<1x1x16xf32> to vector<16xf32>
          %add3A_580 = arith.addf %scan3A_476, %get3A_579 : vector<16xf32>
          %get3A_581 = arith.constant 1 : i32
          %get3A_582 = arith.index_cast %get3A_581 : i32 to index
          %get3A_583 = arith.index_cast %scan3A_464 : i32 to index
          %get3A_584 = arith.constant 192 : index
          %get3A_585 = tpu.vector_load %arg7[%get3A_582, %get3A_583, %get3A_584] {strides = array<i32>} : memref<2x32x1024xf32, #tpu.memory_space<vmem>>, vector<1x1x16xf32>,
          %get3A_586 = vector.shape_cast %get3A_585 : vector<1x1x16xf32> to vector<16xf32>
          %add3A_587 = arith.addf %scan3A_477, %get3A_586 : vector<16xf32>
          %get3A_588 = arith.constant 1 : i32
          %get3A_589 = arith.index_cast %get3A_588 : i32 to index
          %get3A_590 = arith.index_cast %scan3A_464 : i32 to index
          %get3A_591 = arith.constant 208 : index
          %get3A_592 = tpu.vector_load %arg7[%get3A_589, %get3A_590, %get3A_591] {strides = array<i32>} : memref<2x32x1024xf32, #tpu.memory_space<vmem>>, vector<1x1x16xf32>,
          %get3A_593 = vector.shape_cast %get3A_592 : vector<1x1x16xf32> to vector<16xf32>
          %add3A_594 = arith.addf %scan3A_478, %get3A_593 : vector<16xf32>
          %get3A_595 = arith.constant 1 : i32
          %get3A_596 = arith.index_cast %get3A_595 : i32 to index
          %get3A_597 = arith.index_cast %scan3A_464 : i32 to index
          %get3A_598 = arith.constant 224 : index
          %get3A_599 = tpu.vector_load %arg7[%get3A_596, %get3A_597, %get3A_598] {strides = array<i32>} : memref<2x32x1024xf32, #tpu.memory_space<vmem>>, vector<1x1x16xf32>,
          %get3A_600 = vector.shape_cast %get3A_599 : vector<1x1x16xf32> to vector<16xf32>
          %add3A_601 = arith.addf %scan3A_479, %get3A_600 : vector<16xf32>
          %get3A_602 = arith.constant 1 : i32
          %get3A_603 = arith.index_cast %get3A_602 : i32 to index
          %get3A_604 = arith.index_cast %scan3A_464 : i32 to index
          %get3A_605 = arith.constant 240 : index
          %get3A_606 = tpu.vector_load %arg7[%get3A_603, %get3A_604, %get3A_605] {strides = array<i32>} : memref<2x32x1024xf32, #tpu.memory_space<vmem>>, vector<1x1x16xf32>,
          %get3A_607 = vector.shape_cast %get3A_606 : vector<1x1x16xf32> to vector<16xf32>
          %add3A_608 = arith.addf %scan3A_480, %get3A_607 : vector<16xf32>
          %get3A_609 = arith.constant 1 : i32
          %get3A_610 = arith.index_cast %get3A_609 : i32 to index
          %get3A_611 = arith.index_cast %scan3A_464 : i32 to index
          %get3A_612 = arith.constant 256 : index
          %get3A_613 = tpu.vector_load %arg7[%get3A_610, %get3A_611, %get3A_612] {strides = array<i32>} : memref<2x32x1024xf32, #tpu.memory_space<vmem>>, vector<1x1x16xf32>,
          %get3A_614 = vector.shape_cast %get3A_613 : vector<1x1x16xf32> to vector<16xf32>
          %add3A_615 = arith.addf %scan3A_481, %get3A_614 : vector<16xf32>
          %get3A_616 = arith.constant 1 : i32
          %get3A_617 = arith.index_cast %get3A_616 : i32 to index
          %get3A_618 = arith.index_cast %scan3A_464 : i32 to index
          %get3A_619 = arith.constant 272 : index
          %get3A_620 = tpu.vector_load %arg7[%get3A_617, %get3A_618, %get3A_619] {strides = array<i32>} : memref<2x32x1024xf32, #tpu.memory_space<vmem>>, vector<1x1x16xf32>,
          %get3A_621 = vector.shape_cast %get3A_620 : vector<1x1x16xf32> to vector<16xf32>
          %add3A_622 = arith.addf %scan3A_482, %get3A_621 : vector<16xf32>
          %get3A_623 = arith.constant 1 : i32
          %get3A_624 = arith.index_cast %get3A_623 : i32 to index
          %get3A_625 = arith.index_cast %scan3A_464 : i32 to index
          %get3A_626 = arith.constant 288 : index
          %get3A_627 = tpu.vector_load %arg7[%get3A_624, %get3A_625, %get3A_626] {strides = array<i32>} : memref<2x32x1024xf32, #tpu.memory_space<vmem>>, vector<1x1x16xf32>,
          %get3A_628 = vector.shape_cast %get3A_627 : vector<1x1x16xf32> to vector<16xf32>
          %add3A_629 = arith.addf %scan3A_483, %get3A_628 : vector<16xf32>
          %get3A_630 = arith.constant 1 : i32
          %get3A_631 = arith.index_cast %get3A_630 : i32 to index
          %get3A_632 = arith.index_cast %scan3A_464 : i32 to index
          %get3A_633 = arith.constant 304 : index
          %get3A_634 = tpu.vector_load %arg7[%get3A_631, %get3A_632, %get3A_633] {strides = array<i32>} : memref<2x32x1024xf32, #tpu.memory_space<vmem>>, vector<1x1x16xf32>,
          %get3A_635 = vector.shape_cast %get3A_634 : vector<1x1x16xf32> to vector<16xf32>
          %add3A_636 = arith.addf %scan3A_484, %get3A_635 : vector<16xf32>
          %get3A_637 = arith.constant 1 : i32
          %get3A_638 = arith.index_cast %get3A_637 : i32 to index
          %get3A_639 = arith.index_cast %scan3A_464 : i32 to index
          %get3A_640 = arith.constant 320 : index
          %get3A_641 = tpu.vector_load %arg7[%get3A_638, %get3A_639, %get3A_640] {strides = array<i32>} : memref<2x32x1024xf32, #tpu.memory_space<vmem>>, vector<1x1x16xf32>,
          %get3A_642 = vector.shape_cast %get3A_641 : vector<1x1x16xf32> to vector<16xf32>
          %add3A_643 = arith.addf %scan3A_485, %get3A_642 : vector<16xf32>
          %get3A_644 = arith.constant 1 : i32
          %get3A_645 = arith.index_cast %get3A_644 : i32 to index
          %get3A_646 = arith.index_cast %scan3A_464 : i32 to index
          %get3A_647 = arith.constant 336 : index
          %get3A_648 = tpu.vector_load %arg7[%get3A_645, %get3A_646, %get3A_647] {strides = array<i32>} : memref<2x32x1024xf32, #tpu.memory_space<vmem>>, vector<1x1x16xf32>,
          %get3A_649 = vector.shape_cast %get3A_648 : vector<1x1x16xf32> to vector<16xf32>
          %add3A_650 = arith.addf %scan3A_486, %get3A_649 : vector<16xf32>
          %get3A_651 = arith.constant 1 : i32
          %get3A_652 = arith.index_cast %get3A_651 : i32 to index
          %get3A_653 = arith.index_cast %scan3A_464 : i32 to index
          %get3A_654 = arith.constant 352 : index
          %get3A_655 = tpu.vector_load %arg7[%get3A_652, %get3A_653, %get3A_654] {strides = array<i32>} : memref<2x32x1024xf32, #tpu.memory_space<vmem>>, vector<1x1x16xf32>,
          %get3A_656 = vector.shape_cast %get3A_655 : vector<1x1x16xf32> to vector<16xf32>
          %add3A_657 = arith.addf %scan3A_487, %get3A_656 : vector<16xf32>
          %get3A_658 = arith.constant 1 : i32
          %get3A_659 = arith.index_cast %get3A_658 : i32 to index
          %get3A_660 = arith.index_cast %scan3A_464 : i32 to index
          %get3A_661 = arith.constant 368 : index
          %get3A_662 = tpu.vector_load %arg7[%get3A_659, %get3A_660, %get3A_661] {strides = array<i32>} : memref<2x32x1024xf32, #tpu.memory_space<vmem>>, vector<1x1x16xf32>,
          %get3A_663 = vector.shape_cast %get3A_662 : vector<1x1x16xf32> to vector<16xf32>
          %add3A_664 = arith.addf %scan3A_488, %get3A_663 : vector<16xf32>
          %get3A_665 = arith.constant 1 : i32
          %get3A_666 = arith.index_cast %get3A_665 : i32 to index
          %get3A_667 = arith.index_cast %scan3A_464 : i32 to index
          %get3A_668 = arith.constant 384 : index
          %get3A_669 = tpu.vector_load %arg7[%get3A_666, %get3A_667, %get3A_668] {strides = array<i32>} : memref<2x32x1024xf32, #tpu.memory_space<vmem>>, vector<1x1x16xf32>,
          %get3A_670 = vector.shape_cast %get3A_669 : vector<1x1x16xf32> to vector<16xf32>
          %add3A_671 = arith.addf %scan3A_489, %get3A_670 : vector<16xf32>
          %get3A_672 = arith.constant 1 : i32
          %get3A_673 = arith.index_cast %get3A_672 : i32 to index
          %get3A_674 = arith.index_cast %scan3A_464 : i32 to index
          %get3A_675 = arith.constant 400 : index
          %get3A_676 = tpu.vector_load %arg7[%get3A_673, %get3A_674, %get3A_675] {strides = array<i32>} : memref<2x32x1024xf32, #tpu.memory_space<vmem>>, vector<1x1x16xf32>,
          %get3A_677 = vector.shape_cast %get3A_676 : vector<1x1x16xf32> to vector<16xf32>
          %add3A_678 = arith.addf %scan3A_490, %get3A_677 : vector<16xf32>
          %get3A_679 = arith.constant 1 : i32
          %get3A_680 = arith.index_cast %get3A_679 : i32 to index
          %get3A_681 = arith.index_cast %scan3A_464 : i32 to index
          %get3A_682 = arith.constant 416 : index
          %get3A_683 = tpu.vector_load %arg7[%get3A_680, %get3A_681, %get3A_682] {strides = array<i32>} : memref<2x32x1024xf32, #tpu.memory_space<vmem>>, vector<1x1x16xf32>,
          %get3A_684 = vector.shape_cast %get3A_683 : vector<1x1x16xf32> to vector<16xf32>
          %add3A_685 = arith.addf %scan3A_491, %get3A_684 : vector<16xf32>
          %get3A_686 = arith.constant 1 : i32
          %get3A_687 = arith.index_cast %get3A_686 : i32 to index
          %get3A_688 = arith.index_cast %scan3A_464 : i32 to index
          %get3A_689 = arith.constant 432 : index
          %get3A_690 = tpu.vector_load %arg7[%get3A_687, %get3A_688, %get3A_689] {strides = array<i32>} : memref<2x32x1024xf32, #tpu.memory_space<vmem>>, vector<1x1x16xf32>,
          %get3A_691 = vector.shape_cast %get3A_690 : vector<1x1x16xf32> to vector<16xf32>
          %add3A_692 = arith.addf %scan3A_492, %get3A_691 : vector<16xf32>
          %get3A_693 = arith.constant 1 : i32
          %get3A_694 = arith.index_cast %get3A_693 : i32 to index
          %get3A_695 = arith.index_cast %scan3A_464 : i32 to index
          %get3A_696 = arith.constant 448 : index
          %get3A_697 = tpu.vector_load %arg7[%get3A_694, %get3A_695, %get3A_696] {strides = array<i32>} : memref<2x32x1024xf32, #tpu.memory_space<vmem>>, vector<1x1x16xf32>,
          %get3A_698 = vector.shape_cast %get3A_697 : vector<1x1x16xf32> to vector<16xf32>
          %add3A_699 = arith.addf %scan3A_493, %get3A_698 : vector<16xf32>
          %get3A_700 = arith.constant 1 : i32
          %get3A_701 = arith.index_cast %get3A_700 : i32 to index
          %get3A_702 = arith.index_cast %scan3A_464 : i32 to index
          %get3A_703 = arith.constant 464 : index
          %get3A_704 = tpu.vector_load %arg7[%get3A_701, %get3A_702, %get3A_703] {strides = array<i32>} : memref<2x32x1024xf32, #tpu.memory_space<vmem>>, vector<1x1x16xf32>,
          %get3A_705 = vector.shape_cast %get3A_704 : vector<1x1x16xf32> to vector<16xf32>
          %add3A_706 = arith.addf %scan3A_494, %get3A_705 : vector<16xf32>
          %get3A_707 = arith.constant 1 : i32
          %get3A_708 = arith.index_cast %get3A_707 : i32 to index
          %get3A_709 = arith.index_cast %scan3A_464 : i32 to index
          %get3A_710 = arith.constant 480 : index
          %get3A_711 = tpu.vector_load %arg7[%get3A_708, %get3A_709, %get3A_710] {strides = array<i32>} : memref<2x32x1024xf32, #tpu.memory_space<vmem>>, vector<1x1x16xf32>,
          %get3A_712 = vector.shape_cast %get3A_711 : vector<1x1x16xf32> to vector<16xf32>
          %add3A_713 = arith.addf %scan3A_495, %get3A_712 : vector<16xf32>
          %get3A_714 = arith.constant 1 : i32
          %get3A_715 = arith.index_cast %get3A_714 : i32 to index
          %get3A_716 = arith.index_cast %scan3A_464 : i32 to index
          %get3A_717 = arith.constant 496 : index
          %get3A_718 = tpu.vector_load %arg7[%get3A_715, %get3A_716, %get3A_717] {strides = array<i32>} : memref<2x32x1024xf32, #tpu.memory_space<vmem>>, vector<1x1x16xf32>,
          %get3A_719 = vector.shape_cast %get3A_718 : vector<1x1x16xf32> to vector<16xf32>
          %add3A_720 = arith.addf %scan3A_496, %get3A_719 : vector<16xf32>
          scf.yield %add3A_503, %add3A_510, %add3A_517, %add3A_524, %add3A_531, %add3A_538, %add3A_545, %add3A_552, %add3A_559, %add3A_566, %add3A_573, %add3A_580, %add3A_587, %add3A_594, %add3A_601, %add3A_608, %add3A_615, %add3A_622, %add3A_629, %add3A_636, %add3A_643, %add3A_650, %add3A_657, %add3A_664, %add3A_671, %add3A_678, %add3A_685, %add3A_692, %add3A_699, %add3A_706, %add3A_713, %add3A_720 : vector<16xf32>, vector<16xf32>, vector<16xf32>, vector<16xf32>, vector<16xf32>, vector<16xf32>, vector<16xf32>, vector<16xf32>, vector<16xf32>, vector<16xf32>, vector<16xf32>, vector<16xf32>, vector<16xf32>, vector<16xf32>, vector<16xf32>, vector<16xf32>, vector<16xf32>, vector<16xf32>, vector<16xf32>, vector<16xf32>, vector<16xf32>, vector<16xf32>, vector<16xf32>, vector<16xf32>, vector<16xf32>, vector<16xf32>, vector<16xf32>, vector<16xf32>, vector<16xf32>, vector<16xf32>, vector<16xf32>, vector<16xf32>
        }
        %scan3A_138 = arith.constant 32 : i32
        %swap3A = arith.index_cast %cond3A_80 : i32 to index
        %swap3A_139 = arith.constant 0 : index
        %swap3A_140 = tpu.vector_load %arg6[%swap3A, %swap3A_139] {strides = array<i32>} : memref<16x1024xf32, #tpu.memory_space<vmem>>, vector<1x16xf32>,
        %swap3A_141 = vector.shape_cast %swap3A_140 : vector<1x16xf32> to vector<16xf32>
        %swap3A_142 = vector.shape_cast %scan3A_137#0 : vector<16xf32> to vector<1x16xf32>
        tpu.vector_store %arg6[%swap3A, %swap3A_139], %swap3A_142 {add = true, strides = array<i32>} : memref<16x1024xf32, #tpu.memory_space<vmem>>, vector<1x16xf32>,
        %swap3A_143 = arith.index_cast %cond3A_80 : i32 to index
        %swap3A_144 = arith.constant 16 : index
        %swap3A_145 = tpu.vector_load %arg6[%swap3A_143, %swap3A_144] {strides = array<i32>} : memref<16x1024xf32, #tpu.memory_space<vmem>>, vector<1x16xf32>,
        %swap3A_146 = vector.shape_cast %swap3A_145 : vector<1x16xf32> to vector<16xf32>
        %swap3A_147 = vector.shape_cast %scan3A_137#1 : vector<16xf32> to vector<1x16xf32>
        tpu.vector_store %arg6[%swap3A_143, %swap3A_144], %swap3A_147 {add = true, strides = array<i32>} : memref<16x1024xf32, #tpu.memory_space<vmem>>, vector<1x16xf32>,
        %swap3A_148 = arith.index_cast %cond3A_80 : i32 to index
        %swap3A_149 = arith.constant 32 : index
        %swap3A_150 = tpu.vector_load %arg6[%swap3A_148, %swap3A_149] {strides = array<i32>} : memref<16x1024xf32, #tpu.memory_space<vmem>>, vector<1x16xf32>,
        %swap3A_151 = vector.shape_cast %swap3A_150 : vector<1x16xf32> to vector<16xf32>
        %swap3A_152 = vector.shape_cast %scan3A_137#2 : vector<16xf32> to vector<1x16xf32>
        tpu.vector_store %arg6[%swap3A_148, %swap3A_149], %swap3A_152 {add = true, strides = array<i32>} : memref<16x1024xf32, #tpu.memory_space<vmem>>, vector<1x16xf32>,
        %swap3A_153 = arith.index_cast %cond3A_80 : i32 to index
        %swap3A_154 = arith.constant 48 : index
        %swap3A_155 = tpu.vector_load %arg6[%swap3A_153, %swap3A_154] {strides = array<i32>} : memref<16x1024xf32, #tpu.memory_space<vmem>>, vector<1x16xf32>,
        %swap3A_156 = vector.shape_cast %swap3A_155 : vector<1x16xf32> to vector<16xf32>
        %swap3A_157 = vector.shape_cast %scan3A_137#3 : vector<16xf32> to vector<1x16xf32>
        tpu.vector_store %arg6[%swap3A_153, %swap3A_154], %swap3A_157 {add = true, strides = array<i32>} : memref<16x1024xf32, #tpu.memory_space<vmem>>, vector<1x16xf32>,
        %swap3A_158 = arith.index_cast %cond3A_80 : i32 to index
        %swap3A_159 = arith.constant 64 : index
        %swap3A_160 = tpu.vector_load %arg6[%swap3A_158, %swap3A_159] {strides = array<i32>} : memref<16x1024xf32, #tpu.memory_space<vmem>>, vector<1x16xf32>,
        %swap3A_161 = vector.shape_cast %swap3A_160 : vector<1x16xf32> to vector<16xf32>
        %swap3A_162 = vector.shape_cast %scan3A_137#4 : vector<16xf32> to vector<1x16xf32>
        tpu.vector_store %arg6[%swap3A_158, %swap3A_159], %swap3A_162 {add = true, strides = array<i32>} : memref<16x1024xf32, #tpu.memory_space<vmem>>, vector<1x16xf32>,
        %swap3A_163 = arith.index_cast %cond3A_80 : i32 to index
        %swap3A_164 = arith.constant 80 : index
        %swap3A_165 = tpu.vector_load %arg6[%swap3A_163, %swap3A_164] {strides = array<i32>} : memref<16x1024xf32, #tpu.memory_space<vmem>>, vector<1x16xf32>,
        %swap3A_166 = vector.shape_cast %swap3A_165 : vector<1x16xf32> to vector<16xf32>
        %swap3A_167 = vector.shape_cast %scan3A_137#5 : vector<16xf32> to vector<1x16xf32>
        tpu.vector_store %arg6[%swap3A_163, %swap3A_164], %swap3A_167 {add = true, strides = array<i32>} : memref<16x1024xf32, #tpu.memory_space<vmem>>, vector<1x16xf32>,
        %swap3A_168 = arith.index_cast %cond3A_80 : i32 to index
        %swap3A_169 = arith.constant 96 : index
        %swap3A_170 = tpu.vector_load %arg6[%swap3A_168, %swap3A_169] {strides = array<i32>} : memref<16x1024xf32, #tpu.memory_space<vmem>>, vector<1x16xf32>,
        %swap3A_171 = vector.shape_cast %swap3A_170 : vector<1x16xf32> to vector<16xf32>
        %swap3A_172 = vector.shape_cast %scan3A_137#6 : vector<16xf32> to vector<1x16xf32>
        tpu.vector_store %arg6[%swap3A_168, %swap3A_169], %swap3A_172 {add = true, strides = array<i32>} : memref<16x1024xf32, #tpu.memory_space<vmem>>, vector<1x16xf32>,
        %swap3A_173 = arith.index_cast %cond3A_80 : i32 to index
        %swap3A_174 = arith.constant 112 : index
        %swap3A_175 = tpu.vector_load %arg6[%swap3A_173, %swap3A_174] {strides = array<i32>} : memref<16x1024xf32, #tpu.memory_space<vmem>>, vector<1x16xf32>,
        %swap3A_176 = vector.shape_cast %swap3A_175 : vector<1x16xf32> to vector<16xf32>
        %swap3A_177 = vector.shape_cast %scan3A_137#7 : vector<16xf32> to vector<1x16xf32>
        tpu.vector_store %arg6[%swap3A_173, %swap3A_174], %swap3A_177 {add = true, strides = array<i32>} : memref<16x1024xf32, #tpu.memory_space<vmem>>, vector<1x16xf32>,
        %swap3A_178 = arith.index_cast %cond3A_80 : i32 to index
        %swap3A_179 = arith.constant 128 : index
        %swap3A_180 = tpu.vector_load %arg6[%swap3A_178, %swap3A_179] {strides = array<i32>} : memref<16x1024xf32, #tpu.memory_space<vmem>>, vector<1x16xf32>,
        %swap3A_181 = vector.shape_cast %swap3A_180 : vector<1x16xf32> to vector<16xf32>
        %swap3A_182 = vector.shape_cast %scan3A_137#8 : vector<16xf32> to vector<1x16xf32>
        tpu.vector_store %arg6[%swap3A_178, %swap3A_179], %swap3A_182 {add = true, strides = array<i32>} : memref<16x1024xf32, #tpu.memory_space<vmem>>, vector<1x16xf32>,
        %swap3A_183 = arith.index_cast %cond3A_80 : i32 to index
        %swap3A_184 = arith.constant 144 : index
        %swap3A_185 = tpu.vector_load %arg6[%swap3A_183, %swap3A_184] {strides = array<i32>} : memref<16x1024xf32, #tpu.memory_space<vmem>>, vector<1x16xf32>,
        %swap3A_186 = vector.shape_cast %swap3A_185 : vector<1x16xf32> to vector<16xf32>
        %swap3A_187 = vector.shape_cast %scan3A_137#9 : vector<16xf32> to vector<1x16xf32>
        tpu.vector_store %arg6[%swap3A_183, %swap3A_184], %swap3A_187 {add = true, strides = array<i32>} : memref<16x1024xf32, #tpu.memory_space<vmem>>, vector<1x16xf32>,
        %swap3A_188 = arith.index_cast %cond3A_80 : i32 to index
        %swap3A_189 = arith.constant 160 : index
        %swap3A_190 = tpu.vector_load %arg6[%swap3A_188, %swap3A_189] {strides = array<i32>} : memref<16x1024xf32, #tpu.memory_space<vmem>>, vector<1x16xf32>,
        %swap3A_191 = vector.shape_cast %swap3A_190 : vector<1x16xf32> to vector<16xf32>
        %swap3A_192 = vector.shape_cast %scan3A_137#10 : vector<16xf32> to vector<1x16xf32>
        tpu.vector_store %arg6[%swap3A_188, %swap3A_189], %swap3A_192 {add = true, strides = array<i32>} : memref<16x1024xf32, #tpu.memory_space<vmem>>, vector<1x16xf32>,
        %swap3A_193 = arith.index_cast %cond3A_80 : i32 to index
        %swap3A_194 = arith.constant 176 : index
        %swap3A_195 = tpu.vector_load %arg6[%swap3A_193, %swap3A_194] {strides = array<i32>} : memref<16x1024xf32, #tpu.memory_space<vmem>>, vector<1x16xf32>,
        %swap3A_196 = vector.shape_cast %swap3A_195 : vector<1x16xf32> to vector<16xf32>
        %swap3A_197 = vector.shape_cast %scan3A_137#11 : vector<16xf32> to vector<1x16xf32>
        tpu.vector_store %arg6[%swap3A_193, %swap3A_194], %swap3A_197 {add = true, strides = array<i32>} : memref<16x1024xf32, #tpu.memory_space<vmem>>, vector<1x16xf32>,
        %swap3A_198 = arith.index_cast %cond3A_80 : i32 to index
        %swap3A_199 = arith.constant 192 : index
        %swap3A_200 = tpu.vector_load %arg6[%swap3A_198, %swap3A_199] {strides = array<i32>} : memref<16x1024xf32, #tpu.memory_space<vmem>>, vector<1x16xf32>,
        %swap3A_201 = vector.shape_cast %swap3A_200 : vector<1x16xf32> to vector<16xf32>
        %swap3A_202 = vector.shape_cast %scan3A_137#12 : vector<16xf32> to vector<1x16xf32>
        tpu.vector_store %arg6[%swap3A_198, %swap3A_199], %swap3A_202 {add = true, strides = array<i32>} : memref<16x1024xf32, #tpu.memory_space<vmem>>, vector<1x16xf32>,
        %swap3A_203 = arith.index_cast %cond3A_80 : i32 to index
        %swap3A_204 = arith.constant 208 : index
        %swap3A_205 = tpu.vector_load %arg6[%swap3A_203, %swap3A_204] {strides = array<i32>} : memref<16x1024xf32, #tpu.memory_space<vmem>>, vector<1x16xf32>,
        %swap3A_206 = vector.shape_cast %swap3A_205 : vector<1x16xf32> to vector<16xf32>
        %swap3A_207 = vector.shape_cast %scan3A_137#13 : vector<16xf32> to vector<1x16xf32>
        tpu.vector_store %arg6[%swap3A_203, %swap3A_204], %swap3A_207 {add = true, strides = array<i32>} : memref<16x1024xf32, #tpu.memory_space<vmem>>, vector<1x16xf32>,
        %swap3A_208 = arith.index_cast %cond3A_80 : i32 to index
        %swap3A_209 = arith.constant 224 : index
        %swap3A_210 = tpu.vector_load %arg6[%swap3A_208, %swap3A_209] {strides = array<i32>} : memref<16x1024xf32, #tpu.memory_space<vmem>>, vector<1x16xf32>,
        %swap3A_211 = vector.shape_cast %swap3A_210 : vector<1x16xf32> to vector<16xf32>
        %swap3A_212 = vector.shape_cast %scan3A_137#14 : vector<16xf32> to vector<1x16xf32>
        tpu.vector_store %arg6[%swap3A_208, %swap3A_209], %swap3A_212 {add = true, strides = array<i32>} : memref<16x1024xf32, #tpu.memory_space<vmem>>, vector<1x16xf32>,
        %swap3A_213 = arith.index_cast %cond3A_80 : i32 to index
        %swap3A_214 = arith.constant 240 : index
        %swap3A_215 = tpu.vector_load %arg6[%swap3A_213, %swap3A_214] {strides = array<i32>} : memref<16x1024xf32, #tpu.memory_space<vmem>>, vector<1x16xf32>,
        %swap3A_216 = vector.shape_cast %swap3A_215 : vector<1x16xf32> to vector<16xf32>
        %swap3A_217 = vector.shape_cast %scan3A_137#15 : vector<16xf32> to vector<1x16xf32>
        tpu.vector_store %arg6[%swap3A_213, %swap3A_214], %swap3A_217 {add = true, strides = array<i32>} : memref<16x1024xf32, #tpu.memory_space<vmem>>, vector<1x16xf32>,
        %swap3A_218 = arith.index_cast %cond3A_80 : i32 to index
        %swap3A_219 = arith.constant 256 : index
        %swap3A_220 = tpu.vector_load %arg6[%swap3A_218, %swap3A_219] {strides = array<i32>} : memref<16x1024xf32, #tpu.memory_space<vmem>>, vector<1x16xf32>,
        %swap3A_221 = vector.shape_cast %swap3A_220 : vector<1x16xf32> to vector<16xf32>
        %swap3A_222 = vector.shape_cast %scan3A_137#16 : vector<16xf32> to vector<1x16xf32>
        tpu.vector_store %arg6[%swap3A_218, %swap3A_219], %swap3A_222 {add = true, strides = array<i32>} : memref<16x1024xf32, #tpu.memory_space<vmem>>, vector<1x16xf32>,
        %swap3A_223 = arith.index_cast %cond3A_80 : i32 to index
        %swap3A_224 = arith.constant 272 : index
        %swap3A_225 = tpu.vector_load %arg6[%swap3A_223, %swap3A_224] {strides = array<i32>} : memref<16x1024xf32, #tpu.memory_space<vmem>>, vector<1x16xf32>,
        %swap3A_226 = vector.shape_cast %swap3A_225 : vector<1x16xf32> to vector<16xf32>
        %swap3A_227 = vector.shape_cast %scan3A_137#17 : vector<16xf32> to vector<1x16xf32>
        tpu.vector_store %arg6[%swap3A_223, %swap3A_224], %swap3A_227 {add = true, strides = array<i32>} : memref<16x1024xf32, #tpu.memory_space<vmem>>, vector<1x16xf32>,
        %swap3A_228 = arith.index_cast %cond3A_80 : i32 to index
        %swap3A_229 = arith.constant 288 : index
        %swap3A_230 = tpu.vector_load %arg6[%swap3A_228, %swap3A_229] {strides = array<i32>} : memref<16x1024xf32, #tpu.memory_space<vmem>>, vector<1x16xf32>,
        %swap3A_231 = vector.shape_cast %swap3A_230 : vector<1x16xf32> to vector<16xf32>
        %swap3A_232 = vector.shape_cast %scan3A_137#18 : vector<16xf32> to vector<1x16xf32>
        tpu.vector_store %arg6[%swap3A_228, %swap3A_229], %swap3A_232 {add = true, strides = array<i32>} : memref<16x1024xf32, #tpu.memory_space<vmem>>, vector<1x16xf32>,
        %swap3A_233 = arith.index_cast %cond3A_80 : i32 to index
        %swap3A_234 = arith.constant 304 : index
        %swap3A_235 = tpu.vector_load %arg6[%swap3A_233, %swap3A_234] {strides = array<i32>} : memref<16x1024xf32, #tpu.memory_space<vmem>>, vector<1x16xf32>,
        %swap3A_236 = vector.shape_cast %swap3A_235 : vector<1x16xf32> to vector<16xf32>
        %swap3A_237 = vector.shape_cast %scan3A_137#19 : vector<16xf32> to vector<1x16xf32>
        tpu.vector_store %arg6[%swap3A_233, %swap3A_234], %swap3A_237 {add = true, strides = array<i32>} : memref<16x1024xf32, #tpu.memory_space<vmem>>, vector<1x16xf32>,
        %swap3A_238 = arith.index_cast %cond3A_80 : i32 to index
        %swap3A_239 = arith.constant 320 : index
        %swap3A_240 = tpu.vector_load %arg6[%swap3A_238, %swap3A_239] {strides = array<i32>} : memref<16x1024xf32, #tpu.memory_space<vmem>>, vector<1x16xf32>,
        %swap3A_241 = vector.shape_cast %swap3A_240 : vector<1x16xf32> to vector<16xf32>
        %swap3A_242 = vector.shape_cast %scan3A_137#20 : vector<16xf32> to vector<1x16xf32>
        tpu.vector_store %arg6[%swap3A_238, %swap3A_239], %swap3A_242 {add = true, strides = array<i32>} : memref<16x1024xf32, #tpu.memory_space<vmem>>, vector<1x16xf32>,
        %swap3A_243 = arith.index_cast %cond3A_80 : i32 to index
        %swap3A_244 = arith.constant 336 : index
        %swap3A_245 = tpu.vector_load %arg6[%swap3A_243, %swap3A_244] {strides = array<i32>} : memref<16x1024xf32, #tpu.memory_space<vmem>>, vector<1x16xf32>,
        %swap3A_246 = vector.shape_cast %swap3A_245 : vector<1x16xf32> to vector<16xf32>
        %swap3A_247 = vector.shape_cast %scan3A_137#21 : vector<16xf32> to vector<1x16xf32>
        tpu.vector_store %arg6[%swap3A_243, %swap3A_244], %swap3A_247 {add = true, strides = array<i32>} : memref<16x1024xf32, #tpu.memory_space<vmem>>, vector<1x16xf32>,
        %swap3A_248 = arith.index_cast %cond3A_80 : i32 to index
        %swap3A_249 = arith.constant 352 : index
        %swap3A_250 = tpu.vector_load %arg6[%swap3A_248, %swap3A_249] {strides = array<i32>} : memref<16x1024xf32, #tpu.memory_space<vmem>>, vector<1x16xf32>,
        %swap3A_251 = vector.shape_cast %swap3A_250 : vector<1x16xf32> to vector<16xf32>
        %swap3A_252 = vector.shape_cast %scan3A_137#22 : vector<16xf32> to vector<1x16xf32>
        tpu.vector_store %arg6[%swap3A_248, %swap3A_249], %swap3A_252 {add = true, strides = array<i32>} : memref<16x1024xf32, #tpu.memory_space<vmem>>, vector<1x16xf32>,
        %swap3A_253 = arith.index_cast %cond3A_80 : i32 to index
        %swap3A_254 = arith.constant 368 : index
        %swap3A_255 = tpu.vector_load %arg6[%swap3A_253, %swap3A_254] {strides = array<i32>} : memref<16x1024xf32, #tpu.memory_space<vmem>>, vector<1x16xf32>,
        %swap3A_256 = vector.shape_cast %swap3A_255 : vector<1x16xf32> to vector<16xf32>
        %swap3A_257 = vector.shape_cast %scan3A_137#23 : vector<16xf32> to vector<1x16xf32>
        tpu.vector_store %arg6[%swap3A_253, %swap3A_254], %swap3A_257 {add = true, strides = array<i32>} : memref<16x1024xf32, #tpu.memory_space<vmem>>, vector<1x16xf32>,
        %swap3A_258 = arith.index_cast %cond3A_80 : i32 to index
        %swap3A_259 = arith.constant 384 : index
        %swap3A_260 = tpu.vector_load %arg6[%swap3A_258, %swap3A_259] {strides = array<i32>} : memref<16x1024xf32, #tpu.memory_space<vmem>>, vector<1x16xf32>,
        %swap3A_261 = vector.shape_cast %swap3A_260 : vector<1x16xf32> to vector<16xf32>
        %swap3A_262 = vector.shape_cast %scan3A_137#24 : vector<16xf32> to vector<1x16xf32>
        tpu.vector_store %arg6[%swap3A_258, %swap3A_259], %swap3A_262 {add = true, strides = array<i32>} : memref<16x1024xf32, #tpu.memory_space<vmem>>, vector<1x16xf32>,
        %swap3A_263 = arith.index_cast %cond3A_80 : i32 to index
        %swap3A_264 = arith.constant 400 : index
        %swap3A_265 = tpu.vector_load %arg6[%swap3A_263, %swap3A_264] {strides = array<i32>} : memref<16x1024xf32, #tpu.memory_space<vmem>>, vector<1x16xf32>,
        %swap3A_266 = vector.shape_cast %swap3A_265 : vector<1x16xf32> to vector<16xf32>
        %swap3A_267 = vector.shape_cast %scan3A_137#25 : vector<16xf32> to vector<1x16xf32>
        tpu.vector_store %arg6[%swap3A_263, %swap3A_264], %swap3A_267 {add = true, strides = array<i32>} : memref<16x1024xf32, #tpu.memory_space<vmem>>, vector<1x16xf32>,
        %swap3A_268 = arith.index_cast %cond3A_80 : i32 to index
        %swap3A_269 = arith.constant 416 : index
        %swap3A_270 = tpu.vector_load %arg6[%swap3A_268, %swap3A_269] {strides = array<i32>} : memref<16x1024xf32, #tpu.memory_space<vmem>>, vector<1x16xf32>,
        %swap3A_271 = vector.shape_cast %swap3A_270 : vector<1x16xf32> to vector<16xf32>
        %swap3A_272 = vector.shape_cast %scan3A_137#26 : vector<16xf32> to vector<1x16xf32>
        tpu.vector_store %arg6[%swap3A_268, %swap3A_269], %swap3A_272 {add = true, strides = array<i32>} : memref<16x1024xf32, #tpu.memory_space<vmem>>, vector<1x16xf32>,
        %swap3A_273 = arith.index_cast %cond3A_80 : i32 to index
        %swap3A_274 = arith.constant 432 : index
        %swap3A_275 = tpu.vector_load %arg6[%swap3A_273, %swap3A_274] {strides = array<i32>} : memref<16x1024xf32, #tpu.memory_space<vmem>>, vector<1x16xf32>,
        %swap3A_276 = vector.shape_cast %swap3A_275 : vector<1x16xf32> to vector<16xf32>
        %swap3A_277 = vector.shape_cast %scan3A_137#27 : vector<16xf32> to vector<1x16xf32>
        tpu.vector_store %arg6[%swap3A_273, %swap3A_274], %swap3A_277 {add = true, strides = array<i32>} : memref<16x1024xf32, #tpu.memory_space<vmem>>, vector<1x16xf32>,
        %swap3A_278 = arith.index_cast %cond3A_80 : i32 to index
        %swap3A_279 = arith.constant 448 : index
        %swap3A_280 = tpu.vector_load %arg6[%swap3A_278, %swap3A_279] {strides = array<i32>} : memref<16x1024xf32, #tpu.memory_space<vmem>>, vector<1x16xf32>,
        %swap3A_281 = vector.shape_cast %swap3A_280 : vector<1x16xf32> to vector<16xf32>
        %swap3A_282 = vector.shape_cast %scan3A_137#28 : vector<16xf32> to vector<1x16xf32>
        tpu.vector_store %arg6[%swap3A_278, %swap3A_279], %swap3A_282 {add = true, strides = array<i32>} : memref<16x1024xf32, #tpu.memory_space<vmem>>, vector<1x16xf32>,
        %swap3A_283 = arith.index_cast %cond3A_80 : i32 to index
        %swap3A_284 = arith.constant 464 : index
        %swap3A_285 = tpu.vector_load %arg6[%swap3A_283, %swap3A_284] {strides = array<i32>} : memref<16x1024xf32, #tpu.memory_space<vmem>>, vector<1x16xf32>,
        %swap3A_286 = vector.shape_cast %swap3A_285 : vector<1x16xf32> to vector<16xf32>
        %swap3A_287 = vector.shape_cast %scan3A_137#29 : vector<16xf32> to vector<1x16xf32>
        tpu.vector_store %arg6[%swap3A_283, %swap3A_284], %swap3A_287 {add = true, strides = array<i32>} : memref<16x1024xf32, #tpu.memory_space<vmem>>, vector<1x16xf32>,
        %swap3A_288 = arith.index_cast %cond3A_80 : i32 to index
        %swap3A_289 = arith.constant 480 : index
        %swap3A_290 = tpu.vector_load %arg6[%swap3A_288, %swap3A_289] {strides = array<i32>} : memref<16x1024xf32, #tpu.memory_space<vmem>>, vector<1x16xf32>,
        %swap3A_291 = vector.shape_cast %swap3A_290 : vector<1x16xf32> to vector<16xf32>
        %swap3A_292 = vector.shape_cast %scan3A_137#30 : vector<16xf32> to vector<1x16xf32>
        tpu.vector_store %arg6[%swap3A_288, %swap3A_289], %swap3A_292 {add = true, strides = array<i32>} : memref<16x1024xf32, #tpu.memory_space<vmem>>, vector<1x16xf32>,
        %swap3A_293 = arith.index_cast %cond3A_80 : i32 to index
        %swap3A_294 = arith.constant 496 : index
        %swap3A_295 = tpu.vector_load %arg6[%swap3A_293, %swap3A_294] {strides = array<i32>} : memref<16x1024xf32, #tpu.memory_space<vmem>>, vector<1x16xf32>,
        %swap3A_296 = vector.shape_cast %swap3A_295 : vector<1x16xf32> to vector<16xf32>
        %swap3A_297 = vector.shape_cast %scan3A_137#31 : vector<16xf32> to vector<1x16xf32>
        tpu.vector_store %arg6[%swap3A_293, %swap3A_294], %swap3A_297 {add = true, strides = array<i32>} : memref<16x1024xf32, #tpu.memory_space<vmem>>, vector<1x16xf32>,
        %scan3A_298 = arith.constant 0 : i32
        %scan3A_299 = arith.constant 32 : i32
        %scan3A_300 = arith.addi %scan3A_298, %scan3A_299 : i32
        %scan3A_301 = arith.constant 1 : i32
        %scan3A_302:32 = scf.for %scan3A_464 = %scan3A_298 to %scan3A_300 step %scan3A_301 iter_args(%scan3A_465 = %broadcast_in_dim3A_10, %scan3A_466 = %broadcast_in_dim3A_10, %scan3A_467 = %broadcast_in_dim3A_10, %scan3A_468 = %broadcast_in_dim3A_10, %scan3A_469 = %broadcast_in_dim3A_10, %scan3A_470 = %broadcast_in_dim3A_10, %scan3A_471 = %broadcast_in_dim3A_10, %scan3A_472 = %broadcast_in_dim3A_10, %scan3A_473 = %broadcast_in_dim3A_10, %scan3A_474 = %broadcast_in_dim3A_10, %scan3A_475 = %broadcast_in_dim3A_10, %scan3A_476 = %broadcast_in_dim3A_10, %scan3A_477 = %broadcast_in_dim3A_10, %scan3A_478 = %broadcast_in_dim3A_10, %scan3A_479 = %broadcast_in_dim3A_10, %scan3A_480 = %broadcast_in_dim3A_10, %scan3A_481 = %broadcast_in_dim3A_10, %scan3A_482 = %broadcast_in_dim3A_10, %scan3A_483 = %broadcast_in_dim3A_10, %scan3A_484 = %broadcast_in_dim3A_10, %scan3A_485 = %broadcast_in_dim3A_10, %scan3A_486 = %broadcast_in_dim3A_10, %scan3A_487 = %broadcast_in_dim3A_10, %scan3A_488 = %broadcast_in_dim3A_10, %scan3A_489 = %broadcast_in_dim3A_10, %scan3A_490 = %broadcast_in_dim3A_10, %scan3A_491 = %broadcast_in_dim3A_10, %scan3A_492 = %broadcast_in_dim3A_10, %scan3A_493 = %broadcast_in_dim3A_10, %scan3A_494 = %broadcast_in_dim3A_10, %scan3A_495 = %broadcast_in_dim3A_10, %scan3A_496 = %broadcast_in_dim3A_10) -> (vector<16xf32>, vector<16xf32>, vector<16xf32>, vector<16xf32>, vector<16xf32>, vector<16xf32>, vector<16xf32>, vector<16xf32>, vector<16xf32>, vector<16xf32>, vector<16xf32>, vector<16xf32>, vector<16xf32>, vector<16xf32>, vector<16xf32>, vector<16xf32>, vector<16xf32>, vector<16xf32>, vector<16xf32>, vector<16xf32>, vector<16xf32>, vector<16xf32>, vector<16xf32>, vector<16xf32>, vector<16xf32>, vector<16xf32>, vector<16xf32>, vector<16xf32>, vector<16xf32>, vector<16xf32>, vector<16xf32>, vector<16xf32>)  : i32 {
          %get3A_497 = arith.constant 1 : i32
          %get3A_498 = arith.index_cast %get3A_497 : i32 to index
          %get3A_499 = arith.index_cast %scan3A_464 : i32 to index
          %get3A_500 = arith.constant 512 : index
          %get3A_501 = tpu.vector_load %arg7[%get3A_498, %get3A_499, %get3A_500] {strides = array<i32>} : memref<2x32x1024xf32, #tpu.memory_space<vmem>>, vector<1x1x16xf32>,
          %get3A_502 = vector.shape_cast %get3A_501 : vector<1x1x16xf32> to vector<16xf32>
          %add3A_503 = arith.addf %scan3A_465, %get3A_502 : vector<16xf32>
          %get3A_504 = arith.constant 1 : i32
          %get3A_505 = arith.index_cast %get3A_504 : i32 to index
          %get3A_506 = arith.index_cast %scan3A_464 : i32 to index
          %get3A_507 = arith.constant 528 : index
          %get3A_508 = tpu.vector_load %arg7[%get3A_505, %get3A_506, %get3A_507] {strides = array<i32>} : memref<2x32x1024xf32, #tpu.memory_space<vmem>>, vector<1x1x16xf32>,
          %get3A_509 = vector.shape_cast %get3A_508 : vector<1x1x16xf32> to vector<16xf32>
          %add3A_510 = arith.addf %scan3A_466, %get3A_509 : vector<16xf32>
          %get3A_511 = arith.constant 1 : i32
          %get3A_512 = arith.index_cast %get3A_511 : i32 to index
          %get3A_513 = arith.index_cast %scan3A_464 : i32 to index
          %get3A_514 = arith.constant 544 : index
          %get3A_515 = tpu.vector_load %arg7[%get3A_512, %get3A_513, %get3A_514] {strides = array<i32>} : memref<2x32x1024xf32, #tpu.memory_space<vmem>>, vector<1x1x16xf32>,
          %get3A_516 = vector.shape_cast %get3A_515 : vector<1x1x16xf32> to vector<16xf32>
          %add3A_517 = arith.addf %scan3A_467, %get3A_516 : vector<16xf32>
          %get3A_518 = arith.constant 1 : i32
          %get3A_519 = arith.index_cast %get3A_518 : i32 to index
          %get3A_520 = arith.index_cast %scan3A_464 : i32 to index
          %get3A_521 = arith.constant 560 : index
          %get3A_522 = tpu.vector_load %arg7[%get3A_519, %get3A_520, %get3A_521] {strides = array<i32>} : memref<2x32x1024xf32, #tpu.memory_space<vmem>>, vector<1x1x16xf32>,
          %get3A_523 = vector.shape_cast %get3A_522 : vector<1x1x16xf32> to vector<16xf32>
          %add3A_524 = arith.addf %scan3A_468, %get3A_523 : vector<16xf32>
          %get3A_525 = arith.constant 1 : i32
          %get3A_526 = arith.index_cast %get3A_525 : i32 to index
          %get3A_527 = arith.index_cast %scan3A_464 : i32 to index
          %get3A_528 = arith.constant 576 : index
          %get3A_529 = tpu.vector_load %arg7[%get3A_526, %get3A_527, %get3A_528] {strides = array<i32>} : memref<2x32x1024xf32, #tpu.memory_space<vmem>>, vector<1x1x16xf32>,
          %get3A_530 = vector.shape_cast %get3A_529 : vector<1x1x16xf32> to vector<16xf32>
          %add3A_531 = arith.addf %scan3A_469, %get3A_530 : vector<16xf32>
          %get3A_532 = arith.constant 1 : i32
          %get3A_533 = arith.index_cast %get3A_532 : i32 to index
          %get3A_534 = arith.index_cast %scan3A_464 : i32 to index
          %get3A_535 = arith.constant 592 : index
          %get3A_536 = tpu.vector_load %arg7[%get3A_533, %get3A_534, %get3A_535] {strides = array<i32>} : memref<2x32x1024xf32, #tpu.memory_space<vmem>>, vector<1x1x16xf32>,
          %get3A_537 = vector.shape_cast %get3A_536 : vector<1x1x16xf32> to vector<16xf32>
          %add3A_538 = arith.addf %scan3A_470, %get3A_537 : vector<16xf32>
          %get3A_539 = arith.constant 1 : i32
          %get3A_540 = arith.index_cast %get3A_539 : i32 to index
          %get3A_541 = arith.index_cast %scan3A_464 : i32 to index
          %get3A_542 = arith.constant 608 : index
          %get3A_543 = tpu.vector_load %arg7[%get3A_540, %get3A_541, %get3A_542] {strides = array<i32>} : memref<2x32x1024xf32, #tpu.memory_space<vmem>>, vector<1x1x16xf32>,
          %get3A_544 = vector.shape_cast %get3A_543 : vector<1x1x16xf32> to vector<16xf32>
          %add3A_545 = arith.addf %scan3A_471, %get3A_544 : vector<16xf32>
          %get3A_546 = arith.constant 1 : i32
          %get3A_547 = arith.index_cast %get3A_546 : i32 to index
          %get3A_548 = arith.index_cast %scan3A_464 : i32 to index
          %get3A_549 = arith.constant 624 : index
          %get3A_550 = tpu.vector_load %arg7[%get3A_547, %get3A_548, %get3A_549] {strides = array<i32>} : memref<2x32x1024xf32, #tpu.memory_space<vmem>>, vector<1x1x16xf32>,
          %get3A_551 = vector.shape_cast %get3A_550 : vector<1x1x16xf32> to vector<16xf32>
          %add3A_552 = arith.addf %scan3A_472, %get3A_551 : vector<16xf32>
          %get3A_553 = arith.constant 1 : i32
          %get3A_554 = arith.index_cast %get3A_553 : i32 to index
          %get3A_555 = arith.index_cast %scan3A_464 : i32 to index
          %get3A_556 = arith.constant 640 : index
          %get3A_557 = tpu.vector_load %arg7[%get3A_554, %get3A_555, %get3A_556] {strides = array<i32>} : memref<2x32x1024xf32, #tpu.memory_space<vmem>>, vector<1x1x16xf32>,
          %get3A_558 = vector.shape_cast %get3A_557 : vector<1x1x16xf32> to vector<16xf32>
          %add3A_559 = arith.addf %scan3A_473, %get3A_558 : vector<16xf32>
          %get3A_560 = arith.constant 1 : i32
          %get3A_561 = arith.index_cast %get3A_560 : i32 to index
          %get3A_562 = arith.index_cast %scan3A_464 : i32 to index
          %get3A_563 = arith.constant 656 : index
          %get3A_564 = tpu.vector_load %arg7[%get3A_561, %get3A_562, %get3A_563] {strides = array<i32>} : memref<2x32x1024xf32, #tpu.memory_space<vmem>>, vector<1x1x16xf32>,
          %get3A_565 = vector.shape_cast %get3A_564 : vector<1x1x16xf32> to vector<16xf32>
          %add3A_566 = arith.addf %scan3A_474, %get3A_565 : vector<16xf32>
          %get3A_567 = arith.constant 1 : i32
          %get3A_568 = arith.index_cast %get3A_567 : i32 to index
          %get3A_569 = arith.index_cast %scan3A_464 : i32 to index
          %get3A_570 = arith.constant 672 : index
          %get3A_571 = tpu.vector_load %arg7[%get3A_568, %get3A_569, %get3A_570] {strides = array<i32>} : memref<2x32x1024xf32, #tpu.memory_space<vmem>>, vector<1x1x16xf32>,
          %get3A_572 = vector.shape_cast %get3A_571 : vector<1x1x16xf32> to vector<16xf32>
          %add3A_573 = arith.addf %scan3A_475, %get3A_572 : vector<16xf32>
          %get3A_574 = arith.constant 1 : i32
          %get3A_575 = arith.index_cast %get3A_574 : i32 to index
          %get3A_576 = arith.index_cast %scan3A_464 : i32 to index
          %get3A_577 = arith.constant 688 : index
          %get3A_578 = tpu.vector_load %arg7[%get3A_575, %get3A_576, %get3A_577] {strides = array<i32>} : memref<2x32x1024xf32, #tpu.memory_space<vmem>>, vector<1x1x16xf32>,
          %get3A_579 = vector.shape_cast %get3A_578 : vector<1x1x16xf32> to vector<16xf32>
          %add3A_580 = arith.addf %scan3A_476, %get3A_579 : vector<16xf32>
          %get3A_581 = arith.constant 1 : i32
          %get3A_582 = arith.index_cast %get3A_581 : i32 to index
          %get3A_583 = arith.index_cast %scan3A_464 : i32 to index
          %get3A_584 = arith.constant 704 : index
          %get3A_585 = tpu.vector_load %arg7[%get3A_582, %get3A_583, %get3A_584] {strides = array<i32>} : memref<2x32x1024xf32, #tpu.memory_space<vmem>>, vector<1x1x16xf32>,
          %get3A_586 = vector.shape_cast %get3A_585 : vector<1x1x16xf32> to vector<16xf32>
          %add3A_587 = arith.addf %scan3A_477, %get3A_586 : vector<16xf32>
          %get3A_588 = arith.constant 1 : i32
          %get3A_589 = arith.index_cast %get3A_588 : i32 to index
          %get3A_590 = arith.index_cast %scan3A_464 : i32 to index
          %get3A_591 = arith.constant 720 : index
          %get3A_592 = tpu.vector_load %arg7[%get3A_589, %get3A_590, %get3A_591] {strides = array<i32>} : memref<2x32x1024xf32, #tpu.memory_space<vmem>>, vector<1x1x16xf32>,
          %get3A_593 = vector.shape_cast %get3A_592 : vector<1x1x16xf32> to vector<16xf32>
          %add3A_594 = arith.addf %scan3A_478, %get3A_593 : vector<16xf32>
          %get3A_595 = arith.constant 1 : i32
          %get3A_596 = arith.index_cast %get3A_595 : i32 to index
          %get3A_597 = arith.index_cast %scan3A_464 : i32 to index
          %get3A_598 = arith.constant 736 : index
          %get3A_599 = tpu.vector_load %arg7[%get3A_596, %get3A_597, %get3A_598] {strides = array<i32>} : memref<2x32x1024xf32, #tpu.memory_space<vmem>>, vector<1x1x16xf32>,
          %get3A_600 = vector.shape_cast %get3A_599 : vector<1x1x16xf32> to vector<16xf32>
          %add3A_601 = arith.addf %scan3A_479, %get3A_600 : vector<16xf32>
          %get3A_602 = arith.constant 1 : i32
          %get3A_603 = arith.index_cast %get3A_602 : i32 to index
          %get3A_604 = arith.index_cast %scan3A_464 : i32 to index
          %get3A_605 = arith.constant 752 : index
          %get3A_606 = tpu.vector_load %arg7[%get3A_603, %get3A_604, %get3A_605] {strides = array<i32>} : memref<2x32x1024xf32, #tpu.memory_space<vmem>>, vector<1x1x16xf32>,
          %get3A_607 = vector.shape_cast %get3A_606 : vector<1x1x16xf32> to vector<16xf32>
          %add3A_608 = arith.addf %scan3A_480, %get3A_607 : vector<16xf32>
          %get3A_609 = arith.constant 1 : i32
          %get3A_610 = arith.index_cast %get3A_609 : i32 to index
          %get3A_611 = arith.index_cast %scan3A_464 : i32 to index
          %get3A_612 = arith.constant 768 : index
          %get3A_613 = tpu.vector_load %arg7[%get3A_610, %get3A_611, %get3A_612] {strides = array<i32>} : memref<2x32x1024xf32, #tpu.memory_space<vmem>>, vector<1x1x16xf32>,
          %get3A_614 = vector.shape_cast %get3A_613 : vector<1x1x16xf32> to vector<16xf32>
          %add3A_615 = arith.addf %scan3A_481, %get3A_614 : vector<16xf32>
          %get3A_616 = arith.constant 1 : i32
          %get3A_617 = arith.index_cast %get3A_616 : i32 to index
          %get3A_618 = arith.index_cast %scan3A_464 : i32 to index
          %get3A_619 = arith.constant 784 : index
          %get3A_620 = tpu.vector_load %arg7[%get3A_617, %get3A_618, %get3A_619] {strides = array<i32>} : memref<2x32x1024xf32, #tpu.memory_space<vmem>>, vector<1x1x16xf32>,
          %get3A_621 = vector.shape_cast %get3A_620 : vector<1x1x16xf32> to vector<16xf32>
          %add3A_622 = arith.addf %scan3A_482, %get3A_621 : vector<16xf32>
          %get3A_623 = arith.constant 1 : i32
          %get3A_624 = arith.index_cast %get3A_623 : i32 to index
          %get3A_625 = arith.index_cast %scan3A_464 : i32 to index
          %get3A_626 = arith.constant 800 : index
          %get3A_627 = tpu.vector_load %arg7[%get3A_624, %get3A_625, %get3A_626] {strides = array<i32>} : memref<2x32x1024xf32, #tpu.memory_space<vmem>>, vector<1x1x16xf32>,
          %get3A_628 = vector.shape_cast %get3A_627 : vector<1x1x16xf32> to vector<16xf32>
          %add3A_629 = arith.addf %scan3A_483, %get3A_628 : vector<16xf32>
          %get3A_630 = arith.constant 1 : i32
          %get3A_631 = arith.index_cast %get3A_630 : i32 to index
          %get3A_632 = arith.index_cast %scan3A_464 : i32 to index
          %get3A_633 = arith.constant 816 : index
          %get3A_634 = tpu.vector_load %arg7[%get3A_631, %get3A_632, %get3A_633] {strides = array<i32>} : memref<2x32x1024xf32, #tpu.memory_space<vmem>>, vector<1x1x16xf32>,
          %get3A_635 = vector.shape_cast %get3A_634 : vector<1x1x16xf32> to vector<16xf32>
          %add3A_636 = arith.addf %scan3A_484, %get3A_635 : vector<16xf32>
          %get3A_637 = arith.constant 1 : i32
          %get3A_638 = arith.index_cast %get3A_637 : i32 to index
          %get3A_639 = arith.index_cast %scan3A_464 : i32 to index
          %get3A_640 = arith.constant 832 : index
          %get3A_641 = tpu.vector_load %arg7[%get3A_638, %get3A_639, %get3A_640] {strides = array<i32>} : memref<2x32x1024xf32, #tpu.memory_space<vmem>>, vector<1x1x16xf32>,
          %get3A_642 = vector.shape_cast %get3A_641 : vector<1x1x16xf32> to vector<16xf32>
          %add3A_643 = arith.addf %scan3A_485, %get3A_642 : vector<16xf32>
          %get3A_644 = arith.constant 1 : i32
          %get3A_645 = arith.index_cast %get3A_644 : i32 to index
          %get3A_646 = arith.index_cast %scan3A_464 : i32 to index
          %get3A_647 = arith.constant 848 : index
          %get3A_648 = tpu.vector_load %arg7[%get3A_645, %get3A_646, %get3A_647] {strides = array<i32>} : memref<2x32x1024xf32, #tpu.memory_space<vmem>>, vector<1x1x16xf32>,
          %get3A_649 = vector.shape_cast %get3A_648 : vector<1x1x16xf32> to vector<16xf32>
          %add3A_650 = arith.addf %scan3A_486, %get3A_649 : vector<16xf32>
          %get3A_651 = arith.constant 1 : i32
          %get3A_652 = arith.index_cast %get3A_651 : i32 to index
          %get3A_653 = arith.index_cast %scan3A_464 : i32 to index
          %get3A_654 = arith.constant 864 : index
          %get3A_655 = tpu.vector_load %arg7[%get3A_652, %get3A_653, %get3A_654] {strides = array<i32>} : memref<2x32x1024xf32, #tpu.memory_space<vmem>>, vector<1x1x16xf32>,
          %get3A_656 = vector.shape_cast %get3A_655 : vector<1x1x16xf32> to vector<16xf32>
          %add3A_657 = arith.addf %scan3A_487, %get3A_656 : vector<16xf32>
          %get3A_658 = arith.constant 1 : i32
          %get3A_659 = arith.index_cast %get3A_658 : i32 to index
          %get3A_660 = arith.index_cast %scan3A_464 : i32 to index
          %get3A_661 = arith.constant 880 : index
          %get3A_662 = tpu.vector_load %arg7[%get3A_659, %get3A_660, %get3A_661] {strides = array<i32>} : memref<2x32x1024xf32, #tpu.memory_space<vmem>>, vector<1x1x16xf32>,
          %get3A_663 = vector.shape_cast %get3A_662 : vector<1x1x16xf32> to vector<16xf32>
          %add3A_664 = arith.addf %scan3A_488, %get3A_663 : vector<16xf32>
          %get3A_665 = arith.constant 1 : i32
          %get3A_666 = arith.index_cast %get3A_665 : i32 to index
          %get3A_667 = arith.index_cast %scan3A_464 : i32 to index
          %get3A_668 = arith.constant 896 : index
          %get3A_669 = tpu.vector_load %arg7[%get3A_666, %get3A_667, %get3A_668] {strides = array<i32>} : memref<2x32x1024xf32, #tpu.memory_space<vmem>>, vector<1x1x16xf32>,
          %get3A_670 = vector.shape_cast %get3A_669 : vector<1x1x16xf32> to vector<16xf32>
          %add3A_671 = arith.addf %scan3A_489, %get3A_670 : vector<16xf32>
          %get3A_672 = arith.constant 1 : i32
          %get3A_673 = arith.index_cast %get3A_672 : i32 to index
          %get3A_674 = arith.index_cast %scan3A_464 : i32 to index
          %get3A_675 = arith.constant 912 : index
          %get3A_676 = tpu.vector_load %arg7[%get3A_673, %get3A_674, %get3A_675] {strides = array<i32>} : memref<2x32x1024xf32, #tpu.memory_space<vmem>>, vector<1x1x16xf32>,
          %get3A_677 = vector.shape_cast %get3A_676 : vector<1x1x16xf32> to vector<16xf32>
          %add3A_678 = arith.addf %scan3A_490, %get3A_677 : vector<16xf32>
          %get3A_679 = arith.constant 1 : i32
          %get3A_680 = arith.index_cast %get3A_679 : i32 to index
          %get3A_681 = arith.index_cast %scan3A_464 : i32 to index
          %get3A_682 = arith.constant 928 : index
          %get3A_683 = tpu.vector_load %arg7[%get3A_680, %get3A_681, %get3A_682] {strides = array<i32>} : memref<2x32x1024xf32, #tpu.memory_space<vmem>>, vector<1x1x16xf32>,
          %get3A_684 = vector.shape_cast %get3A_683 : vector<1x1x16xf32> to vector<16xf32>
          %add3A_685 = arith.addf %scan3A_491, %get3A_684 : vector<16xf32>
          %get3A_686 = arith.constant 1 : i32
          %get3A_687 = arith.index_cast %get3A_686 : i32 to index
          %get3A_688 = arith.index_cast %scan3A_464 : i32 to index
          %get3A_689 = arith.constant 944 : index
          %get3A_690 = tpu.vector_load %arg7[%get3A_687, %get3A_688, %get3A_689] {strides = array<i32>} : memref<2x32x1024xf32, #tpu.memory_space<vmem>>, vector<1x1x16xf32>,
          %get3A_691 = vector.shape_cast %get3A_690 : vector<1x1x16xf32> to vector<16xf32>
          %add3A_692 = arith.addf %scan3A_492, %get3A_691 : vector<16xf32>
          %get3A_693 = arith.constant 1 : i32
          %get3A_694 = arith.index_cast %get3A_693 : i32 to index
          %get3A_695 = arith.index_cast %scan3A_464 : i32 to index
          %get3A_696 = arith.constant 960 : index
          %get3A_697 = tpu.vector_load %arg7[%get3A_694, %get3A_695, %get3A_696] {strides = array<i32>} : memref<2x32x1024xf32, #tpu.memory_space<vmem>>, vector<1x1x16xf32>,
          %get3A_698 = vector.shape_cast %get3A_697 : vector<1x1x16xf32> to vector<16xf32>
          %add3A_699 = arith.addf %scan3A_493, %get3A_698 : vector<16xf32>
          %get3A_700 = arith.constant 1 : i32
          %get3A_701 = arith.index_cast %get3A_700 : i32 to index
          %get3A_702 = arith.index_cast %scan3A_464 : i32 to index
          %get3A_703 = arith.constant 976 : index
          %get3A_704 = tpu.vector_load %arg7[%get3A_701, %get3A_702, %get3A_703] {strides = array<i32>} : memref<2x32x1024xf32, #tpu.memory_space<vmem>>, vector<1x1x16xf32>,
          %get3A_705 = vector.shape_cast %get3A_704 : vector<1x1x16xf32> to vector<16xf32>
          %add3A_706 = arith.addf %scan3A_494, %get3A_705 : vector<16xf32>
          %get3A_707 = arith.constant 1 : i32
          %get3A_708 = arith.index_cast %get3A_707 : i32 to index
          %get3A_709 = arith.index_cast %scan3A_464 : i32 to index
          %get3A_710 = arith.constant 992 : index
          %get3A_711 = tpu.vector_load %arg7[%get3A_708, %get3A_709, %get3A_710] {strides = array<i32>} : memref<2x32x1024xf32, #tpu.memory_space<vmem>>, vector<1x1x16xf32>,
          %get3A_712 = vector.shape_cast %get3A_711 : vector<1x1x16xf32> to vector<16xf32>
          %add3A_713 = arith.addf %scan3A_495, %get3A_712 : vector<16xf32>
          %get3A_714 = arith.constant 1 : i32
          %get3A_715 = arith.index_cast %get3A_714 : i32 to index
          %get3A_716 = arith.index_cast %scan3A_464 : i32 to index
          %get3A_717 = arith.constant 1008 : index
          %get3A_718 = tpu.vector_load %arg7[%get3A_715, %get3A_716, %get3A_717] {strides = array<i32>} : memref<2x32x1024xf32, #tpu.memory_space<vmem>>, vector<1x1x16xf32>,
          %get3A_719 = vector.shape_cast %get3A_718 : vector<1x1x16xf32> to vector<16xf32>
          %add3A_720 = arith.addf %scan3A_496, %get3A_719 : vector<16xf32>
          scf.yield %add3A_503, %add3A_510, %add3A_517, %add3A_524, %add3A_531, %add3A_538, %add3A_545, %add3A_552, %add3A_559, %add3A_566, %add3A_573, %add3A_580, %add3A_587, %add3A_594, %add3A_601, %add3A_608, %add3A_615, %add3A_622, %add3A_629, %add3A_636, %add3A_643, %add3A_650, %add3A_657, %add3A_664, %add3A_671, %add3A_678, %add3A_685, %add3A_692, %add3A_699, %add3A_706, %add3A_713, %add3A_720 : vector<16xf32>, vector<16xf32>, vector<16xf32>, vector<16xf32>, vector<16xf32>, vector<16xf32>, vector<16xf32>, vector<16xf32>, vector<16xf32>, vector<16xf32>, vector<16xf32>, vector<16xf32>, vector<16xf32>, vector<16xf32>, vector<16xf32>, vector<16xf32>, vector<16xf32>, vector<16xf32>, vector<16xf32>, vector<16xf32>, vector<16xf32>, vector<16xf32>, vector<16xf32>, vector<16xf32>, vector<16xf32>, vector<16xf32>, vector<16xf32>, vector<16xf32>, vector<16xf32>, vector<16xf32>, vector<16xf32>, vector<16xf32>
        }
        %scan3A_303 = arith.constant 32 : i32
        %swap3A_304 = arith.index_cast %cond3A_80 : i32 to index
        %swap3A_305 = arith.constant 512 : index
        %swap3A_306 = tpu.vector_load %arg6[%swap3A_304, %swap3A_305] {strides = array<i32>} : memref<16x1024xf32, #tpu.memory_space<vmem>>, vector<1x16xf32>,
        %swap3A_307 = vector.shape_cast %swap3A_306 : vector<1x16xf32> to vector<16xf32>
        %swap3A_308 = vector.shape_cast %scan3A_302#0 : vector<16xf32> to vector<1x16xf32>
        tpu.vector_store %arg6[%swap3A_304, %swap3A_305], %swap3A_308 {add = true, strides = array<i32>} : memref<16x1024xf32, #tpu.memory_space<vmem>>, vector<1x16xf32>,
        %swap3A_309 = arith.index_cast %cond3A_80 : i32 to index
        %swap3A_310 = arith.constant 528 : index
        %swap3A_311 = tpu.vector_load %arg6[%swap3A_309, %swap3A_310] {strides = array<i32>} : memref<16x1024xf32, #tpu.memory_space<vmem>>, vector<1x16xf32>,
        %swap3A_312 = vector.shape_cast %swap3A_311 : vector<1x16xf32> to vector<16xf32>
        %swap3A_313 = vector.shape_cast %scan3A_302#1 : vector<16xf32> to vector<1x16xf32>
        tpu.vector_store %arg6[%swap3A_309, %swap3A_310], %swap3A_313 {add = true, strides = array<i32>} : memref<16x1024xf32, #tpu.memory_space<vmem>>, vector<1x16xf32>,
        %swap3A_314 = arith.index_cast %cond3A_80 : i32 to index
        %swap3A_315 = arith.constant 544 : index
        %swap3A_316 = tpu.vector_load %arg6[%swap3A_314, %swap3A_315] {strides = array<i32>} : memref<16x1024xf32, #tpu.memory_space<vmem>>, vector<1x16xf32>,
        %swap3A_317 = vector.shape_cast %swap3A_316 : vector<1x16xf32> to vector<16xf32>
        %swap3A_318 = vector.shape_cast %scan3A_302#2 : vector<16xf32> to vector<1x16xf32>
        tpu.vector_store %arg6[%swap3A_314, %swap3A_315], %swap3A_318 {add = true, strides = array<i32>} : memref<16x1024xf32, #tpu.memory_space<vmem>>, vector<1x16xf32>,
        %swap3A_319 = arith.index_cast %cond3A_80 : i32 to index
        %swap3A_320 = arith.constant 560 : index
        %swap3A_321 = tpu.vector_load %arg6[%swap3A_319, %swap3A_320] {strides = array<i32>} : memref<16x1024xf32, #tpu.memory_space<vmem>>, vector<1x16xf32>,
        %swap3A_322 = vector.shape_cast %swap3A_321 : vector<1x16xf32> to vector<16xf32>
        %swap3A_323 = vector.shape_cast %scan3A_302#3 : vector<16xf32> to vector<1x16xf32>
        tpu.vector_store %arg6[%swap3A_319, %swap3A_320], %swap3A_323 {add = true, strides = array<i32>} : memref<16x1024xf32, #tpu.memory_space<vmem>>, vector<1x16xf32>,
        %swap3A_324 = arith.index_cast %cond3A_80 : i32 to index
        %swap3A_325 = arith.constant 576 : index
        %swap3A_326 = tpu.vector_load %arg6[%swap3A_324, %swap3A_325] {strides = array<i32>} : memref<16x1024xf32, #tpu.memory_space<vmem>>, vector<1x16xf32>,
        %swap3A_327 = vector.shape_cast %swap3A_326 : vector<1x16xf32> to vector<16xf32>
        %swap3A_328 = vector.shape_cast %scan3A_302#4 : vector<16xf32> to vector<1x16xf32>
        tpu.vector_store %arg6[%swap3A_324, %swap3A_325], %swap3A_328 {add = true, strides = array<i32>} : memref<16x1024xf32, #tpu.memory_space<vmem>>, vector<1x16xf32>,
        %swap3A_329 = arith.index_cast %cond3A_80 : i32 to index
        %swap3A_330 = arith.constant 592 : index
        %swap3A_331 = tpu.vector_load %arg6[%swap3A_329, %swap3A_330] {strides = array<i32>} : memref<16x1024xf32, #tpu.memory_space<vmem>>, vector<1x16xf32>,
        %swap3A_332 = vector.shape_cast %swap3A_331 : vector<1x16xf32> to vector<16xf32>
        %swap3A_333 = vector.shape_cast %scan3A_302#5 : vector<16xf32> to vector<1x16xf32>
        tpu.vector_store %arg6[%swap3A_329, %swap3A_330], %swap3A_333 {add = true, strides = array<i32>} : memref<16x1024xf32, #tpu.memory_space<vmem>>, vector<1x16xf32>,
        %swap3A_334 = arith.index_cast %cond3A_80 : i32 to index
        %swap3A_335 = arith.constant 608 : index
        %swap3A_336 = tpu.vector_load %arg6[%swap3A_334, %swap3A_335] {strides = array<i32>} : memref<16x1024xf32, #tpu.memory_space<vmem>>, vector<1x16xf32>,
        %swap3A_337 = vector.shape_cast %swap3A_336 : vector<1x16xf32> to vector<16xf32>
        %swap3A_338 = vector.shape_cast %scan3A_302#6 : vector<16xf32> to vector<1x16xf32>
        tpu.vector_store %arg6[%swap3A_334, %swap3A_335], %swap3A_338 {add = true, strides = array<i32>} : memref<16x1024xf32, #tpu.memory_space<vmem>>, vector<1x16xf32>,
        %swap3A_339 = arith.index_cast %cond3A_80 : i32 to index
        %swap3A_340 = arith.constant 624 : index
        %swap3A_341 = tpu.vector_load %arg6[%swap3A_339, %swap3A_340] {strides = array<i32>} : memref<16x1024xf32, #tpu.memory_space<vmem>>, vector<1x16xf32>,
        %swap3A_342 = vector.shape_cast %swap3A_341 : vector<1x16xf32> to vector<16xf32>
        %swap3A_343 = vector.shape_cast %scan3A_302#7 : vector<16xf32> to vector<1x16xf32>
        tpu.vector_store %arg6[%swap3A_339, %swap3A_340], %swap3A_343 {add = true, strides = array<i32>} : memref<16x1024xf32, #tpu.memory_space<vmem>>, vector<1x16xf32>,
        %swap3A_344 = arith.index_cast %cond3A_80 : i32 to index
        %swap3A_345 = arith.constant 640 : index
        %swap3A_346 = tpu.vector_load %arg6[%swap3A_344, %swap3A_345] {strides = array<i32>} : memref<16x1024xf32, #tpu.memory_space<vmem>>, vector<1x16xf32>,
        %swap3A_347 = vector.shape_cast %swap3A_346 : vector<1x16xf32> to vector<16xf32>
        %swap3A_348 = vector.shape_cast %scan3A_302#8 : vector<16xf32> to vector<1x16xf32>
        tpu.vector_store %arg6[%swap3A_344, %swap3A_345], %swap3A_348 {add = true, strides = array<i32>} : memref<16x1024xf32, #tpu.memory_space<vmem>>, vector<1x16xf32>,
        %swap3A_349 = arith.index_cast %cond3A_80 : i32 to index
        %swap3A_350 = arith.constant 656 : index
        %swap3A_351 = tpu.vector_load %arg6[%swap3A_349, %swap3A_350] {strides = array<i32>} : memref<16x1024xf32, #tpu.memory_space<vmem>>, vector<1x16xf32>,
        %swap3A_352 = vector.shape_cast %swap3A_351 : vector<1x16xf32> to vector<16xf32>
        %swap3A_353 = vector.shape_cast %scan3A_302#9 : vector<16xf32> to vector<1x16xf32>
        tpu.vector_store %arg6[%swap3A_349, %swap3A_350], %swap3A_353 {add = true, strides = array<i32>} : memref<16x1024xf32, #tpu.memory_space<vmem>>, vector<1x16xf32>,
        %swap3A_354 = arith.index_cast %cond3A_80 : i32 to index
        %swap3A_355 = arith.constant 672 : index
        %swap3A_356 = tpu.vector_load %arg6[%swap3A_354, %swap3A_355] {strides = array<i32>} : memref<16x1024xf32, #tpu.memory_space<vmem>>, vector<1x16xf32>,
        %swap3A_357 = vector.shape_cast %swap3A_356 : vector<1x16xf32> to vector<16xf32>
        %swap3A_358 = vector.shape_cast %scan3A_302#10 : vector<16xf32> to vector<1x16xf32>
        tpu.vector_store %arg6[%swap3A_354, %swap3A_355], %swap3A_358 {add = true, strides = array<i32>} : memref<16x1024xf32, #tpu.memory_space<vmem>>, vector<1x16xf32>,
        %swap3A_359 = arith.index_cast %cond3A_80 : i32 to index
        %swap3A_360 = arith.constant 688 : index
        %swap3A_361 = tpu.vector_load %arg6[%swap3A_359, %swap3A_360] {strides = array<i32>} : memref<16x1024xf32, #tpu.memory_space<vmem>>, vector<1x16xf32>,
        %swap3A_362 = vector.shape_cast %swap3A_361 : vector<1x16xf32> to vector<16xf32>
        %swap3A_363 = vector.shape_cast %scan3A_302#11 : vector<16xf32> to vector<1x16xf32>
        tpu.vector_store %arg6[%swap3A_359, %swap3A_360], %swap3A_363 {add = true, strides = array<i32>} : memref<16x1024xf32, #tpu.memory_space<vmem>>, vector<1x16xf32>,
        %swap3A_364 = arith.index_cast %cond3A_80 : i32 to index
        %swap3A_365 = arith.constant 704 : index
        %swap3A_366 = tpu.vector_load %arg6[%swap3A_364, %swap3A_365] {strides = array<i32>} : memref<16x1024xf32, #tpu.memory_space<vmem>>, vector<1x16xf32>,
        %swap3A_367 = vector.shape_cast %swap3A_366 : vector<1x16xf32> to vector<16xf32>
        %swap3A_368 = vector.shape_cast %scan3A_302#12 : vector<16xf32> to vector<1x16xf32>
        tpu.vector_store %arg6[%swap3A_364, %swap3A_365], %swap3A_368 {add = true, strides = array<i32>} : memref<16x1024xf32, #tpu.memory_space<vmem>>, vector<1x16xf32>,
        %swap3A_369 = arith.index_cast %cond3A_80 : i32 to index
        %swap3A_370 = arith.constant 720 : index
        %swap3A_371 = tpu.vector_load %arg6[%swap3A_369, %swap3A_370] {strides = array<i32>} : memref<16x1024xf32, #tpu.memory_space<vmem>>, vector<1x16xf32>,
        %swap3A_372 = vector.shape_cast %swap3A_371 : vector<1x16xf32> to vector<16xf32>
        %swap3A_373 = vector.shape_cast %scan3A_302#13 : vector<16xf32> to vector<1x16xf32>
        tpu.vector_store %arg6[%swap3A_369, %swap3A_370], %swap3A_373 {add = true, strides = array<i32>} : memref<16x1024xf32, #tpu.memory_space<vmem>>, vector<1x16xf32>,
        %swap3A_374 = arith.index_cast %cond3A_80 : i32 to index
        %swap3A_375 = arith.constant 736 : index
        %swap3A_376 = tpu.vector_load %arg6[%swap3A_374, %swap3A_375] {strides = array<i32>} : memref<16x1024xf32, #tpu.memory_space<vmem>>, vector<1x16xf32>,
        %swap3A_377 = vector.shape_cast %swap3A_376 : vector<1x16xf32> to vector<16xf32>
        %swap3A_378 = vector.shape_cast %scan3A_302#14 : vector<16xf32> to vector<1x16xf32>
        tpu.vector_store %arg6[%swap3A_374, %swap3A_375], %swap3A_378 {add = true, strides = array<i32>} : memref<16x1024xf32, #tpu.memory_space<vmem>>, vector<1x16xf32>,
        %swap3A_379 = arith.index_cast %cond3A_80 : i32 to index
        %swap3A_380 = arith.constant 752 : index
        %swap3A_381 = tpu.vector_load %arg6[%swap3A_379, %swap3A_380] {strides = array<i32>} : memref<16x1024xf32, #tpu.memory_space<vmem>>, vector<1x16xf32>,
        %swap3A_382 = vector.shape_cast %swap3A_381 : vector<1x16xf32> to vector<16xf32>
        %swap3A_383 = vector.shape_cast %scan3A_302#15 : vector<16xf32> to vector<1x16xf32>
        tpu.vector_store %arg6[%swap3A_379, %swap3A_380], %swap3A_383 {add = true, strides = array<i32>} : memref<16x1024xf32, #tpu.memory_space<vmem>>, vector<1x16xf32>,
        %swap3A_384 = arith.index_cast %cond3A_80 : i32 to index
        %swap3A_385 = arith.constant 768 : index
        %swap3A_386 = tpu.vector_load %arg6[%swap3A_384, %swap3A_385] {strides = array<i32>} : memref<16x1024xf32, #tpu.memory_space<vmem>>, vector<1x16xf32>,
        %swap3A_387 = vector.shape_cast %swap3A_386 : vector<1x16xf32> to vector<16xf32>
        %swap3A_388 = vector.shape_cast %scan3A_302#16 : vector<16xf32> to vector<1x16xf32>
        tpu.vector_store %arg6[%swap3A_384, %swap3A_385], %swap3A_388 {add = true, strides = array<i32>} : memref<16x1024xf32, #tpu.memory_space<vmem>>, vector<1x16xf32>,
        %swap3A_389 = arith.index_cast %cond3A_80 : i32 to index
        %swap3A_390 = arith.constant 784 : index
        %swap3A_391 = tpu.vector_load %arg6[%swap3A_389, %swap3A_390] {strides = array<i32>} : memref<16x1024xf32, #tpu.memory_space<vmem>>, vector<1x16xf32>,
        %swap3A_392 = vector.shape_cast %swap3A_391 : vector<1x16xf32> to vector<16xf32>
        %swap3A_393 = vector.shape_cast %scan3A_302#17 : vector<16xf32> to vector<1x16xf32>
        tpu.vector_store %arg6[%swap3A_389, %swap3A_390], %swap3A_393 {add = true, strides = array<i32>} : memref<16x1024xf32, #tpu.memory_space<vmem>>, vector<1x16xf32>,
        %swap3A_394 = arith.index_cast %cond3A_80 : i32 to index
        %swap3A_395 = arith.constant 800 : index
        %swap3A_396 = tpu.vector_load %arg6[%swap3A_394, %swap3A_395] {strides = array<i32>} : memref<16x1024xf32, #tpu.memory_space<vmem>>, vector<1x16xf32>,
        %swap3A_397 = vector.shape_cast %swap3A_396 : vector<1x16xf32> to vector<16xf32>
        %swap3A_398 = vector.shape_cast %scan3A_302#18 : vector<16xf32> to vector<1x16xf32>
        tpu.vector_store %arg6[%swap3A_394, %swap3A_395], %swap3A_398 {add = true, strides = array<i32>} : memref<16x1024xf32, #tpu.memory_space<vmem>>, vector<1x16xf32>,
        %swap3A_399 = arith.index_cast %cond3A_80 : i32 to index
        %swap3A_400 = arith.constant 816 : index
        %swap3A_401 = tpu.vector_load %arg6[%swap3A_399, %swap3A_400] {strides = array<i32>} : memref<16x1024xf32, #tpu.memory_space<vmem>>, vector<1x16xf32>,
        %swap3A_402 = vector.shape_cast %swap3A_401 : vector<1x16xf32> to vector<16xf32>
        %swap3A_403 = vector.shape_cast %scan3A_302#19 : vector<16xf32> to vector<1x16xf32>
        tpu.vector_store %arg6[%swap3A_399, %swap3A_400], %swap3A_403 {add = true, strides = array<i32>} : memref<16x1024xf32, #tpu.memory_space<vmem>>, vector<1x16xf32>,
        %swap3A_404 = arith.index_cast %cond3A_80 : i32 to index
        %swap3A_405 = arith.constant 832 : index
        %swap3A_406 = tpu.vector_load %arg6[%swap3A_404, %swap3A_405] {strides = array<i32>} : memref<16x1024xf32, #tpu.memory_space<vmem>>, vector<1x16xf32>,
        %swap3A_407 = vector.shape_cast %swap3A_406 : vector<1x16xf32> to vector<16xf32>
        %swap3A_408 = vector.shape_cast %scan3A_302#20 : vector<16xf32> to vector<1x16xf32>
        tpu.vector_store %arg6[%swap3A_404, %swap3A_405], %swap3A_408 {add = true, strides = array<i32>} : memref<16x1024xf32, #tpu.memory_space<vmem>>, vector<1x16xf32>,
        %swap3A_409 = arith.index_cast %cond3A_80 : i32 to index
        %swap3A_410 = arith.constant 848 : index
        %swap3A_411 = tpu.vector_load %arg6[%swap3A_409, %swap3A_410] {strides = array<i32>} : memref<16x1024xf32, #tpu.memory_space<vmem>>, vector<1x16xf32>,
        %swap3A_412 = vector.shape_cast %swap3A_411 : vector<1x16xf32> to vector<16xf32>
        %swap3A_413 = vector.shape_cast %scan3A_302#21 : vector<16xf32> to vector<1x16xf32>
        tpu.vector_store %arg6[%swap3A_409, %swap3A_410], %swap3A_413 {add = true, strides = array<i32>} : memref<16x1024xf32, #tpu.memory_space<vmem>>, vector<1x16xf32>,
        %swap3A_414 = arith.index_cast %cond3A_80 : i32 to index
        %swap3A_415 = arith.constant 864 : index
        %swap3A_416 = tpu.vector_load %arg6[%swap3A_414, %swap3A_415] {strides = array<i32>} : memref<16x1024xf32, #tpu.memory_space<vmem>>, vector<1x16xf32>,
        %swap3A_417 = vector.shape_cast %swap3A_416 : vector<1x16xf32> to vector<16xf32>
        %swap3A_418 = vector.shape_cast %scan3A_302#22 : vector<16xf32> to vector<1x16xf32>
        tpu.vector_store %arg6[%swap3A_414, %swap3A_415], %swap3A_418 {add = true, strides = array<i32>} : memref<16x1024xf32, #tpu.memory_space<vmem>>, vector<1x16xf32>,
        %swap3A_419 = arith.index_cast %cond3A_80 : i32 to index
        %swap3A_420 = arith.constant 880 : index
        %swap3A_421 = tpu.vector_load %arg6[%swap3A_419, %swap3A_420] {strides = array<i32>} : memref<16x1024xf32, #tpu.memory_space<vmem>>, vector<1x16xf32>,
        %swap3A_422 = vector.shape_cast %swap3A_421 : vector<1x16xf32> to vector<16xf32>
        %swap3A_423 = vector.shape_cast %scan3A_302#23 : vector<16xf32> to vector<1x16xf32>
        tpu.vector_store %arg6[%swap3A_419, %swap3A_420], %swap3A_423 {add = true, strides = array<i32>} : memref<16x1024xf32, #tpu.memory_space<vmem>>, vector<1x16xf32>,
        %swap3A_424 = arith.index_cast %cond3A_80 : i32 to index
        %swap3A_425 = arith.constant 896 : index
        %swap3A_426 = tpu.vector_load %arg6[%swap3A_424, %swap3A_425] {strides = array<i32>} : memref<16x1024xf32, #tpu.memory_space<vmem>>, vector<1x16xf32>,
        %swap3A_427 = vector.shape_cast %swap3A_426 : vector<1x16xf32> to vector<16xf32>
        %swap3A_428 = vector.shape_cast %scan3A_302#24 : vector<16xf32> to vector<1x16xf32>
        tpu.vector_store %arg6[%swap3A_424, %swap3A_425], %swap3A_428 {add = true, strides = array<i32>} : memref<16x1024xf32, #tpu.memory_space<vmem>>, vector<1x16xf32>,
        %swap3A_429 = arith.index_cast %cond3A_80 : i32 to index
        %swap3A_430 = arith.constant 912 : index
        %swap3A_431 = tpu.vector_load %arg6[%swap3A_429, %swap3A_430] {strides = array<i32>} : memref<16x1024xf32, #tpu.memory_space<vmem>>, vector<1x16xf32>,
        %swap3A_432 = vector.shape_cast %swap3A_431 : vector<1x16xf32> to vector<16xf32>
        %swap3A_433 = vector.shape_cast %scan3A_302#25 : vector<16xf32> to vector<1x16xf32>
        tpu.vector_store %arg6[%swap3A_429, %swap3A_430], %swap3A_433 {add = true, strides = array<i32>} : memref<16x1024xf32, #tpu.memory_space<vmem>>, vector<1x16xf32>,
        %swap3A_434 = arith.index_cast %cond3A_80 : i32 to index
        %swap3A_435 = arith.constant 928 : index
        %swap3A_436 = tpu.vector_load %arg6[%swap3A_434, %swap3A_435] {strides = array<i32>} : memref<16x1024xf32, #tpu.memory_space<vmem>>, vector<1x16xf32>,
        %swap3A_437 = vector.shape_cast %swap3A_436 : vector<1x16xf32> to vector<16xf32>
        %swap3A_438 = vector.shape_cast %scan3A_302#26 : vector<16xf32> to vector<1x16xf32>
        tpu.vector_store %arg6[%swap3A_434, %swap3A_435], %swap3A_438 {add = true, strides = array<i32>} : memref<16x1024xf32, #tpu.memory_space<vmem>>, vector<1x16xf32>,
        %swap3A_439 = arith.index_cast %cond3A_80 : i32 to index
        %swap3A_440 = arith.constant 944 : index
        %swap3A_441 = tpu.vector_load %arg6[%swap3A_439, %swap3A_440] {strides = array<i32>} : memref<16x1024xf32, #tpu.memory_space<vmem>>, vector<1x16xf32>,
        %swap3A_442 = vector.shape_cast %swap3A_441 : vector<1x16xf32> to vector<16xf32>
        %swap3A_443 = vector.shape_cast %scan3A_302#27 : vector<16xf32> to vector<1x16xf32>
        tpu.vector_store %arg6[%swap3A_439, %swap3A_440], %swap3A_443 {add = true, strides = array<i32>} : memref<16x1024xf32, #tpu.memory_space<vmem>>, vector<1x16xf32>,
        %swap3A_444 = arith.index_cast %cond3A_80 : i32 to index
        %swap3A_445 = arith.constant 960 : index
        %swap3A_446 = tpu.vector_load %arg6[%swap3A_444, %swap3A_445] {strides = array<i32>} : memref<16x1024xf32, #tpu.memory_space<vmem>>, vector<1x16xf32>,
        %swap3A_447 = vector.shape_cast %swap3A_446 : vector<1x16xf32> to vector<16xf32>
        %swap3A_448 = vector.shape_cast %scan3A_302#28 : vector<16xf32> to vector<1x16xf32>
        tpu.vector_store %arg6[%swap3A_444, %swap3A_445], %swap3A_448 {add = true, strides = array<i32>} : memref<16x1024xf32, #tpu.memory_space<vmem>>, vector<1x16xf32>,
        %swap3A_449 = arith.index_cast %cond3A_80 : i32 to index
        %swap3A_450 = arith.constant 976 : index
        %swap3A_451 = tpu.vector_load %arg6[%swap3A_449, %swap3A_450] {strides = array<i32>} : memref<16x1024xf32, #tpu.memory_space<vmem>>, vector<1x16xf32>,
        %swap3A_452 = vector.shape_cast %swap3A_451 : vector<1x16xf32> to vector<16xf32>
        %swap3A_453 = vector.shape_cast %scan3A_302#29 : vector<16xf32> to vector<1x16xf32>
        tpu.vector_store %arg6[%swap3A_449, %swap3A_450], %swap3A_453 {add = true, strides = array<i32>} : memref<16x1024xf32, #tpu.memory_space<vmem>>, vector<1x16xf32>,
        %swap3A_454 = arith.index_cast %cond3A_80 : i32 to index
        %swap3A_455 = arith.constant 992 : index
        %swap3A_456 = tpu.vector_load %arg6[%swap3A_454, %swap3A_455] {strides = array<i32>} : memref<16x1024xf32, #tpu.memory_space<vmem>>, vector<1x16xf32>,
        %swap3A_457 = vector.shape_cast %swap3A_456 : vector<1x16xf32> to vector<16xf32>
        %swap3A_458 = vector.shape_cast %scan3A_302#30 : vector<16xf32> to vector<1x16xf32>
        tpu.vector_store %arg6[%swap3A_454, %swap3A_455], %swap3A_458 {add = true, strides = array<i32>} : memref<16x1024xf32, #tpu.memory_space<vmem>>, vector<1x16xf32>,
        %swap3A_459 = arith.index_cast %cond3A_80 : i32 to index
        %swap3A_460 = arith.constant 1008 : index
        %swap3A_461 = tpu.vector_load %arg6[%swap3A_459, %swap3A_460] {strides = array<i32>} : memref<16x1024xf32, #tpu.memory_space<vmem>>, vector<1x16xf32>,
        %swap3A_462 = vector.shape_cast %swap3A_461 : vector<1x16xf32> to vector<16xf32>
        %swap3A_463 = vector.shape_cast %scan3A_302#31 : vector<16xf32> to vector<1x16xf32>
        tpu.vector_store %arg6[%swap3A_459, %swap3A_460], %swap3A_463 {add = true, strides = array<i32>} : memref<16x1024xf32, #tpu.memory_space<vmem>>, vector<1x16xf32>,
        scf.yield %cond3A_80 : i32
      } else {
        %scan3A_133 = arith.constant 0 : i32
        %scan3A_134 = arith.constant 32 : i32
        %scan3A_135 = arith.addi %scan3A_133, %scan3A_134 : i32
        %scan3A_136 = arith.constant 1 : i32
        %scan3A_137 = scf.for %scan3A_139 = %scan3A_133 to %scan3A_135 step %scan3A_136 iter_args(%scan3A_140 = %cond3A_80) -> (i32)  : i32 {
          %add3A_141 = arith.addi %add3A_92, %scan3A_139 : i32
          %add3A_142 = arith.constant 1 : i32
          %add3A_143 = arith.addi %scan3A_140, %add3A_142 : i32
          %min3A_144 = arith.constant 15 : i32
          %min3A_145 = arith.minsi %add3A_143, %min3A_144 : i32
          %get3A_146 = arith.index_cast %min3A_145 : i32 to index
          %get3A_147 = tpu.vector_load %arg5[%get3A_146] {strides = array<i32>} : memref<32xi32, #tpu.memory_space<vmem>>, vector<16xi32>,
          %get3A_148 = vector.shape_cast %get3A_147 : vector<16xi32> to vector<16xi32>
          %slice3A_149 = vector.extract_strided_slice %get3A_148 {offsets = [0], sizes = [1], strides = [1]} : vector<16xi32> to vector<1xi32>
          %squeeze3A_150 = vector.extract %slice3A_149[0] : i32 from vector<1xi32>
          %eq3A = arith.cmpi eq, %add3A_141, %squeeze3A_150 : i32
          %lt3A_151 = arith.constant 15 : i32
          %lt3A_152 = arith.cmpi slt, %scan3A_140, %lt3A_151 : i32
          %and3A = arith.andi %eq3A, %lt3A_152 : i1
          %add3A_153 = arith.constant 1 : i32
          %add3A_154 = arith.addi %scan3A_140, %add3A_153 : i32
          %select_n3A_155 = arith.select %and3A, %add3A_154, %scan3A_140 : i32
          %get3A_156 = arith.constant 1 : i32
          %get3A_157 = arith.index_cast %get3A_156 : i32 to index
          %get3A_158 = arith.index_cast %scan3A_139 : i32 to index
          %get3A_159 = arith.constant 0 : index
          %get3A_160 = tpu.vector_load %arg7[%get3A_157, %get3A_158, %get3A_159] {strides = array<i32>} : memref<2x32x1024xf32, #tpu.memory_space<vmem>>, vector<1x1x16xf32>,
          %get3A_161 = vector.shape_cast %get3A_160 : vector<1x1x16xf32> to vector<16xf32>
          %swap3A = arith.index_cast %select_n3A_155 : i32 to index
          %swap3A_162 = arith.constant 0 : index
          %swap3A_163 = tpu.vector_load %arg6[%swap3A, %swap3A_162] {strides = array<i32>} : memref<16x1024xf32, #tpu.memory_space<vmem>>, vector<1x16xf32>,
          %swap3A_164 = vector.shape_cast %swap3A_163 : vector<1x16xf32> to vector<16xf32>
          %swap3A_165 = vector.shape_cast %get3A_161 : vector<16xf32> to vector<1x16xf32>
          tpu.vector_store %arg6[%swap3A, %swap3A_162], %swap3A_165 {add = true, strides = array<i32>} : memref<16x1024xf32, #tpu.memory_space<vmem>>, vector<1x16xf32>,
          %get3A_166 = arith.constant 1 : i32
          %get3A_167 = arith.index_cast %get3A_166 : i32 to index
          %get3A_168 = arith.index_cast %scan3A_139 : i32 to index
          %get3A_169 = arith.constant 16 : index
          %get3A_170 = tpu.vector_load %arg7[%get3A_167, %get3A_168, %get3A_169] {strides = array<i32>} : memref<2x32x1024xf32, #tpu.memory_space<vmem>>, vector<1x1x16xf32>,
          %get3A_171 = vector.shape_cast %get3A_170 : vector<1x1x16xf32> to vector<16xf32>
          %swap3A_172 = arith.index_cast %select_n3A_155 : i32 to index
          %swap3A_173 = arith.constant 16 : index
          %swap3A_174 = tpu.vector_load %arg6[%swap3A_172, %swap3A_173] {strides = array<i32>} : memref<16x1024xf32, #tpu.memory_space<vmem>>, vector<1x16xf32>,
          %swap3A_175 = vector.shape_cast %swap3A_174 : vector<1x16xf32> to vector<16xf32>
          %swap3A_176 = vector.shape_cast %get3A_171 : vector<16xf32> to vector<1x16xf32>
          tpu.vector_store %arg6[%swap3A_172, %swap3A_173], %swap3A_176 {add = true, strides = array<i32>} : memref<16x1024xf32, #tpu.memory_space<vmem>>, vector<1x16xf32>,
          %get3A_177 = arith.constant 1 : i32
          %get3A_178 = arith.index_cast %get3A_177 : i32 to index
          %get3A_179 = arith.index_cast %scan3A_139 : i32 to index
          %get3A_180 = arith.constant 32 : index
          %get3A_181 = tpu.vector_load %arg7[%get3A_178, %get3A_179, %get3A_180] {strides = array<i32>} : memref<2x32x1024xf32, #tpu.memory_space<vmem>>, vector<1x1x16xf32>,
          %get3A_182 = vector.shape_cast %get3A_181 : vector<1x1x16xf32> to vector<16xf32>
          %swap3A_183 = arith.index_cast %select_n3A_155 : i32 to index
          %swap3A_184 = arith.constant 32 : index
          %swap3A_185 = tpu.vector_load %arg6[%swap3A_183, %swap3A_184] {strides = array<i32>} : memref<16x1024xf32, #tpu.memory_space<vmem>>, vector<1x16xf32>,
          %swap3A_186 = vector.shape_cast %swap3A_185 : vector<1x16xf32> to vector<16xf32>
          %swap3A_187 = vector.shape_cast %get3A_182 : vector<16xf32> to vector<1x16xf32>
          tpu.vector_store %arg6[%swap3A_183, %swap3A_184], %swap3A_187 {add = true, strides = array<i32>} : memref<16x1024xf32, #tpu.memory_space<vmem>>, vector<1x16xf32>,
          %get3A_188 = arith.constant 1 : i32
          %get3A_189 = arith.index_cast %get3A_188 : i32 to index
          %get3A_190 = arith.index_cast %scan3A_139 : i32 to index
          %get3A_191 = arith.constant 48 : index
          %get3A_192 = tpu.vector_load %arg7[%get3A_189, %get3A_190, %get3A_191] {strides = array<i32>} : memref<2x32x1024xf32, #tpu.memory_space<vmem>>, vector<1x1x16xf32>,
          %get3A_193 = vector.shape_cast %get3A_192 : vector<1x1x16xf32> to vector<16xf32>
          %swap3A_194 = arith.index_cast %select_n3A_155 : i32 to index
          %swap3A_195 = arith.constant 48 : index
          %swap3A_196 = tpu.vector_load %arg6[%swap3A_194, %swap3A_195] {strides = array<i32>} : memref<16x1024xf32, #tpu.memory_space<vmem>>, vector<1x16xf32>,
          %swap3A_197 = vector.shape_cast %swap3A_196 : vector<1x16xf32> to vector<16xf32>
          %swap3A_198 = vector.shape_cast %get3A_193 : vector<16xf32> to vector<1x16xf32>
          tpu.vector_store %arg6[%swap3A_194, %swap3A_195], %swap3A_198 {add = true, strides = array<i32>} : memref<16x1024xf32, #tpu.memory_space<vmem>>, vector<1x16xf32>,
          %get3A_199 = arith.constant 1 : i32
          %get3A_200 = arith.index_cast %get3A_199 : i32 to index
          %get3A_201 = arith.index_cast %scan3A_139 : i32 to index
          %get3A_202 = arith.constant 64 : index
          %get3A_203 = tpu.vector_load %arg7[%get3A_200, %get3A_201, %get3A_202] {strides = array<i32>} : memref<2x32x1024xf32, #tpu.memory_space<vmem>>, vector<1x1x16xf32>,
          %get3A_204 = vector.shape_cast %get3A_203 : vector<1x1x16xf32> to vector<16xf32>
          %swap3A_205 = arith.index_cast %select_n3A_155 : i32 to index
          %swap3A_206 = arith.constant 64 : index
          %swap3A_207 = tpu.vector_load %arg6[%swap3A_205, %swap3A_206] {strides = array<i32>} : memref<16x1024xf32, #tpu.memory_space<vmem>>, vector<1x16xf32>,
          %swap3A_208 = vector.shape_cast %swap3A_207 : vector<1x16xf32> to vector<16xf32>
          %swap3A_209 = vector.shape_cast %get3A_204 : vector<16xf32> to vector<1x16xf32>
          tpu.vector_store %arg6[%swap3A_205, %swap3A_206], %swap3A_209 {add = true, strides = array<i32>} : memref<16x1024xf32, #tpu.memory_space<vmem>>, vector<1x16xf32>,
          %get3A_210 = arith.constant 1 : i32
          %get3A_211 = arith.index_cast %get3A_210 : i32 to index
          %get3A_212 = arith.index_cast %scan3A_139 : i32 to index
          %get3A_213 = arith.constant 80 : index
          %get3A_214 = tpu.vector_load %arg7[%get3A_211, %get3A_212, %get3A_213] {strides = array<i32>} : memref<2x32x1024xf32, #tpu.memory_space<vmem>>, vector<1x1x16xf32>,
          %get3A_215 = vector.shape_cast %get3A_214 : vector<1x1x16xf32> to vector<16xf32>
          %swap3A_216 = arith.index_cast %select_n3A_155 : i32 to index
          %swap3A_217 = arith.constant 80 : index
          %swap3A_218 = tpu.vector_load %arg6[%swap3A_216, %swap3A_217] {strides = array<i32>} : memref<16x1024xf32, #tpu.memory_space<vmem>>, vector<1x16xf32>,
          %swap3A_219 = vector.shape_cast %swap3A_218 : vector<1x16xf32> to vector<16xf32>
          %swap3A_220 = vector.shape_cast %get3A_215 : vector<16xf32> to vector<1x16xf32>
          tpu.vector_store %arg6[%swap3A_216, %swap3A_217], %swap3A_220 {add = true, strides = array<i32>} : memref<16x1024xf32, #tpu.memory_space<vmem>>, vector<1x16xf32>,
          %get3A_221 = arith.constant 1 : i32
          %get3A_222 = arith.index_cast %get3A_221 : i32 to index
          %get3A_223 = arith.index_cast %scan3A_139 : i32 to index
          %get3A_224 = arith.constant 96 : index
          %get3A_225 = tpu.vector_load %arg7[%get3A_222, %get3A_223, %get3A_224] {strides = array<i32>} : memref<2x32x1024xf32, #tpu.memory_space<vmem>>, vector<1x1x16xf32>,
          %get3A_226 = vector.shape_cast %get3A_225 : vector<1x1x16xf32> to vector<16xf32>
          %swap3A_227 = arith.index_cast %select_n3A_155 : i32 to index
          %swap3A_228 = arith.constant 96 : index
          %swap3A_229 = tpu.vector_load %arg6[%swap3A_227, %swap3A_228] {strides = array<i32>} : memref<16x1024xf32, #tpu.memory_space<vmem>>, vector<1x16xf32>,
          %swap3A_230 = vector.shape_cast %swap3A_229 : vector<1x16xf32> to vector<16xf32>
          %swap3A_231 = vector.shape_cast %get3A_226 : vector<16xf32> to vector<1x16xf32>
          tpu.vector_store %arg6[%swap3A_227, %swap3A_228], %swap3A_231 {add = true, strides = array<i32>} : memref<16x1024xf32, #tpu.memory_space<vmem>>, vector<1x16xf32>,
          %get3A_232 = arith.constant 1 : i32
          %get3A_233 = arith.index_cast %get3A_232 : i32 to index
          %get3A_234 = arith.index_cast %scan3A_139 : i32 to index
          %get3A_235 = arith.constant 112 : index
          %get3A_236 = tpu.vector_load %arg7[%get3A_233, %get3A_234, %get3A_235] {strides = array<i32>} : memref<2x32x1024xf32, #tpu.memory_space<vmem>>, vector<1x1x16xf32>,
          %get3A_237 = vector.shape_cast %get3A_236 : vector<1x1x16xf32> to vector<16xf32>
          %swap3A_238 = arith.index_cast %select_n3A_155 : i32 to index
          %swap3A_239 = arith.constant 112 : index
          %swap3A_240 = tpu.vector_load %arg6[%swap3A_238, %swap3A_239] {strides = array<i32>} : memref<16x1024xf32, #tpu.memory_space<vmem>>, vector<1x16xf32>,
          %swap3A_241 = vector.shape_cast %swap3A_240 : vector<1x16xf32> to vector<16xf32>
          %swap3A_242 = vector.shape_cast %get3A_237 : vector<16xf32> to vector<1x16xf32>
          tpu.vector_store %arg6[%swap3A_238, %swap3A_239], %swap3A_242 {add = true, strides = array<i32>} : memref<16x1024xf32, #tpu.memory_space<vmem>>, vector<1x16xf32>,
          %get3A_243 = arith.constant 1 : i32
          %get3A_244 = arith.index_cast %get3A_243 : i32 to index
          %get3A_245 = arith.index_cast %scan3A_139 : i32 to index
          %get3A_246 = arith.constant 128 : index
          %get3A_247 = tpu.vector_load %arg7[%get3A_244, %get3A_245, %get3A_246] {strides = array<i32>} : memref<2x32x1024xf32, #tpu.memory_space<vmem>>, vector<1x1x16xf32>,
          %get3A_248 = vector.shape_cast %get3A_247 : vector<1x1x16xf32> to vector<16xf32>
          %swap3A_249 = arith.index_cast %select_n3A_155 : i32 to index
          %swap3A_250 = arith.constant 128 : index
          %swap3A_251 = tpu.vector_load %arg6[%swap3A_249, %swap3A_250] {strides = array<i32>} : memref<16x1024xf32, #tpu.memory_space<vmem>>, vector<1x16xf32>,
          %swap3A_252 = vector.shape_cast %swap3A_251 : vector<1x16xf32> to vector<16xf32>
          %swap3A_253 = vector.shape_cast %get3A_248 : vector<16xf32> to vector<1x16xf32>
          tpu.vector_store %arg6[%swap3A_249, %swap3A_250], %swap3A_253 {add = true, strides = array<i32>} : memref<16x1024xf32, #tpu.memory_space<vmem>>, vector<1x16xf32>,
          %get3A_254 = arith.constant 1 : i32
          %get3A_255 = arith.index_cast %get3A_254 : i32 to index
          %get3A_256 = arith.index_cast %scan3A_139 : i32 to index
          %get3A_257 = arith.constant 144 : index
          %get3A_258 = tpu.vector_load %arg7[%get3A_255, %get3A_256, %get3A_257] {strides = array<i32>} : memref<2x32x1024xf32, #tpu.memory_space<vmem>>, vector<1x1x16xf32>,
          %get3A_259 = vector.shape_cast %get3A_258 : vector<1x1x16xf32> to vector<16xf32>
          %swap3A_260 = arith.index_cast %select_n3A_155 : i32 to index
          %swap3A_261 = arith.constant 144 : index
          %swap3A_262 = tpu.vector_load %arg6[%swap3A_260, %swap3A_261] {strides = array<i32>} : memref<16x1024xf32, #tpu.memory_space<vmem>>, vector<1x16xf32>,
          %swap3A_263 = vector.shape_cast %swap3A_262 : vector<1x16xf32> to vector<16xf32>
          %swap3A_264 = vector.shape_cast %get3A_259 : vector<16xf32> to vector<1x16xf32>
          tpu.vector_store %arg6[%swap3A_260, %swap3A_261], %swap3A_264 {add = true, strides = array<i32>} : memref<16x1024xf32, #tpu.memory_space<vmem>>, vector<1x16xf32>,
          %get3A_265 = arith.constant 1 : i32
          %get3A_266 = arith.index_cast %get3A_265 : i32 to index
          %get3A_267 = arith.index_cast %scan3A_139 : i32 to index
          %get3A_268 = arith.constant 160 : index
          %get3A_269 = tpu.vector_load %arg7[%get3A_266, %get3A_267, %get3A_268] {strides = array<i32>} : memref<2x32x1024xf32, #tpu.memory_space<vmem>>, vector<1x1x16xf32>,
          %get3A_270 = vector.shape_cast %get3A_269 : vector<1x1x16xf32> to vector<16xf32>
          %swap3A_271 = arith.index_cast %select_n3A_155 : i32 to index
          %swap3A_272 = arith.constant 160 : index
          %swap3A_273 = tpu.vector_load %arg6[%swap3A_271, %swap3A_272] {strides = array<i32>} : memref<16x1024xf32, #tpu.memory_space<vmem>>, vector<1x16xf32>,
          %swap3A_274 = vector.shape_cast %swap3A_273 : vector<1x16xf32> to vector<16xf32>
          %swap3A_275 = vector.shape_cast %get3A_270 : vector<16xf32> to vector<1x16xf32>
          tpu.vector_store %arg6[%swap3A_271, %swap3A_272], %swap3A_275 {add = true, strides = array<i32>} : memref<16x1024xf32, #tpu.memory_space<vmem>>, vector<1x16xf32>,
          %get3A_276 = arith.constant 1 : i32
          %get3A_277 = arith.index_cast %get3A_276 : i32 to index
          %get3A_278 = arith.index_cast %scan3A_139 : i32 to index
          %get3A_279 = arith.constant 176 : index
          %get3A_280 = tpu.vector_load %arg7[%get3A_277, %get3A_278, %get3A_279] {strides = array<i32>} : memref<2x32x1024xf32, #tpu.memory_space<vmem>>, vector<1x1x16xf32>,
          %get3A_281 = vector.shape_cast %get3A_280 : vector<1x1x16xf32> to vector<16xf32>
          %swap3A_282 = arith.index_cast %select_n3A_155 : i32 to index
          %swap3A_283 = arith.constant 176 : index
          %swap3A_284 = tpu.vector_load %arg6[%swap3A_282, %swap3A_283] {strides = array<i32>} : memref<16x1024xf32, #tpu.memory_space<vmem>>, vector<1x16xf32>,
          %swap3A_285 = vector.shape_cast %swap3A_284 : vector<1x16xf32> to vector<16xf32>
          %swap3A_286 = vector.shape_cast %get3A_281 : vector<16xf32> to vector<1x16xf32>
          tpu.vector_store %arg6[%swap3A_282, %swap3A_283], %swap3A_286 {add = true, strides = array<i32>} : memref<16x1024xf32, #tpu.memory_space<vmem>>, vector<1x16xf32>,
          %get3A_287 = arith.constant 1 : i32
          %get3A_288 = arith.index_cast %get3A_287 : i32 to index
          %get3A_289 = arith.index_cast %scan3A_139 : i32 to index
          %get3A_290 = arith.constant 192 : index
          %get3A_291 = tpu.vector_load %arg7[%get3A_288, %get3A_289, %get3A_290] {strides = array<i32>} : memref<2x32x1024xf32, #tpu.memory_space<vmem>>, vector<1x1x16xf32>,
          %get3A_292 = vector.shape_cast %get3A_291 : vector<1x1x16xf32> to vector<16xf32>
          %swap3A_293 = arith.index_cast %select_n3A_155 : i32 to index
          %swap3A_294 = arith.constant 192 : index
          %swap3A_295 = tpu.vector_load %arg6[%swap3A_293, %swap3A_294] {strides = array<i32>} : memref<16x1024xf32, #tpu.memory_space<vmem>>, vector<1x16xf32>,
          %swap3A_296 = vector.shape_cast %swap3A_295 : vector<1x16xf32> to vector<16xf32>
          %swap3A_297 = vector.shape_cast %get3A_292 : vector<16xf32> to vector<1x16xf32>
          tpu.vector_store %arg6[%swap3A_293, %swap3A_294], %swap3A_297 {add = true, strides = array<i32>} : memref<16x1024xf32, #tpu.memory_space<vmem>>, vector<1x16xf32>,
          %get3A_298 = arith.constant 1 : i32
          %get3A_299 = arith.index_cast %get3A_298 : i32 to index
          %get3A_300 = arith.index_cast %scan3A_139 : i32 to index
          %get3A_301 = arith.constant 208 : index
          %get3A_302 = tpu.vector_load %arg7[%get3A_299, %get3A_300, %get3A_301] {strides = array<i32>} : memref<2x32x1024xf32, #tpu.memory_space<vmem>>, vector<1x1x16xf32>,
          %get3A_303 = vector.shape_cast %get3A_302 : vector<1x1x16xf32> to vector<16xf32>
          %swap3A_304 = arith.index_cast %select_n3A_155 : i32 to index
          %swap3A_305 = arith.constant 208 : index
          %swap3A_306 = tpu.vector_load %arg6[%swap3A_304, %swap3A_305] {strides = array<i32>} : memref<16x1024xf32, #tpu.memory_space<vmem>>, vector<1x16xf32>,
          %swap3A_307 = vector.shape_cast %swap3A_306 : vector<1x16xf32> to vector<16xf32>
          %swap3A_308 = vector.shape_cast %get3A_303 : vector<16xf32> to vector<1x16xf32>
          tpu.vector_store %arg6[%swap3A_304, %swap3A_305], %swap3A_308 {add = true, strides = array<i32>} : memref<16x1024xf32, #tpu.memory_space<vmem>>, vector<1x16xf32>,
          %get3A_309 = arith.constant 1 : i32
          %get3A_310 = arith.index_cast %get3A_309 : i32 to index
          %get3A_311 = arith.index_cast %scan3A_139 : i32 to index
          %get3A_312 = arith.constant 224 : index
          %get3A_313 = tpu.vector_load %arg7[%get3A_310, %get3A_311, %get3A_312] {strides = array<i32>} : memref<2x32x1024xf32, #tpu.memory_space<vmem>>, vector<1x1x16xf32>,
          %get3A_314 = vector.shape_cast %get3A_313 : vector<1x1x16xf32> to vector<16xf32>
          %swap3A_315 = arith.index_cast %select_n3A_155 : i32 to index
          %swap3A_316 = arith.constant 224 : index
          %swap3A_317 = tpu.vector_load %arg6[%swap3A_315, %swap3A_316] {strides = array<i32>} : memref<16x1024xf32, #tpu.memory_space<vmem>>, vector<1x16xf32>,
          %swap3A_318 = vector.shape_cast %swap3A_317 : vector<1x16xf32> to vector<16xf32>
          %swap3A_319 = vector.shape_cast %get3A_314 : vector<16xf32> to vector<1x16xf32>
          tpu.vector_store %arg6[%swap3A_315, %swap3A_316], %swap3A_319 {add = true, strides = array<i32>} : memref<16x1024xf32, #tpu.memory_space<vmem>>, vector<1x16xf32>,
          %get3A_320 = arith.constant 1 : i32
          %get3A_321 = arith.index_cast %get3A_320 : i32 to index
          %get3A_322 = arith.index_cast %scan3A_139 : i32 to index
          %get3A_323 = arith.constant 240 : index
          %get3A_324 = tpu.vector_load %arg7[%get3A_321, %get3A_322, %get3A_323] {strides = array<i32>} : memref<2x32x1024xf32, #tpu.memory_space<vmem>>, vector<1x1x16xf32>,
          %get3A_325 = vector.shape_cast %get3A_324 : vector<1x1x16xf32> to vector<16xf32>
          %swap3A_326 = arith.index_cast %select_n3A_155 : i32 to index
          %swap3A_327 = arith.constant 240 : index
          %swap3A_328 = tpu.vector_load %arg6[%swap3A_326, %swap3A_327] {strides = array<i32>} : memref<16x1024xf32, #tpu.memory_space<vmem>>, vector<1x16xf32>,
          %swap3A_329 = vector.shape_cast %swap3A_328 : vector<1x16xf32> to vector<16xf32>
          %swap3A_330 = vector.shape_cast %get3A_325 : vector<16xf32> to vector<1x16xf32>
          tpu.vector_store %arg6[%swap3A_326, %swap3A_327], %swap3A_330 {add = true, strides = array<i32>} : memref<16x1024xf32, #tpu.memory_space<vmem>>, vector<1x16xf32>,
          %get3A_331 = arith.constant 1 : i32
          %get3A_332 = arith.index_cast %get3A_331 : i32 to index
          %get3A_333 = arith.index_cast %scan3A_139 : i32 to index
          %get3A_334 = arith.constant 256 : index
          %get3A_335 = tpu.vector_load %arg7[%get3A_332, %get3A_333, %get3A_334] {strides = array<i32>} : memref<2x32x1024xf32, #tpu.memory_space<vmem>>, vector<1x1x16xf32>,
          %get3A_336 = vector.shape_cast %get3A_335 : vector<1x1x16xf32> to vector<16xf32>
          %swap3A_337 = arith.index_cast %select_n3A_155 : i32 to index
          %swap3A_338 = arith.constant 256 : index
          %swap3A_339 = tpu.vector_load %arg6[%swap3A_337, %swap3A_338] {strides = array<i32>} : memref<16x1024xf32, #tpu.memory_space<vmem>>, vector<1x16xf32>,
          %swap3A_340 = vector.shape_cast %swap3A_339 : vector<1x16xf32> to vector<16xf32>
          %swap3A_341 = vector.shape_cast %get3A_336 : vector<16xf32> to vector<1x16xf32>
          tpu.vector_store %arg6[%swap3A_337, %swap3A_338], %swap3A_341 {add = true, strides = array<i32>} : memref<16x1024xf32, #tpu.memory_space<vmem>>, vector<1x16xf32>,
          %get3A_342 = arith.constant 1 : i32
          %get3A_343 = arith.index_cast %get3A_342 : i32 to index
          %get3A_344 = arith.index_cast %scan3A_139 : i32 to index
          %get3A_345 = arith.constant 272 : index
          %get3A_346 = tpu.vector_load %arg7[%get3A_343, %get3A_344, %get3A_345] {strides = array<i32>} : memref<2x32x1024xf32, #tpu.memory_space<vmem>>, vector<1x1x16xf32>,
          %get3A_347 = vector.shape_cast %get3A_346 : vector<1x1x16xf32> to vector<16xf32>
          %swap3A_348 = arith.index_cast %select_n3A_155 : i32 to index
          %swap3A_349 = arith.constant 272 : index
          %swap3A_350 = tpu.vector_load %arg6[%swap3A_348, %swap3A_349] {strides = array<i32>} : memref<16x1024xf32, #tpu.memory_space<vmem>>, vector<1x16xf32>,
          %swap3A_351 = vector.shape_cast %swap3A_350 : vector<1x16xf32> to vector<16xf32>
          %swap3A_352 = vector.shape_cast %get3A_347 : vector<16xf32> to vector<1x16xf32>
          tpu.vector_store %arg6[%swap3A_348, %swap3A_349], %swap3A_352 {add = true, strides = array<i32>} : memref<16x1024xf32, #tpu.memory_space<vmem>>, vector<1x16xf32>,
          %get3A_353 = arith.constant 1 : i32
          %get3A_354 = arith.index_cast %get3A_353 : i32 to index
          %get3A_355 = arith.index_cast %scan3A_139 : i32 to index
          %get3A_356 = arith.constant 288 : index
          %get3A_357 = tpu.vector_load %arg7[%get3A_354, %get3A_355, %get3A_356] {strides = array<i32>} : memref<2x32x1024xf32, #tpu.memory_space<vmem>>, vector<1x1x16xf32>,
          %get3A_358 = vector.shape_cast %get3A_357 : vector<1x1x16xf32> to vector<16xf32>
          %swap3A_359 = arith.index_cast %select_n3A_155 : i32 to index
          %swap3A_360 = arith.constant 288 : index
          %swap3A_361 = tpu.vector_load %arg6[%swap3A_359, %swap3A_360] {strides = array<i32>} : memref<16x1024xf32, #tpu.memory_space<vmem>>, vector<1x16xf32>,
          %swap3A_362 = vector.shape_cast %swap3A_361 : vector<1x16xf32> to vector<16xf32>
          %swap3A_363 = vector.shape_cast %get3A_358 : vector<16xf32> to vector<1x16xf32>
          tpu.vector_store %arg6[%swap3A_359, %swap3A_360], %swap3A_363 {add = true, strides = array<i32>} : memref<16x1024xf32, #tpu.memory_space<vmem>>, vector<1x16xf32>,
          %get3A_364 = arith.constant 1 : i32
          %get3A_365 = arith.index_cast %get3A_364 : i32 to index
          %get3A_366 = arith.index_cast %scan3A_139 : i32 to index
          %get3A_367 = arith.constant 304 : index
          %get3A_368 = tpu.vector_load %arg7[%get3A_365, %get3A_366, %get3A_367] {strides = array<i32>} : memref<2x32x1024xf32, #tpu.memory_space<vmem>>, vector<1x1x16xf32>,
          %get3A_369 = vector.shape_cast %get3A_368 : vector<1x1x16xf32> to vector<16xf32>
          %swap3A_370 = arith.index_cast %select_n3A_155 : i32 to index
          %swap3A_371 = arith.constant 304 : index
          %swap3A_372 = tpu.vector_load %arg6[%swap3A_370, %swap3A_371] {strides = array<i32>} : memref<16x1024xf32, #tpu.memory_space<vmem>>, vector<1x16xf32>,
          %swap3A_373 = vector.shape_cast %swap3A_372 : vector<1x16xf32> to vector<16xf32>
          %swap3A_374 = vector.shape_cast %get3A_369 : vector<16xf32> to vector<1x16xf32>
          tpu.vector_store %arg6[%swap3A_370, %swap3A_371], %swap3A_374 {add = true, strides = array<i32>} : memref<16x1024xf32, #tpu.memory_space<vmem>>, vector<1x16xf32>,
          %get3A_375 = arith.constant 1 : i32
          %get3A_376 = arith.index_cast %get3A_375 : i32 to index
          %get3A_377 = arith.index_cast %scan3A_139 : i32 to index
          %get3A_378 = arith.constant 320 : index
          %get3A_379 = tpu.vector_load %arg7[%get3A_376, %get3A_377, %get3A_378] {strides = array<i32>} : memref<2x32x1024xf32, #tpu.memory_space<vmem>>, vector<1x1x16xf32>,
          %get3A_380 = vector.shape_cast %get3A_379 : vector<1x1x16xf32> to vector<16xf32>
          %swap3A_381 = arith.index_cast %select_n3A_155 : i32 to index
          %swap3A_382 = arith.constant 320 : index
          %swap3A_383 = tpu.vector_load %arg6[%swap3A_381, %swap3A_382] {strides = array<i32>} : memref<16x1024xf32, #tpu.memory_space<vmem>>, vector<1x16xf32>,
          %swap3A_384 = vector.shape_cast %swap3A_383 : vector<1x16xf32> to vector<16xf32>
          %swap3A_385 = vector.shape_cast %get3A_380 : vector<16xf32> to vector<1x16xf32>
          tpu.vector_store %arg6[%swap3A_381, %swap3A_382], %swap3A_385 {add = true, strides = array<i32>} : memref<16x1024xf32, #tpu.memory_space<vmem>>, vector<1x16xf32>,
          %get3A_386 = arith.constant 1 : i32
          %get3A_387 = arith.index_cast %get3A_386 : i32 to index
          %get3A_388 = arith.index_cast %scan3A_139 : i32 to index
          %get3A_389 = arith.constant 336 : index
          %get3A_390 = tpu.vector_load %arg7[%get3A_387, %get3A_388, %get3A_389] {strides = array<i32>} : memref<2x32x1024xf32, #tpu.memory_space<vmem>>, vector<1x1x16xf32>,
          %get3A_391 = vector.shape_cast %get3A_390 : vector<1x1x16xf32> to vector<16xf32>
          %swap3A_392 = arith.index_cast %select_n3A_155 : i32 to index
          %swap3A_393 = arith.constant 336 : index
          %swap3A_394 = tpu.vector_load %arg6[%swap3A_392, %swap3A_393] {strides = array<i32>} : memref<16x1024xf32, #tpu.memory_space<vmem>>, vector<1x16xf32>,
          %swap3A_395 = vector.shape_cast %swap3A_394 : vector<1x16xf32> to vector<16xf32>
          %swap3A_396 = vector.shape_cast %get3A_391 : vector<16xf32> to vector<1x16xf32>
          tpu.vector_store %arg6[%swap3A_392, %swap3A_393], %swap3A_396 {add = true, strides = array<i32>} : memref<16x1024xf32, #tpu.memory_space<vmem>>, vector<1x16xf32>,
          %get3A_397 = arith.constant 1 : i32
          %get3A_398 = arith.index_cast %get3A_397 : i32 to index
          %get3A_399 = arith.index_cast %scan3A_139 : i32 to index
          %get3A_400 = arith.constant 352 : index
          %get3A_401 = tpu.vector_load %arg7[%get3A_398, %get3A_399, %get3A_400] {strides = array<i32>} : memref<2x32x1024xf32, #tpu.memory_space<vmem>>, vector<1x1x16xf32>,
          %get3A_402 = vector.shape_cast %get3A_401 : vector<1x1x16xf32> to vector<16xf32>
          %swap3A_403 = arith.index_cast %select_n3A_155 : i32 to index
          %swap3A_404 = arith.constant 352 : index
          %swap3A_405 = tpu.vector_load %arg6[%swap3A_403, %swap3A_404] {strides = array<i32>} : memref<16x1024xf32, #tpu.memory_space<vmem>>, vector<1x16xf32>,
          %swap3A_406 = vector.shape_cast %swap3A_405 : vector<1x16xf32> to vector<16xf32>
          %swap3A_407 = vector.shape_cast %get3A_402 : vector<16xf32> to vector<1x16xf32>
          tpu.vector_store %arg6[%swap3A_403, %swap3A_404], %swap3A_407 {add = true, strides = array<i32>} : memref<16x1024xf32, #tpu.memory_space<vmem>>, vector<1x16xf32>,
          %get3A_408 = arith.constant 1 : i32
          %get3A_409 = arith.index_cast %get3A_408 : i32 to index
          %get3A_410 = arith.index_cast %scan3A_139 : i32 to index
          %get3A_411 = arith.constant 368 : index
          %get3A_412 = tpu.vector_load %arg7[%get3A_409, %get3A_410, %get3A_411] {strides = array<i32>} : memref<2x32x1024xf32, #tpu.memory_space<vmem>>, vector<1x1x16xf32>,
          %get3A_413 = vector.shape_cast %get3A_412 : vector<1x1x16xf32> to vector<16xf32>
          %swap3A_414 = arith.index_cast %select_n3A_155 : i32 to index
          %swap3A_415 = arith.constant 368 : index
          %swap3A_416 = tpu.vector_load %arg6[%swap3A_414, %swap3A_415] {strides = array<i32>} : memref<16x1024xf32, #tpu.memory_space<vmem>>, vector<1x16xf32>,
          %swap3A_417 = vector.shape_cast %swap3A_416 : vector<1x16xf32> to vector<16xf32>
          %swap3A_418 = vector.shape_cast %get3A_413 : vector<16xf32> to vector<1x16xf32>
          tpu.vector_store %arg6[%swap3A_414, %swap3A_415], %swap3A_418 {add = true, strides = array<i32>} : memref<16x1024xf32, #tpu.memory_space<vmem>>, vector<1x16xf32>,
          %get3A_419 = arith.constant 1 : i32
          %get3A_420 = arith.index_cast %get3A_419 : i32 to index
          %get3A_421 = arith.index_cast %scan3A_139 : i32 to index
          %get3A_422 = arith.constant 384 : index
          %get3A_423 = tpu.vector_load %arg7[%get3A_420, %get3A_421, %get3A_422] {strides = array<i32>} : memref<2x32x1024xf32, #tpu.memory_space<vmem>>, vector<1x1x16xf32>,
          %get3A_424 = vector.shape_cast %get3A_423 : vector<1x1x16xf32> to vector<16xf32>
          %swap3A_425 = arith.index_cast %select_n3A_155 : i32 to index
          %swap3A_426 = arith.constant 384 : index
          %swap3A_427 = tpu.vector_load %arg6[%swap3A_425, %swap3A_426] {strides = array<i32>} : memref<16x1024xf32, #tpu.memory_space<vmem>>, vector<1x16xf32>,
          %swap3A_428 = vector.shape_cast %swap3A_427 : vector<1x16xf32> to vector<16xf32>
          %swap3A_429 = vector.shape_cast %get3A_424 : vector<16xf32> to vector<1x16xf32>
          tpu.vector_store %arg6[%swap3A_425, %swap3A_426], %swap3A_429 {add = true, strides = array<i32>} : memref<16x1024xf32, #tpu.memory_space<vmem>>, vector<1x16xf32>,
          %get3A_430 = arith.constant 1 : i32
          %get3A_431 = arith.index_cast %get3A_430 : i32 to index
          %get3A_432 = arith.index_cast %scan3A_139 : i32 to index
          %get3A_433 = arith.constant 400 : index
          %get3A_434 = tpu.vector_load %arg7[%get3A_431, %get3A_432, %get3A_433] {strides = array<i32>} : memref<2x32x1024xf32, #tpu.memory_space<vmem>>, vector<1x1x16xf32>,
          %get3A_435 = vector.shape_cast %get3A_434 : vector<1x1x16xf32> to vector<16xf32>
          %swap3A_436 = arith.index_cast %select_n3A_155 : i32 to index
          %swap3A_437 = arith.constant 400 : index
          %swap3A_438 = tpu.vector_load %arg6[%swap3A_436, %swap3A_437] {strides = array<i32>} : memref<16x1024xf32, #tpu.memory_space<vmem>>, vector<1x16xf32>,
          %swap3A_439 = vector.shape_cast %swap3A_438 : vector<1x16xf32> to vector<16xf32>
          %swap3A_440 = vector.shape_cast %get3A_435 : vector<16xf32> to vector<1x16xf32>
          tpu.vector_store %arg6[%swap3A_436, %swap3A_437], %swap3A_440 {add = true, strides = array<i32>} : memref<16x1024xf32, #tpu.memory_space<vmem>>, vector<1x16xf32>,
          %get3A_441 = arith.constant 1 : i32
          %get3A_442 = arith.index_cast %get3A_441 : i32 to index
          %get3A_443 = arith.index_cast %scan3A_139 : i32 to index
          %get3A_444 = arith.constant 416 : index
          %get3A_445 = tpu.vector_load %arg7[%get3A_442, %get3A_443, %get3A_444] {strides = array<i32>} : memref<2x32x1024xf32, #tpu.memory_space<vmem>>, vector<1x1x16xf32>,
          %get3A_446 = vector.shape_cast %get3A_445 : vector<1x1x16xf32> to vector<16xf32>
          %swap3A_447 = arith.index_cast %select_n3A_155 : i32 to index
          %swap3A_448 = arith.constant 416 : index
          %swap3A_449 = tpu.vector_load %arg6[%swap3A_447, %swap3A_448] {strides = array<i32>} : memref<16x1024xf32, #tpu.memory_space<vmem>>, vector<1x16xf32>,
          %swap3A_450 = vector.shape_cast %swap3A_449 : vector<1x16xf32> to vector<16xf32>
          %swap3A_451 = vector.shape_cast %get3A_446 : vector<16xf32> to vector<1x16xf32>
          tpu.vector_store %arg6[%swap3A_447, %swap3A_448], %swap3A_451 {add = true, strides = array<i32>} : memref<16x1024xf32, #tpu.memory_space<vmem>>, vector<1x16xf32>,
          %get3A_452 = arith.constant 1 : i32
          %get3A_453 = arith.index_cast %get3A_452 : i32 to index
          %get3A_454 = arith.index_cast %scan3A_139 : i32 to index
          %get3A_455 = arith.constant 432 : index
          %get3A_456 = tpu.vector_load %arg7[%get3A_453, %get3A_454, %get3A_455] {strides = array<i32>} : memref<2x32x1024xf32, #tpu.memory_space<vmem>>, vector<1x1x16xf32>,
          %get3A_457 = vector.shape_cast %get3A_456 : vector<1x1x16xf32> to vector<16xf32>
          %swap3A_458 = arith.index_cast %select_n3A_155 : i32 to index
          %swap3A_459 = arith.constant 432 : index
          %swap3A_460 = tpu.vector_load %arg6[%swap3A_458, %swap3A_459] {strides = array<i32>} : memref<16x1024xf32, #tpu.memory_space<vmem>>, vector<1x16xf32>,
          %swap3A_461 = vector.shape_cast %swap3A_460 : vector<1x16xf32> to vector<16xf32>
          %swap3A_462 = vector.shape_cast %get3A_457 : vector<16xf32> to vector<1x16xf32>
          tpu.vector_store %arg6[%swap3A_458, %swap3A_459], %swap3A_462 {add = true, strides = array<i32>} : memref<16x1024xf32, #tpu.memory_space<vmem>>, vector<1x16xf32>,
          %get3A_463 = arith.constant 1 : i32
          %get3A_464 = arith.index_cast %get3A_463 : i32 to index
          %get3A_465 = arith.index_cast %scan3A_139 : i32 to index
          %get3A_466 = arith.constant 448 : index
          %get3A_467 = tpu.vector_load %arg7[%get3A_464, %get3A_465, %get3A_466] {strides = array<i32>} : memref<2x32x1024xf32, #tpu.memory_space<vmem>>, vector<1x1x16xf32>,
          %get3A_468 = vector.shape_cast %get3A_467 : vector<1x1x16xf32> to vector<16xf32>
          %swap3A_469 = arith.index_cast %select_n3A_155 : i32 to index
          %swap3A_470 = arith.constant 448 : index
          %swap3A_471 = tpu.vector_load %arg6[%swap3A_469, %swap3A_470] {strides = array<i32>} : memref<16x1024xf32, #tpu.memory_space<vmem>>, vector<1x16xf32>,
          %swap3A_472 = vector.shape_cast %swap3A_471 : vector<1x16xf32> to vector<16xf32>
          %swap3A_473 = vector.shape_cast %get3A_468 : vector<16xf32> to vector<1x16xf32>
          tpu.vector_store %arg6[%swap3A_469, %swap3A_470], %swap3A_473 {add = true, strides = array<i32>} : memref<16x1024xf32, #tpu.memory_space<vmem>>, vector<1x16xf32>,
          %get3A_474 = arith.constant 1 : i32
          %get3A_475 = arith.index_cast %get3A_474 : i32 to index
          %get3A_476 = arith.index_cast %scan3A_139 : i32 to index
          %get3A_477 = arith.constant 464 : index
          %get3A_478 = tpu.vector_load %arg7[%get3A_475, %get3A_476, %get3A_477] {strides = array<i32>} : memref<2x32x1024xf32, #tpu.memory_space<vmem>>, vector<1x1x16xf32>,
          %get3A_479 = vector.shape_cast %get3A_478 : vector<1x1x16xf32> to vector<16xf32>
          %swap3A_480 = arith.index_cast %select_n3A_155 : i32 to index
          %swap3A_481 = arith.constant 464 : index
          %swap3A_482 = tpu.vector_load %arg6[%swap3A_480, %swap3A_481] {strides = array<i32>} : memref<16x1024xf32, #tpu.memory_space<vmem>>, vector<1x16xf32>,
          %swap3A_483 = vector.shape_cast %swap3A_482 : vector<1x16xf32> to vector<16xf32>
          %swap3A_484 = vector.shape_cast %get3A_479 : vector<16xf32> to vector<1x16xf32>
          tpu.vector_store %arg6[%swap3A_480, %swap3A_481], %swap3A_484 {add = true, strides = array<i32>} : memref<16x1024xf32, #tpu.memory_space<vmem>>, vector<1x16xf32>,
          %get3A_485 = arith.constant 1 : i32
          %get3A_486 = arith.index_cast %get3A_485 : i32 to index
          %get3A_487 = arith.index_cast %scan3A_139 : i32 to index
          %get3A_488 = arith.constant 480 : index
          %get3A_489 = tpu.vector_load %arg7[%get3A_486, %get3A_487, %get3A_488] {strides = array<i32>} : memref<2x32x1024xf32, #tpu.memory_space<vmem>>, vector<1x1x16xf32>,
          %get3A_490 = vector.shape_cast %get3A_489 : vector<1x1x16xf32> to vector<16xf32>
          %swap3A_491 = arith.index_cast %select_n3A_155 : i32 to index
          %swap3A_492 = arith.constant 480 : index
          %swap3A_493 = tpu.vector_load %arg6[%swap3A_491, %swap3A_492] {strides = array<i32>} : memref<16x1024xf32, #tpu.memory_space<vmem>>, vector<1x16xf32>,
          %swap3A_494 = vector.shape_cast %swap3A_493 : vector<1x16xf32> to vector<16xf32>
          %swap3A_495 = vector.shape_cast %get3A_490 : vector<16xf32> to vector<1x16xf32>
          tpu.vector_store %arg6[%swap3A_491, %swap3A_492], %swap3A_495 {add = true, strides = array<i32>} : memref<16x1024xf32, #tpu.memory_space<vmem>>, vector<1x16xf32>,
          %get3A_496 = arith.constant 1 : i32
          %get3A_497 = arith.index_cast %get3A_496 : i32 to index
          %get3A_498 = arith.index_cast %scan3A_139 : i32 to index
          %get3A_499 = arith.constant 496 : index
          %get3A_500 = tpu.vector_load %arg7[%get3A_497, %get3A_498, %get3A_499] {strides = array<i32>} : memref<2x32x1024xf32, #tpu.memory_space<vmem>>, vector<1x1x16xf32>,
          %get3A_501 = vector.shape_cast %get3A_500 : vector<1x1x16xf32> to vector<16xf32>
          %swap3A_502 = arith.index_cast %select_n3A_155 : i32 to index
          %swap3A_503 = arith.constant 496 : index
          %swap3A_504 = tpu.vector_load %arg6[%swap3A_502, %swap3A_503] {strides = array<i32>} : memref<16x1024xf32, #tpu.memory_space<vmem>>, vector<1x16xf32>,
          %swap3A_505 = vector.shape_cast %swap3A_504 : vector<1x16xf32> to vector<16xf32>
          %swap3A_506 = vector.shape_cast %get3A_501 : vector<16xf32> to vector<1x16xf32>
          tpu.vector_store %arg6[%swap3A_502, %swap3A_503], %swap3A_506 {add = true, strides = array<i32>} : memref<16x1024xf32, #tpu.memory_space<vmem>>, vector<1x16xf32>,
          %get3A_507 = arith.constant 1 : i32
          %get3A_508 = arith.index_cast %get3A_507 : i32 to index
          %get3A_509 = arith.index_cast %scan3A_139 : i32 to index
          %get3A_510 = arith.constant 512 : index
          %get3A_511 = tpu.vector_load %arg7[%get3A_508, %get3A_509, %get3A_510] {strides = array<i32>} : memref<2x32x1024xf32, #tpu.memory_space<vmem>>, vector<1x1x16xf32>,
          %get3A_512 = vector.shape_cast %get3A_511 : vector<1x1x16xf32> to vector<16xf32>
          %swap3A_513 = arith.index_cast %select_n3A_155 : i32 to index
          %swap3A_514 = arith.constant 512 : index
          %swap3A_515 = tpu.vector_load %arg6[%swap3A_513, %swap3A_514] {strides = array<i32>} : memref<16x1024xf32, #tpu.memory_space<vmem>>, vector<1x16xf32>,
          %swap3A_516 = vector.shape_cast %swap3A_515 : vector<1x16xf32> to vector<16xf32>
          %swap3A_517 = vector.shape_cast %get3A_512 : vector<16xf32> to vector<1x16xf32>
          tpu.vector_store %arg6[%swap3A_513, %swap3A_514], %swap3A_517 {add = true, strides = array<i32>} : memref<16x1024xf32, #tpu.memory_space<vmem>>, vector<1x16xf32>,
          %get3A_518 = arith.constant 1 : i32
          %get3A_519 = arith.index_cast %get3A_518 : i32 to index
          %get3A_520 = arith.index_cast %scan3A_139 : i32 to index
          %get3A_521 = arith.constant 528 : index
          %get3A_522 = tpu.vector_load %arg7[%get3A_519, %get3A_520, %get3A_521] {strides = array<i32>} : memref<2x32x1024xf32, #tpu.memory_space<vmem>>, vector<1x1x16xf32>,
          %get3A_523 = vector.shape_cast %get3A_522 : vector<1x1x16xf32> to vector<16xf32>
          %swap3A_524 = arith.index_cast %select_n3A_155 : i32 to index
          %swap3A_525 = arith.constant 528 : index
          %swap3A_526 = tpu.vector_load %arg6[%swap3A_524, %swap3A_525] {strides = array<i32>} : memref<16x1024xf32, #tpu.memory_space<vmem>>, vector<1x16xf32>,
          %swap3A_527 = vector.shape_cast %swap3A_526 : vector<1x16xf32> to vector<16xf32>
          %swap3A_528 = vector.shape_cast %get3A_523 : vector<16xf32> to vector<1x16xf32>
          tpu.vector_store %arg6[%swap3A_524, %swap3A_525], %swap3A_528 {add = true, strides = array<i32>} : memref<16x1024xf32, #tpu.memory_space<vmem>>, vector<1x16xf32>,
          %get3A_529 = arith.constant 1 : i32
          %get3A_530 = arith.index_cast %get3A_529 : i32 to index
          %get3A_531 = arith.index_cast %scan3A_139 : i32 to index
          %get3A_532 = arith.constant 544 : index
          %get3A_533 = tpu.vector_load %arg7[%get3A_530, %get3A_531, %get3A_532] {strides = array<i32>} : memref<2x32x1024xf32, #tpu.memory_space<vmem>>, vector<1x1x16xf32>,
          %get3A_534 = vector.shape_cast %get3A_533 : vector<1x1x16xf32> to vector<16xf32>
          %swap3A_535 = arith.index_cast %select_n3A_155 : i32 to index
          %swap3A_536 = arith.constant 544 : index
          %swap3A_537 = tpu.vector_load %arg6[%swap3A_535, %swap3A_536] {strides = array<i32>} : memref<16x1024xf32, #tpu.memory_space<vmem>>, vector<1x16xf32>,
          %swap3A_538 = vector.shape_cast %swap3A_537 : vector<1x16xf32> to vector<16xf32>
          %swap3A_539 = vector.shape_cast %get3A_534 : vector<16xf32> to vector<1x16xf32>
          tpu.vector_store %arg6[%swap3A_535, %swap3A_536], %swap3A_539 {add = true, strides = array<i32>} : memref<16x1024xf32, #tpu.memory_space<vmem>>, vector<1x16xf32>,
          %get3A_540 = arith.constant 1 : i32
          %get3A_541 = arith.index_cast %get3A_540 : i32 to index
          %get3A_542 = arith.index_cast %scan3A_139 : i32 to index
          %get3A_543 = arith.constant 560 : index
          %get3A_544 = tpu.vector_load %arg7[%get3A_541, %get3A_542, %get3A_543] {strides = array<i32>} : memref<2x32x1024xf32, #tpu.memory_space<vmem>>, vector<1x1x16xf32>,
          %get3A_545 = vector.shape_cast %get3A_544 : vector<1x1x16xf32> to vector<16xf32>
          %swap3A_546 = arith.index_cast %select_n3A_155 : i32 to index
          %swap3A_547 = arith.constant 560 : index
          %swap3A_548 = tpu.vector_load %arg6[%swap3A_546, %swap3A_547] {strides = array<i32>} : memref<16x1024xf32, #tpu.memory_space<vmem>>, vector<1x16xf32>,
          %swap3A_549 = vector.shape_cast %swap3A_548 : vector<1x16xf32> to vector<16xf32>
          %swap3A_550 = vector.shape_cast %get3A_545 : vector<16xf32> to vector<1x16xf32>
          tpu.vector_store %arg6[%swap3A_546, %swap3A_547], %swap3A_550 {add = true, strides = array<i32>} : memref<16x1024xf32, #tpu.memory_space<vmem>>, vector<1x16xf32>,
          %get3A_551 = arith.constant 1 : i32
          %get3A_552 = arith.index_cast %get3A_551 : i32 to index
          %get3A_553 = arith.index_cast %scan3A_139 : i32 to index
          %get3A_554 = arith.constant 576 : index
          %get3A_555 = tpu.vector_load %arg7[%get3A_552, %get3A_553, %get3A_554] {strides = array<i32>} : memref<2x32x1024xf32, #tpu.memory_space<vmem>>, vector<1x1x16xf32>,
          %get3A_556 = vector.shape_cast %get3A_555 : vector<1x1x16xf32> to vector<16xf32>
          %swap3A_557 = arith.index_cast %select_n3A_155 : i32 to index
          %swap3A_558 = arith.constant 576 : index
          %swap3A_559 = tpu.vector_load %arg6[%swap3A_557, %swap3A_558] {strides = array<i32>} : memref<16x1024xf32, #tpu.memory_space<vmem>>, vector<1x16xf32>,
          %swap3A_560 = vector.shape_cast %swap3A_559 : vector<1x16xf32> to vector<16xf32>
          %swap3A_561 = vector.shape_cast %get3A_556 : vector<16xf32> to vector<1x16xf32>
          tpu.vector_store %arg6[%swap3A_557, %swap3A_558], %swap3A_561 {add = true, strides = array<i32>} : memref<16x1024xf32, #tpu.memory_space<vmem>>, vector<1x16xf32>,
          %get3A_562 = arith.constant 1 : i32
          %get3A_563 = arith.index_cast %get3A_562 : i32 to index
          %get3A_564 = arith.index_cast %scan3A_139 : i32 to index
          %get3A_565 = arith.constant 592 : index
          %get3A_566 = tpu.vector_load %arg7[%get3A_563, %get3A_564, %get3A_565] {strides = array<i32>} : memref<2x32x1024xf32, #tpu.memory_space<vmem>>, vector<1x1x16xf32>,
          %get3A_567 = vector.shape_cast %get3A_566 : vector<1x1x16xf32> to vector<16xf32>
          %swap3A_568 = arith.index_cast %select_n3A_155 : i32 to index
          %swap3A_569 = arith.constant 592 : index
          %swap3A_570 = tpu.vector_load %arg6[%swap3A_568, %swap3A_569] {strides = array<i32>} : memref<16x1024xf32, #tpu.memory_space<vmem>>, vector<1x16xf32>,
          %swap3A_571 = vector.shape_cast %swap3A_570 : vector<1x16xf32> to vector<16xf32>
          %swap3A_572 = vector.shape_cast %get3A_567 : vector<16xf32> to vector<1x16xf32>
          tpu.vector_store %arg6[%swap3A_568, %swap3A_569], %swap3A_572 {add = true, strides = array<i32>} : memref<16x1024xf32, #tpu.memory_space<vmem>>, vector<1x16xf32>,
          %get3A_573 = arith.constant 1 : i32
          %get3A_574 = arith.index_cast %get3A_573 : i32 to index
          %get3A_575 = arith.index_cast %scan3A_139 : i32 to index
          %get3A_576 = arith.constant 608 : index
          %get3A_577 = tpu.vector_load %arg7[%get3A_574, %get3A_575, %get3A_576] {strides = array<i32>} : memref<2x32x1024xf32, #tpu.memory_space<vmem>>, vector<1x1x16xf32>,
          %get3A_578 = vector.shape_cast %get3A_577 : vector<1x1x16xf32> to vector<16xf32>
          %swap3A_579 = arith.index_cast %select_n3A_155 : i32 to index
          %swap3A_580 = arith.constant 608 : index
          %swap3A_581 = tpu.vector_load %arg6[%swap3A_579, %swap3A_580] {strides = array<i32>} : memref<16x1024xf32, #tpu.memory_space<vmem>>, vector<1x16xf32>,
          %swap3A_582 = vector.shape_cast %swap3A_581 : vector<1x16xf32> to vector<16xf32>
          %swap3A_583 = vector.shape_cast %get3A_578 : vector<16xf32> to vector<1x16xf32>
          tpu.vector_store %arg6[%swap3A_579, %swap3A_580], %swap3A_583 {add = true, strides = array<i32>} : memref<16x1024xf32, #tpu.memory_space<vmem>>, vector<1x16xf32>,
          %get3A_584 = arith.constant 1 : i32
          %get3A_585 = arith.index_cast %get3A_584 : i32 to index
          %get3A_586 = arith.index_cast %scan3A_139 : i32 to index
          %get3A_587 = arith.constant 624 : index
          %get3A_588 = tpu.vector_load %arg7[%get3A_585, %get3A_586, %get3A_587] {strides = array<i32>} : memref<2x32x1024xf32, #tpu.memory_space<vmem>>, vector<1x1x16xf32>,
          %get3A_589 = vector.shape_cast %get3A_588 : vector<1x1x16xf32> to vector<16xf32>
          %swap3A_590 = arith.index_cast %select_n3A_155 : i32 to index
          %swap3A_591 = arith.constant 624 : index
          %swap3A_592 = tpu.vector_load %arg6[%swap3A_590, %swap3A_591] {strides = array<i32>} : memref<16x1024xf32, #tpu.memory_space<vmem>>, vector<1x16xf32>,
          %swap3A_593 = vector.shape_cast %swap3A_592 : vector<1x16xf32> to vector<16xf32>
          %swap3A_594 = vector.shape_cast %get3A_589 : vector<16xf32> to vector<1x16xf32>
          tpu.vector_store %arg6[%swap3A_590, %swap3A_591], %swap3A_594 {add = true, strides = array<i32>} : memref<16x1024xf32, #tpu.memory_space<vmem>>, vector<1x16xf32>,
          %get3A_595 = arith.constant 1 : i32
          %get3A_596 = arith.index_cast %get3A_595 : i32 to index
          %get3A_597 = arith.index_cast %scan3A_139 : i32 to index
          %get3A_598 = arith.constant 640 : index
          %get3A_599 = tpu.vector_load %arg7[%get3A_596, %get3A_597, %get3A_598] {strides = array<i32>} : memref<2x32x1024xf32, #tpu.memory_space<vmem>>, vector<1x1x16xf32>,
          %get3A_600 = vector.shape_cast %get3A_599 : vector<1x1x16xf32> to vector<16xf32>
          %swap3A_601 = arith.index_cast %select_n3A_155 : i32 to index
          %swap3A_602 = arith.constant 640 : index
          %swap3A_603 = tpu.vector_load %arg6[%swap3A_601, %swap3A_602] {strides = array<i32>} : memref<16x1024xf32, #tpu.memory_space<vmem>>, vector<1x16xf32>,
          %swap3A_604 = vector.shape_cast %swap3A_603 : vector<1x16xf32> to vector<16xf32>
          %swap3A_605 = vector.shape_cast %get3A_600 : vector<16xf32> to vector<1x16xf32>
          tpu.vector_store %arg6[%swap3A_601, %swap3A_602], %swap3A_605 {add = true, strides = array<i32>} : memref<16x1024xf32, #tpu.memory_space<vmem>>, vector<1x16xf32>,
          %get3A_606 = arith.constant 1 : i32
          %get3A_607 = arith.index_cast %get3A_606 : i32 to index
          %get3A_608 = arith.index_cast %scan3A_139 : i32 to index
          %get3A_609 = arith.constant 656 : index
          %get3A_610 = tpu.vector_load %arg7[%get3A_607, %get3A_608, %get3A_609] {strides = array<i32>} : memref<2x32x1024xf32, #tpu.memory_space<vmem>>, vector<1x1x16xf32>,
          %get3A_611 = vector.shape_cast %get3A_610 : vector<1x1x16xf32> to vector<16xf32>
          %swap3A_612 = arith.index_cast %select_n3A_155 : i32 to index
          %swap3A_613 = arith.constant 656 : index
          %swap3A_614 = tpu.vector_load %arg6[%swap3A_612, %swap3A_613] {strides = array<i32>} : memref<16x1024xf32, #tpu.memory_space<vmem>>, vector<1x16xf32>,
          %swap3A_615 = vector.shape_cast %swap3A_614 : vector<1x16xf32> to vector<16xf32>
          %swap3A_616 = vector.shape_cast %get3A_611 : vector<16xf32> to vector<1x16xf32>
          tpu.vector_store %arg6[%swap3A_612, %swap3A_613], %swap3A_616 {add = true, strides = array<i32>} : memref<16x1024xf32, #tpu.memory_space<vmem>>, vector<1x16xf32>,
          %get3A_617 = arith.constant 1 : i32
          %get3A_618 = arith.index_cast %get3A_617 : i32 to index
          %get3A_619 = arith.index_cast %scan3A_139 : i32 to index
          %get3A_620 = arith.constant 672 : index
          %get3A_621 = tpu.vector_load %arg7[%get3A_618, %get3A_619, %get3A_620] {strides = array<i32>} : memref<2x32x1024xf32, #tpu.memory_space<vmem>>, vector<1x1x16xf32>,
          %get3A_622 = vector.shape_cast %get3A_621 : vector<1x1x16xf32> to vector<16xf32>
          %swap3A_623 = arith.index_cast %select_n3A_155 : i32 to index
          %swap3A_624 = arith.constant 672 : index
          %swap3A_625 = tpu.vector_load %arg6[%swap3A_623, %swap3A_624] {strides = array<i32>} : memref<16x1024xf32, #tpu.memory_space<vmem>>, vector<1x16xf32>,
          %swap3A_626 = vector.shape_cast %swap3A_625 : vector<1x16xf32> to vector<16xf32>
          %swap3A_627 = vector.shape_cast %get3A_622 : vector<16xf32> to vector<1x16xf32>
          tpu.vector_store %arg6[%swap3A_623, %swap3A_624], %swap3A_627 {add = true, strides = array<i32>} : memref<16x1024xf32, #tpu.memory_space<vmem>>, vector<1x16xf32>,
          %get3A_628 = arith.constant 1 : i32
          %get3A_629 = arith.index_cast %get3A_628 : i32 to index
          %get3A_630 = arith.index_cast %scan3A_139 : i32 to index
          %get3A_631 = arith.constant 688 : index
          %get3A_632 = tpu.vector_load %arg7[%get3A_629, %get3A_630, %get3A_631] {strides = array<i32>} : memref<2x32x1024xf32, #tpu.memory_space<vmem>>, vector<1x1x16xf32>,
          %get3A_633 = vector.shape_cast %get3A_632 : vector<1x1x16xf32> to vector<16xf32>
          %swap3A_634 = arith.index_cast %select_n3A_155 : i32 to index
          %swap3A_635 = arith.constant 688 : index
          %swap3A_636 = tpu.vector_load %arg6[%swap3A_634, %swap3A_635] {strides = array<i32>} : memref<16x1024xf32, #tpu.memory_space<vmem>>, vector<1x16xf32>,
          %swap3A_637 = vector.shape_cast %swap3A_636 : vector<1x16xf32> to vector<16xf32>
          %swap3A_638 = vector.shape_cast %get3A_633 : vector<16xf32> to vector<1x16xf32>
          tpu.vector_store %arg6[%swap3A_634, %swap3A_635], %swap3A_638 {add = true, strides = array<i32>} : memref<16x1024xf32, #tpu.memory_space<vmem>>, vector<1x16xf32>,
          %get3A_639 = arith.constant 1 : i32
          %get3A_640 = arith.index_cast %get3A_639 : i32 to index
          %get3A_641 = arith.index_cast %scan3A_139 : i32 to index
          %get3A_642 = arith.constant 704 : index
          %get3A_643 = tpu.vector_load %arg7[%get3A_640, %get3A_641, %get3A_642] {strides = array<i32>} : memref<2x32x1024xf32, #tpu.memory_space<vmem>>, vector<1x1x16xf32>,
          %get3A_644 = vector.shape_cast %get3A_643 : vector<1x1x16xf32> to vector<16xf32>
          %swap3A_645 = arith.index_cast %select_n3A_155 : i32 to index
          %swap3A_646 = arith.constant 704 : index
          %swap3A_647 = tpu.vector_load %arg6[%swap3A_645, %swap3A_646] {strides = array<i32>} : memref<16x1024xf32, #tpu.memory_space<vmem>>, vector<1x16xf32>,
          %swap3A_648 = vector.shape_cast %swap3A_647 : vector<1x16xf32> to vector<16xf32>
          %swap3A_649 = vector.shape_cast %get3A_644 : vector<16xf32> to vector<1x16xf32>
          tpu.vector_store %arg6[%swap3A_645, %swap3A_646], %swap3A_649 {add = true, strides = array<i32>} : memref<16x1024xf32, #tpu.memory_space<vmem>>, vector<1x16xf32>,
          %get3A_650 = arith.constant 1 : i32
          %get3A_651 = arith.index_cast %get3A_650 : i32 to index
          %get3A_652 = arith.index_cast %scan3A_139 : i32 to index
          %get3A_653 = arith.constant 720 : index
          %get3A_654 = tpu.vector_load %arg7[%get3A_651, %get3A_652, %get3A_653] {strides = array<i32>} : memref<2x32x1024xf32, #tpu.memory_space<vmem>>, vector<1x1x16xf32>,
          %get3A_655 = vector.shape_cast %get3A_654 : vector<1x1x16xf32> to vector<16xf32>
          %swap3A_656 = arith.index_cast %select_n3A_155 : i32 to index
          %swap3A_657 = arith.constant 720 : index
          %swap3A_658 = tpu.vector_load %arg6[%swap3A_656, %swap3A_657] {strides = array<i32>} : memref<16x1024xf32, #tpu.memory_space<vmem>>, vector<1x16xf32>,
          %swap3A_659 = vector.shape_cast %swap3A_658 : vector<1x16xf32> to vector<16xf32>
          %swap3A_660 = vector.shape_cast %get3A_655 : vector<16xf32> to vector<1x16xf32>
          tpu.vector_store %arg6[%swap3A_656, %swap3A_657], %swap3A_660 {add = true, strides = array<i32>} : memref<16x1024xf32, #tpu.memory_space<vmem>>, vector<1x16xf32>,
          %get3A_661 = arith.constant 1 : i32
          %get3A_662 = arith.index_cast %get3A_661 : i32 to index
          %get3A_663 = arith.index_cast %scan3A_139 : i32 to index
          %get3A_664 = arith.constant 736 : index
          %get3A_665 = tpu.vector_load %arg7[%get3A_662, %get3A_663, %get3A_664] {strides = array<i32>} : memref<2x32x1024xf32, #tpu.memory_space<vmem>>, vector<1x1x16xf32>,
          %get3A_666 = vector.shape_cast %get3A_665 : vector<1x1x16xf32> to vector<16xf32>
          %swap3A_667 = arith.index_cast %select_n3A_155 : i32 to index
          %swap3A_668 = arith.constant 736 : index
          %swap3A_669 = tpu.vector_load %arg6[%swap3A_667, %swap3A_668] {strides = array<i32>} : memref<16x1024xf32, #tpu.memory_space<vmem>>, vector<1x16xf32>,
          %swap3A_670 = vector.shape_cast %swap3A_669 : vector<1x16xf32> to vector<16xf32>
          %swap3A_671 = vector.shape_cast %get3A_666 : vector<16xf32> to vector<1x16xf32>
          tpu.vector_store %arg6[%swap3A_667, %swap3A_668], %swap3A_671 {add = true, strides = array<i32>} : memref<16x1024xf32, #tpu.memory_space<vmem>>, vector<1x16xf32>,
          %get3A_672 = arith.constant 1 : i32
          %get3A_673 = arith.index_cast %get3A_672 : i32 to index
          %get3A_674 = arith.index_cast %scan3A_139 : i32 to index
          %get3A_675 = arith.constant 752 : index
          %get3A_676 = tpu.vector_load %arg7[%get3A_673, %get3A_674, %get3A_675] {strides = array<i32>} : memref<2x32x1024xf32, #tpu.memory_space<vmem>>, vector<1x1x16xf32>,
          %get3A_677 = vector.shape_cast %get3A_676 : vector<1x1x16xf32> to vector<16xf32>
          %swap3A_678 = arith.index_cast %select_n3A_155 : i32 to index
          %swap3A_679 = arith.constant 752 : index
          %swap3A_680 = tpu.vector_load %arg6[%swap3A_678, %swap3A_679] {strides = array<i32>} : memref<16x1024xf32, #tpu.memory_space<vmem>>, vector<1x16xf32>,
          %swap3A_681 = vector.shape_cast %swap3A_680 : vector<1x16xf32> to vector<16xf32>
          %swap3A_682 = vector.shape_cast %get3A_677 : vector<16xf32> to vector<1x16xf32>
          tpu.vector_store %arg6[%swap3A_678, %swap3A_679], %swap3A_682 {add = true, strides = array<i32>} : memref<16x1024xf32, #tpu.memory_space<vmem>>, vector<1x16xf32>,
          %get3A_683 = arith.constant 1 : i32
          %get3A_684 = arith.index_cast %get3A_683 : i32 to index
          %get3A_685 = arith.index_cast %scan3A_139 : i32 to index
          %get3A_686 = arith.constant 768 : index
          %get3A_687 = tpu.vector_load %arg7[%get3A_684, %get3A_685, %get3A_686] {strides = array<i32>} : memref<2x32x1024xf32, #tpu.memory_space<vmem>>, vector<1x1x16xf32>,
          %get3A_688 = vector.shape_cast %get3A_687 : vector<1x1x16xf32> to vector<16xf32>
          %swap3A_689 = arith.index_cast %select_n3A_155 : i32 to index
          %swap3A_690 = arith.constant 768 : index
          %swap3A_691 = tpu.vector_load %arg6[%swap3A_689, %swap3A_690] {strides = array<i32>} : memref<16x1024xf32, #tpu.memory_space<vmem>>, vector<1x16xf32>,
          %swap3A_692 = vector.shape_cast %swap3A_691 : vector<1x16xf32> to vector<16xf32>
          %swap3A_693 = vector.shape_cast %get3A_688 : vector<16xf32> to vector<1x16xf32>
          tpu.vector_store %arg6[%swap3A_689, %swap3A_690], %swap3A_693 {add = true, strides = array<i32>} : memref<16x1024xf32, #tpu.memory_space<vmem>>, vector<1x16xf32>,
          %get3A_694 = arith.constant 1 : i32
          %get3A_695 = arith.index_cast %get3A_694 : i32 to index
          %get3A_696 = arith.index_cast %scan3A_139 : i32 to index
          %get3A_697 = arith.constant 784 : index
          %get3A_698 = tpu.vector_load %arg7[%get3A_695, %get3A_696, %get3A_697] {strides = array<i32>} : memref<2x32x1024xf32, #tpu.memory_space<vmem>>, vector<1x1x16xf32>,
          %get3A_699 = vector.shape_cast %get3A_698 : vector<1x1x16xf32> to vector<16xf32>
          %swap3A_700 = arith.index_cast %select_n3A_155 : i32 to index
          %swap3A_701 = arith.constant 784 : index
          %swap3A_702 = tpu.vector_load %arg6[%swap3A_700, %swap3A_701] {strides = array<i32>} : memref<16x1024xf32, #tpu.memory_space<vmem>>, vector<1x16xf32>,
          %swap3A_703 = vector.shape_cast %swap3A_702 : vector<1x16xf32> to vector<16xf32>
          %swap3A_704 = vector.shape_cast %get3A_699 : vector<16xf32> to vector<1x16xf32>
          tpu.vector_store %arg6[%swap3A_700, %swap3A_701], %swap3A_704 {add = true, strides = array<i32>} : memref<16x1024xf32, #tpu.memory_space<vmem>>, vector<1x16xf32>,
          %get3A_705 = arith.constant 1 : i32
          %get3A_706 = arith.index_cast %get3A_705 : i32 to index
          %get3A_707 = arith.index_cast %scan3A_139 : i32 to index
          %get3A_708 = arith.constant 800 : index
          %get3A_709 = tpu.vector_load %arg7[%get3A_706, %get3A_707, %get3A_708] {strides = array<i32>} : memref<2x32x1024xf32, #tpu.memory_space<vmem>>, vector<1x1x16xf32>,
          %get3A_710 = vector.shape_cast %get3A_709 : vector<1x1x16xf32> to vector<16xf32>
          %swap3A_711 = arith.index_cast %select_n3A_155 : i32 to index
          %swap3A_712 = arith.constant 800 : index
          %swap3A_713 = tpu.vector_load %arg6[%swap3A_711, %swap3A_712] {strides = array<i32>} : memref<16x1024xf32, #tpu.memory_space<vmem>>, vector<1x16xf32>,
          %swap3A_714 = vector.shape_cast %swap3A_713 : vector<1x16xf32> to vector<16xf32>
          %swap3A_715 = vector.shape_cast %get3A_710 : vector<16xf32> to vector<1x16xf32>
          tpu.vector_store %arg6[%swap3A_711, %swap3A_712], %swap3A_715 {add = true, strides = array<i32>} : memref<16x1024xf32, #tpu.memory_space<vmem>>, vector<1x16xf32>,
          %get3A_716 = arith.constant 1 : i32
          %get3A_717 = arith.index_cast %get3A_716 : i32 to index
          %get3A_718 = arith.index_cast %scan3A_139 : i32 to index
          %get3A_719 = arith.constant 816 : index
          %get3A_720 = tpu.vector_load %arg7[%get3A_717, %get3A_718, %get3A_719] {strides = array<i32>} : memref<2x32x1024xf32, #tpu.memory_space<vmem>>, vector<1x1x16xf32>,
          %get3A_721 = vector.shape_cast %get3A_720 : vector<1x1x16xf32> to vector<16xf32>
          %swap3A_722 = arith.index_cast %select_n3A_155 : i32 to index
          %swap3A_723 = arith.constant 816 : index
          %swap3A_724 = tpu.vector_load %arg6[%swap3A_722, %swap3A_723] {strides = array<i32>} : memref<16x1024xf32, #tpu.memory_space<vmem>>, vector<1x16xf32>,
          %swap3A_725 = vector.shape_cast %swap3A_724 : vector<1x16xf32> to vector<16xf32>
          %swap3A_726 = vector.shape_cast %get3A_721 : vector<16xf32> to vector<1x16xf32>
          tpu.vector_store %arg6[%swap3A_722, %swap3A_723], %swap3A_726 {add = true, strides = array<i32>} : memref<16x1024xf32, #tpu.memory_space<vmem>>, vector<1x16xf32>,
          %get3A_727 = arith.constant 1 : i32
          %get3A_728 = arith.index_cast %get3A_727 : i32 to index
          %get3A_729 = arith.index_cast %scan3A_139 : i32 to index
          %get3A_730 = arith.constant 832 : index
          %get3A_731 = tpu.vector_load %arg7[%get3A_728, %get3A_729, %get3A_730] {strides = array<i32>} : memref<2x32x1024xf32, #tpu.memory_space<vmem>>, vector<1x1x16xf32>,
          %get3A_732 = vector.shape_cast %get3A_731 : vector<1x1x16xf32> to vector<16xf32>
          %swap3A_733 = arith.index_cast %select_n3A_155 : i32 to index
          %swap3A_734 = arith.constant 832 : index
          %swap3A_735 = tpu.vector_load %arg6[%swap3A_733, %swap3A_734] {strides = array<i32>} : memref<16x1024xf32, #tpu.memory_space<vmem>>, vector<1x16xf32>,
          %swap3A_736 = vector.shape_cast %swap3A_735 : vector<1x16xf32> to vector<16xf32>
          %swap3A_737 = vector.shape_cast %get3A_732 : vector<16xf32> to vector<1x16xf32>
          tpu.vector_store %arg6[%swap3A_733, %swap3A_734], %swap3A_737 {add = true, strides = array<i32>} : memref<16x1024xf32, #tpu.memory_space<vmem>>, vector<1x16xf32>,
          %get3A_738 = arith.constant 1 : i32
          %get3A_739 = arith.index_cast %get3A_738 : i32 to index
          %get3A_740 = arith.index_cast %scan3A_139 : i32 to index
          %get3A_741 = arith.constant 848 : index
          %get3A_742 = tpu.vector_load %arg7[%get3A_739, %get3A_740, %get3A_741] {strides = array<i32>} : memref<2x32x1024xf32, #tpu.memory_space<vmem>>, vector<1x1x16xf32>,
          %get3A_743 = vector.shape_cast %get3A_742 : vector<1x1x16xf32> to vector<16xf32>
          %swap3A_744 = arith.index_cast %select_n3A_155 : i32 to index
          %swap3A_745 = arith.constant 848 : index
          %swap3A_746 = tpu.vector_load %arg6[%swap3A_744, %swap3A_745] {strides = array<i32>} : memref<16x1024xf32, #tpu.memory_space<vmem>>, vector<1x16xf32>,
          %swap3A_747 = vector.shape_cast %swap3A_746 : vector<1x16xf32> to vector<16xf32>
          %swap3A_748 = vector.shape_cast %get3A_743 : vector<16xf32> to vector<1x16xf32>
          tpu.vector_store %arg6[%swap3A_744, %swap3A_745], %swap3A_748 {add = true, strides = array<i32>} : memref<16x1024xf32, #tpu.memory_space<vmem>>, vector<1x16xf32>,
          %get3A_749 = arith.constant 1 : i32
          %get3A_750 = arith.index_cast %get3A_749 : i32 to index
          %get3A_751 = arith.index_cast %scan3A_139 : i32 to index
          %get3A_752 = arith.constant 864 : index
          %get3A_753 = tpu.vector_load %arg7[%get3A_750, %get3A_751, %get3A_752] {strides = array<i32>} : memref<2x32x1024xf32, #tpu.memory_space<vmem>>, vector<1x1x16xf32>,
          %get3A_754 = vector.shape_cast %get3A_753 : vector<1x1x16xf32> to vector<16xf32>
          %swap3A_755 = arith.index_cast %select_n3A_155 : i32 to index
          %swap3A_756 = arith.constant 864 : index
          %swap3A_757 = tpu.vector_load %arg6[%swap3A_755, %swap3A_756] {strides = array<i32>} : memref<16x1024xf32, #tpu.memory_space<vmem>>, vector<1x16xf32>,
          %swap3A_758 = vector.shape_cast %swap3A_757 : vector<1x16xf32> to vector<16xf32>
          %swap3A_759 = vector.shape_cast %get3A_754 : vector<16xf32> to vector<1x16xf32>
          tpu.vector_store %arg6[%swap3A_755, %swap3A_756], %swap3A_759 {add = true, strides = array<i32>} : memref<16x1024xf32, #tpu.memory_space<vmem>>, vector<1x16xf32>,
          %get3A_760 = arith.constant 1 : i32
          %get3A_761 = arith.index_cast %get3A_760 : i32 to index
          %get3A_762 = arith.index_cast %scan3A_139 : i32 to index
          %get3A_763 = arith.constant 880 : index
          %get3A_764 = tpu.vector_load %arg7[%get3A_761, %get3A_762, %get3A_763] {strides = array<i32>} : memref<2x32x1024xf32, #tpu.memory_space<vmem>>, vector<1x1x16xf32>,
          %get3A_765 = vector.shape_cast %get3A_764 : vector<1x1x16xf32> to vector<16xf32>
          %swap3A_766 = arith.index_cast %select_n3A_155 : i32 to index
          %swap3A_767 = arith.constant 880 : index
          %swap3A_768 = tpu.vector_load %arg6[%swap3A_766, %swap3A_767] {strides = array<i32>} : memref<16x1024xf32, #tpu.memory_space<vmem>>, vector<1x16xf32>,
          %swap3A_769 = vector.shape_cast %swap3A_768 : vector<1x16xf32> to vector<16xf32>
          %swap3A_770 = vector.shape_cast %get3A_765 : vector<16xf32> to vector<1x16xf32>
          tpu.vector_store %arg6[%swap3A_766, %swap3A_767], %swap3A_770 {add = true, strides = array<i32>} : memref<16x1024xf32, #tpu.memory_space<vmem>>, vector<1x16xf32>,
          %get3A_771 = arith.constant 1 : i32
          %get3A_772 = arith.index_cast %get3A_771 : i32 to index
          %get3A_773 = arith.index_cast %scan3A_139 : i32 to index
          %get3A_774 = arith.constant 896 : index
          %get3A_775 = tpu.vector_load %arg7[%get3A_772, %get3A_773, %get3A_774] {strides = array<i32>} : memref<2x32x1024xf32, #tpu.memory_space<vmem>>, vector<1x1x16xf32>,
          %get3A_776 = vector.shape_cast %get3A_775 : vector<1x1x16xf32> to vector<16xf32>
          %swap3A_777 = arith.index_cast %select_n3A_155 : i32 to index
          %swap3A_778 = arith.constant 896 : index
          %swap3A_779 = tpu.vector_load %arg6[%swap3A_777, %swap3A_778] {strides = array<i32>} : memref<16x1024xf32, #tpu.memory_space<vmem>>, vector<1x16xf32>,
          %swap3A_780 = vector.shape_cast %swap3A_779 : vector<1x16xf32> to vector<16xf32>
          %swap3A_781 = vector.shape_cast %get3A_776 : vector<16xf32> to vector<1x16xf32>
          tpu.vector_store %arg6[%swap3A_777, %swap3A_778], %swap3A_781 {add = true, strides = array<i32>} : memref<16x1024xf32, #tpu.memory_space<vmem>>, vector<1x16xf32>,
          %get3A_782 = arith.constant 1 : i32
          %get3A_783 = arith.index_cast %get3A_782 : i32 to index
          %get3A_784 = arith.index_cast %scan3A_139 : i32 to index
          %get3A_785 = arith.constant 912 : index
          %get3A_786 = tpu.vector_load %arg7[%get3A_783, %get3A_784, %get3A_785] {strides = array<i32>} : memref<2x32x1024xf32, #tpu.memory_space<vmem>>, vector<1x1x16xf32>,
          %get3A_787 = vector.shape_cast %get3A_786 : vector<1x1x16xf32> to vector<16xf32>
          %swap3A_788 = arith.index_cast %select_n3A_155 : i32 to index
          %swap3A_789 = arith.constant 912 : index
          %swap3A_790 = tpu.vector_load %arg6[%swap3A_788, %swap3A_789] {strides = array<i32>} : memref<16x1024xf32, #tpu.memory_space<vmem>>, vector<1x16xf32>,
          %swap3A_791 = vector.shape_cast %swap3A_790 : vector<1x16xf32> to vector<16xf32>
          %swap3A_792 = vector.shape_cast %get3A_787 : vector<16xf32> to vector<1x16xf32>
          tpu.vector_store %arg6[%swap3A_788, %swap3A_789], %swap3A_792 {add = true, strides = array<i32>} : memref<16x1024xf32, #tpu.memory_space<vmem>>, vector<1x16xf32>,
          %get3A_793 = arith.constant 1 : i32
          %get3A_794 = arith.index_cast %get3A_793 : i32 to index
          %get3A_795 = arith.index_cast %scan3A_139 : i32 to index
          %get3A_796 = arith.constant 928 : index
          %get3A_797 = tpu.vector_load %arg7[%get3A_794, %get3A_795, %get3A_796] {strides = array<i32>} : memref<2x32x1024xf32, #tpu.memory_space<vmem>>, vector<1x1x16xf32>,
          %get3A_798 = vector.shape_cast %get3A_797 : vector<1x1x16xf32> to vector<16xf32>
          %swap3A_799 = arith.index_cast %select_n3A_155 : i32 to index
          %swap3A_800 = arith.constant 928 : index
          %swap3A_801 = tpu.vector_load %arg6[%swap3A_799, %swap3A_800] {strides = array<i32>} : memref<16x1024xf32, #tpu.memory_space<vmem>>, vector<1x16xf32>,
          %swap3A_802 = vector.shape_cast %swap3A_801 : vector<1x16xf32> to vector<16xf32>
          %swap3A_803 = vector.shape_cast %get3A_798 : vector<16xf32> to vector<1x16xf32>
          tpu.vector_store %arg6[%swap3A_799, %swap3A_800], %swap3A_803 {add = true, strides = array<i32>} : memref<16x1024xf32, #tpu.memory_space<vmem>>, vector<1x16xf32>,
          %get3A_804 = arith.constant 1 : i32
          %get3A_805 = arith.index_cast %get3A_804 : i32 to index
          %get3A_806 = arith.index_cast %scan3A_139 : i32 to index
          %get3A_807 = arith.constant 944 : index
          %get3A_808 = tpu.vector_load %arg7[%get3A_805, %get3A_806, %get3A_807] {strides = array<i32>} : memref<2x32x1024xf32, #tpu.memory_space<vmem>>, vector<1x1x16xf32>,
          %get3A_809 = vector.shape_cast %get3A_808 : vector<1x1x16xf32> to vector<16xf32>
          %swap3A_810 = arith.index_cast %select_n3A_155 : i32 to index
          %swap3A_811 = arith.constant 944 : index
          %swap3A_812 = tpu.vector_load %arg6[%swap3A_810, %swap3A_811] {strides = array<i32>} : memref<16x1024xf32, #tpu.memory_space<vmem>>, vector<1x16xf32>,
          %swap3A_813 = vector.shape_cast %swap3A_812 : vector<1x16xf32> to vector<16xf32>
          %swap3A_814 = vector.shape_cast %get3A_809 : vector<16xf32> to vector<1x16xf32>
          tpu.vector_store %arg6[%swap3A_810, %swap3A_811], %swap3A_814 {add = true, strides = array<i32>} : memref<16x1024xf32, #tpu.memory_space<vmem>>, vector<1x16xf32>,
          %get3A_815 = arith.constant 1 : i32
          %get3A_816 = arith.index_cast %get3A_815 : i32 to index
          %get3A_817 = arith.index_cast %scan3A_139 : i32 to index
          %get3A_818 = arith.constant 960 : index
          %get3A_819 = tpu.vector_load %arg7[%get3A_816, %get3A_817, %get3A_818] {strides = array<i32>} : memref<2x32x1024xf32, #tpu.memory_space<vmem>>, vector<1x1x16xf32>,
          %get3A_820 = vector.shape_cast %get3A_819 : vector<1x1x16xf32> to vector<16xf32>
          %swap3A_821 = arith.index_cast %select_n3A_155 : i32 to index
          %swap3A_822 = arith.constant 960 : index
          %swap3A_823 = tpu.vector_load %arg6[%swap3A_821, %swap3A_822] {strides = array<i32>} : memref<16x1024xf32, #tpu.memory_space<vmem>>, vector<1x16xf32>,
          %swap3A_824 = vector.shape_cast %swap3A_823 : vector<1x16xf32> to vector<16xf32>
          %swap3A_825 = vector.shape_cast %get3A_820 : vector<16xf32> to vector<1x16xf32>
          tpu.vector_store %arg6[%swap3A_821, %swap3A_822], %swap3A_825 {add = true, strides = array<i32>} : memref<16x1024xf32, #tpu.memory_space<vmem>>, vector<1x16xf32>,
          %get3A_826 = arith.constant 1 : i32
          %get3A_827 = arith.index_cast %get3A_826 : i32 to index
          %get3A_828 = arith.index_cast %scan3A_139 : i32 to index
          %get3A_829 = arith.constant 976 : index
          %get3A_830 = tpu.vector_load %arg7[%get3A_827, %get3A_828, %get3A_829] {strides = array<i32>} : memref<2x32x1024xf32, #tpu.memory_space<vmem>>, vector<1x1x16xf32>,
          %get3A_831 = vector.shape_cast %get3A_830 : vector<1x1x16xf32> to vector<16xf32>
          %swap3A_832 = arith.index_cast %select_n3A_155 : i32 to index
          %swap3A_833 = arith.constant 976 : index
          %swap3A_834 = tpu.vector_load %arg6[%swap3A_832, %swap3A_833] {strides = array<i32>} : memref<16x1024xf32, #tpu.memory_space<vmem>>, vector<1x16xf32>,
          %swap3A_835 = vector.shape_cast %swap3A_834 : vector<1x16xf32> to vector<16xf32>
          %swap3A_836 = vector.shape_cast %get3A_831 : vector<16xf32> to vector<1x16xf32>
          tpu.vector_store %arg6[%swap3A_832, %swap3A_833], %swap3A_836 {add = true, strides = array<i32>} : memref<16x1024xf32, #tpu.memory_space<vmem>>, vector<1x16xf32>,
          %get3A_837 = arith.constant 1 : i32
          %get3A_838 = arith.index_cast %get3A_837 : i32 to index
          %get3A_839 = arith.index_cast %scan3A_139 : i32 to index
          %get3A_840 = arith.constant 992 : index
          %get3A_841 = tpu.vector_load %arg7[%get3A_838, %get3A_839, %get3A_840] {strides = array<i32>} : memref<2x32x1024xf32, #tpu.memory_space<vmem>>, vector<1x1x16xf32>,
          %get3A_842 = vector.shape_cast %get3A_841 : vector<1x1x16xf32> to vector<16xf32>
          %swap3A_843 = arith.index_cast %select_n3A_155 : i32 to index
          %swap3A_844 = arith.constant 992 : index
          %swap3A_845 = tpu.vector_load %arg6[%swap3A_843, %swap3A_844] {strides = array<i32>} : memref<16x1024xf32, #tpu.memory_space<vmem>>, vector<1x16xf32>,
          %swap3A_846 = vector.shape_cast %swap3A_845 : vector<1x16xf32> to vector<16xf32>
          %swap3A_847 = vector.shape_cast %get3A_842 : vector<16xf32> to vector<1x16xf32>
          tpu.vector_store %arg6[%swap3A_843, %swap3A_844], %swap3A_847 {add = true, strides = array<i32>} : memref<16x1024xf32, #tpu.memory_space<vmem>>, vector<1x16xf32>,
          %get3A_848 = arith.constant 1 : i32
          %get3A_849 = arith.index_cast %get3A_848 : i32 to index
          %get3A_850 = arith.index_cast %scan3A_139 : i32 to index
          %get3A_851 = arith.constant 1008 : index
          %get3A_852 = tpu.vector_load %arg7[%get3A_849, %get3A_850, %get3A_851] {strides = array<i32>} : memref<2x32x1024xf32, #tpu.memory_space<vmem>>, vector<1x1x16xf32>,
          %get3A_853 = vector.shape_cast %get3A_852 : vector<1x1x16xf32> to vector<16xf32>
          %swap3A_854 = arith.index_cast %select_n3A_155 : i32 to index
          %swap3A_855 = arith.constant 1008 : index
          %swap3A_856 = tpu.vector_load %arg6[%swap3A_854, %swap3A_855] {strides = array<i32>} : memref<16x1024xf32, #tpu.memory_space<vmem>>, vector<1x16xf32>,
          %swap3A_857 = vector.shape_cast %swap3A_856 : vector<1x16xf32> to vector<16xf32>
          %swap3A_858 = vector.shape_cast %get3A_853 : vector<16xf32> to vector<1x16xf32>
          tpu.vector_store %arg6[%swap3A_854, %swap3A_855], %swap3A_858 {add = true, strides = array<i32>} : memref<16x1024xf32, #tpu.memory_space<vmem>>, vector<1x16xf32>,
          scf.yield %select_n3A_155 : i32
        }
        %scan3A_138 = arith.constant 32 : i32
        scf.yield %scan3A_137 : i32
      }
      %add3A_126 = arith.constant 2 : i32
      %add3A_127 = arith.addi %add3A_89, %add3A_126 : i32
      %lt3A_128 = arith.constant 16 : i32
      %lt3A_129 = arith.cmpi slt, %add3A_127, %lt3A_128 : i32
      %convert_element_type3A_130 = arith.extui %lt3A_129 : i1 to i32
      %cond3A_131 = arith.constant 0 : i32
      %cond3A_132 = arith.cmpi ne, %convert_element_type3A_130, %cond3A_131 : i32
      scf.if %cond3A_132 {
        %add3A_133 = arith.constant 64 : i32
        %add3A_134 = arith.addi %add3A_92, %add3A_133 : i32
        %dma_start3A_135 = arith.constant 1 : i32
        %dma_start3A_136 = arith.constant 0 : i32
        %dma_start3A_137 = arith.constant 0 : i32
        %dma_start3A_138 = tpu.memref_slice %arg7[%dma_start3A_135, %dma_start3A_136, %dma_start3A_137] : memref<2x32x1024xf32, #tpu.memory_space<vmem>> -> memref<1x32x1024xf32, #tpu.memory_space<vmem>>
        %dma_start3A_139 = tpu.memref_squeeze %dma_start3A_138 : memref<1x32x1024xf32, #tpu.memory_space<vmem>> -> memref<32x1024xf32, #tpu.memory_space<vmem>>
        %dma_start3A_140 = arith.constant 0 : i32
        %dma_start3A_141 = tpu.memref_slice %arg2[%add3A_134, %dma_start3A_140] : memref<32768x1024xf32, #tpu.memory_space<hbm>> -> memref<32x1024xf32, #tpu.memory_space<hbm>>
        %dma_start3A_142 = arith.constant 0 : i32
        %dma_start3A_143 = arith.constant 0 : i32
        %dma_start3A_144 = tpu.memref_slice %arg7[%dma_start3A_135, %dma_start3A_142, %dma_start3A_143] : memref<2x32x1024xf32, #tpu.memory_space<vmem>> -> memref<1x32x1024xf32, #tpu.memory_space<vmem>>
        %dma_start3A_145 = tpu.memref_squeeze %dma_start3A_144 : memref<1x32x1024xf32, #tpu.memory_space<vmem>> -> memref<32x1024xf32, #tpu.memory_space<vmem>>
        %dma_start3A_146 = arith.constant 0 : i32
        %dma_start3A_147 = tpu.memref_slice %arg2[%add3A_134, %dma_start3A_146] : memref<32768x1024xf32, #tpu.memory_space<hbm>> -> memref<32x1024xf32, #tpu.memory_space<hbm>>
        tpu.enqueue_dma source(%dma_start3A_147 : memref<32x1024xf32, #tpu.memory_space<hbm>>) target(%dma_start3A_145 : memref<32x1024xf32, #tpu.memory_space<vmem>>) target_semaphore(%arg9 : memref<!tpu.dma_semaphore, #tpu.memory_space<semaphore_mem>>)
      } else {
      }
      scf.yield %cond3A_125 : i32
    }
    %scan3A_49 = arith.constant 8 : i32
    "tpu.region"() ({
      %run_scoped3A = tpu.sem_alloc : memref<!tpu.dma_semaphore, #tpu.memory_space<semaphore_mem>>
      %dma_start3A_50 = arith.constant 0 : i32
      %dma_start3A_51 = arith.constant 0 : i32
      %dma_start3A_52 = tpu.memref_slice %arg4[%add3A, %dma_start3A_50, %dma_start3A_51] : memref<32x16x1024xf32, #tpu.memory_space<hbm>> -> memref<1x16x1024xf32, #tpu.memory_space<hbm>>
      %dma_start3A_53 = tpu.memref_squeeze %dma_start3A_52 : memref<1x16x1024xf32, #tpu.memory_space<hbm>> -> memref<16x1024xf32, #tpu.memory_space<hbm>>
      %dma_start3A_54 = arith.constant 0 : i32
      %dma_start3A_55 = arith.constant 0 : i32
      %dma_start3A_56 = tpu.memref_slice %arg4[%add3A, %dma_start3A_54, %dma_start3A_55] : memref<32x16x1024xf32, #tpu.memory_space<hbm>> -> memref<1x16x1024xf32, #tpu.memory_space<hbm>>
      %dma_start3A_57 = tpu.memref_squeeze %dma_start3A_56 : memref<1x16x1024xf32, #tpu.memory_space<hbm>> -> memref<16x1024xf32, #tpu.memory_space<hbm>>
      tpu.enqueue_dma source(%arg6 : memref<16x1024xf32, #tpu.memory_space<vmem>>) target(%dma_start3A_57 : memref<16x1024xf32, #tpu.memory_space<hbm>>) target_semaphore(%run_scoped3A : memref<!tpu.dma_semaphore, #tpu.memory_space<semaphore_mem>>)
      %dma_wait3A = arith.constant 0 : i32
      %dma_wait3A_58 = arith.constant 0 : i32
      %dma_wait3A_59 = tpu.memref_slice %arg4[%add3A, %dma_wait3A, %dma_wait3A_58] : memref<32x16x1024xf32, #tpu.memory_space<hbm>> -> memref<1x16x1024xf32, #tpu.memory_space<hbm>>
      %dma_wait3A_60 = tpu.memref_squeeze %dma_wait3A_59 : memref<1x16x1024xf32, #tpu.memory_space<hbm>> -> memref<16x1024xf32, #tpu.memory_space<hbm>>
      %dma_wait3A_61 = arith.constant 0 : i32
      %dma_wait3A_62 = arith.constant 0 : i32
      %dma_wait3A_63 = tpu.memref_slice %arg4[%add3A, %dma_wait3A_61, %dma_wait3A_62] : memref<32x16x1024xf32, #tpu.memory_space<hbm>> -> memref<1x16x1024xf32, #tpu.memory_space<hbm>>
      %dma_wait3A_64 = tpu.memref_squeeze %dma_wait3A_63 : memref<1x16x1024xf32, #tpu.memory_space<hbm>> -> memref<16x1024xf32, #tpu.memory_space<hbm>>
      tpu.wait_dma2 semaphore(%run_scoped3A : memref<!tpu.dma_semaphore, #tpu.memory_space<semaphore_mem>>) src(%arg6 : memref<16x1024xf32, #tpu.memory_space<vmem>>) dst(%dma_wait3A_64 : memref<16x1024xf32, #tpu.memory_space<hbm>>)
      tpu.yield
    }) : () -> ()
    return
  }
}

</mosaic_0001>

<sc_bundles>
// kernel: _segment_partials.3.cloned.1.call-start
scs
__scs_entry_jumppad:
0x0: {  	(pc) =	sbr.rel $0x88, $3  }
0x1: {  	(tag) =	ssettag $0x0;
	lr =	simm.s32 $0x1  }
0x2: {  	[smem:$0x3F9F] =	sst lr;
	_ =	strace $0xD0000000  }
0x3: {  	_ = 	snop  }
0x4: {  	_ = 	snop  }
0x5: {  	_ = 	snop  }
0x6: {  	_ = 	snop  }
0x7: {  	_ = 	snop  }
__scs_overlays_trampoline_lowered:
0x8: {  	[smem:$0x3FAE] =	sst s0  }
0x9: {  	[smem:$0x3FAF] =	sst s1  }
0xa: {  	[smem:$0x3FB0] =	sst s2  }
0xb: {  	[smem:$0x3FB1] =	sst s3  }
0xc: {  	[smem:$0x3FB2] =	sst s4  }
0xd: {  	[smem:$0x3FB3] =	sst s5  }
0xe: {  	[smem:$0x3FB4] =	sst s6  }
0xf: {  	[smem:$0x3FB5] =	sst s7  }
0x10: {  	[smem:$0x3FB6] =	sst s8  }
0x11: {  	[smem:$0x3FB7] =	sst s9;
	s0 =	simm.s32 @!p0 $0x0  }
0x12: {  	s1 =	sld [smem:$0x3F9D];
	s0 =	simm.s32 @p0 $0x1  }
0x13: {  	[smem:$0x3FB8] =	sst s0;
	s0 =	simm.s32 @!p1 $0x0  }
0x14: {  	s2 =	sld [smem:$0x3F9C];
	s0 =	simm.s32 @p1 $0x1  }
0x15: {  	[smem:$0x3FB9] =	sst s0;
	s0 =	simm.s32 @!p2 $0x0  }
0x16: {  	s3 =	sld [smem:$0x3FDB];
	s0 =	simm.s32 @p2 $0x1  }
0x17: {  	s4 =	simm.s32 $0x1BF5;
	[smem:$0x3FBB] =	sst s0  }
0x18: {  	s0 =	sld [smem:$0x3F9E];
	_ =	swait.ge [sflag:s4], $0x0  }
0x19: {  	s7 =	sld [smem:$0x3F9F]  }
0x1a: {  	s8 =	sadd.s32 $0xFFFFE003, lr  }
0x1b: {  	s9 =	sadd.s32 $0xFFFFFEF7, lr;
	s5 =	simm.s32 $0xFFFFFFFF;
	p2 =	slt.u32 s8, $0xFFFFF086  }
0x1c: {  	p1 =	slt.u32 s9, $0xF7A;
	s5 =	simm.s32 @!p2 $0x0  }
0x1d: {  	s5 =	simm.s32 @p1 $0x1;
	p0 =	seq.s32 s7, s2  }
0x1e: {  	s7 =	smul.u32 @!p0 $0xF7A, s2;
	p2 =	seq.s32 @!p0 s5, $0x0  }
0x1f: {  	s9 =	smul.u32 $0xF7A, s1;
	s8 =	simm.s32 @!p0 $0x1BF5;
	p2 =	por !p2, p0  }
0x20: {  	[sflag:s8] =	ssyncset.s32 @!p0 $0xFFFFF086;
	s6 =	sadd.s32 @!p0 s3, s7;
	s7 =	simm.s32 @!p0 $0x108  }
0x21: {  	s3 =	sadd.s32 s3, s9;
	s6 =	sadd.s32 @!p0 $0x88, s6;
	s7 =	simm.s32 @p2 $0x1082  }
0x22: {  	[simem:s7], [sflag:s8] =	dma.local @!p0 [hbm:s6], $0xF7A  }
0x23: {  	s9 =	sor.u32 $0xD0000000, s2;
	s6 =	simm.s32 $0x108;
	_ =	swait.ge @!p0 [sflag:s8], $0x0  }
0x24: {  	s3 =	sadd.s32 $0x88, s3;
	s6 =	simm.s32 @!p1 $0x1082;
	[sflag:s4] =	ssyncset.s32 $0xFFFFF086  }
0x25: {  	[simem:s6], [sflag:s4] =	dma.local [hbm:s3], $0xF7A  }
0x26: {  	[smem:$0x3F9F] =	sst s1;
	(tag) =	ssettag s2;
	_ =	strace s9  }
0x27: {  	s1 =	sld [smem:$0x3FAF]  }
0x28: {  	s2 =	sld [smem:$0x3FB0]  }
0x29: {  	s4 =	sld [smem:$0x3FB2]  }
0x2a: {  	p0 =	seq.s32 s5, $0x0;
	s5 =	sld [smem:$0x3FB3]  }
0x2b: {  	s6 =	sld [smem:$0x3FB4]  }
0x2c: {  	s7 =	sld [smem:$0x3FB5]  }
0x2d: {  	s3 =	simm.s32 $0x108;
	s8 =	sld [smem:$0x3FB6]  }
0x2e: {  	s3 =	simm.s32 @!p0 $0x1082;
	s9 =	sld [smem:$0x3FB7]  }
0x2f: {  	lr =	sadd.s32 s0, s3;
	s0 =	sld [smem:$0x3FAE]  }
0x30: {  	s3 =	sld [smem:$0x3FB1]  }
0x31: {  	[smem:$0x3FBA] =	sst s10  }
0x32: {  	s10 =	sld [smem:$0x3FB8];
	_ =	sdelay $0x3  }
0x33: {  	p0 =	seq.s32 s10, $0x1;
	s10 =	sld [smem:$0x3FBA];
	_ =	sdelay $0x3  }
0x34: {  	[smem:$0x3FBA] =	sst s10  }
0x35: {  	s10 =	sld [smem:$0x3FB9];
	_ =	sdelay $0x3  }
0x36: {  	p1 =	seq.s32 s10, $0x1;
	s10 =	sld [smem:$0x3FBA];
	_ =	sdelay $0x3  }
0x37: {  	[smem:$0x3FBA] =	sst s10  }
0x38: {  	s10 =	sld [smem:$0x3FBB]  }
0x39: {  	_ = 	snop;
	(pc) =	sbr.ind lr, $3  }
0x3a: {  	_ = 	snop  }
0x3b: {  	_ = 	snop  }
0x3c: {  	p2 =	seq.s32 s10, $0x1;
	s10 =	sld [smem:$0x3FBA]  }
0x3d: {  	_ =	shalt  }
0x3e: {  	_ =	shalt  }
0x3f: {  	_ =	shalt  }
0x40: {  	_ =	shalt  }
0x41: {  	_ =	shalt  }
0x42: {  	_ =	shalt  }
0x43: {  	_ =	shalt  }
0x44: {  	_ =	shalt  }
0x45: {  	_ =	shalt  }
0x46: {  	_ =	shalt  }
0x47: {  	_ =	shalt  }
0x48: {  	_ =	shalt  }
0x49: {  	_ =	shalt  }
0x4a: {  	_ =	shalt  }
0x4b: {  	_ =	shalt  }
0x4c: {  	_ =	shalt  }
0x4d: {  	_ =	shalt  }
0x4e: {  	_ =	shalt  }
0x4f: {  	_ =	shalt  }
0x50: {  	_ =	shalt  }
0x51: {  	_ =	shalt  }
0x52: {  	_ =	shalt  }
0x53: {  	_ =	shalt  }
0x54: {  	_ =	shalt  }
0x55: {  	_ =	shalt  }
0x56: {  	_ =	shalt  }
0x57: {  	_ =	shalt  }
0x58: {  	_ =	shalt  }
0x59: {  	_ =	shalt  }
0x5a: {  	_ =	shalt  }
0x5b: {  	_ =	shalt  }
0x5c: {  	_ =	shalt  }
0x5d: {  	_ =	shalt  }
0x5e: {  	_ =	shalt  }
0x5f: {  	_ =	shalt  }
0x60: {  	_ =	shalt  }
0x61: {  	_ =	shalt  }
0x62: {  	_ =	shalt  }
0x63: {  	_ =	shalt  }
0x64: {  	_ =	shalt  }
0x65: {  	_ =	shalt  }
0x66: {  	_ =	shalt  }
0x67: {  	_ =	shalt  }
0x68: {  	_ =	shalt  }
0x69: {  	_ =	shalt  }
0x6a: {  	_ =	shalt  }
0x6b: {  	_ =	shalt  }
0x6c: {  	_ =	shalt  }
0x6d: {  	_ =	shalt  }
0x6e: {  	_ =	shalt  }
0x6f: {  	_ =	shalt  }
0x70: {  	_ =	shalt  }
0x71: {  	_ =	shalt  }
0x72: {  	_ =	shalt  }
0x73: {  	_ =	shalt  }
0x74: {  	_ =	shalt  }
0x75: {  	_ =	shalt  }
0x76: {  	_ =	shalt  }
0x77: {  	_ =	shalt  }
0x78: {  	_ =	shalt  }
0x79: {  	_ =	shalt  }
0x7a: {  	_ =	shalt  }
0x7b: {  	_ =	shalt  }
0x7c: {  	_ =	shalt  }
0x7d: {  	_ =	shalt  }
0x7e: {  	_ =	shalt  }
0x7f: {  	_ =	shalt  }
0x80: {  	_ =	shalt  }
0x81: {  	_ =	shalt  }
0x82: {  	_ =	shalt  }
0x83: {  	_ =	shalt  }
0x84: {  	_ =	shalt  }
0x85: {  	_ =	shalt  }
0x86: {  	_ =	shalt  }
0x87: {  	_ =	shalt  }
.Lfunc_end0:
.L_simem_size_0:
called_computation_lowered:
.L_overlay_start_0:
0x88: {  	s2 =	sld [smem:$0x3FD9]  }
0x89: {  	s3 =	sld [smem:$0x3FFE];
	_ =	sdelay $0x1  }
0x8a: {  	s1 =	srdreg.scid  }
0x8b: {  	s0 =	sand.u32 $0x1, s1  }
0x8c: {  	s18 =	sshll.u32 s0, $0xA;
	s2 =	sadd.s32 s3, s2  }
0x8d: {  	s2 =	sadd.s32 s2, s18  }
0x8e: {  	[smem:$0x3FC6] =	sst s2  }
0x8f: {  	_ = 	snop  }
0x90: {  	s2 =	sld [smem:$0x3FC9]  }
0x91: {  	s19 =	sld [smem:$0x3FC8]  }
0x92: {  	s4 =	sld [smem:$0x3FD0];
	(tm) =	ssettm $0x1  }
0x93: {  	s5 =	sld [smem:$0x3FFB];
	_ =	sdelay $0x3  }
0x94: {  	_ =	strace s5  }
0x95: {  	s5 =	sld [smem:$0x3FFC];
	_ =	sdelay $0x3  }
0x96: {  	_ =	strace s5  }
0x97: {  	s5 =	sld [smem:$0x3FFD];
	_ =	sdelay $0x3  }
0x98: {  	_ =	strace s5  }
0x99: {  	_ =	strace $0x8FFFFFFF  }
0x9a: {  	s20 =	sld [smem:$0x3FDB];
	_ =	sdelay $0x1  }
0x9b: {  	s6 =	simm.s32 $_scs_section_size  }
0x9c: {  	s7 =	simm.s32 $_size__tile_overlayer_lowered;
	s8 =	simm.s32 $_tile_overlayer_lowered  }
0x9d: {  	s23 =	simm.s32 $0x1BFF;
	s22 =	sshll.u32 s8, $0x1;
	s5 =	sadd.s32 s6, s20  }
0x9e: {  	s9 =	simm.s32 $0x0;
	s21 =	sshll.u32 s7, $0x1;
	s7 =	sadd.s32 s22, s5  }
0x9f: {  	[timem:s9], [sflag:s23] =	dma.local [hbm:s7], s21  }
0xa0: {  	_ =	swait.ge [sflag:s23], s21  }
0xa1: {  	s6 =	ssub.s32 $0x0, s21;
	[sflag:s23] =	ssyncset.done $0x0  }
0xa2: {  	[sflag:s23] =	ssyncadd.s32 s6;
	_ =	sdelay $0x1  }
0xa3: {  	s24 =	simm.s32 $0x1B8B  }
0xa4: {  	_ =	swait.ge [sflag:s24], $0x1  }
0xa5: {  	[sflag:s24] =	ssyncset.done $0x0  }
0xa6: {  	s25 =	simm.s32 $0x1B8E;
	[sflag:s24] =	ssyncadd.s32 $0xFFFFFFFF  }
0xa7: {  	s26 =	simm.s32 $execute0_lowered;
	[smem:$0x3FD2] =	sst s25  }
0xa8: {  	s6 =	sshll.u32 s26, $0x1;
	_ =	strace $0x80000046;
	[dreg:$0x1] =	wrdreg $0xFFFFFFFF  }
0xa9: {  	s28 =	simm.s32 $_size_execute0_lowered;
	s5 =	sadd.s32 s5, s6;
	[dreg:$0x0] =	wrdreg $0x0  }
0xaa: {  	s6 =	sshll.u32 s28, $0x1;
	[dreg:$0x2] =	wrdreg s5  }
0xab: {  	[dreg:$0x3] =	wrdreg s6  }
0xac: {  	[dreg:$0x4] =	wrdreg $0xC0  }
0xad: {  	_ =	task [dreg:s9], $0x5FFFF  }
0xae: {  	[dreg:$0x1] =	wrdreg $0xFFFFFFFF  }
0xaf: {  	[dreg:$0x0] =	wrdreg $0x60  }
0xb0: {  	[dreg:$0x2] =	wrdreg s2  }
0xb1: {  	[dreg:$0x3] =	wrdreg s19  }
0xb2: {  	[dreg:$0x4] =	wrdreg s4  }
0xb3: {  	[dreg:$0x5] =	wrdreg $0x9  }
0xb4: {  	_ =	task.clear_ibuf [dreg:s9], $0x6FFFF;
	_ =	strace $0x90000046  }
0xb5: {  	s29 =	simm.s32 $0x9;
	_ =	strace $0x80000048  }
0xb6: {  	_ =	swait.ge [sflag:s29], $0x1  }
0xb7: {  	[sflag:s29] =	ssyncadd.s32 $0xFFFFFFFF  }
0xb8: {  	_ =	strace $0x90000048  }
0xb9: {  	_ =	sfence  }
0xba: {  	s30 =	sld [smem:$0x0];
	_ =	sdelay $0x2  }
0xbb: {  	s31 =	sshll.u32 s1, $0xD;
	s1 =	sshrl.u32 s1, $0x2  }
0xbc: {  	s3 =	sand.u32 $0x4000, s31;
	s1 =	sadd.s32 s1, s30  }
0xbd: {  	s0 =	sor.u32 s3, s0;
	s1 =	sshll.u32 s1, $0x11  }
0xbe: {  	s0 =	sor.u32 s1, s0  }
0xbf: {  	s0 =	sadd.s32 $0x8F2B, s0  }
0xc0: {  	[sflag:s0] =	ssyncadd.remote.s32 $0x1  }
0xc1: {  	_ =	sfence.sel $0xFFFF  }
0xc2: {  	[dreg:$0x0] =	wrdreg $0xFFFFFFFF;
	(pc) =	sbr.abs _section_cstart, $3  }
0xc3: {  	[dreg:$0x1] =	wrdreg $0xFFFFFFFF  }
0xc4: {  	_ =	task.clear_ibuf [dreg:s9], $0x2FFFF;
	_ =	strace $0x9FFFFFFF  }
0xc5: {  	(tm) =	ssettm $0x7FFFFFFF  }
tec
execute0_lowered:
.L_overlay_start_1:
0x0: {  	(tag) =	ssettag $0x1  }
0x1: {  	s0 =	rddreg [dreg:$0x0];
	s1 =	srdreg.scid  }
0x2: {  	s8 =	stileid.u32;
	s2 =	rddreg [dreg:$0x2]  }
0x3: {  	s3 =	simm.s32 $0x0;
	s12 =	simm.s32 $0x3;
	s13 =	simm.s32 $0x1  }
0x4: {  	s15 =	simm.s32 $0xC080;
	s1 =	sand.u32 $0x1, s1;
	s4 =	sshll.u32 s8, $0x1  }
0x5: {  	[smem:$0x7FF] =	sst s3;
	s9 =	sshll.u32 s8, $0xA;
	s6 =	sor.u32 s1, s4  }
0x6: {  	s5 =	ssub.s32 $0x2, s1;
	_ =	strace $0x80000047;
	s1 =	sshll.u32 s1, $0x9  }
0x7: {  	s4 =	sshll.u32 s6, $0x10;
	s7 =	sshrl.u32 s5, $0x1;
	s9 =	sor.u32 s1, s9  }
0x8: {  	s4 =	sadd.s32 s0, s4;
	s10 =	ssub.s32 s5, s7;
	s5 =	sshll.u32 s6, $0x9  }
.Ltmp0:
0x9: {  	s31 =	sor.u32 $0x20, s9;
	[dreg:$0x4] =	wrdreg s4;
	(pc) =	sbr.rel .LBB2_1-.Ltmp0, $4  }
0xa: {  	s6 =	sshll.u32 s6, $0xB;
	s4 =	sadd.s32 $0x1000, s4;
	[dreg:$0x8] =	wrdreg s31  }
0xb: {  	s16 =	simm.s32 $0x2;
	s29 =	sadd.s32 s2, s6;
	[dreg:$0x5] =	wrdreg s4  }
0xc: {  	s18 =	simm.s32 $0x0;
	s30 =	smax.u32 s10, $0x1;
	[dreg:$0x6] =	wrdreg s29  }
0xd: {  	v0 =	vimm.f32 $0.0e+00;
	s19 =	simm.s32 $0x0;
	s7 =	sadd.s32 $0x2000, s0;
	[dreg:$0x7] =	wrdreg s30  }
.LBB2_22:
0xe: {  	s0 =	rddreg [dreg:$0x6];
	s1 =	simm.s32 $0x80  }
0xf: {  	[hbm4b:s0+s3] =	stream.linear.scatter [tilespmem:s1], [sflag:$0x3], $0x4000, $0x38;
	[tilespmem:$0x14080] =	vst v63  }
0x10: {  	_ =	swait.ge [sflag:s12], $0x4000  }
0x11: {  	s18 =	sadd.s32 $0x1, s18;
	s31 =	rddreg [dreg:$0x7]  }
0x12: {  	p0 =	sne.s32 s18, s31  }
.Ltmp1:
0x13: {  	_ = 	snop;
	(pc) =	sbr.rel @!p0 .LBB2_23-.Ltmp1, $3  }
0x14: {  	_ =	sdelay $0x1  }
0x15: {  	[sflag:s12] =	ssyncset.done $0x0  }
0x16: {  	[sflag:s12] =	ssyncadd.s32 $0xFFFFC000  }
.LBB2_1:
0x17: {  	s0 =	rddreg [dreg:$0x1]  }
0x18: {  	[tilespmem:s3], [sflag:$0x3] =	stream.linear.gather [hbm4b:s0+s3], $0x10, $0x38;
	[tilespmem:$0x14080] =	vst v63  }
0x19: {  	_ =	swait.ge [sflag:s12], $0x10  }
0x1a: {  	[sflag:s12] =	ssyncset.done $0x0  }
0x1b: {  	[sflag:s12] =	ssyncadd.s32 $0xFFFFFFF0  }
0x1c: {  	v7 =	vld [tilespmem:$0x0]  }
0x1d: {  	v8 =	vld [tilespmem:$0x1]  }
0x1e: {  	v9 =	vld [tilespmem:$0x2]  }
0x1f: {  	v10 =	vld [tilespmem:$0x3]  }
0x20: {  	v11 =	vld [tilespmem:$0x4]  }
0x21: {  	v12 =	vld [tilespmem:$0x5]  }
0x22: {  	v13 =	vld [tilespmem:$0x6]  }
0x23: {  	v14 =	vld [tilespmem:$0x7]  }
0x24: {  	v15 =	vld [tilespmem:$0x8]  }
0x25: {  	v16 =	vld [tilespmem:$0x9]  }
0x26: {  	v6 =	vld [tilespmem:$0xA]  }
0x27: {  	v5 =	vld [tilespmem:$0xB]  }
0x28: {  	v4 =	vld [tilespmem:$0xC]  }
0x29: {  	v3 =	vld [tilespmem:$0xD]  }
0x2a: {  	s1 =	simm.s32 $0x0;
	v2 =	vld [tilespmem:$0xE]  }
0x2b: {  	s2 =	simm.s32 $0x0;
	s14 =	simm.s32 $0x0;
	s0 =	simm.s32 $0xFFFFC000;
	v1 =	vld [tilespmem:$0xF]  }
.LBB2_2:
0x2c: {  	s6 =	sadd.s32 $0x4000, s0  }
0x2d: {  	s17 =	sand.u32 $0x380, s14;
	s6 =	sand.u32 $0x2000, s6  }
0x2e: {  	s6 =	sor.u32 s17, s6  }
0x2f: {  	[tilespmem:s6+$0x80] =	vst v0  }
0x30: {  	[tilespmem:s6+$0x90] =	vst v0  }
0x31: {  	[tilespmem:s6+$0xA0] =	vst v0  }
0x32: {  	[tilespmem:s6+$0xB0] =	vst v0  }
0x33: {  	[tilespmem:s6+$0xC0] =	vst v0  }
0x34: {  	[tilespmem:s6+$0xD0] =	vst v0  }
0x35: {  	[tilespmem:s6+$0xE0] =	vst v0  }
0x36: {  	[tilespmem:s6+$0xF0] =	vst v0  }
0x37: {  	[tilespmem:s6+$0x480] =	vst v0  }
0x38: {  	[tilespmem:s6+$0x490] =	vst v0  }
0x39: {  	[tilespmem:s6+$0x4A0] =	vst v0  }
0x3a: {  	[tilespmem:s6+$0x4B0] =	vst v0  }
0x3b: {  	[tilespmem:s6+$0x4C0] =	vst v0  }
0x3c: {  	[tilespmem:s6+$0x4D0] =	vst v0  }
0x3d: {  	[tilespmem:s6+$0x4E0] =	vst v0  }
0x3e: {  	[tilespmem:s6+$0x4F0] =	vst v0  }
0x3f: {  	[tilespmem:s6+$0x880] =	vst v0  }
0x40: {  	[tilespmem:s6+$0x890] =	vst v0  }
0x41: {  	[tilespmem:s6+$0x8A0] =	vst v0  }
0x42: {  	[tilespmem:s6+$0x8B0] =	vst v0  }
0x43: {  	[tilespmem:s6+$0x8C0] =	vst v0  }
0x44: {  	[tilespmem:s6+$0x8D0] =	vst v0  }
0x45: {  	[tilespmem:s6+$0x8E0] =	vst v0  }
0x46: {  	[tilespmem:s6+$0x8F0] =	vst v0  }
0x47: {  	[tilespmem:s6+$0xC80] =	vst v0  }
0x48: {  	[tilespmem:s6+$0xC90] =	vst v0  }
0x49: {  	[tilespmem:s6+$0xCA0] =	vst v0  }
0x4a: {  	[tilespmem:s6+$0xCB0] =	vst v0  }
0x4b: {  	[tilespmem:s6+$0xCC0] =	vst v0  }
0x4c: {  	[tilespmem:s6+$0xCD0] =	vst v0  }
0x4d: {  	[tilespmem:s6+$0xCE0] =	vst v0  }
0x4e: {  	[tilespmem:s6+$0xCF0] =	vst v0  }
0x4f: {  	[tilespmem:s6+$0x1080] =	vst v0  }
0x50: {  	[tilespmem:s6+$0x1090] =	vst v0  }
0x51: {  	[tilespmem:s6+$0x10A0] =	vst v0  }
0x52: {  	[tilespmem:s6+$0x10B0] =	vst v0  }
0x53: {  	[tilespmem:s6+$0x10C0] =	vst v0  }
0x54: {  	[tilespmem:s6+$0x10D0] =	vst v0  }
0x55: {  	[tilespmem:s6+$0x10E0] =	vst v0  }
0x56: {  	[tilespmem:s6+$0x10F0] =	vst v0  }
0x57: {  	[tilespmem:s6+$0x1480] =	vst v0  }
0x58: {  	[tilespmem:s6+$0x1490] =	vst v0  }
0x59: {  	[tilespmem:s6+$0x14A0] =	vst v0  }
0x5a: {  	[tilespmem:s6+$0x14B0] =	vst v0  }
0x5b: {  	[tilespmem:s6+$0x14C0] =	vst v0  }
0x5c: {  	[tilespmem:s6+$0x14D0] =	vst v0  }
0x5d: {  	[tilespmem:s6+$0x14E0] =	vst v0  }
0x5e: {  	[tilespmem:s6+$0x14F0] =	vst v0  }
0x5f: {  	[tilespmem:s6+$0x1880] =	vst v0  }
0x60: {  	[tilespmem:s6+$0x1890] =	vst v0  }
0x61: {  	[tilespmem:s6+$0x18A0] =	vst v0  }
0x62: {  	[tilespmem:s6+$0x18B0] =	vst v0  }
0x63: {  	s22 =	sand.u32 $0x7, s1;
	[tilespmem:s6+$0x18C0] =	vst v0  }
0x64: {  	s17 =	sshll.u32 s22, $0x7;
	[tilespmem:s6+$0x18D0] =	vst v0  }
0x65: {  	s17 =	sadd.s32 s17, s2;
	[tilespmem:s6+$0x18E0] =	vst v0  }
0x66: {  	[tilespmem:s6+$0x18F0] =	vst v0;
	s23 =	sor.u32 $0x1C00, s17  }
0x67: {  	s24 =	sor.u32 $0x1C10, s17;
	[tilespmem:s23+$0x80] =	vst v0  }
0x68: {  	s25 =	sor.u32 $0x1C20, s17;
	[tilespmem:s24+$0x80] =	vst v0  }
0x69: {  	p0 =	sne.s32 s14, $0x780;
	s26 =	sor.u32 $0x1C30, s17;
	[tilespmem:s25+$0x80] =	vst v0  }
.Ltmp2:
0x6a: {  	s28 =	sor.u32 $0x1C40, s17;
	[tilespmem:s26+$0x80] =	vst v0;
	(pc) =	sbr.rel @p0 .LBB2_2-.Ltmp2, $4  }
0x6b: {  	s29 =	sor.u32 $0x1C50, s17;
	[tilespmem:s28+$0x80] =	vst v0  }
0x6c: {  	s30 =	sor.u32 $0x1C60, s17;
	[tilespmem:s29+$0x80] =	vst v0  }
0x6d: {  	s1 =	sadd.s32 $0x1, s1;
	s31 =	sor.u32 $0x1C70, s17;
	[tilespmem:s30+$0x80] =	vst v0  }
0x6e: {  	s0 =	sadd.s32 $0x400, s0;
	s14 =	sadd.s32 $0x80, s14;
	s2 =	sadd.s32 $0x400, s2;
	[tilespmem:s31+$0x80] =	vst v0  }
0x6f: {  	(v2sf) =	vpush v7, $0x0  }
0x70: {  	(v2sf) =	vpush v8, $0x0  }
0x71: {  	(v2sf) =	vpush v9, $0x0;
	_ =	sdelay $0x1  }
0x72: {  	(v2sf) =	vpush v10, $0x0  }
0x73: {  	(v2sf) =	vpush v11, $0x0  }
0x74: {  	(v2sf) =	vpush v12, $0x0;
	_ =	sdelay $0x1  }
0x75: {  	(v2sf) =	vpush v13, $0x0  }
0x76: {  	(v2sf) =	vpush v14, $0x0;
	_ =	sdelay $0x1  }
0x77: {  	s4 =	rddreg [dreg:$0x4];
	s30 =	simm.s32 $0x4080;
	(v2sf) =	vpush v15, $0x0  }
0x78: {  	[tilespmem:s30], [sflag:$0x1] =	stream.linear.gather [hbm4b:s4+s19], $0x8000, $0x38;
	(v2sf) =	vpush v16, $0x0;
	[tilespmem:$0x14080] =	vst v63  }
0x79: {  	s31 =	rddreg [dreg:$0x5]  }
0x7a: {  	[tilespmem:s15], [sflag:$0x2] =	stream.linear.gather [hbm4b:s31+s19], $0x8000, $0x38;
	[tilespmem:$0x14080] =	vst v63  }
0x7b: {  	s0 =	spop (v2sf)  }
0x7c: {  	s1 =	simm.s32 $0x1;
	p0 =	sle.s32 s0, s5;
	s11 =	spop (v2sf)  }
0x7d: {  	(v2sf) =	vpush v6, $0x0;
	s0 =	simm.s32 $0x1;
	p1 =	sle.s32 s11, s5;
	s2 =	spop (v2sf)  }
0x7e: {  	(v2sf) =	vpush v5, $0x0;
	s1 =	simm.s32 @!p0 $0x0;
	s0 =	simm.s32 @!p1 $0x0;
	p0 =	sle.s32 s2, s5  }
0x7f: {  	(v2sf) =	vpush v4, $0x0;
	s14 =	spop (v2sf);
	s0 =	sadd.s32 s0, s1;
	s1 =	simm.s32 $0x1  }
0x80: {  	(v2sf) =	vpush v3, $0x0;
	s2 =	simm.s32 $0x1;
	s6 =	spop (v2sf);
	s1 =	simm.s32 @!p0 $0x0  }
0x81: {  	(v2sf) =	vpush v2, $0x0;
	p0 =	sle.s32 s14, s5;
	s17 =	spop (v2sf);
	s0 =	sadd.s32 s1, s0  }
0x82: {  	s2 =	simm.s32 @!p0 $0x0;
	p0 =	sle.s32 s6, s5;
	s1 =	simm.s32 $0x1  }
0x83: {  	s14 =	spop (v2sf);
	s6 =	simm.s32 $0x1;
	s0 =	sadd.s32 s2, s0  }
0x84: {  	(v2sf) =	vpush v1, $0x0;
	s1 =	simm.s32 @!p0 $0x0;
	s20 =	spop (v2sf);
	p0 =	sle.s32 s17, s5  }
0x85: {  	s2 =	simm.s32 $0x1;
	s0 =	sadd.s32 s1, s0;
	s1 =	simm.s32 $0x1  }
0x86: {  	s21 =	spop (v2sf);
	s1 =	simm.s32 @!p0 $0x0;
	p0 =	sle.s32 s14, s5  }
0x87: {  	s14 =	simm.s32 $0x1;
	s22 =	spop (v2sf);
	s0 =	sadd.s32 s1, s0  }
0x88: {  	s14 =	simm.s32 @!p0 $0x0;
	p0 =	sle.s32 s20, s5;
	s1 =	simm.s32 $0x1  }
0x89: {  	s0 =	sadd.s32 s14, s0;
	s2 =	simm.s32 @!p0 $0x0;
	p0 =	sle.s32 s21, s5  }
0x8a: {  	s14 =	simm.s32 $0x1;
	s0 =	sadd.s32 s2, s0;
	s6 =	simm.s32 @!p0 $0x0  }
0x8b: {  	p0 =	sle.s32 s22, s5;
	s2 =	simm.s32 $0x1;
	s0 =	sadd.s32 s6, s0  }
0x8c: {  	s1 =	simm.s32 @!p0 $0x0;
	s6 =	simm.s32 $0x1;
	s23 =	spop (v2sf)  }
0x8d: {  	s0 =	sadd.s32 s1, s0;
	s24 =	spop (v2sf);
	p0 =	sle.s32 s23, s5  }
0x8e: {  	s1 =	simm.s32 $0x1;
	s25 =	spop (v2sf);
	s14 =	simm.s32 @!p0 $0x0  }
0x8f: {  	p0 =	sle.s32 s24, s5;
	s26 =	spop (v2sf);
	s0 =	sadd.s32 s14, s0  }
0x90: {  	s2 =	simm.s32 @!p0 $0x0;
	p0 =	sle.s32 s25, s5;
	s28 =	spop (v2sf)  }
0x91: {  	s0 =	sadd.s32 s2, s0;
	s6 =	simm.s32 @!p0 $0x0;
	p0 =	sle.s32 s26, s5  }
0x92: {  	s2 =	simm.s32 $0x1;
	s0 =	sadd.s32 s6, s0;
	s1 =	simm.s32 @!p0 $0x0  }
0x93: {  	p0 =	sle.s32 s28, s5;
	s29 =	spop (v2sf);
	s0 =	sadd.s32 s1, s0  }
0x94: {  	s2 =	simm.s32 @!p0 $0x0;
	p0 =	sle.s32 s29, s5;
	s1 =	simm.s32 $0x1  }
0x95: {  	s0 =	sadd.s32 s2, s0;
	s1 =	simm.s32 @!p0 $0x0  }
0x96: {  	s21 =	rddreg [dreg:$0x8];
	s0 =	sadd.s32 s1, s0  }
0x97: {  	s22 =	smov.u32 s9;
	s23 =	simm.s32 $0x0;
	s20 =	sadd.s32 $0xFFFFFFFF, s0  }
.LBB2_4:
0x98: {  	_ =	swait.ge [sflag:s13], $0x8000;
	s0 =	sadd.s32 $0x1, s20  }
0x99: {  	[sflag:s13] =	ssyncset.done $0x0;
	p0 =	slt.s32 s0, $0xF  }
0x9a: {  	[sflag:s13] =	ssyncadd.s32 $0xFFFF8000;
	s0 =	simm.s32 @!p0 $0xF  }
0x9b: {  	v1 =	vld [tilespmem:s0+$0x0];
	_ =	sdelay $0x4  }
0x9c: {  	(v2sf) =	vpush v1, $0x0;
	_ =	sdelay $0xd  }
0x9d: {  	s31 =	sshll.u32 s23, $0x6  }
0x9e: {  	s25 =	sor.u32 s5, s31;
	p0 =	slt.s32 s20, $0xF;
	s0 =	spop (v2sf)  }
0x9f: {  	s24 =	sor.u32 $0x20, s25;
	s0 =	simm.s32 @!p0 $0x8000  }
0xa0: {  	p0 =	sgt.s32 s24, s0  }
.Ltmp3:
0xa1: {  	_ = 	snop;
	(pc) =	sbr.rel @!p0 .LBB2_7-.Ltmp3, $2  }
0xa2: {  	_ =	sdelay $0x2  }
0xa3: {  	s26 =	simm.s32 $0xFFFF8000;
	v1 =	vimm.f32 $0.0e+00  }
0xa4: {  	s28 =	smov.u32 s22  }
0xa5: {  	s29 =	simm.s32 $0x0;
	s30 =	simm.s32 $0x0;
	s31 =	simm.s32 $0x0  }
.LBB2_6:
0xa6: {  	s0 =	sadd.s32 $0x1, s20  }
0xa7: {  	p0 =	slt.s32 s0, $0xF;
	s1 =	smov.u32 s0  }
0xa8: {  	s1 =	simm.s32 @!p0 $0xF  }
0xa9: {  	v1 =	vld [tilespmem:s1+$0x0];
	_ =	sdelay $0x4  }
0xaa: {  	(v2sf) =	vpush v1, $0x0;
	_ =	sdelay $0xd  }
0xab: {  	s10 =	sadd.s32 $0x8000, s26  }
0xac: {  	s4 =	sand.u32 $0x380, s31;
	s1 =	sand.u32 $0x6000, s10;
	s2 =	spop (v2sf)  }
0xad: {  	s1 =	sor.u32 s4, s1;
	p0 =	seq.s32 s28, s2;
	s2 =	smov.u32 s20  }
0xae: {  	p1 =	slt.s32 s20, $0xF;
	v1 =	vld [tilespmem:s1+$0x4080];
	s2 =	smov.u32 @p0 s0  }
0xaf: {  	s20 =	smov.u32 @p1 s2  }
0xb0: {  	s11 =	sshll.u32 s20, $0xA;
	s2 =	sshll.u32 s20, $0x7  }
0xb1: {  	s17 =	sand.u32 $0xFFFFE000, s11;
	s2 =	sand.u32 $0x380, s2  }
0xb2: {  	s14 =	sor.u32 s2, s17  }
0xb3: {  	[tilespmem:s14+$0x80] =	vst.add.f32.msk $0xffff, v1  }
0xb4: {  	v1 =	vld [tilespmem:s1+$0x4090];
	_ =	sdelay $0x4  }
0xb5: {  	[tilespmem:s14+$0x90] =	vst.add.f32.msk $0xffff, v1  }
0xb6: {  	v1 =	vld [tilespmem:s1+$0x40A0];
	_ =	sdelay $0x4  }
0xb7: {  	[tilespmem:s14+$0xA0] =	vst.add.f32.msk $0xffff, v1  }
0xb8: {  	v1 =	vld [tilespmem:s1+$0x40B0];
	_ =	sdelay $0x4  }
0xb9: {  	[tilespmem:s14+$0xB0] =	vst.add.f32.msk $0xffff, v1  }
0xba: {  	v1 =	vld [tilespmem:s1+$0x40C0];
	_ =	sdelay $0x4  }
0xbb: {  	[tilespmem:s14+$0xC0] =	vst.add.f32.msk $0xffff, v1  }
0xbc: {  	v1 =	vld [tilespmem:s1+$0x40D0];
	_ =	sdelay $0x4  }
0xbd: {  	[tilespmem:s14+$0xD0] =	vst.add.f32.msk $0xffff, v1  }
0xbe: {  	v1 =	vld [tilespmem:s1+$0x40E0];
	_ =	sdelay $0x4  }
0xbf: {  	[tilespmem:s14+$0xE0] =	vst.add.f32.msk $0xffff, v1  }
0xc0: {  	v1 =	vld [tilespmem:s1+$0x40F0];
	_ =	sdelay $0x4  }
0xc1: {  	[tilespmem:s14+$0xF0] =	vst.add.f32.msk $0xffff, v1  }
0xc2: {  	v1 =	vld [tilespmem:s1+$0x4480];
	_ =	sdelay $0x4  }
0xc3: {  	[tilespmem:s14+$0x480] =	vst.add.f32.msk $0xffff, v1  }
0xc4: {  	v1 =	vld [tilespmem:s1+$0x4490];
	_ =	sdelay $0x4  }
0xc5: {  	[tilespmem:s14+$0x490] =	vst.add.f32.msk $0xffff, v1  }
0xc6: {  	v1 =	vld [tilespmem:s1+$0x44A0];
	_ =	sdelay $0x4  }
0xc7: {  	[tilespmem:s14+$0x4A0] =	vst.add.f32.msk $0xffff, v1  }
0xc8: {  	v1 =	vld [tilespmem:s1+$0x44B0];
	_ =	sdelay $0x4  }
0xc9: {  	[tilespmem:s14+$0x4B0] =	vst.add.f32.msk $0xffff, v1  }
0xca: {  	v1 =	vld [tilespmem:s1+$0x44C0];
	_ =	sdelay $0x4  }
0xcb: {  	[tilespmem:s14+$0x4C0] =	vst.add.f32.msk $0xffff, v1  }
0xcc: {  	v1 =	vld [tilespmem:s1+$0x44D0];
	_ =	sdelay $0x4  }
0xcd: {  	[tilespmem:s14+$0x4D0] =	vst.add.f32.msk $0xffff, v1  }
0xce: {  	v1 =	vld [tilespmem:s1+$0x44E0];
	_ =	sdelay $0x4  }
0xcf: {  	[tilespmem:s14+$0x4E0] =	vst.add.f32.msk $0xffff, v1  }
0xd0: {  	v1 =	vld [tilespmem:s1+$0x44F0];
	_ =	sdelay $0x4  }
0xd1: {  	[tilespmem:s14+$0x4F0] =	vst.add.f32.msk $0xffff, v1  }
0xd2: {  	v1 =	vld [tilespmem:s1+$0x4880];
	_ =	sdelay $0x4  }
0xd3: {  	[tilespmem:s14+$0x880] =	vst.add.f32.msk $0xffff, v1  }
0xd4: {  	v1 =	vld [tilespmem:s1+$0x4890];
	_ =	sdelay $0x4  }
0xd5: {  	[tilespmem:s14+$0x890] =	vst.add.f32.msk $0xffff, v1  }
0xd6: {  	v1 =	vld [tilespmem:s1+$0x48A0];
	_ =	sdelay $0x4  }
0xd7: {  	[tilespmem:s14+$0x8A0] =	vst.add.f32.msk $0xffff, v1  }
0xd8: {  	v1 =	vld [tilespmem:s1+$0x48B0];
	_ =	sdelay $0x4  }
0xd9: {  	[tilespmem:s14+$0x8B0] =	vst.add.f32.msk $0xffff, v1  }
0xda: {  	v1 =	vld [tilespmem:s1+$0x48C0];
	_ =	sdelay $0x4  }
0xdb: {  	[tilespmem:s14+$0x8C0] =	vst.add.f32.msk $0xffff, v1  }
0xdc: {  	v1 =	vld [tilespmem:s1+$0x48D0];
	_ =	sdelay $0x4  }
0xdd: {  	[tilespmem:s14+$0x8D0] =	vst.add.f32.msk $0xffff, v1  }
0xde: {  	v1 =	vld [tilespmem:s1+$0x48E0];
	_ =	sdelay $0x4  }
0xdf: {  	[tilespmem:s14+$0x8E0] =	vst.add.f32.msk $0xffff, v1  }
0xe0: {  	v1 =	vld [tilespmem:s1+$0x48F0];
	_ =	sdelay $0x4  }
0xe1: {  	[tilespmem:s14+$0x8F0] =	vst.add.f32.msk $0xffff, v1  }
0xe2: {  	v1 =	vld [tilespmem:s1+$0x4C80];
	_ =	sdelay $0x4  }
0xe3: {  	[tilespmem:s14+$0xC80] =	vst.add.f32.msk $0xffff, v1  }
0xe4: {  	v1 =	vld [tilespmem:s1+$0x4C90];
	_ =	sdelay $0x4  }
0xe5: {  	[tilespmem:s14+$0xC90] =	vst.add.f32.msk $0xffff, v1  }
0xe6: {  	v1 =	vld [tilespmem:s1+$0x4CA0];
	_ =	sdelay $0x4  }
0xe7: {  	[tilespmem:s14+$0xCA0] =	vst.add.f32.msk $0xffff, v1  }
0xe8: {  	v1 =	vld [tilespmem:s1+$0x4CB0];
	_ =	sdelay $0x4  }
0xe9: {  	[tilespmem:s14+$0xCB0] =	vst.add.f32.msk $0xffff, v1  }
0xea: {  	v1 =	vld [tilespmem:s1+$0x4CC0];
	_ =	sdelay $0x4  }
0xeb: {  	[tilespmem:s14+$0xCC0] =	vst.add.f32.msk $0xffff, v1  }
0xec: {  	v1 =	vld [tilespmem:s1+$0x4CD0];
	_ =	sdelay $0x4  }
0xed: {  	[tilespmem:s14+$0xCD0] =	vst.add.f32.msk $0xffff, v1  }
0xee: {  	v1 =	vld [tilespmem:s1+$0x4CE0];
	_ =	sdelay $0x4  }
0xef: {  	[tilespmem:s14+$0xCE0] =	vst.add.f32.msk $0xffff, v1  }
0xf0: {  	v1 =	vld [tilespmem:s1+$0x4CF0];
	_ =	sdelay $0x4  }
0xf1: {  	[tilespmem:s14+$0xCF0] =	vst.add.f32.msk $0xffff, v1  }
0xf2: {  	v1 =	vld [tilespmem:s1+$0x5080];
	_ =	sdelay $0x4  }
0xf3: {  	[tilespmem:s14+$0x1080] =	vst.add.f32.msk $0xffff, v1  }
0xf4: {  	v1 =	vld [tilespmem:s1+$0x5090];
	_ =	sdelay $0x4  }
0xf5: {  	[tilespmem:s14+$0x1090] =	vst.add.f32.msk $0xffff, v1  }
0xf6: {  	v1 =	vld [tilespmem:s1+$0x50A0];
	_ =	sdelay $0x4  }
0xf7: {  	[tilespmem:s14+$0x10A0] =	vst.add.f32.msk $0xffff, v1  }
0xf8: {  	v1 =	vld [tilespmem:s1+$0x50B0];
	_ =	sdelay $0x4  }
0xf9: {  	[tilespmem:s14+$0x10B0] =	vst.add.f32.msk $0xffff, v1  }
0xfa: {  	v1 =	vld [tilespmem:s1+$0x50C0];
	_ =	sdelay $0x4  }
0xfb: {  	[tilespmem:s14+$0x10C0] =	vst.add.f32.msk $0xffff, v1  }
0xfc: {  	v1 =	vld [tilespmem:s1+$0x50D0];
	_ =	sdelay $0x4  }
0xfd: {  	[tilespmem:s14+$0x10D0] =	vst.add.f32.msk $0xffff, v1  }
0xfe: {  	v1 =	vld [tilespmem:s1+$0x50E0];
	_ =	sdelay $0x4  }
0xff: {  	[tilespmem:s14+$0x10E0] =	vst.add.f32.msk $0xffff, v1  }
0x100: {  	v1 =	vld [tilespmem:s1+$0x50F0];
	_ =	sdelay $0x4  }
0x101: {  	[tilespmem:s14+$0x10F0] =	vst.add.f32.msk $0xffff, v1  }
0x102: {  	v1 =	vld [tilespmem:s1+$0x5480];
	_ =	sdelay $0x4  }
0x103: {  	[tilespmem:s14+$0x1480] =	vst.add.f32.msk $0xffff, v1  }
0x104: {  	v1 =	vld [tilespmem:s1+$0x5490];
	_ =	sdelay $0x4  }
0x105: {  	[tilespmem:s14+$0x1490] =	vst.add.f32.msk $0xffff, v1  }
0x106: {  	v1 =	vld [tilespmem:s1+$0x54A0];
	_ =	sdelay $0x4  }
0x107: {  	[tilespmem:s14+$0x14A0] =	vst.add.f32.msk $0xffff, v1  }
0x108: {  	v1 =	vld [tilespmem:s1+$0x54B0];
	_ =	sdelay $0x4  }
0x109: {  	[tilespmem:s14+$0x14B0] =	vst.add.f32.msk $0xffff, v1  }
0x10a: {  	v1 =	vld [tilespmem:s1+$0x54C0];
	_ =	sdelay $0x4  }
0x10b: {  	[tilespmem:s14+$0x14C0] =	vst.add.f32.msk $0xffff, v1  }
0x10c: {  	v1 =	vld [tilespmem:s1+$0x54D0];
	_ =	sdelay $0x4  }
0x10d: {  	[tilespmem:s14+$0x14D0] =	vst.add.f32.msk $0xffff, v1  }
0x10e: {  	v1 =	vld [tilespmem:s1+$0x54E0];
	_ =	sdelay $0x4  }
0x10f: {  	[tilespmem:s14+$0x14E0] =	vst.add.f32.msk $0xffff, v1  }
0x110: {  	v1 =	vld [tilespmem:s1+$0x54F0];
	_ =	sdelay $0x4  }
0x111: {  	[tilespmem:s14+$0x14F0] =	vst.add.f32.msk $0xffff, v1  }
0x112: {  	v1 =	vld [tilespmem:s1+$0x5880];
	_ =	sdelay $0x4  }
0x113: {  	[tilespmem:s14+$0x1880] =	vst.add.f32.msk $0xffff, v1  }
0x114: {  	v1 =	vld [tilespmem:s1+$0x5890];
	_ =	sdelay $0x4  }
0x115: {  	[tilespmem:s14+$0x1890] =	vst.add.f32.msk $0xffff, v1  }
0x116: {  	v1 =	vld [tilespmem:s1+$0x58A0];
	_ =	sdelay $0x4  }
0x117: {  	[tilespmem:s14+$0x18A0] =	vst.add.f32.msk $0xffff, v1  }
0x118: {  	v1 =	vld [tilespmem:s1+$0x58B0];
	_ =	sdelay $0x4  }
0x119: {  	[tilespmem:s14+$0x18B0] =	vst.add.f32.msk $0xffff, v1  }
0x11a: {  	v1 =	vld [tilespmem:s1+$0x58C0];
	_ =	sdelay $0x4  }
0x11b: {  	[tilespmem:s14+$0x18C0] =	vst.add.f32.msk $0xffff, v1  }
0x11c: {  	v1 =	vld [tilespmem:s1+$0x58D0];
	_ =	sdelay $0x4  }
0x11d: {  	[tilespmem:s14+$0x18D0] =	vst.add.f32.msk $0xffff, v1  }
0x11e: {  	v1 =	vld [tilespmem:s1+$0x58E0];
	_ =	sdelay $0x4  }
0x11f: {  	[tilespmem:s14+$0x18E0] =	vst.add.f32.msk $0xffff, v1  }
0x120: {  	v1 =	vld [tilespmem:s1+$0x58F0];
	_ =	sdelay $0x1  }
0x121: {  	s4 =	sand.u32 $0x7, s29  }
0x122: {  	s1 =	sshll.u32 s4, $0x7  }
0x123: {  	s1 =	sadd.s32 s1, s30  }
0x124: {  	s6 =	sor.u32 $0x1C00, s1;
	[tilespmem:s14+$0x18F0] =	vst.add.f32.msk $0xffff, v1  }
0x125: {  	v1 =	vld [tilespmem:s6+$0x4080];
	_ =	sdelay $0x2  }
0x126: {  	s0 =	sor.u32 s11, s2  }
0x127: {  	s2 =	sor.u32 $0x1C00, s0  }
0x128: {  	s8 =	sor.u32 $0x1C10, s1;
	[tilespmem:s2+$0x80] =	vst.add.f32.msk $0xffff, v1  }
0x129: {  	v1 =	vld [tilespmem:s8+$0x4080];
	_ =	sdelay $0x3  }
0x12a: {  	s10 =	sor.u32 $0x1C10, s0  }
0x12b: {  	s11 =	sor.u32 $0x1C20, s1;
	[tilespmem:s10+$0x80] =	vst.add.f32.msk $0xffff, v1  }
0x12c: {  	v1 =	vld [tilespmem:s11+$0x4080];
	_ =	sdelay $0x3  }
0x12d: {  	s14 =	sor.u32 $0x1C20, s0  }
0x12e: {  	s17 =	sor.u32 $0x1C30, s1;
	[tilespmem:s14+$0x80] =	vst.add.f32.msk $0xffff, v1  }
0x12f: {  	v1 =	vld [tilespmem:s17+$0x4080];
	_ =	sdelay $0x3  }
0x130: {  	s4 =	sor.u32 $0x1C30, s0  }
0x131: {  	s6 =	sor.u32 $0x1C40, s1;
	[tilespmem:s4+$0x80] =	vst.add.f32.msk $0xffff, v1  }
0x132: {  	v1 =	vld [tilespmem:s6+$0x4080];
	_ =	sdelay $0x3  }
0x133: {  	s8 =	sor.u32 $0x1C40, s0  }
0x134: {  	s10 =	sor.u32 $0x1C50, s1;
	[tilespmem:s8+$0x80] =	vst.add.f32.msk $0xffff, v1  }
0x135: {  	v1 =	vld [tilespmem:s10+$0x4080];
	_ =	sdelay $0x3  }
0x136: {  	s11 =	sor.u32 $0x1C50, s0  }
0x137: {  	s14 =	sor.u32 $0x1C60, s1;
	[tilespmem:s11+$0x80] =	vst.add.f32.msk $0xffff, v1  }
0x138: {  	v1 =	vld [tilespmem:s14+$0x4080];
	_ =	sdelay $0x3  }
0x139: {  	s17 =	sor.u32 $0x1C60, s0  }
0x13a: {  	s1 =	sor.u32 $0x1C70, s1;
	[tilespmem:s17+$0x80] =	vst.add.f32.msk $0xffff, v1  }
0x13b: {  	p0 =	sne.s32 s31, $0xF80;
	v1 =	vld [tilespmem:s1+$0x4080]  }
.Ltmp4:
0x13c: {  	_ = 	snop;
	(pc) =	sbr.rel @p0 .LBB2_6-.Ltmp4, $3  }
0x13d: {  	_ =	sdelay $0x1  }
0x13e: {  	s26 =	sadd.s32 $0x400, s26;
	s29 =	sadd.s32 $0x1, s29;
	s0 =	sor.u32 $0x1C70, s0  }
0x13f: {  	s28 =	sadd.s32 $0x1, s28;
	s31 =	sadd.s32 $0x80, s31;
	s30 =	sadd.s32 $0x400, s30;
	[tilespmem:s0+$0x80] =	vst.add.f32.msk $0xffff, v1  }
.Ltmp5:
0x140: {  	_ = 	snop;
	(pc) =	sbr.rel .LBB2_12-.Ltmp5, $1  }
0x141: {  	_ =	sdelay $0x3  }
.LBB2_7:
0x142: {  	s0 =	sand.u32 $0x6000, s19;
	s1 =	sand.u32 $0x380, s19  }
0x143: {  	s26 =	sor.u32 s1, s0  }
0x144: {  	v2 =	vld [tilespmem:s26+$0x4CF0]  }
0x145: {  	v3 =	vld [tilespmem:s26+$0x4080]  }
0x146: {  	v4 =	vld [tilespmem:s26+$0x4090]  }
0x147: {  	v5 =	vld [tilespmem:s26+$0x40A0]  }
0x148: {  	v6 =	vld [tilespmem:s26+$0x40B0]  }
0x149: {  	v7 =	vld [tilespmem:s26+$0x40C0]  }
0x14a: {  	v8 =	vld [tilespmem:s26+$0x40D0]  }
0x14b: {  	v9 =	vld [tilespmem:s26+$0x40E0]  }
0x14c: {  	v10 =	vld [tilespmem:s26+$0x40F0]  }
0x14d: {  	v11 =	vld [tilespmem:s26+$0x4480]  }
0x14e: {  	v12 =	vld [tilespmem:s26+$0x4490]  }
0x14f: {  	v13 =	vld [tilespmem:s26+$0x44A0]  }
0x150: {  	v14 =	vld [tilespmem:s26+$0x44B0]  }
0x151: {  	v15 =	vld [tilespmem:s26+$0x44C0]  }
0x152: {  	v16 =	vld [tilespmem:s26+$0x44D0]  }
0x153: {  	v17 =	vld [tilespmem:s26+$0x44E0]  }
0x154: {  	v33 =	vld [tilespmem:s26+$0x44F0]  }
0x155: {  	v34 =	vld [tilespmem:s26+$0x4880]  }
0x156: {  	v2 =	vadd.f32 v2, v1;
	v32 =	vadd.f32 v3, v1;
	v3 =	vld [tilespmem:s26+$0x4890]  }
0x157: {  	v31 =	vadd.f32 v4, v1;
	v30 =	vadd.f32 v5, v1;
	v4 =	vld [tilespmem:s26+$0x48A0]  }
0x158: {  	v28 =	vadd.f32 v6, v1;
	v29 =	vadd.f32 v7, v1;
	v5 =	vld [tilespmem:s26+$0x48B0]  }
0x159: {  	v26 =	vadd.f32 v8, v1;
	v27 =	vadd.f32 v9, v1;
	v6 =	vld [tilespmem:s26+$0x48C0]  }
0x15a: {  	v24 =	vadd.f32 v10, v1;
	v25 =	vadd.f32 v11, v1;
	v7 =	vld [tilespmem:s26+$0x48D0]  }
0x15b: {  	v22 =	vadd.f32 v12, v1;
	v23 =	vadd.f32 v13, v1;
	v8 =	vld [tilespmem:s26+$0x48E0]  }
0x15c: {  	v20 =	vadd.f32 v14, v1;
	v21 =	vadd.f32 v15, v1;
	v9 =	vld [tilespmem:s26+$0x48F0]  }
0x15d: {  	v18 =	vadd.f32 v16, v1;
	v19 =	vadd.f32 v17, v1;
	v12 =	vld [tilespmem:s26+$0x4C80]  }
0x15e: {  	v16 =	vadd.f32 v33, v1;
	v17 =	vadd.f32 v34, v1  }
0x15f: {  	v36 =	vld [tilespmem:s26+$0x4C90];
	v15 =	vadd.f32 v3, v1;
	v14 =	vadd.f32 v4, v1  }
0x160: {  	v35 =	vld [tilespmem:s26+$0x4CA0];
	v10 =	vadd.f32 v5, v1;
	v11 =	vadd.f32 v6, v1  }
0x161: {  	v33 =	vld [tilespmem:s26+$0x4CB0];
	v13 =	vimm.f32 $0.0e+00;
	v7 =	vadd.f32 v7, v1;
	v8 =	vadd.f32 v8, v1  }
0x162: {  	s31 =	sadd.s32 $0x400, s19;
	s0 =	sadd.s32 $0x80, s19;
	v34 =	vld [tilespmem:s26+$0x4CC0];
	v4 =	vadd.f32 v9, v1;
	v9 =	vadd.f32 v12, v1;
	v12 =	vimm.f32 $0.0e+00  }
0x163: {  	s2 =	sand.u32 $0x6000, s31;
	s1 =	sadd.s32 $0x400, s31;
	s14 =	sand.u32 $0x380, s0;
	v37 =	vld [tilespmem:s26+$0x4CD0];
	v5 =	vimm.f32 $0.0e+00;
	v6 =	vimm.f32 $0.0e+00;
	v3 =	vimm.f32 $0.0e+00  }
.LBB2_8:
0x164: {  	p0 =	sne.s32 s1, $0x7C00;
	v1 =	vadd.f32 v36, v1;
	v36 =	vld [tilespmem:s26+$0x4CE0];
	s26 =	sor.u32 s14, s2  }
0x165: {  	v38 =	vld [tilespmem:s26+$0x4CF0];
	v12 =	vadd.f32 v35, v12  }
0x166: {  	v35 =	vld [tilespmem:s26+$0x4080];
	v5 =	vadd.f32 v33, v5  }
0x167: {  	v33 =	vld [tilespmem:s26+$0x4090];
	v13 =	vadd.f32 v34, v13  }
0x168: {  	v34 =	vld [tilespmem:s26+$0x40A0];
	v6 =	vadd.f32 v37, v6  }
0x169: {  	v37 =	vld [tilespmem:s26+$0x40B0];
	v3 =	vadd.f32 v36, v3  }
0x16a: {  	v36 =	vld [tilespmem:s26+$0x40C0];
	v2 =	vadd.f32 v38, v2  }
0x16b: {  	v32 =	vadd.f32 v35, v32;
	v35 =	vld [tilespmem:s26+$0x40D0]  }
0x16c: {  	v31 =	vadd.f32 v33, v31;
	v33 =	vld [tilespmem:s26+$0x40E0]  }
0x16d: {  	v30 =	vadd.f32 v34, v30;
	v34 =	vld [tilespmem:s26+$0x40F0]  }
0x16e: {  	v28 =	vadd.f32 v37, v28;
	v37 =	vld [tilespmem:s26+$0x4480]  }
0x16f: {  	v29 =	vadd.f32 v36, v29;
	v36 =	vld [tilespmem:s26+$0x4490]  }
0x170: {  	v26 =	vadd.f32 v35, v26;
	v35 =	vld [tilespmem:s26+$0x44A0]  }
0x171: {  	v27 =	vadd.f32 v33, v27;
	v33 =	vld [tilespmem:s26+$0x44B0]  }
0x172: {  	v24 =	vadd.f32 v34, v24;
	v34 =	vld [tilespmem:s26+$0x44C0]  }
0x173: {  	v25 =	vadd.f32 v37, v25;
	v37 =	vld [tilespmem:s26+$0x44D0]  }
0x174: {  	v22 =	vadd.f32 v36, v22;
	v36 =	vld [tilespmem:s26+$0x44E0]  }
0x175: {  	v23 =	vadd.f32 v35, v23;
	v35 =	vld [tilespmem:s26+$0x44F0]  }
0x176: {  	v20 =	vadd.f32 v33, v20;
	v33 =	vld [tilespmem:s26+$0x4880]  }
0x177: {  	v21 =	vadd.f32 v34, v21;
	v34 =	vld [tilespmem:s26+$0x4890]  }
0x178: {  	v18 =	vadd.f32 v37, v18;
	v37 =	vld [tilespmem:s26+$0x48A0]  }
0x179: {  	v19 =	vadd.f32 v36, v19;
	v36 =	vld [tilespmem:s26+$0x48B0]  }
0x17a: {  	v16 =	vadd.f32 v35, v16;
	v35 =	vld [tilespmem:s26+$0x48C0]  }
0x17b: {  	v17 =	vadd.f32 v33, v17;
	v33 =	vld [tilespmem:s26+$0x48D0]  }
0x17c: {  	v15 =	vadd.f32 v34, v15;
	v34 =	vld [tilespmem:s26+$0x48E0]  }
0x17d: {  	v14 =	vadd.f32 v37, v14;
	v37 =	vld [tilespmem:s26+$0x48F0]  }
0x17e: {  	v10 =	vadd.f32 v36, v10;
	v38 =	vld [tilespmem:s26+$0x4C80]  }
.Ltmp6:
0x17f: {  	v11 =	vadd.f32 v35, v11;
	v36 =	vld [tilespmem:s26+$0x4C90];
	(pc) =	sbr.rel @p0 .LBB2_8-.Ltmp6, $4  }
0x180: {  	v7 =	vadd.f32 v33, v7;
	v35 =	vld [tilespmem:s26+$0x4CA0]  }
0x181: {  	v8 =	vadd.f32 v34, v8;
	v33 =	vld [tilespmem:s26+$0x4CB0]  }
0x182: {  	s0 =	sadd.s32 $0x80, s0;
	v4 =	vadd.f32 v37, v4;
	v34 =	vld [tilespmem:s26+$0x4CC0]  }
0x183: {  	s2 =	sand.u32 $0x6000, s1;
	s1 =	sadd.s32 $0x400, s1;
	s14 =	sand.u32 $0x380, s0;
	v9 =	vadd.f32 v38, v9;
	v37 =	vld [tilespmem:s26+$0x4CD0]  }
0x184: {  	s0 =	sor.u32 s14, s2;
	v38 =	vld [tilespmem:s26+$0x4CE0]  }
0x185: {  	v62 =	vld [tilespmem:s0+$0x4CF0]  }
0x186: {  	v40 =	vld [tilespmem:s0+$0x4080]  }
0x187: {  	v41 =	vld [tilespmem:s0+$0x4090]  }
0x188: {  	v42 =	vld [tilespmem:s0+$0x40A0]  }
0x189: {  	v43 =	vld [tilespmem:s0+$0x40B0]  }
0x18a: {  	v44 =	vld [tilespmem:s0+$0x40C0]  }
0x18b: {  	v45 =	vld [tilespmem:s0+$0x40D0]  }
0x18c: {  	v46 =	vld [tilespmem:s0+$0x40E0]  }
0x18d: {  	v47 =	vld [tilespmem:s0+$0x40F0]  }
0x18e: {  	v48 =	vld [tilespmem:s0+$0x4480]  }
0x18f: {  	v49 =	vld [tilespmem:s0+$0x4490]  }
0x190: {  	v50 =	vld [tilespmem:s0+$0x44A0]  }
0x191: {  	v51 =	vld [tilespmem:s0+$0x44B0]  }
0x192: {  	v52 =	vld [tilespmem:s0+$0x44C0]  }
0x193: {  	v53 =	vld [tilespmem:s0+$0x44D0]  }
0x194: {  	v54 =	vld [tilespmem:s0+$0x44E0]  }
0x195: {  	v39 =	vld [tilespmem:s0+$0x4C90]  }
0x196: {  	v55 =	vld [tilespmem:s0+$0x44F0]  }
0x197: {  	v56 =	vld [tilespmem:s0+$0x4880]  }
0x198: {  	v57 =	vld [tilespmem:s0+$0x4890]  }
0x199: {  	v58 =	vld [tilespmem:s0+$0x48A0]  }
0x19a: {  	[tilespmem:$0x1FFB0] =	vst v39;
	v39 =	vld [tilespmem:s0+$0x4CA0]  }
0x19b: {  	v59 =	vld [tilespmem:s0+$0x48B0]  }
0x19c: {  	v60 =	vld [tilespmem:s0+$0x48C0]  }
0x19d: {  	v61 =	vld [tilespmem:s0+$0x48D0]  }
0x19e: {  	v63 =	vld [tilespmem:s0+$0x48F0]  }
0x19f: {  	[tilespmem:$0x1FFC0] =	vst v39;
	v39 =	vld [tilespmem:s0+$0x4CB0]  }
0x1a0: {  	[tilespmem:$0x1FFE0] =	vst v38;
	v38 =	vld [tilespmem:s0+$0x4C80]  }
0x1a1: {  	[tilespmem:$0x1FFF0] =	vst v62;
	v62 =	vld [tilespmem:s0+$0x48E0]  }
0x1a2: {  	s26 =	sshll.u32 s20, $0xA;
	s1 =	sshll.u32 s20, $0x7;
	v32 =	vadd.f32 v40, v32;
	v40 =	vld [tilespmem:s0+$0x4CD0]  }
0x1a3: {  	s6 =	sand.u32 $0xFFFFE000, s26;
	s28 =	sand.u32 $0x380, s1;
	v31 =	vadd.f32 v41, v31;
	v41 =	vld [tilespmem:s0+$0x4CE0]  }
0x1a4: {  	s29 =	sor.u32 s28, s6;
	[tilespmem:$0x1FFD0] =	vst v39;
	v39 =	vld [tilespmem:s0+$0x4CC0]  }
0x1a5: {  	v30 =	vadd.f32 v42, v30;
	[tilespmem:s29+$0x80] =	vst.add.f32.msk $0xffff, v32  }
0x1a6: {  	v28 =	vadd.f32 v43, v28;
	[tilespmem:s29+$0x90] =	vst.add.f32.msk $0xffff, v31  }
0x1a7: {  	v29 =	vadd.f32 v44, v29;
	[tilespmem:s29+$0xA0] =	vst.add.f32.msk $0xffff, v30  }
0x1a8: {  	v26 =	vadd.f32 v45, v26;
	[tilespmem:s29+$0xB0] =	vst.add.f32.msk $0xffff, v28  }
0x1a9: {  	v27 =	vadd.f32 v46, v27;
	[tilespmem:s29+$0xC0] =	vst.add.f32.msk $0xffff, v29  }
0x1aa: {  	v24 =	vadd.f32 v47, v24;
	[tilespmem:s29+$0xD0] =	vst.add.f32.msk $0xffff, v26  }
0x1ab: {  	v25 =	vadd.f32 v48, v25;
	[tilespmem:s29+$0xE0] =	vst.add.f32.msk $0xffff, v27  }
0x1ac: {  	v22 =	vadd.f32 v49, v22;
	[tilespmem:s29+$0xF0] =	vst.add.f32.msk $0xffff, v24  }
0x1ad: {  	v23 =	vadd.f32 v50, v23;
	[tilespmem:s29+$0x480] =	vst.add.f32.msk $0xffff, v25  }
0x1ae: {  	v20 =	vadd.f32 v51, v20;
	[tilespmem:s29+$0x490] =	vst.add.f32.msk $0xffff, v22  }
0x1af: {  	v8 =	vadd.f32 v62, v8;
	[tilespmem:s29+$0x4A0] =	vst.add.f32.msk $0xffff, v23  }
0x1b0: {  	[tilespmem:s29+$0x4B0] =	vst.add.f32.msk $0xffff, v20  }
0x1b1: {  	v21 =	vadd.f32 v52, v21;
	[tilespmem:s29+$0x8E0] =	vst.add.f32.msk $0xffff, v8  }
0x1b2: {  	v18 =	vadd.f32 v53, v18;
	v8 =	vld [tilespmem:$0x1FFB0]  }
0x1b3: {  	v19 =	vadd.f32 v54, v19;
	[tilespmem:s29+$0x4C0] =	vst.add.f32.msk $0xffff, v21  }
0x1b4: {  	v16 =	vadd.f32 v55, v16;
	[tilespmem:s29+$0x4D0] =	vst.add.f32.msk $0xffff, v18  }
0x1b5: {  	v1 =	vadd.f32 v36, v1;
	v17 =	vadd.f32 v56, v17;
	[tilespmem:s29+$0x4E0] =	vst.add.f32.msk $0xffff, v19  }
0x1b6: {  	v15 =	vadd.f32 v57, v15;
	[tilespmem:s29+$0x4F0] =	vst.add.f32.msk $0xffff, v16  }
0x1b7: {  	[tilespmem:s29+$0x880] =	vst.add.f32.msk $0xffff, v17;
	v1 =	vadd.f32 v8, v1  }
0x1b8: {  	[tilespmem:s29+$0x890] =	vst.add.f32.msk $0xffff, v15  }
0x1b9: {  	[tilespmem:s29+$0xC90] =	vst.add.f32.msk $0xffff, v1  }
0x1ba: {  	v14 =	vadd.f32 v58, v14;
	v1 =	vld [tilespmem:$0x1FFE0]  }
0x1bb: {  	v4 =	vadd.f32 v63, v4;
	v8 =	vld [tilespmem:$0x1FFC0]  }
0x1bc: {  	v7 =	vadd.f32 v61, v7;
	[tilespmem:s29+$0x8A0] =	vst.add.f32.msk $0xffff, v14  }
0x1bd: {  	v10 =	vadd.f32 v59, v10;
	[tilespmem:s29+$0x8F0] =	vst.add.f32.msk $0xffff, v4;
	v4 =	vadd.f32 v34, v13  }
0x1be: {  	[tilespmem:s29+$0x8D0] =	vst.add.f32.msk $0xffff, v7;
	v7 =	vadd.f32 v35, v12  }
0x1bf: {  	[tilespmem:s29+$0x8B0] =	vst.add.f32.msk $0xffff, v10;
	v1 =	vadd.f32 v1, v3;
	v3 =	vadd.f32 v39, v4  }
0x1c0: {  	v7 =	vadd.f32 v8, v7;
	v8 =	vld [tilespmem:$0x1FFD0]  }
0x1c1: {  	v11 =	vadd.f32 v60, v11;
	[tilespmem:s29+$0xCC0] =	vst.add.f32.msk $0xffff, v3  }
0x1c2: {  	v6 =	vadd.f32 v37, v6;
	v9 =	vadd.f32 v38, v9;
	v3 =	vld [tilespmem:$0x1FFF0]  }
0x1c3: {  	[tilespmem:s29+$0x8C0] =	vst.add.f32.msk $0xffff, v11  }
0x1c4: {  	v5 =	vadd.f32 v33, v5;
	[tilespmem:s29+$0xC80] =	vst.add.f32.msk $0xffff, v9;
	v4 =	vadd.f32 v40, v6  }
0x1c5: {  	[tilespmem:s29+$0xCA0] =	vst.add.f32.msk $0xffff, v7;
	v1 =	vadd.f32 v41, v1  }
0x1c6: {  	s30 =	simm.s32 $0x0;
	[tilespmem:s29+$0xCD0] =	vst.add.f32.msk $0xffff, v4;
	v5 =	vadd.f32 v8, v5  }
0x1c7: {  	s8 =	simm.s32 $0x0;
	s10 =	sand.u32 $0x7, s30;
	[tilespmem:s29+$0xCE0] =	vst.add.f32.msk $0xffff, v1;
	v2 =	vadd.f32 v3, v2  }
0x1c8: {  	s11 =	sand.u32 $0x380, s30;
	s1 =	sshll.u32 s10, $0x7;
	s0 =	sand.u32 $0x6000, s8;
	[tilespmem:s29+$0xCB0] =	vst.add.f32.msk $0xffff, v5  }
0x1c9: {  	s1 =	sadd.s32 $0x0, s1;
	s31 =	sor.u32 s11, s0;
	[tilespmem:s29+$0xCF0] =	vst.add.f32.msk $0xffff, v2  }
0x1ca: {  	s14 =	sor.u32 $0x1C70, s1;
	v1 =	vld [tilespmem:s31+$0x58F0]  }
0x1cb: {  	s17 =	sor.u32 $0x1C00, s1;
	v2 =	vld [tilespmem:s14+$0x4080]  }
0x1cc: {  	s4 =	sor.u32 $0x1C10, s1;
	v3 =	vld [tilespmem:s17+$0x4080]  }
0x1cd: {  	s6 =	sor.u32 $0x1C20, s1;
	v4 =	vld [tilespmem:s4+$0x4080]  }
0x1ce: {  	s8 =	sor.u32 $0x1C30, s1;
	v5 =	vld [tilespmem:s6+$0x4080]  }
0x1cf: {  	s10 =	sor.u32 $0x1C40, s1;
	v11 =	vld [tilespmem:s8+$0x4080]  }
0x1d0: {  	s11 =	sor.u32 $0x1C50, s1;
	v12 =	vld [tilespmem:s10+$0x4080]  }
0x1d1: {  	s1 =	sor.u32 $0x1C60, s1;
	v13 =	vld [tilespmem:s11+$0x4080]  }
0x1d2: {  	v14 =	vld [tilespmem:s1+$0x4080]  }
0x1d3: {  	v15 =	vld [tilespmem:s31+$0x5080]  }
0x1d4: {  	v16 =	vld [tilespmem:s31+$0x5090]  }
0x1d5: {  	v17 =	vld [tilespmem:s31+$0x50A0]  }
0x1d6: {  	v18 =	vld [tilespmem:s31+$0x50B0]  }
0x1d7: {  	v19 =	vld [tilespmem:s31+$0x50C0]  }
0x1d8: {  	v20 =	vld [tilespmem:s31+$0x50D0]  }
0x1d9: {  	v10 =	vimm.f32 $0.0e+00;
	v21 =	vld [tilespmem:s31+$0x50E0]  }
0x1da: {  	v22 =	vld [tilespmem:s31+$0x50F0];
	v7 =	vadd.f32 v1, v10  }
0x1db: {  	v23 =	vld [tilespmem:s31+$0x5480];
	v1 =	vadd.f32 v2, v10;
	v9 =	vadd.f32 v3, v10  }
0x1dc: {  	v27 =	vld [tilespmem:s31+$0x5490];
	v8 =	vadd.f32 v4, v10;
	v6 =	vadd.f32 v5, v10  }
0x1dd: {  	v63 =	vld [tilespmem:s31+$0x54A0];
	v5 =	vadd.f32 v11, v10;
	v4 =	vadd.f32 v12, v10  }
0x1de: {  	v11 =	vld [tilespmem:s31+$0x54B0];
	v3 =	vadd.f32 v13, v10;
	v2 =	vadd.f32 v14, v10  }
0x1df: {  	v13 =	vld [tilespmem:s31+$0x54C0];
	v32 =	vadd.f32 v15, v10;
	v30 =	vadd.f32 v16, v10  }
0x1e0: {  	v14 =	vld [tilespmem:s31+$0x54D0];
	v31 =	vadd.f32 v17, v10;
	v28 =	vadd.f32 v18, v10  }
0x1e1: {  	v15 =	vld [tilespmem:s31+$0x54E0];
	v29 =	vadd.f32 v19, v10;
	v25 =	vadd.f32 v20, v10  }
0x1e2: {  	v17 =	vld [tilespmem:s31+$0x54F0];
	v26 =	vadd.f32 v21, v10;
	v24 =	vadd.f32 v22, v10  }
0x1e3: {  	v36 =	vld [tilespmem:s31+$0x5880];
	v21 =	vadd.f32 v23, v10;
	v19 =	vadd.f32 v27, v10  }
0x1e4: {  	v35 =	vld [tilespmem:s31+$0x5890];
	v16 =	vadd.f32 v63, v10;
	v27 =	vimm.f32 $0.0e+00;
	v22 =	vimm.f32 $0.0e+00  }
0x1e5: {  	s2 =	simm.s32 $0x100;
	s0 =	simm.s32 $0x1;
	s29 =	sadd.s32 $0x80, s29;
	v33 =	vld [tilespmem:s31+$0x58A0];
	v23 =	vimm.f32 $0.0e+00;
	v12 =	vadd.f32 v11, v10;
	v13 =	vadd.f32 v13, v10  }
0x1e6: {  	s14 =	simm.s32 $0x80;
	s1 =	simm.s32 $0xFFFF8400;
	s17 =	simm.s32 $0x400;
	v34 =	vld [tilespmem:s31+$0x58B0];
	v18 =	vimm.f32 $0.0e+00;
	v14 =	vadd.f32 v14, v10;
	v20 =	vadd.f32 v15, v10  }
0x1e7: {  	s6 =	sand.u32 $0x7, s0;
	v37 =	vld [tilespmem:s31+$0x58C0];
	s14 =	sand.u32 $0x380, s14;
	s17 =	sand.u32 $0x6000, s17;
	v15 =	vadd.f32 v17, v10;
	v17 =	vimm.f32 $0.0e+00;
	v11 =	vimm.f32 $0.0e+00  }
.LBB2_10:
0x1e8: {  	p0 =	sne.s32 s2, $0xF80;
	s6 =	sshll.u32 s6, $0x7;
	v10 =	vadd.f32 v36, v10;
	v36 =	vld [tilespmem:s31+$0x58D0];
	s30 =	sadd.s32 $0x400, s30  }
0x1e9: {  	s6 =	sadd.s32 s6, s30;
	v27 =	vadd.f32 v35, v27;
	v35 =	vld [tilespmem:s31+$0x58E0];
	s31 =	sor.u32 s14, s17  }
0x1ea: {  	v38 =	vld [tilespmem:s31+$0x58F0];
	s14 =	sor.u32 $0x1C00, s6;
	s17 =	sor.u32 $0x1C10, s6;
	s8 =	sor.u32 $0x1C70, s6;
	v22 =	vadd.f32 v33, v22  }
0x1eb: {  	s10 =	sor.u32 $0x1C20, s6;
	s11 =	sor.u32 $0x1C30, s6;
	s4 =	sor.u32 $0x1C40, s6;
	v33 =	vld [tilespmem:s8+$0x4080];
	v17 =	vadd.f32 v34, v17  }
0x1ec: {  	s8 =	sor.u32 $0x1C50, s6;
	s6 =	sor.u32 $0x1C60, s6;
	v34 =	vld [tilespmem:s14+$0x4080];
	v23 =	vadd.f32 v37, v23  }
0x1ed: {  	v37 =	vld [tilespmem:s17+$0x4080];
	v18 =	vadd.f32 v36, v18  }
0x1ee: {  	v36 =	vld [tilespmem:s10+$0x4080];
	v11 =	vadd.f32 v35, v11  }
0x1ef: {  	v35 =	vld [tilespmem:s11+$0x4080]  }
0x1f0: {  	v7 =	vadd.f32 v38, v7;
	v38 =	vld [tilespmem:s4+$0x4080];
	v1 =	vadd.f32 v33, v1  }
0x1f1: {  	v9 =	vadd.f32 v34, v9;
	v33 =	vld [tilespmem:s8+$0x4080]  }
0x1f2: {  	v8 =	vadd.f32 v37, v8;
	v34 =	vld [tilespmem:s6+$0x4080]  }
0x1f3: {  	v37 =	vld [tilespmem:s31+$0x5080];
	v6 =	vadd.f32 v36, v6  }
0x1f4: {  	v36 =	vld [tilespmem:s31+$0x5090];
	v5 =	vadd.f32 v35, v5  }
0x1f5: {  	v35 =	vld [tilespmem:s31+$0x50A0];
	v4 =	vadd.f32 v38, v4  }
0x1f6: {  	v38 =	vld [tilespmem:s31+$0x50B0];
	v3 =	vadd.f32 v33, v3  }
0x1f7: {  	v33 =	vld [tilespmem:s31+$0x50C0];
	v2 =	vadd.f32 v34, v2  }
0x1f8: {  	v32 =	vadd.f32 v37, v32;
	v34 =	vld [tilespmem:s31+$0x50D0]  }
0x1f9: {  	v30 =	vadd.f32 v36, v30;
	v36 =	vld [tilespmem:s31+$0x50E0]  }
0x1fa: {  	v31 =	vadd.f32 v35, v31;
	v35 =	vld [tilespmem:s31+$0x50F0]  }
0x1fb: {  	v28 =	vadd.f32 v38, v28;
	v37 =	vld [tilespmem:s31+$0x5480]  }
0x1fc: {  	v29 =	vadd.f32 v33, v29;
	v33 =	vld [tilespmem:s31+$0x5490]  }
0x1fd: {  	v25 =	vadd.f32 v34, v25;
	v34 =	vld [tilespmem:s31+$0x54A0]  }
0x1fe: {  	v26 =	vadd.f32 v36, v26;
	v36 =	vld [tilespmem:s31+$0x54B0]  }
0x1ff: {  	v24 =	vadd.f32 v35, v24;
	v35 =	vld [tilespmem:s31+$0x54C0]  }
0x200: {  	v21 =	vadd.f32 v37, v21;
	v37 =	vld [tilespmem:s31+$0x54D0]  }
0x201: {  	v19 =	vadd.f32 v33, v19;
	v38 =	vld [tilespmem:s31+$0x54E0]  }
0x202: {  	v16 =	vadd.f32 v34, v16;
	v39 =	vld [tilespmem:s31+$0x54F0]  }
.Ltmp7:
0x203: {  	v12 =	vadd.f32 v36, v12;
	v36 =	vld [tilespmem:s31+$0x5880];
	(pc) =	sbr.rel @p0 .LBB2_10-.Ltmp7, $4  }
0x204: {  	v13 =	vadd.f32 v35, v13;
	v35 =	vld [tilespmem:s31+$0x5890]  }
0x205: {  	s1 =	sadd.s32 $0x400, s1;
	v14 =	vadd.f32 v37, v14;
	v33 =	vld [tilespmem:s31+$0x58A0]  }
0x206: {  	s0 =	sadd.s32 $0x1, s0;
	s14 =	sand.u32 $0x380, s2;
	s4 =	sadd.s32 $0x8000, s1;
	v20 =	vadd.f32 v38, v20;
	v34 =	vld [tilespmem:s31+$0x58B0]  }
0x207: {  	s2 =	sadd.s32 $0x80, s2;
	s17 =	sand.u32 $0x6000, s4;
	s6 =	sand.u32 $0x7, s0;
	v15 =	vadd.f32 v39, v15;
	v37 =	vld [tilespmem:s31+$0x58C0]  }
0x208: {  	v45 =	vld [tilespmem:s31+$0x58D0]  }
0x209: {  	s17 =	sor.u32 s14, s17;
	v44 =	vld [tilespmem:s31+$0x58E0]  }
0x20a: {  	v38 =	vld [tilespmem:s17+$0x58F0]  }
0x20b: {  	v51 =	vld [tilespmem:s17+$0x50A0]  }
0x20c: {  	v52 =	vld [tilespmem:s17+$0x50B0]  }
0x20d: {  	v53 =	vld [tilespmem:s17+$0x50C0]  }
0x20e: {  	v54 =	vld [tilespmem:s17+$0x50D0]  }
0x20f: {  	v55 =	vld [tilespmem:s17+$0x50E0]  }
0x210: {  	v56 =	vld [tilespmem:s17+$0x50F0]  }
0x211: {  	v57 =	vld [tilespmem:s17+$0x5480]  }
0x212: {  	v58 =	vld [tilespmem:s17+$0x5490]  }
0x213: {  	v59 =	vld [tilespmem:s17+$0x54A0]  }
0x214: {  	v60 =	vld [tilespmem:s17+$0x54B0]  }
0x215: {  	v61 =	vld [tilespmem:s17+$0x54C0]  }
0x216: {  	v62 =	vld [tilespmem:s17+$0x54D0]  }
0x217: {  	s0 =	sshll.u32 s6, $0x7;
	s1 =	sadd.s32 $0x400, s30;
	v63 =	vld [tilespmem:s17+$0x54E0]  }
0x218: {  	s0 =	sadd.s32 s0, s1;
	v39 =	vld [tilespmem:s17+$0x5880]  }
0x219: {  	v40 =	vld [tilespmem:s17+$0x5890];
	s2 =	sor.u32 $0x1C70, s0  }
0x21a: {  	s4 =	sor.u32 $0x1C00, s0;
	v41 =	vld [tilespmem:s2+$0x4080]  }
0x21b: {  	s30 =	sor.u32 $0x1C10, s0;
	v46 =	vld [tilespmem:s4+$0x4080]  }
0x21c: {  	s31 =	sor.u32 $0x1C20, s0;
	v47 =	vld [tilespmem:s30+$0x4080]  }
0x21d: {  	s6 =	sor.u32 $0x1C30, s0;
	v48 =	vld [tilespmem:s31+$0x4080]  }
0x21e: {  	s10 =	sor.u32 $0x1C50, s0;
	v42 =	vld [tilespmem:s6+$0x4080]  }
0x21f: {  	s8 =	sor.u32 $0x1C40, s0;
	s0 =	sor.u32 $0x1C60, s0;
	v49 =	vld [tilespmem:s10+$0x4080]  }
0x220: {  	v50 =	vld [tilespmem:s0+$0x4080]  }
0x221: {  	v43 =	vld [tilespmem:s8+$0x4080]  }
0x222: {  	[tilespmem:$0x1FF50] =	vst v38;
	v38 =	vld [tilespmem:s17+$0x54F0]  }
0x223: {  	v19 =	vadd.f32 v58, v19;
	v58 =	vld [tilespmem:$0x1FF50]  }
0x224: {  	[tilespmem:$0x1FF80] =	vst v49;
	v49 =	vld [tilespmem:s17+$0x5080]  }
0x225: {  	[tilespmem:$0x1FF90] =	vst v50;
	v50 =	vld [tilespmem:s17+$0x5090]  }
0x226: {  	[tilespmem:$0x1FFA0] =	vst v41;
	v41 =	vld [tilespmem:s17+$0x58A0]  }
0x227: {  	[tilespmem:$0x1FF60] =	vst v42;
	v42 =	vld [tilespmem:s17+$0x58B0]  }
0x228: {  	[tilespmem:$0x1FF70] =	vst v43;
	v43 =	vld [tilespmem:s17+$0x58C0]  }
0x229: {  	v16 =	vadd.f32 v59, v16;
	v59 =	vld [tilespmem:$0x1FF60]  }
0x22a: {  	v12 =	vadd.f32 v60, v12;
	v60 =	vld [tilespmem:$0x1FF70]  }
0x22b: {  	v13 =	vadd.f32 v61, v13;
	v61 =	vld [tilespmem:$0x1FF80]  }
0x22c: {  	v14 =	vadd.f32 v62, v14;
	v62 =	vld [tilespmem:$0x1FF90]  }
0x22d: {  	v31 =	vadd.f32 v51, v31;
	v51 =	vadd.f32 v63, v20;
	v63 =	vld [tilespmem:$0x1FFA0]  }
0x22e: {  	v32 =	vadd.f32 v49, v32;
	v49 =	vld [tilespmem:s17+$0x58D0]  }
0x22f: {  	v28 =	vadd.f32 v52, v28;
	v30 =	vadd.f32 v50, v30;
	v50 =	vld [tilespmem:s17+$0x58E0]  }
0x230: {  	v29 =	vadd.f32 v53, v29;
	[tilespmem:s29+$0x1020] =	vst.add.f32.msk $0xffff, v31  }
0x231: {  	v25 =	vadd.f32 v54, v25;
	[tilespmem:s29+$0x1030] =	vst.add.f32.msk $0xffff, v28  }
0x232: {  	v26 =	vadd.f32 v55, v26;
	[tilespmem:s29+$0x1040] =	vst.add.f32.msk $0xffff, v29  }
0x233: {  	v24 =	vadd.f32 v56, v24;
	[tilespmem:s29+$0x1050] =	vst.add.f32.msk $0xffff, v25  }
0x234: {  	v21 =	vadd.f32 v57, v21;
	[tilespmem:s29+$0x1060] =	vst.add.f32.msk $0xffff, v26  }
0x235: {  	[tilespmem:s29+$0x1070] =	vst.add.f32.msk $0xffff, v24  }
0x236: {  	[tilespmem:s29+$0x1400] =	vst.add.f32.msk $0xffff, v21  }
0x237: {  	[tilespmem:s29+$0x1410] =	vst.add.f32.msk $0xffff, v19  }
0x238: {  	[tilespmem:s29+$0x1420] =	vst.add.f32.msk $0xffff, v16  }
0x239: {  	[tilespmem:s29+$0x1430] =	vst.add.f32.msk $0xffff, v12  }
0x23a: {  	v10 =	vadd.f32 v36, v10;
	[tilespmem:s29+$0x1440] =	vst.add.f32.msk $0xffff, v13  }
0x23b: {  	v15 =	vadd.f32 v38, v15;
	[tilespmem:s29+$0x1450] =	vst.add.f32.msk $0xffff, v14  }
0x23c: {  	v10 =	vadd.f32 v39, v10;
	[tilespmem:s29+$0x1460] =	vst.add.f32.msk $0xffff, v51  }
0x23d: {  	v7 =	vadd.f32 v58, v7;
	[tilespmem:s29+$0x1470] =	vst.add.f32.msk $0xffff, v15  }
0x23e: {  	v52 =	vadd.f32 v35, v27;
	[tilespmem:s29+$0x1800] =	vst.add.f32.msk $0xffff, v10  }
0x23f: {  	v53 =	vadd.f32 v33, v22;
	[tilespmem:s29+$0x1870] =	vst.add.f32.msk $0xffff, v7  }
0x240: {  	v54 =	vadd.f32 v34, v17;
	v13 =	vadd.f32 v40, v52;
	[tilespmem:s29+$0x1000] =	vst.add.f32.msk $0xffff, v32  }
0x241: {  	v55 =	vadd.f32 v37, v23;
	v14 =	vadd.f32 v41, v53;
	[tilespmem:s29+$0x1010] =	vst.add.f32.msk $0xffff, v30  }
0x242: {  	v56 =	vadd.f32 v45, v18;
	v12 =	vadd.f32 v42, v54;
	[tilespmem:s29+$0x1810] =	vst.add.f32.msk $0xffff, v13  }
0x243: {  	v11 =	vadd.f32 v44, v11;
	v57 =	vadd.f32 v43, v55;
	[tilespmem:s29+$0x1820] =	vst.add.f32.msk $0xffff, v14  }
0x244: {  	[tilespmem:s29+$0x1830] =	vst.add.f32.msk $0xffff, v12;
	v10 =	vadd.f32 v49, v56  }
0x245: {  	[tilespmem:s29+$0x1840] =	vst.add.f32.msk $0xffff, v57;
	v11 =	vadd.f32 v50, v11  }
0x246: {  	s11 =	sor.u32 s26, s28;
	v9 =	vadd.f32 v46, v9;
	[tilespmem:s29+$0x1850] =	vst.add.f32.msk $0xffff, v10  }
0x247: {  	s14 =	sor.u32 $0x1C00, s11;
	v8 =	vadd.f32 v47, v8;
	[tilespmem:s29+$0x1860] =	vst.add.f32.msk $0xffff, v11  }
0x248: {  	v6 =	vadd.f32 v48, v6;
	s17 =	sor.u32 $0x1C10, s11;
	[tilespmem:s14+$0x80] =	vst.add.f32.msk $0xffff, v9  }
0x249: {  	s26 =	sor.u32 $0x1C20, s11;
	v5 =	vadd.f32 v59, v5;
	[tilespmem:s17+$0x80] =	vst.add.f32.msk $0xffff, v8  }
0x24a: {  	s28 =	sor.u32 $0x1C30, s11;
	v4 =	vadd.f32 v60, v4;
	[tilespmem:s26+$0x80] =	vst.add.f32.msk $0xffff, v6  }
0x24b: {  	v3 =	vadd.f32 v61, v3;
	s29 =	sor.u32 $0x1C40, s11;
	[tilespmem:s28+$0x80] =	vst.add.f32.msk $0xffff, v5  }
0x24c: {  	s30 =	sor.u32 $0x1C50, s11;
	v2 =	vadd.f32 v62, v2;
	[tilespmem:s29+$0x80] =	vst.add.f32.msk $0xffff, v4  }
0x24d: {  	s31 =	sor.u32 $0x1C60, s11;
	v1 =	vadd.f32 v63, v1;
	[tilespmem:s30+$0x80] =	vst.add.f32.msk $0xffff, v3  }
0x24e: {  	s0 =	sor.u32 $0x1C70, s11;
	[tilespmem:s31+$0x80] =	vst.add.f32.msk $0xffff, v2  }
0x24f: {  	[tilespmem:s0+$0x80] =	vst.add.f32.msk $0xffff, v1  }
.LBB2_12:
0x250: {  	p0 =	seq.s32 s23, $0x7  }
0x251: {  	s0 =	sshll.u32 @!p0 s25, $0x7  }
0x252: {  	s1 =	simm.s32 @!p0 $0x0;
	s2 =	simm.s32 @!p0 $0x4080;
	s0 =	sadd.s32 @!p0 s0, s7  }
0x253: {  	[tilespmem:s2], [sflag:$0x1] =	stream.linear.gather @!p0 [hbm4b:s0+s1], $0x8000, $0x38;
	[tilespmem:$0x14080] =	vst v63  }
0x254: {  	s0 =	sadd.s32 $0x1, s20;
	_ =	swait.ge [sflag:s16], $0x8000  }
0x255: {  	p1 =	slt.s32 s0, $0xF;
	[sflag:s16] =	ssyncset.done $0x0  }
0x256: {  	s0 =	simm.s32 @!p1 $0xF;
	[sflag:s16] =	ssyncadd.s32 $0xFFFF8000  }
0x257: {  	v1 =	vld [tilespmem:s0+$0x0];
	_ =	sdelay $0x4  }
0x258: {  	(v2sf) =	vpush v1, $0x0;
	_ =	sdelay $0xe  }
0x259: {  	p1 =	slt.s32 s20, $0xF;
	s0 =	spop (v2sf)  }
0x25a: {  	s31 =	sadd.s32 $0x40, s25;
	s0 =	simm.s32 @!p1 $0x8000  }
0x25b: {  	p1 =	sgt.s32 s31, s0  }
.Ltmp8:
0x25c: {  	_ = 	snop;
	(pc) =	sbr.rel @!p1 .LBB2_15-.Ltmp8, $2  }
0x25d: {  	_ =	sdelay $0x2  }
0x25e: {  	v2 =	vimm.f32 $0.0e+00;
	s25 =	simm.s32 $0x0  }
0x25f: {  	s26 =	smov.u32 s21;
	s28 =	simm.s32 $0x0  }
.LBB2_14:
0x260: {  	s1 =	sadd.s32 $0x1, s20  }
0x261: {  	p1 =	slt.s32 s1, $0xF;
	s0 =	smov.u32 s1  }
0x262: {  	s0 =	simm.s32 @!p1 $0xF  }
0x263: {  	v1 =	vld [tilespmem:s0+$0x0];
	_ =	sdelay $0x4  }
0x264: {  	(v2sf) =	vpush v1, $0x0;
	_ =	sdelay $0xe  }
0x265: {  	s4 =	sand.u32 $0x6000, s28;
	s2 =	sand.u32 $0x380, s25;
	s14 =	spop (v2sf)  }
0x266: {  	s6 =	smov.u32 s20;
	s17 =	sor.u32 s2, s4;
	p1 =	seq.s32 s26, s14  }
0x267: {  	p2 =	slt.s32 s20, $0xF;
	v1 =	vld [tilespmem:s17+$0xC080];
	s6 =	smov.u32 @p1 s1  }
0x268: {  	s20 =	smov.u32 @p2 s6  }
0x269: {  	s29 =	sshll.u32 s20, $0xA;
	s30 =	sshll.u32 s20, $0x7  }
0x26a: {  	s31 =	sand.u32 $0xFFFFE000, s29;
	s2 =	sand.u32 $0x380, s30  }
0x26b: {  	s14 =	sor.u32 s2, s31  }
0x26c: {  	[tilespmem:s14+$0x80] =	vst.add.f32.msk $0xffff, v1  }
0x26d: {  	v1 =	vld [tilespmem:s17+$0xC090];
	_ =	sdelay $0x4  }
0x26e: {  	[tilespmem:s14+$0x90] =	vst.add.f32.msk $0xffff, v1  }
0x26f: {  	v1 =	vld [tilespmem:s17+$0xC0A0];
	_ =	sdelay $0x4  }
0x270: {  	[tilespmem:s14+$0xA0] =	vst.add.f32.msk $0xffff, v1  }
0x271: {  	v1 =	vld [tilespmem:s17+$0xC0B0];
	_ =	sdelay $0x4  }
0x272: {  	[tilespmem:s14+$0xB0] =	vst.add.f32.msk $0xffff, v1  }
0x273: {  	v1 =	vld [tilespmem:s17+$0xC0C0];
	_ =	sdelay $0x4  }
0x274: {  	[tilespmem:s14+$0xC0] =	vst.add.f32.msk $0xffff, v1  }
0x275: {  	v1 =	vld [tilespmem:s17+$0xC0D0];
	_ =	sdelay $0x4  }
0x276: {  	[tilespmem:s14+$0xD0] =	vst.add.f32.msk $0xffff, v1  }
0x277: {  	v1 =	vld [tilespmem:s17+$0xC0E0];
	_ =	sdelay $0x4  }
0x278: {  	[tilespmem:s14+$0xE0] =	vst.add.f32.msk $0xffff, v1  }
0x279: {  	v1 =	vld [tilespmem:s17+$0xC0F0];
	_ =	sdelay $0x4  }
0x27a: {  	[tilespmem:s14+$0xF0] =	vst.add.f32.msk $0xffff, v1  }
0x27b: {  	v1 =	vld [tilespmem:s17+$0xC480];
	_ =	sdelay $0x4  }
0x27c: {  	[tilespmem:s14+$0x480] =	vst.add.f32.msk $0xffff, v1  }
0x27d: {  	v1 =	vld [tilespmem:s17+$0xC490];
	_ =	sdelay $0x4  }
0x27e: {  	[tilespmem:s14+$0x490] =	vst.add.f32.msk $0xffff, v1  }
0x27f: {  	v1 =	vld [tilespmem:s17+$0xC4A0];
	_ =	sdelay $0x4  }
0x280: {  	[tilespmem:s14+$0x4A0] =	vst.add.f32.msk $0xffff, v1  }
0x281: {  	v1 =	vld [tilespmem:s17+$0xC4B0];
	_ =	sdelay $0x4  }
0x282: {  	[tilespmem:s14+$0x4B0] =	vst.add.f32.msk $0xffff, v1  }
0x283: {  	v1 =	vld [tilespmem:s17+$0xC4C0];
	_ =	sdelay $0x4  }
0x284: {  	[tilespmem:s14+$0x4C0] =	vst.add.f32.msk $0xffff, v1  }
0x285: {  	v1 =	vld [tilespmem:s17+$0xC4D0];
	_ =	sdelay $0x4  }
0x286: {  	[tilespmem:s14+$0x4D0] =	vst.add.f32.msk $0xffff, v1  }
0x287: {  	v1 =	vld [tilespmem:s17+$0xC4E0];
	_ =	sdelay $0x4  }
0x288: {  	[tilespmem:s14+$0x4E0] =	vst.add.f32.msk $0xffff, v1  }
0x289: {  	v1 =	vld [tilespmem:s17+$0xC4F0];
	_ =	sdelay $0x4  }
0x28a: {  	[tilespmem:s14+$0x4F0] =	vst.add.f32.msk $0xffff, v1  }
0x28b: {  	v1 =	vld [tilespmem:s17+$0xC880];
	_ =	sdelay $0x4  }
0x28c: {  	[tilespmem:s14+$0x880] =	vst.add.f32.msk $0xffff, v1  }
0x28d: {  	v1 =	vld [tilespmem:s17+$0xC890];
	_ =	sdelay $0x4  }
0x28e: {  	[tilespmem:s14+$0x890] =	vst.add.f32.msk $0xffff, v1  }
0x28f: {  	v1 =	vld [tilespmem:s17+$0xC8A0];
	_ =	sdelay $0x4  }
0x290: {  	[tilespmem:s14+$0x8A0] =	vst.add.f32.msk $0xffff, v1  }
0x291: {  	v1 =	vld [tilespmem:s17+$0xC8B0];
	_ =	sdelay $0x4  }
0x292: {  	[tilespmem:s14+$0x8B0] =	vst.add.f32.msk $0xffff, v1  }
0x293: {  	v1 =	vld [tilespmem:s17+$0xC8C0];
	_ =	sdelay $0x4  }
0x294: {  	[tilespmem:s14+$0x8C0] =	vst.add.f32.msk $0xffff, v1  }
0x295: {  	v1 =	vld [tilespmem:s17+$0xC8D0];
	_ =	sdelay $0x4  }
0x296: {  	[tilespmem:s14+$0x8D0] =	vst.add.f32.msk $0xffff, v1  }
0x297: {  	v1 =	vld [tilespmem:s17+$0xC8E0];
	_ =	sdelay $0x4  }
0x298: {  	[tilespmem:s14+$0x8E0] =	vst.add.f32.msk $0xffff, v1  }
0x299: {  	v1 =	vld [tilespmem:s17+$0xC8F0];
	_ =	sdelay $0x3  }
0x29a: {  	s4 =	sor.u32 s4, s25  }
0x29b: {  	s4 =	sor.u32 $0x8C00, s4;
	[tilespmem:s14+$0x8F0] =	vst.add.f32.msk $0xffff, v1  }
0x29c: {  	v1 =	vld [tilespmem:s4+$0x4080];
	_ =	sdelay $0x4  }
0x29d: {  	[tilespmem:s14+$0xC80] =	vst.add.f32.msk $0xffff, v1  }
0x29e: {  	v1 =	vld [tilespmem:s4+$0x4090];
	_ =	sdelay $0x4  }
0x29f: {  	[tilespmem:s14+$0xC90] =	vst.add.f32.msk $0xffff, v1  }
0x2a0: {  	v1 =	vld [tilespmem:s4+$0x40A0];
	_ =	sdelay $0x4  }
0x2a1: {  	[tilespmem:s14+$0xCA0] =	vst.add.f32.msk $0xffff, v1  }
0x2a2: {  	v1 =	vld [tilespmem:s4+$0x40B0];
	_ =	sdelay $0x4  }
0x2a3: {  	[tilespmem:s14+$0xCB0] =	vst.add.f32.msk $0xffff, v1  }
0x2a4: {  	v1 =	vld [tilespmem:s4+$0x40C0];
	_ =	sdelay $0x4  }
0x2a5: {  	[tilespmem:s14+$0xCC0] =	vst.add.f32.msk $0xffff, v1  }
0x2a6: {  	v1 =	vld [tilespmem:s4+$0x40D0];
	_ =	sdelay $0x4  }
0x2a7: {  	[tilespmem:s14+$0xCD0] =	vst.add.f32.msk $0xffff, v1  }
0x2a8: {  	v1 =	vld [tilespmem:s4+$0x40E0];
	_ =	sdelay $0x4  }
0x2a9: {  	[tilespmem:s14+$0xCE0] =	vst.add.f32.msk $0xffff, v1  }
0x2aa: {  	v1 =	vld [tilespmem:s4+$0x40F0];
	_ =	sdelay $0x4  }
0x2ab: {  	[tilespmem:s14+$0xCF0] =	vst.add.f32.msk $0xffff, v1  }
0x2ac: {  	v1 =	vld [tilespmem:s17+$0xD080];
	_ =	sdelay $0x4  }
0x2ad: {  	[tilespmem:s14+$0x1080] =	vst.add.f32.msk $0xffff, v1  }
0x2ae: {  	v1 =	vld [tilespmem:s17+$0xD090];
	_ =	sdelay $0x4  }
0x2af: {  	[tilespmem:s14+$0x1090] =	vst.add.f32.msk $0xffff, v1  }
0x2b0: {  	v1 =	vld [tilespmem:s17+$0xD0A0];
	_ =	sdelay $0x4  }
0x2b1: {  	[tilespmem:s14+$0x10A0] =	vst.add.f32.msk $0xffff, v1  }
0x2b2: {  	v1 =	vld [tilespmem:s17+$0xD0B0];
	_ =	sdelay $0x4  }
0x2b3: {  	[tilespmem:s14+$0x10B0] =	vst.add.f32.msk $0xffff, v1  }
0x2b4: {  	v1 =	vld [tilespmem:s17+$0xD0C0];
	_ =	sdelay $0x4  }
0x2b5: {  	[tilespmem:s14+$0x10C0] =	vst.add.f32.msk $0xffff, v1  }
0x2b6: {  	v1 =	vld [tilespmem:s17+$0xD0D0];
	_ =	sdelay $0x4  }
0x2b7: {  	[tilespmem:s14+$0x10D0] =	vst.add.f32.msk $0xffff, v1  }
0x2b8: {  	v1 =	vld [tilespmem:s17+$0xD0E0];
	_ =	sdelay $0x4  }
0x2b9: {  	[tilespmem:s14+$0x10E0] =	vst.add.f32.msk $0xffff, v1  }
0x2ba: {  	v1 =	vld [tilespmem:s17+$0xD0F0];
	_ =	sdelay $0x4  }
0x2bb: {  	[tilespmem:s14+$0x10F0] =	vst.add.f32.msk $0xffff, v1  }
0x2bc: {  	v1 =	vld [tilespmem:s17+$0xD480];
	_ =	sdelay $0x4  }
0x2bd: {  	[tilespmem:s14+$0x1480] =	vst.add.f32.msk $0xffff, v1  }
0x2be: {  	v1 =	vld [tilespmem:s17+$0xD490];
	_ =	sdelay $0x4  }
0x2bf: {  	[tilespmem:s14+$0x1490] =	vst.add.f32.msk $0xffff, v1  }
0x2c0: {  	v1 =	vld [tilespmem:s17+$0xD4A0];
	_ =	sdelay $0x4  }
0x2c1: {  	[tilespmem:s14+$0x14A0] =	vst.add.f32.msk $0xffff, v1  }
0x2c2: {  	v1 =	vld [tilespmem:s17+$0xD4B0];
	_ =	sdelay $0x4  }
0x2c3: {  	[tilespmem:s14+$0x14B0] =	vst.add.f32.msk $0xffff, v1  }
0x2c4: {  	v1 =	vld [tilespmem:s17+$0xD4C0];
	_ =	sdelay $0x4  }
0x2c5: {  	[tilespmem:s14+$0x14C0] =	vst.add.f32.msk $0xffff, v1  }
0x2c6: {  	v1 =	vld [tilespmem:s17+$0xD4D0];
	_ =	sdelay $0x4  }
0x2c7: {  	[tilespmem:s14+$0x14D0] =	vst.add.f32.msk $0xffff, v1  }
0x2c8: {  	v1 =	vld [tilespmem:s17+$0xD4E0];
	_ =	sdelay $0x4  }
0x2c9: {  	[tilespmem:s14+$0x14E0] =	vst.add.f32.msk $0xffff, v1  }
0x2ca: {  	v1 =	vld [tilespmem:s17+$0xD4F0];
	_ =	sdelay $0x4  }
0x2cb: {  	[tilespmem:s14+$0x14F0] =	vst.add.f32.msk $0xffff, v1  }
0x2cc: {  	v1 =	vld [tilespmem:s17+$0xD880];
	_ =	sdelay $0x4  }
0x2cd: {  	[tilespmem:s14+$0x1880] =	vst.add.f32.msk $0xffff, v1  }
0x2ce: {  	v1 =	vld [tilespmem:s17+$0xD890];
	_ =	sdelay $0x4  }
0x2cf: {  	[tilespmem:s14+$0x1890] =	vst.add.f32.msk $0xffff, v1  }
0x2d0: {  	v1 =	vld [tilespmem:s17+$0xD8A0];
	_ =	sdelay $0x4  }
0x2d1: {  	[tilespmem:s14+$0x18A0] =	vst.add.f32.msk $0xffff, v1  }
0x2d2: {  	v1 =	vld [tilespmem:s17+$0xD8B0];
	_ =	sdelay $0x4  }
0x2d3: {  	[tilespmem:s14+$0x18B0] =	vst.add.f32.msk $0xffff, v1  }
0x2d4: {  	v1 =	vld [tilespmem:s17+$0xD8C0];
	_ =	sdelay $0x4  }
0x2d5: {  	[tilespmem:s14+$0x18C0] =	vst.add.f32.msk $0xffff, v1  }
0x2d6: {  	v1 =	vld [tilespmem:s17+$0xD8D0];
	_ =	sdelay $0x4  }
0x2d7: {  	[tilespmem:s14+$0x18D0] =	vst.add.f32.msk $0xffff, v1  }
0x2d8: {  	v1 =	vld [tilespmem:s17+$0xD8E0];
	_ =	sdelay $0x4  }
0x2d9: {  	[tilespmem:s14+$0x18E0] =	vst.add.f32.msk $0xffff, v1  }
0x2da: {  	v1 =	vld [tilespmem:s17+$0xD8F0];
	_ =	sdelay $0x3  }
0x2db: {  	s8 =	sor.u32 s28, s25  }
0x2dc: {  	s0 =	sor.u32 $0x9C00, s8;
	[tilespmem:s14+$0x18F0] =	vst.add.f32.msk $0xffff, v1  }
0x2dd: {  	v1 =	vld [tilespmem:s0+$0x4080];
	_ =	sdelay $0x2  }
0x2de: {  	s1 =	sor.u32 s29, s2  }
0x2df: {  	s2 =	sor.u32 $0x1C00, s1  }
0x2e0: {  	[tilespmem:s2+$0x80] =	vst.add.f32.msk $0xffff, v1  }
0x2e1: {  	v1 =	vld [tilespmem:s0+$0x4090];
	_ =	sdelay $0x3  }
0x2e2: {  	s10 =	sor.u32 $0x1C10, s1  }
0x2e3: {  	[tilespmem:s10+$0x80] =	vst.add.f32.msk $0xffff, v1  }
0x2e4: {  	v1 =	vld [tilespmem:s0+$0x40A0];
	_ =	sdelay $0x3  }
0x2e5: {  	s11 =	sor.u32 $0x1C20, s1  }
0x2e6: {  	[tilespmem:s11+$0x80] =	vst.add.f32.msk $0xffff, v1  }
0x2e7: {  	v1 =	vld [tilespmem:s0+$0x40B0];
	_ =	sdelay $0x3  }
0x2e8: {  	s14 =	sor.u32 $0x1C30, s1  }
0x2e9: {  	[tilespmem:s14+$0x80] =	vst.add.f32.msk $0xffff, v1  }
0x2ea: {  	v1 =	vld [tilespmem:s0+$0x40C0];
	_ =	sdelay $0x3  }
0x2eb: {  	s17 =	sor.u32 $0x1C40, s1  }
0x2ec: {  	[tilespmem:s17+$0x80] =	vst.add.f32.msk $0xffff, v1  }
0x2ed: {  	v1 =	vld [tilespmem:s0+$0x40D0];
	_ =	sdelay $0x3  }
0x2ee: {  	s29 =	sor.u32 $0x1C50, s1  }
0x2ef: {  	[tilespmem:s29+$0x80] =	vst.add.f32.msk $0xffff, v1  }
0x2f0: {  	v1 =	vld [tilespmem:s0+$0x40E0];
	_ =	sdelay $0x3  }
0x2f1: {  	s30 =	sor.u32 $0x1C60, s1  }
0x2f2: {  	[tilespmem:s30+$0x80] =	vst.add.f32.msk $0xffff, v1  }
0x2f3: {  	p1 =	sne.s32 s28, $0x7C00;
	v1 =	vld [tilespmem:s0+$0x40F0]  }
.Ltmp9:
0x2f4: {  	_ = 	snop;
	(pc) =	sbr.rel @p1 .LBB2_14-.Ltmp9, $3  }
0x2f5: {  	_ =	sdelay $0x1  }
0x2f6: {  	s31 =	sor.u32 $0x1C70, s1  }
0x2f7: {  	s25 =	sadd.s32 $0x80, s25;
	s26 =	sadd.s32 $0x1, s26;
	s28 =	sadd.s32 $0x400, s28;
	[tilespmem:s31+$0x80] =	vst.add.f32.msk $0xffff, v1  }
.Ltmp10:
0x2f8: {  	_ = 	snop;
	(pc) =	sbr.rel .LBB2_20-.Ltmp10, $1  }
0x2f9: {  	_ =	sdelay $0x3  }
.LBB2_15:
0x2fa: {  	s0 =	sand.u32 $0x6000, s25;
	s2 =	sand.u32 $0x380, s25  }
0x2fb: {  	s26 =	sor.u32 s2, s0  }
0x2fc: {  	v13 =	vld [tilespmem:s26+$0xC080]  }
0x2fd: {  	v14 =	vld [tilespmem:s26+$0xC090]  }
0x2fe: {  	v15 =	vld [tilespmem:s26+$0xC0A0]  }
0x2ff: {  	v16 =	vld [tilespmem:s26+$0xC0B0]  }
0x300: {  	v17 =	vld [tilespmem:s26+$0xC0C0]  }
0x301: {  	v18 =	vld [tilespmem:s26+$0xC0D0]  }
0x302: {  	v19 =	vld [tilespmem:s26+$0xC0E0]  }
0x303: {  	v20 =	vld [tilespmem:s26+$0xC0F0]  }
0x304: {  	v21 =	vld [tilespmem:s26+$0xC480]  }
0x305: {  	v22 =	vld [tilespmem:s26+$0xC490]  }
0x306: {  	s1 =	sor.u32 s0, s25;
	v33 =	vld [tilespmem:s26+$0xC4A0]  }
0x307: {  	s1 =	sor.u32 $0x8C00, s1;
	v34 =	vld [tilespmem:s26+$0xC4B0]  }
0x308: {  	v1 =	vld [tilespmem:s1+$0x40F0]  }
0x309: {  	v3 =	vld [tilespmem:s1+$0x4080]  }
0x30a: {  	v4 =	vld [tilespmem:s1+$0x4090]  }
0x30b: {  	v5 =	vld [tilespmem:s1+$0x40A0]  }
0x30c: {  	v6 =	vld [tilespmem:s1+$0x40B0]  }
0x30d: {  	v10 =	vld [tilespmem:s1+$0x40C0];
	v32 =	vadd.f32 v13, v2  }
0x30e: {  	v11 =	vld [tilespmem:s1+$0x40D0];
	v31 =	vadd.f32 v14, v2;
	v29 =	vadd.f32 v15, v2  }
0x30f: {  	v12 =	vld [tilespmem:s1+$0x40E0];
	v30 =	vadd.f32 v16, v2;
	v27 =	vadd.f32 v17, v2  }
0x310: {  	v13 =	vld [tilespmem:s26+$0xC4F0];
	v28 =	vadd.f32 v18, v2;
	v25 =	vadd.f32 v19, v2  }
0x311: {  	v14 =	vld [tilespmem:s26+$0xC880];
	v26 =	vadd.f32 v20, v2;
	v8 =	vadd.f32 v5, v2  }
0x312: {  	v5 =	vadd.f32 v6, v2;
	v6 =	vadd.f32 v10, v2;
	v10 =	vld [tilespmem:s26+$0xC4C0]  }
0x313: {  	v9 =	vadd.f32 v3, v2;
	v3 =	vadd.f32 v11, v2;
	v11 =	vld [tilespmem:s26+$0xC4D0]  }
0x314: {  	v7 =	vadd.f32 v4, v2;
	v4 =	vadd.f32 v12, v2;
	v12 =	vld [tilespmem:s26+$0xC4E0]  }
0x315: {  	v24 =	vadd.f32 v21, v2;
	v23 =	vadd.f32 v22, v2  }
0x316: {  	v36 =	vld [tilespmem:s26+$0xC890];
	v22 =	vadd.f32 v33, v2;
	v21 =	vadd.f32 v34, v2  }
0x317: {  	v35 =	vld [tilespmem:s26+$0xC8A0];
	v20 =	vimm.f32 $0.0e+00;
	v1 =	vadd.f32 v1, v2;
	v16 =	vadd.f32 v13, v2  }
0x318: {  	v33 =	vld [tilespmem:s26+$0xC8B0];
	v15 =	vimm.f32 $0.0e+00;
	v13 =	vadd.f32 v14, v2;
	v17 =	vadd.f32 v10, v2  }
0x319: {  	s31 =	sadd.s32 $0x400, s25;
	v34 =	vld [tilespmem:s26+$0xC8C0];
	v14 =	vimm.f32 $0.0e+00;
	v18 =	vadd.f32 v11, v2;
	v19 =	vadd.f32 v12, v2  }
0x31a: {  	s2 =	sand.u32 $0x6000, s31;
	s0 =	sadd.s32 $0x80, s25;
	v37 =	vld [tilespmem:s26+$0xC8D0];
	s1 =	sadd.s32 $0x400, s31;
	v11 =	vimm.f32 $0.0e+00;
	v12 =	vimm.f32 $0.0e+00;
	v10 =	vimm.f32 $0.0e+00  }
.LBB2_16:
0x31b: {  	p1 =	sne.s32 s1, $0x7C00;
	s4 =	sand.u32 $0x380, s0;
	s6 =	sor.u32 s2, s0;
	v2 =	vadd.f32 v36, v2;
	v36 =	vld [tilespmem:s26+$0xC8E0]  }
0x31c: {  	s6 =	sor.u32 $0x8C00, s6;
	v20 =	vadd.f32 v35, v20;
	v35 =	vld [tilespmem:s26+$0xC8F0];
	s26 =	sor.u32 s4, s2  }
0x31d: {  	v38 =	vld [tilespmem:s6+$0x40F0];
	v14 =	vadd.f32 v33, v14  }
0x31e: {  	v33 =	vld [tilespmem:s6+$0x4080];
	v11 =	vadd.f32 v34, v11  }
0x31f: {  	v34 =	vld [tilespmem:s6+$0x4090];
	v15 =	vadd.f32 v37, v15  }
0x320: {  	v37 =	vld [tilespmem:s6+$0x40A0];
	v12 =	vadd.f32 v36, v12  }
0x321: {  	v36 =	vld [tilespmem:s6+$0x40B0];
	v10 =	vadd.f32 v35, v10  }
0x322: {  	v35 =	vld [tilespmem:s6+$0x40C0];
	v1 =	vadd.f32 v38, v1  }
0x323: {  	v9 =	vadd.f32 v33, v9;
	v33 =	vld [tilespmem:s6+$0x40D0]  }
0x324: {  	v7 =	vadd.f32 v34, v7;
	v34 =	vld [tilespmem:s6+$0x40E0]  }
0x325: {  	v38 =	vld [tilespmem:s26+$0xC080];
	v8 =	vadd.f32 v37, v8  }
0x326: {  	v37 =	vld [tilespmem:s26+$0xC090];
	v5 =	vadd.f32 v36, v5  }
0x327: {  	v36 =	vld [tilespmem:s26+$0xC0A0];
	v6 =	vadd.f32 v35, v6  }
0x328: {  	v35 =	vld [tilespmem:s26+$0xC0B0];
	v3 =	vadd.f32 v33, v3  }
0x329: {  	v33 =	vld [tilespmem:s26+$0xC0C0];
	v4 =	vadd.f32 v34, v4  }
0x32a: {  	v32 =	vadd.f32 v38, v32;
	v34 =	vld [tilespmem:s26+$0xC0D0]  }
0x32b: {  	v31 =	vadd.f32 v37, v31;
	v37 =	vld [tilespmem:s26+$0xC0E0]  }
0x32c: {  	v29 =	vadd.f32 v36, v29;
	v36 =	vld [tilespmem:s26+$0xC0F0]  }
0x32d: {  	v30 =	vadd.f32 v35, v30;
	v35 =	vld [tilespmem:s26+$0xC480]  }
0x32e: {  	v27 =	vadd.f32 v33, v27;
	v33 =	vld [tilespmem:s26+$0xC490]  }
0x32f: {  	v28 =	vadd.f32 v34, v28;
	v34 =	vld [tilespmem:s26+$0xC4A0]  }
0x330: {  	v25 =	vadd.f32 v37, v25;
	v37 =	vld [tilespmem:s26+$0xC4B0]  }
0x331: {  	v26 =	vadd.f32 v36, v26;
	v36 =	vld [tilespmem:s26+$0xC4C0]  }
0x332: {  	v24 =	vadd.f32 v35, v24;
	v35 =	vld [tilespmem:s26+$0xC4D0]  }
0x333: {  	v23 =	vadd.f32 v33, v23;
	v33 =	vld [tilespmem:s26+$0xC4E0]  }
0x334: {  	v22 =	vadd.f32 v34, v22;
	v34 =	vld [tilespmem:s26+$0xC4F0]  }
0x335: {  	v21 =	vadd.f32 v37, v21;
	v37 =	vld [tilespmem:s26+$0xC880]  }
.Ltmp11:
0x336: {  	v17 =	vadd.f32 v36, v17;
	v36 =	vld [tilespmem:s26+$0xC890];
	(pc) =	sbr.rel @p1 .LBB2_16-.Ltmp11, $4  }
0x337: {  	v18 =	vadd.f32 v35, v18;
	v35 =	vld [tilespmem:s26+$0xC8A0]  }
0x338: {  	v19 =	vadd.f32 v33, v19;
	v33 =	vld [tilespmem:s26+$0xC8B0]  }
0x339: {  	v16 =	vadd.f32 v34, v16;
	v34 =	vld [tilespmem:s26+$0xC8C0]  }
0x33a: {  	s0 =	sadd.s32 $0x80, s0;
	s2 =	sand.u32 $0x6000, s1;
	s1 =	sadd.s32 $0x400, s1;
	v13 =	vadd.f32 v37, v13;
	v37 =	vld [tilespmem:s26+$0xC8D0]  }
0x33b: {  	s1 =	sor.u32 s2, s0;
	v44 =	vld [tilespmem:s26+$0xC8E0]  }
0x33c: {  	v45 =	vld [tilespmem:s26+$0xC8F0];
	s1 =	sor.u32 $0x8C00, s1  }
0x33d: {  	v38 =	vld [tilespmem:s1+$0x40F0]  }
0x33e: {  	v46 =	vld [tilespmem:s1+$0x4080]  }
0x33f: {  	v47 =	vld [tilespmem:s1+$0x4090]  }
0x340: {  	v57 =	vld [tilespmem:s1+$0x40A0]  }
0x341: {  	v58 =	vld [tilespmem:s1+$0x40B0]  }
0x342: {  	v59 =	vld [tilespmem:s1+$0x40C0]  }
0x343: {  	s10 =	sand.u32 $0x380, s0;
	v60 =	vld [tilespmem:s1+$0x40D0]  }
0x344: {  	s0 =	sor.u32 s10, s2;
	v61 =	vld [tilespmem:s1+$0x40E0]  }
0x345: {  	v48 =	vld [tilespmem:s0+$0xC080]  }
0x346: {  	v49 =	vld [tilespmem:s0+$0xC090]  }
0x347: {  	v50 =	vld [tilespmem:s0+$0xC0A0]  }
0x348: {  	v51 =	vld [tilespmem:s0+$0xC0B0]  }
0x349: {  	v52 =	vld [tilespmem:s0+$0xC0C0]  }
0x34a: {  	v53 =	vld [tilespmem:s0+$0xC0D0]  }
0x34b: {  	v54 =	vld [tilespmem:s0+$0xC0E0]  }
0x34c: {  	v55 =	vld [tilespmem:s0+$0xC0F0]  }
0x34d: {  	v56 =	vld [tilespmem:s0+$0xC480]  }
0x34e: {  	v62 =	vld [tilespmem:s0+$0xC4E0]  }
0x34f: {  	v63 =	vld [tilespmem:s0+$0xC4F0]  }
0x350: {  	v39 =	vld [tilespmem:s0+$0xC890]  }
0x351: {  	v40 =	vld [tilespmem:s0+$0xC8A0]  }
0x352: {  	v41 =	vld [tilespmem:s0+$0xC8B0]  }
0x353: {  	v42 =	vld [tilespmem:s0+$0xC8C0]  }
0x354: {  	v43 =	vld [tilespmem:s0+$0xC8D0]  }
0x355: {  	[tilespmem:$0x1FEF0] =	vst v57;
	v57 =	vld [tilespmem:s0+$0xC490]  }
0x356: {  	[tilespmem:$0x1FF00] =	vst v58;
	v58 =	vld [tilespmem:s0+$0xC4A0]  }
0x357: {  	[tilespmem:$0x1FF10] =	vst v59;
	v59 =	vld [tilespmem:s0+$0xC4B0]  }
0x358: {  	[tilespmem:$0x1FF20] =	vst v60;
	v60 =	vld [tilespmem:s0+$0xC4C0]  }
0x359: {  	[tilespmem:$0x1FF30] =	vst v61;
	v61 =	vld [tilespmem:s0+$0xC4D0]  }
0x35a: {  	s25 =	sshll.u32 s20, $0xA;
	s11 =	sshll.u32 s20, $0x7;
	[tilespmem:$0x1FF40] =	vst v38;
	v38 =	vld [tilespmem:s0+$0xC880]  }
0x35b: {  	s14 =	sand.u32 $0xFFFFE000, s25;
	s26 =	sand.u32 $0x380, s11;
	v32 =	vadd.f32 v48, v32;
	v48 =	vld [tilespmem:s0+$0xC8E0]  }
0x35c: {  	s1 =	sor.u32 s26, s14;
	v31 =	vadd.f32 v49, v31;
	v49 =	vld [tilespmem:s0+$0xC8F0]  }
0x35d: {  	v29 =	vadd.f32 v50, v29;
	[tilespmem:s1+$0x80] =	vst.add.f32.msk $0xffff, v32  }
0x35e: {  	v30 =	vadd.f32 v51, v30;
	[tilespmem:s1+$0x90] =	vst.add.f32.msk $0xffff, v31  }
0x35f: {  	v27 =	vadd.f32 v52, v27;
	[tilespmem:s1+$0xA0] =	vst.add.f32.msk $0xffff, v29  }
0x360: {  	v28 =	vadd.f32 v53, v28;
	[tilespmem:s1+$0xB0] =	vst.add.f32.msk $0xffff, v30  }
0x361: {  	v25 =	vadd.f32 v54, v25;
	[tilespmem:s1+$0xC0] =	vst.add.f32.msk $0xffff, v27  }
0x362: {  	v26 =	vadd.f32 v55, v26;
	[tilespmem:s1+$0xD0] =	vst.add.f32.msk $0xffff, v28  }
0x363: {  	v24 =	vadd.f32 v56, v24;
	[tilespmem:s1+$0xE0] =	vst.add.f32.msk $0xffff, v25  }
0x364: {  	v2 =	vadd.f32 v36, v2;
	v19 =	vadd.f32 v62, v19;
	[tilespmem:s1+$0xF0] =	vst.add.f32.msk $0xffff, v26  }
0x365: {  	v14 =	vadd.f32 v33, v14;
	v16 =	vadd.f32 v63, v16;
	[tilespmem:s1+$0x480] =	vst.add.f32.msk $0xffff, v24  }
0x366: {  	v11 =	vadd.f32 v34, v11;
	v2 =	vadd.f32 v39, v2;
	[tilespmem:s1+$0x4E0] =	vst.add.f32.msk $0xffff, v19  }
0x367: {  	v14 =	vadd.f32 v41, v14;
	[tilespmem:s1+$0x4F0] =	vst.add.f32.msk $0xffff, v16  }
0x368: {  	v11 =	vadd.f32 v42, v11;
	[tilespmem:s1+$0x890] =	vst.add.f32.msk $0xffff, v2  }
0x369: {  	v9 =	vadd.f32 v46, v9;
	v2 =	vadd.f32 v44, v12;
	[tilespmem:s1+$0x8B0] =	vst.add.f32.msk $0xffff, v14  }
0x36a: {  	[tilespmem:s1+$0x8C0] =	vst.add.f32.msk $0xffff, v11;
	v23 =	vadd.f32 v57, v23  }
0x36b: {  	[tilespmem:s1+$0xC80] =	vst.add.f32.msk $0xffff, v9;
	v2 =	vadd.f32 v48, v2  }
0x36c: {  	[tilespmem:s1+$0x490] =	vst.add.f32.msk $0xffff, v23  }
0x36d: {  	v22 =	vadd.f32 v58, v22;
	[tilespmem:s1+$0x8E0] =	vst.add.f32.msk $0xffff, v2  }
0x36e: {  	v2 =	vadd.f32 v47, v7;
	v7 =	vld [tilespmem:$0x1FEF0]  }
0x36f: {  	[tilespmem:s1+$0x4A0] =	vst.add.f32.msk $0xffff, v22  }
0x370: {  	v21 =	vadd.f32 v59, v21;
	[tilespmem:s1+$0xC90] =	vst.add.f32.msk $0xffff, v2  }
0x371: {  	v2 =	vld [tilespmem:$0x1FF10]  }
0x372: {  	v17 =	vadd.f32 v60, v17;
	[tilespmem:s1+$0x4B0] =	vst.add.f32.msk $0xffff, v21  }
0x373: {  	v18 =	vadd.f32 v61, v18;
	v7 =	vadd.f32 v7, v8;
	v8 =	vld [tilespmem:$0x1FF00]  }
0x374: {  	v13 =	vadd.f32 v38, v13;
	[tilespmem:s1+$0x4C0] =	vst.add.f32.msk $0xffff, v17  }
0x375: {  	[tilespmem:s1+$0x4D0] =	vst.add.f32.msk $0xffff, v18  }
0x376: {  	[tilespmem:s1+$0x880] =	vst.add.f32.msk $0xffff, v13;
	v2 =	vadd.f32 v2, v6  }
0x377: {  	v6 =	vld [tilespmem:$0x1FF20]  }
0x378: {  	v10 =	vadd.f32 v45, v10;
	[tilespmem:s1+$0xCC0] =	vst.add.f32.msk $0xffff, v2;
	v5 =	vadd.f32 v8, v5  }
0x379: {  	v17 =	vadd.f32 v35, v20;
	v2 =	vld [tilespmem:$0x1FF40]  }
0x37a: {  	v10 =	vadd.f32 v49, v10;
	v13 =	vadd.f32 v37, v15;
	[tilespmem:s1+$0xCB0] =	vst.add.f32.msk $0xffff, v5  }
0x37b: {  	v16 =	vadd.f32 v40, v17;
	v5 =	vld [tilespmem:$0x1FF30]  }
0x37c: {  	[tilespmem:s1+$0x8F0] =	vst.add.f32.msk $0xffff, v10;
	v12 =	vadd.f32 v43, v13  }
0x37d: {  	[tilespmem:s1+$0x8A0] =	vst.add.f32.msk $0xffff, v16  }
0x37e: {  	[tilespmem:s1+$0x8D0] =	vst.add.f32.msk $0xffff, v12;
	v3 =	vadd.f32 v6, v3  }
0x37f: {  	[tilespmem:s1+$0xCA0] =	vst.add.f32.msk $0xffff, v7;
	v1 =	vadd.f32 v2, v1  }
0x380: {  	s17 =	simm.s32 $0x0;
	[tilespmem:s1+$0xCD0] =	vst.add.f32.msk $0xffff, v3;
	v4 =	vadd.f32 v5, v4  }
0x381: {  	s30 =	sor.u32 s17, s17;
	[tilespmem:s1+$0xCF0] =	vst.add.f32.msk $0xffff, v1  }
0x382: {  	s4 =	sand.u32 $0x6000, s17;
	s29 =	sor.u32 $0x9C00, s30;
	s0 =	sand.u32 $0x380, s17;
	[tilespmem:s1+$0xCE0] =	vst.add.f32.msk $0xffff, v4  }
0x383: {  	s0 =	sor.u32 s0, s4;
	v1 =	vld [tilespmem:s29+$0x40F0]  }
0x384: {  	v3 =	vld [tilespmem:s0+$0xD080]  }
0x385: {  	v4 =	vld [tilespmem:s0+$0xD090]  }
0x386: {  	v5 =	vld [tilespmem:s0+$0xD0A0]  }
0x387: {  	v6 =	vld [tilespmem:s0+$0xD0B0]  }
0x388: {  	v7 =	vld [tilespmem:s0+$0xD0C0]  }
0x389: {  	v8 =	vld [tilespmem:s0+$0xD0D0]  }
0x38a: {  	v9 =	vld [tilespmem:s0+$0xD0E0]  }
0x38b: {  	v10 =	vld [tilespmem:s0+$0xD0F0]  }
0x38c: {  	v11 =	vld [tilespmem:s0+$0xD480]  }
0x38d: {  	v12 =	vld [tilespmem:s0+$0xD490]  }
0x38e: {  	v13 =	vld [tilespmem:s0+$0xD4A0]  }
0x38f: {  	v14 =	vld [tilespmem:s0+$0xD4B0]  }
0x390: {  	v15 =	vld [tilespmem:s0+$0xD4C0]  }
0x391: {  	v16 =	vld [tilespmem:s0+$0xD4D0]  }
0x392: {  	v17 =	vld [tilespmem:s0+$0xD4E0]  }
0x393: {  	v62 =	vld [tilespmem:s0+$0xD4F0]  }
0x394: {  	v2 =	vimm.f32 $0.0e+00;
	v63 =	vld [tilespmem:s0+$0xD880]  }
0x395: {  	v1 =	vadd.f32 v1, v2;
	v32 =	vadd.f32 v3, v2;
	v3 =	vld [tilespmem:s0+$0xD890]  }
0x396: {  	v30 =	vadd.f32 v4, v2;
	v31 =	vadd.f32 v5, v2;
	v4 =	vld [tilespmem:s0+$0xD8A0]  }
0x397: {  	v28 =	vadd.f32 v6, v2;
	v29 =	vadd.f32 v7, v2;
	v5 =	vld [tilespmem:s0+$0xD8B0]  }
0x398: {  	v26 =	vadd.f32 v8, v2;
	v27 =	vadd.f32 v9, v2;
	v6 =	vld [tilespmem:s0+$0xD8C0]  }
0x399: {  	v24 =	vadd.f32 v10, v2;
	v25 =	vadd.f32 v11, v2;
	v7 =	vld [tilespmem:s0+$0xD8D0]  }
0x39a: {  	v22 =	vadd.f32 v12, v2;
	v23 =	vadd.f32 v13, v2;
	v10 =	vld [tilespmem:s0+$0xD8E0]  }
0x39b: {  	v20 =	vadd.f32 v14, v2;
	v21 =	vadd.f32 v15, v2;
	v11 =	vld [tilespmem:s0+$0xD8F0]  }
0x39c: {  	v18 =	vadd.f32 v16, v2;
	v19 =	vadd.f32 v17, v2;
	v13 =	vld [tilespmem:s29+$0x4080]  }
0x39d: {  	v16 =	vadd.f32 v62, v2;
	v17 =	vadd.f32 v63, v2  }
0x39e: {  	v36 =	vld [tilespmem:s29+$0x4090];
	v14 =	vadd.f32 v3, v2;
	v12 =	vadd.f32 v4, v2  }
0x39f: {  	v34 =	vld [tilespmem:s29+$0x40A0];
	v8 =	vadd.f32 v5, v2;
	v9 =	vadd.f32 v6, v2  }
0x3a0: {  	s31 =	simm.s32 $0x400;
	v33 =	vld [tilespmem:s29+$0x40B0];
	v15 =	vimm.f32 $0.0e+00;
	v5 =	vadd.f32 v7, v2;
	v10 =	vadd.f32 v10, v2  }
0x3a1: {  	s2 =	sand.u32 $0x6000, s31;
	s28 =	sadd.s32 $0x80, s1;
	v35 =	vld [tilespmem:s29+$0x40C0];
	s0 =	simm.s32 $0x80;
	v6 =	vadd.f32 v11, v2;
	v13 =	vadd.f32 v13, v2;
	v7 =	vimm.f32 $0.0e+00  }
0x3a2: {  	s1 =	simm.s32 $0x800;
	v37 =	vld [tilespmem:s29+$0x40D0];
	s14 =	sand.u32 $0x380, s0;
	s17 =	sor.u32 s31, s0;
	v11 =	vimm.f32 $0.0e+00;
	v4 =	vimm.f32 $0.0e+00;
	v3 =	vimm.f32 $0.0e+00  }
.LBB2_18:
0x3a3: {  	p1 =	sne.s32 s1, $0x7C00;
	s2 =	sor.u32 s14, s2;
	v2 =	vadd.f32 v36, v2;
	v36 =	vld [tilespmem:s29+$0x40E0];
	s29 =	sor.u32 $0x9C00, s17  }
0x3a4: {  	v38 =	vld [tilespmem:s29+$0x40F0];
	v15 =	vadd.f32 v34, v15  }
0x3a5: {  	v34 =	vld [tilespmem:s2+$0xD080];
	v7 =	vadd.f32 v33, v7  }
0x3a6: {  	v33 =	vld [tilespmem:s2+$0xD090];
	v11 =	vadd.f32 v35, v11  }
0x3a7: {  	v35 =	vld [tilespmem:s2+$0xD0A0];
	v4 =	vadd.f32 v37, v4  }
0x3a8: {  	v37 =	vld [tilespmem:s2+$0xD0B0];
	v3 =	vadd.f32 v36, v3  }
0x3a9: {  	v36 =	vld [tilespmem:s2+$0xD0C0];
	v1 =	vadd.f32 v38, v1  }
0x3aa: {  	v32 =	vadd.f32 v34, v32;
	v34 =	vld [tilespmem:s2+$0xD0D0]  }
0x3ab: {  	v30 =	vadd.f32 v33, v30;
	v33 =	vld [tilespmem:s2+$0xD0E0]  }
0x3ac: {  	v31 =	vadd.f32 v35, v31;
	v35 =	vld [tilespmem:s2+$0xD0F0]  }
0x3ad: {  	v28 =	vadd.f32 v37, v28;
	v37 =	vld [tilespmem:s2+$0xD480]  }
0x3ae: {  	v29 =	vadd.f32 v36, v29;
	v36 =	vld [tilespmem:s2+$0xD490]  }
0x3af: {  	v26 =	vadd.f32 v34, v26;
	v34 =	vld [tilespmem:s2+$0xD4A0]  }
0x3b0: {  	v27 =	vadd.f32 v33, v27;
	v33 =	vld [tilespmem:s2+$0xD4B0]  }
0x3b1: {  	v24 =	vadd.f32 v35, v24;
	v35 =	vld [tilespmem:s2+$0xD4C0]  }
0x3b2: {  	v25 =	vadd.f32 v37, v25;
	v37 =	vld [tilespmem:s2+$0xD4D0]  }
0x3b3: {  	v22 =	vadd.f32 v36, v22;
	v36 =	vld [tilespmem:s2+$0xD4E0]  }
0x3b4: {  	v23 =	vadd.f32 v34, v23;
	v34 =	vld [tilespmem:s2+$0xD4F0]  }
0x3b5: {  	v20 =	vadd.f32 v33, v20;
	v33 =	vld [tilespmem:s2+$0xD880]  }
0x3b6: {  	v21 =	vadd.f32 v35, v21;
	v35 =	vld [tilespmem:s2+$0xD890]  }
0x3b7: {  	v18 =	vadd.f32 v37, v18;
	v37 =	vld [tilespmem:s2+$0xD8A0]  }
0x3b8: {  	v19 =	vadd.f32 v36, v19;
	v36 =	vld [tilespmem:s2+$0xD8B0]  }
0x3b9: {  	v16 =	vadd.f32 v34, v16;
	v34 =	vld [tilespmem:s2+$0xD8C0]  }
0x3ba: {  	v17 =	vadd.f32 v33, v17;
	v33 =	vld [tilespmem:s2+$0xD8D0]  }
0x3bb: {  	v14 =	vadd.f32 v35, v14;
	v35 =	vld [tilespmem:s2+$0xD8E0]  }
0x3bc: {  	v12 =	vadd.f32 v37, v12;
	v37 =	vld [tilespmem:s2+$0xD8F0]  }
0x3bd: {  	v8 =	vadd.f32 v36, v8;
	v38 =	vld [tilespmem:s29+$0x4080]  }
.Ltmp12:
0x3be: {  	v9 =	vadd.f32 v34, v9;
	v36 =	vld [tilespmem:s29+$0x4090];
	(pc) =	sbr.rel @p1 .LBB2_18-.Ltmp12, $4  }
0x3bf: {  	v5 =	vadd.f32 v33, v5;
	v34 =	vld [tilespmem:s29+$0x40A0]  }
0x3c0: {  	v10 =	vadd.f32 v35, v10;
	v33 =	vld [tilespmem:s29+$0x40B0]  }
0x3c1: {  	s0 =	sadd.s32 $0x80, s0;
	s2 =	sand.u32 $0x6000, s1;
	v6 =	vadd.f32 v37, v6;
	v35 =	vld [tilespmem:s29+$0x40C0]  }
0x3c2: {  	s14 =	sand.u32 $0x380, s0;
	s17 =	sor.u32 s1, s0;
	s1 =	sadd.s32 $0x400, s1;
	v13 =	vadd.f32 v38, v13;
	v37 =	vld [tilespmem:s29+$0x40D0]  }
0x3c3: {  	s0 =	sor.u32 $0x9C00, s17;
	v38 =	vld [tilespmem:s29+$0x40E0]  }
0x3c4: {  	s1 =	sor.u32 s14, s2;
	v56 =	vld [tilespmem:s0+$0x40F0]  }
0x3c5: {  	v40 =	vld [tilespmem:s1+$0xD080]  }
0x3c6: {  	v41 =	vld [tilespmem:s1+$0xD090]  }
0x3c7: {  	v42 =	vld [tilespmem:s1+$0xD0A0]  }
0x3c8: {  	v43 =	vld [tilespmem:s1+$0xD0B0]  }
0x3c9: {  	v44 =	vld [tilespmem:s1+$0xD0C0]  }
0x3ca: {  	v45 =	vld [tilespmem:s1+$0xD0D0]  }
0x3cb: {  	v46 =	vld [tilespmem:s1+$0xD0E0]  }
0x3cc: {  	v47 =	vld [tilespmem:s1+$0xD0F0]  }
0x3cd: {  	v48 =	vld [tilespmem:s1+$0xD480]  }
0x3ce: {  	v49 =	vld [tilespmem:s1+$0xD490]  }
0x3cf: {  	v50 =	vld [tilespmem:s1+$0xD4A0]  }
0x3d0: {  	v51 =	vld [tilespmem:s1+$0xD4B0]  }
0x3d1: {  	v52 =	vld [tilespmem:s1+$0xD4C0]  }
0x3d2: {  	v53 =	vld [tilespmem:s1+$0xD4D0]  }
0x3d3: {  	v54 =	vld [tilespmem:s1+$0xD4E0]  }
0x3d4: {  	v55 =	vld [tilespmem:s1+$0xD4F0]  }
0x3d5: {  	v39 =	vld [tilespmem:s0+$0x4090]  }
0x3d6: {  	v57 =	vld [tilespmem:s1+$0xD890]  }
0x3d7: {  	v58 =	vld [tilespmem:s1+$0xD8A0]  }
0x3d8: {  	v59 =	vld [tilespmem:s1+$0xD8B0]  }
0x3d9: {  	v60 =	vld [tilespmem:s1+$0xD8C0]  }
0x3da: {  	[tilespmem:$0x1FE90] =	vst v39;
	v39 =	vld [tilespmem:s0+$0x40A0]  }
0x3db: {  	v61 =	vld [tilespmem:s1+$0xD8D0]  }
0x3dc: {  	v62 =	vld [tilespmem:s1+$0xD8E0]  }
0x3dd: {  	v63 =	vld [tilespmem:s1+$0xD8F0]  }
0x3de: {  	[tilespmem:$0x1FEC0] =	vst v38;
	v38 =	vld [tilespmem:s0+$0x4080]  }
0x3df: {  	[tilespmem:$0x1FEA0] =	vst v39;
	v39 =	vld [tilespmem:s0+$0x40B0]  }
0x3e0: {  	[tilespmem:$0x1FEE0] =	vst v56;
	v56 =	vld [tilespmem:s1+$0xD880]  }
0x3e1: {  	v32 =	vadd.f32 v40, v32;
	v40 =	vld [tilespmem:s0+$0x40D0]  }
0x3e2: {  	v30 =	vadd.f32 v41, v30;
	v41 =	vld [tilespmem:s0+$0x40E0]  }
0x3e3: {  	v9 =	vadd.f32 v60, v9;
	v60 =	vld [tilespmem:$0x1FE90]  }
0x3e4: {  	[tilespmem:$0x1FEB0] =	vst v39;
	v39 =	vld [tilespmem:s0+$0x40C0]  }
0x3e5: {  	v31 =	vadd.f32 v42, v31;
	[tilespmem:s28+$0x1000] =	vst.add.f32.msk $0xffff, v32  }
0x3e6: {  	v28 =	vadd.f32 v43, v28;
	[tilespmem:s28+$0x1010] =	vst.add.f32.msk $0xffff, v30  }
0x3e7: {  	v29 =	vadd.f32 v44, v29;
	[tilespmem:s28+$0x1020] =	vst.add.f32.msk $0xffff, v31  }
0x3e8: {  	v26 =	vadd.f32 v45, v26;
	[tilespmem:s28+$0x1030] =	vst.add.f32.msk $0xffff, v28  }
0x3e9: {  	v27 =	vadd.f32 v46, v27;
	[tilespmem:s28+$0x1040] =	vst.add.f32.msk $0xffff, v29  }
0x3ea: {  	v24 =	vadd.f32 v47, v24;
	[tilespmem:s28+$0x1050] =	vst.add.f32.msk $0xffff, v26  }
0x3eb: {  	v25 =	vadd.f32 v48, v25;
	[tilespmem:s28+$0x1060] =	vst.add.f32.msk $0xffff, v27  }
0x3ec: {  	v22 =	vadd.f32 v49, v22;
	[tilespmem:s28+$0x1070] =	vst.add.f32.msk $0xffff, v24  }
0x3ed: {  	v23 =	vadd.f32 v50, v23;
	[tilespmem:s28+$0x1400] =	vst.add.f32.msk $0xffff, v25  }
0x3ee: {  	v20 =	vadd.f32 v51, v20;
	[tilespmem:s28+$0x1410] =	vst.add.f32.msk $0xffff, v22  }
0x3ef: {  	v21 =	vadd.f32 v52, v21;
	[tilespmem:s28+$0x1420] =	vst.add.f32.msk $0xffff, v23  }
0x3f0: {  	v18 =	vadd.f32 v53, v18;
	[tilespmem:s28+$0x1430] =	vst.add.f32.msk $0xffff, v20  }
0x3f1: {  	v19 =	vadd.f32 v54, v19;
	[tilespmem:s28+$0x1440] =	vst.add.f32.msk $0xffff, v21  }
0x3f2: {  	v16 =	vadd.f32 v55, v16;
	[tilespmem:s28+$0x1450] =	vst.add.f32.msk $0xffff, v18  }
0x3f3: {  	v17 =	vadd.f32 v56, v17;
	[tilespmem:s28+$0x1460] =	vst.add.f32.msk $0xffff, v19  }
0x3f4: {  	v14 =	vadd.f32 v57, v14;
	[tilespmem:s28+$0x1470] =	vst.add.f32.msk $0xffff, v16  }
0x3f5: {  	v12 =	vadd.f32 v58, v12;
	[tilespmem:s28+$0x1800] =	vst.add.f32.msk $0xffff, v17  }
0x3f6: {  	v8 =	vadd.f32 v59, v8;
	[tilespmem:s28+$0x1810] =	vst.add.f32.msk $0xffff, v14  }
0x3f7: {  	[tilespmem:s28+$0x1820] =	vst.add.f32.msk $0xffff, v12  }
0x3f8: {  	v5 =	vadd.f32 v61, v5;
	[tilespmem:s28+$0x1830] =	vst.add.f32.msk $0xffff, v8  }
0x3f9: {  	v57 =	vadd.f32 v62, v10;
	[tilespmem:s28+$0x1840] =	vst.add.f32.msk $0xffff, v9  }
0x3fa: {  	v2 =	vadd.f32 v36, v2;
	v6 =	vadd.f32 v63, v6;
	[tilespmem:s28+$0x1850] =	vst.add.f32.msk $0xffff, v5  }
0x3fb: {  	s14 =	sor.u32 s25, s26;
	v59 =	vadd.f32 v38, v13;
	[tilespmem:s28+$0x1860] =	vst.add.f32.msk $0xffff, v57  }
0x3fc: {  	s17 =	sor.u32 $0x1C00, s14;
	v2 =	vadd.f32 v60, v2;
	[tilespmem:s28+$0x1870] =	vst.add.f32.msk $0xffff, v6  }
0x3fd: {  	s25 =	sor.u32 $0x1C10, s14;
	[tilespmem:s17+$0x80] =	vst.add.f32.msk $0xffff, v59  }
0x3fe: {  	[tilespmem:s25+$0x80] =	vst.add.f32.msk $0xffff, v2  }
0x3ff: {  	v2 =	vld [tilespmem:$0x1FEC0];
	_ =	sdelay $0x2  }
0x400: {  	v62 =	vld [tilespmem:$0x1FEA0]  }
0x401: {  	v63 =	vld [tilespmem:$0x1FEB0];
	[tilespmem:$0x1FED0] =	vst v39  }
0x402: {  	v2 =	vadd.f32 v2, v3;
	v3 =	vld [tilespmem:$0x1FED0]  }
0x403: {  	v58 =	vadd.f32 v34, v15  }
0x404: {  	v7 =	vadd.f32 v33, v7  }
0x405: {  	v61 =	vadd.f32 v35, v11;
	v5 =	vadd.f32 v62, v58  }
0x406: {  	s26 =	sor.u32 $0x1C20, s14;
	v7 =	vadd.f32 v63, v7  }
0x407: {  	s28 =	sor.u32 $0x1C30, s14;
	[tilespmem:s26+$0x80] =	vst.add.f32.msk $0xffff, v5;
	v3 =	vadd.f32 v3, v61  }
0x408: {  	s29 =	sor.u32 $0x1C40, s14;
	[tilespmem:s28+$0x80] =	vst.add.f32.msk $0xffff, v7  }
0x409: {  	[tilespmem:s29+$0x80] =	vst.add.f32.msk $0xffff, v3  }
0x40a: {  	v3 =	vld [tilespmem:$0x1FEE0]  }
0x40b: {  	v4 =	vadd.f32 v37, v4;
	_ =	sdelay $0x1  }
0x40c: {  	v4 =	vadd.f32 v40, v4  }
0x40d: {  	s30 =	sor.u32 $0x1C50, s14;
	v2 =	vadd.f32 v41, v2  }
0x40e: {  	s31 =	sor.u32 $0x1C60, s14;
	[tilespmem:s30+$0x80] =	vst.add.f32.msk $0xffff, v4;
	v1 =	vadd.f32 v3, v1  }
0x40f: {  	s0 =	sor.u32 $0x1C70, s14;
	[tilespmem:s31+$0x80] =	vst.add.f32.msk $0xffff, v2  }
0x410: {  	[tilespmem:s0+$0x80] =	vst.add.f32.msk $0xffff, v1  }
.LBB2_20:
.Ltmp13:
0x411: {  	(pc) =	sbr.rel @p0 .LBB2_22-.Ltmp13, $1  }
0x412: {  	_ =	sdelay $0x3  }
.Ltmp14:
0x413: {  	(pc) =	sbr.rel .LBB2_4-.Ltmp14, $4  }
0x414: {  	_ = 	snop  }
0x415: {  	s0 =	sshll.u32 s24, $0x7;
	s23 =	sadd.s32 $0x1, s23  }
0x416: {  	s22 =	sadd.s32 $0x40, s22;
	s21 =	sadd.s32 $0x40, s21;
	s0 =	sadd.s32 s0, s7  }
0x417: {  	[tilespmem:s15], [sflag:$0x2] =	stream.linear.gather [hbm4b:s0+s3], $0x8000, $0x38;
	[tilespmem:$0x14080] =	vst v63  }
.LBB2_23:
0x418: {  	_ =	sfence.sel $0x180000  }
0x419: {  	[bflag:$0x0] =	sbarrier.arrive $0xFFFF  }
0x41a: {  	_ =	strace $0x90000047  }
0x41b: {  	s0 =	stileid.u32;
	[bflag:$0x2] =	sbarrier.arrive $0xFFFF  }
0x41c: {  	p0 =	sne.s32 s0, $0x0;
	s0 =	rddreg [dreg:$0x3]  }
0x41d: {  	s0 =	sadd.s32 @!p0 $0x100000, s0  }
0x41e: {  	[sflag:s0] =	ssyncadd.tile.s32 @!p0 $0x1;
	_ =	shalt  }
.Lfunc_end2:
_tile_overlayer_lowered:
.L_overlay_start_2:
0x41f: {  	(tag) =	ssettag $0x2  }
0x420: {  	s0 =	rddreg [dreg:$0x0];
	s2 =	stileid.u32  }
0x421: {  	s1 =	rddreg [dreg:$0x1];
	p0 =	sne.s32 s2, $0x0  }
0x422: {  	s3 =	rddreg [dreg:$0x2];
	[bflag:$0x3] =	sbarrier.arrive $0xFFFF;
	s2 =	simm.s32 @!p0 $0x1C03  }
0x423: {  	[timem:s3], [sflag:s2] =	dma.local @!p0 [hbm:s0], s1  }
0x424: {  	s0 =	simm.s32 @!p0 $0x3  }
0x425: {  	_ =	swait.ge @!p0 [sflag:s0], s1  }
0x426: {  	s1 =	ssub.s32 @!p0 $0x0, s1;
	[sflag:s0] =	ssyncset.done @!p0 $0x0  }
0x427: {  	[sflag:s0] =	ssyncadd.s32 @!p0 s1  }
0x428: {  	[bflag:$0x3] =	sbarrier.arrive $0xFFFF  }
0x429: {  	_ =	shalt  }

</sc_bundles>
